<compile_context>
chip_gen: v7x
topology: tpu7x:2x2x1
jax: 0.10.2.dev20260603
libtpu: 0.0.44.dev20260713+nightly
codegen_flags: <defaults>
</compile_context>

<pallas_src>
import functools

import jax
import jax.numpy as jnp
from jax import lax
from jax.experimental import pallas as pl
from jax.experimental.pallas import tpu as pltpu
from jax.experimental.pallas import tpu_sc as plsc

N = 10000
E = 320000
EP = 327680
NTILES = 16
TILE_CHUNKS = EP // (NTILES * 128)
DEG_CHUNKS = EP // (32 * 128)
ROWS_A = 624
ROWS_TAIL = N - ROWS_A * NTILES
ZR = 208


def _mesh():
    return plsc.VectorSubcoreMesh(
        core_axis_name="c", subcore_axis_name="s", num_cores=2, num_subcores=16
    )


@functools.cache
def _make_deg():
    @functools.partial(
        pl.kernel,
        out_type=jax.ShapeDtypeStruct((2 * N,), jnp.float32),
        mesh=_mesh(),
        scratch_types=[
            pltpu.VMEM((DEG_CHUNKS, 128), jnp.int32),
            pltpu.VMEM((128,), jnp.float32),
            pltpu.VMEM((ZR,), jnp.float32),
            pltpu.VMEM_SHARED((N + 8,), jnp.float32),
        ],
    )
    def deg_kernel(dst4_hbm, out_hbm, dst_v, ones_v, stag_v, acc_sh):
        c = lax.axis_index("c")
        s = lax.axis_index("s")
        w = c * NTILES + s
        base = s * ROWS_A
        for i in range(ZR // 16):
            stag_v[pl.ds(i * 16, 16)] = jnp.zeros((16,), jnp.float32)
        for k in range(3):
            pltpu.sync_copy(stag_v, acc_sh.at[pl.ds(base + k * ZR, ZR)])

        @pl.when(s == NTILES - 1)
        def _():
            pltpu.sync_copy(stag_v.at[pl.ds(0, 24)], acc_sh.at[pl.ds(N - ROWS_TAIL, 24)])

        for i in range(8):
            ones_v[pl.ds(i * 16, 16)] = jnp.ones((16,), jnp.float32)
        pltpu.sync_copy(dst4_hbm.at[w], dst_v)
        plsc.subcore_barrier()

        def body(j, carry):
            pltpu.sync_copy(ones_v, acc_sh.at[dst_v.at[j]], add=True)
            return carry

        lax.fori_loop(0, DEG_CHUNKS, body, 0)
        plsc.subcore_barrier()
        for k in range(3):
            pltpu.sync_copy(acc_sh.at[pl.ds(base + k * ZR, ZR)], stag_v)
            pltpu.sync_copy(stag_v, out_hbm.at[pl.ds(c * N + base + k * ZR, ZR)])

        @pl.when(s == NTILES - 1)
        def _():
            pltpu.sync_copy(
                acc_sh.at[pl.ds(N - ROWS_TAIL, ROWS_TAIL)], stag_v.at[pl.ds(0, ROWS_TAIL)]
            )
            pltpu.sync_copy(
                stag_v.at[pl.ds(0, ROWS_TAIL)],
                out_hbm.at[pl.ds(c * N + N - ROWS_TAIL, ROWS_TAIL)],
            )

    return deg_kernel


@functools.cache
def _make_agg_ns():
    NH = N // 2
    RA = 312
    ZC = 104

    @functools.partial(
        pl.kernel,
        out_type=jax.ShapeDtypeStruct((2, NH, 128), jnp.float32),
        mesh=_mesh(),
        scratch_types=[
            pltpu.VMEM((TILE_CHUNKS, 128), jnp.int32),
            pltpu.VMEM((TILE_CHUNKS, 128), jnp.int32),
            pltpu.VMEM((128, 128), jnp.float32),
            pltpu.VMEM((128, 128), jnp.float32),
            pltpu.VMEM((ZC, 128), jnp.float32),
            pltpu.VMEM_SHARED((NH + 128, 128), jnp.float32),
            pltpu.SemaphoreType.DMA,
            pltpu.SemaphoreType.DMA,
        ],
    )
    def agg(g_hbm, src3_hbm, dstns_hbm, out_hbm, src_v, dst_v, rows_v, rows2_v, stag_v, acc_sh, semA, semB):
        c = lax.axis_index("c")
        s = lax.axis_index("s")
        base = s * RA

        def zrow(i, carry):
            for f in range(8):
                stag_v[i, pl.ds(f * 16, 16)] = jnp.zeros((16,), jnp.float32)
            return carry

        lax.fori_loop(0, ZC, zrow, 0)
        for k in range(3):
            pltpu.sync_copy(stag_v, acc_sh.at[pl.ds(base + k * ZC, ZC)])

        @pl.when(s == NTILES - 1)
        def _():
            pltpu.sync_copy(stag_v.at[pl.ds(0, 16)], acc_sh.at[pl.ds(NH - 8, 16)])

        pltpu.sync_copy(src3_hbm.at[s], src_v)
        pltpu.sync_copy(dstns_hbm.at[c, s], dst_v)
        plsc.subcore_barrier()

        pltpu.async_copy(g_hbm.at[src_v.at[0]], rows_v, semA)

        def body(jj, carry):
            j0 = jj * 2
            j1 = j0 + 1
            pltpu.async_copy(g_hbm.at[src_v.at[j1]], rows2_v, semB)
            pltpu.make_async_copy(g_hbm.at[pl.ds(0, 128)], rows_v, semA).wait()
            pltpu.sync_copy(rows_v, acc_sh.at[dst_v.at[j0]], add=True)

            @pl.when(jj < TILE_CHUNKS // 2 - 1)
            def _():
                pltpu.async_copy(g_hbm.at[src_v.at[j0 + 2]], rows_v, semA)

            pltpu.make_async_copy(g_hbm.at[pl.ds(0, 128)], rows2_v, semB).wait()
            pltpu.sync_copy(rows2_v, acc_sh.at[dst_v.at[j1]], add=True)
            return carry

        lax.fori_loop(0, TILE_CHUNKS // 2, body, 0)
        plsc.subcore_barrier()
        for k in range(3):
            pltpu.sync_copy(acc_sh.at[pl.ds(base + k * ZC, ZC)], stag_v)
            pltpu.sync_copy(stag_v, out_hbm.at[c, pl.ds(base + k * ZC, ZC)])

        @pl.when(s == NTILES - 1)
        def _():
            pltpu.sync_copy(acc_sh.at[pl.ds(NH - 8, 8)], stag_v.at[pl.ds(0, 8)])
            pltpu.sync_copy(stag_v.at[pl.ds(0, 8)], out_hbm.at[c, pl.ds(NH - 8, 8)])

    return agg


_B = 1000


def _tc_prep(deg2, x):
    def body(deg_ref, x_ref, d_ref, g_ref):
        deg = deg_ref[0] + deg_ref[1] + 1.0
        d = lax.rsqrt(deg)
        d_ref[...] = d
        g_ref[...] = x_ref[...] * d

    return pl.pallas_call(
        body,
        grid=(N // _B,),
        in_specs=[
            pl.BlockSpec((2, _B, 1), lambda i: (0, i, 0)),
            pl.BlockSpec((_B, 128), lambda i: (i, 0)),
        ],
        out_specs=[
            pl.BlockSpec((_B, 1), lambda i: (i, 0)),
            pl.BlockSpec((_B, 128), lambda i: (i, 0)),
        ],
        out_shape=[
            jax.ShapeDtypeStruct((N, 1), jnp.float32),
            jax.ShapeDtypeStruct((N, 128), jnp.float32),
        ],
    )(deg2.reshape(2, N, 1), x)


def _tc_layer1(acc1, g1, d, W1, b1):
    def body(a_ref, g_ref, d_ref, W_ref, b_ref, out_ref):
        y = (a_ref[0] + g_ref[...]) * d_ref[...]
        h = jnp.dot(y, W_ref[...], preferred_element_type=jnp.float32) + b_ref[...]
        g = jnp.maximum(h, 0.0) * d_ref[...]
        out_ref[0] = g[:, :128]
        out_ref[1] = g[:, 128:]

    return pl.pallas_call(
        body,
        grid=(N // _B,),
        in_specs=[
            pl.BlockSpec((1, _B, 128), lambda i: (i // 5, i % 5, 0)),
            pl.BlockSpec((_B, 128), lambda i: (i, 0)),
            pl.BlockSpec((_B, 1), lambda i: (i, 0)),
            pl.BlockSpec((128, 256), lambda i: (0, 0)),
            pl.BlockSpec((1, 256), lambda i: (0, 0)),
        ],
        out_specs=pl.BlockSpec((2, _B, 128), lambda i: (0, i, 0)),
        out_shape=jax.ShapeDtypeStruct((2, N, 128), jnp.float32),
    )(acc1, g1, d, W1, b1.reshape(1, 256))


def _tc_layer2(acc2a, acc2b, g2, d, W2, b2, fc_W, fc_b):
    def body(a0_ref, a1_ref, g_ref, d_ref, W_ref, b_ref, fw_ref, fb_ref, out_ref):
        a = jnp.concatenate([a0_ref[0] + g_ref[0], a1_ref[0] + g_ref[1]], axis=1)
        y = a * d_ref[...]
        h = jnp.dot(y, W_ref[...], preferred_element_type=jnp.float32) + b_ref[...]
        h = jnp.maximum(h, 0.0)
        logits = jnp.dot(h, fw_ref[...], preferred_element_type=jnp.float32) + fb_ref[...]
        m = jnp.max(logits, axis=1, keepdims=True)
        lse = jnp.log(jnp.sum(jnp.exp(logits - m), axis=1, keepdims=True)) + m
        out_ref[...] = logits - lse

    return pl.pallas_call(
        body,
        grid=(N // _B,),
        in_specs=[
            pl.BlockSpec((1, _B, 128), lambda i: (i // 5, i % 5, 0)),
            pl.BlockSpec((1, _B, 128), lambda i: (i // 5, i % 5, 0)),
            pl.BlockSpec((2, _B, 128), lambda i: (0, i, 0)),
            pl.BlockSpec((_B, 1), lambda i: (i, 0)),
            pl.BlockSpec((256, 256), lambda i: (0, 0)),
            pl.BlockSpec((1, 256), lambda i: (0, 0)),
            pl.BlockSpec((256, 64), lambda i: (0, 0)),
            pl.BlockSpec((1, 64), lambda i: (0, 0)),
        ],
        out_specs=pl.BlockSpec((_B, 64), lambda i: (i, 0)),
        out_shape=jax.ShapeDtypeStruct((N, 64), jnp.float32),
    )(acc2a, acc2b, g2, d, W2, b2.reshape(1, 256), fc_W, fc_b.reshape(1, 64))


def kernel(x, edge_index, W1, b1, W2, b2, fc_W, fc_b):
    src = edge_index[0]
    dst = edge_index[1]
    pad = EP - E
    src_p = jnp.concatenate([src, jnp.zeros((pad,), jnp.int32)])
    dst_p = jnp.concatenate([dst, jnp.full((pad,), N, jnp.int32)])
    dst32 = dst_p.reshape(32, DEG_CHUNKS, 128)
    src3 = src_p.reshape(NTILES, TILE_CHUNKS, 128)
    nh = N // 2
    sent = nh + (jnp.arange(EP, dtype=jnp.int32) & 127)
    dstns = jnp.stack([
        jnp.where(dst_p < nh, dst_p, sent),
        jnp.where(dst_p >= nh, dst_p - nh, sent),
    ]).reshape(2, NTILES, TILE_CHUNKS, 128)

    deg2 = _make_deg()(dst32)
    d, g1 = _tc_prep(deg2, x)
    agg = _make_agg_ns()
    acc1 = agg(g1, src3, dstns)
    g2 = _tc_layer1(acc1, g1, d, W1, b1)
    acc2a = agg(g2[0], src3, dstns)
    acc2b = agg(g2[1], src3, dstns)
    return _tc_layer2(acc2a, acc2b, g2, d, W2, b2, fc_W, fc_b)

# --- scband reference (transcript-rebuilt; emitter-appended) ---
"""Pipeline reference for scband-gcnnet-31988916420850 (READ-ONLY COPY).

The authoritative reference and input builder live on the scoring server;
editing this copy changes nothing except your own understanding.
"""

import jax, jax.numpy as jnp
import numpy as np

N = 10000
E = 320000
IN = 128
HID = 256
OUT = 256
NC = 64


def setup_inputs(seed: int = 0) -> dict:
    key = jax.random.key(seed)
    k1, k2, k3, k4, k5, k6, k7, k8 = jax.random.split(key, 8)
    x = jax.random.normal(k1, (N, IN), dtype=jnp.float32)
    edge_index = jax.random.randint(k2, (2, E), 0, N, dtype=jnp.int32)
    s1 = 1.0 / np.sqrt(IN)
    s2 = 1.0 / np.sqrt(HID)
    s3 = 1.0 / np.sqrt(OUT)
    W1 = jax.random.uniform(k3, (IN, HID), dtype=jnp.float32, minval=-s1, maxval=s1)
    b1 = jnp.zeros((HID,), dtype=jnp.float32)
    W2 = jax.random.uniform(k4, (HID, OUT), dtype=jnp.float32, minval=-s2, maxval=s2)
    b2 = jnp.zeros((OUT,), dtype=jnp.float32)
    fc_W = jax.random.uniform(k5, (OUT, NC), dtype=jnp.float32, minval=-s3, maxval=s3)
    fc_b = jax.random.uniform(k6, (NC,), dtype=jnp.float32, minval=-s3, maxval=s3)
    return {"x": x, "edge_index": edge_index, "W1": W1, "b1": b1, "W2": W2, "b2": b2, "fc_W": fc_W, "fc_b": fc_b}


def _gcn_conv(x, edge_index, W, b):
    # PyG-style GCNConv: add self-loops, symmetric normalization, then aggregate
    src = edge_index[0]
    dst = edge_index[1]
    loop = jnp.arange(N, dtype=src.dtype)
    src = jnp.concatenate([src, loop])
    dst = jnp.concatenate([dst, loop])
    deg = jnp.zeros((N,), dtype=jnp.float32).at[dst].add(1.0)
    deg_inv_sqrt = jnp.where(deg > 0, 1.0 / jnp.sqrt(deg), 0.0)
    norm = deg_inv_sqrt[src] * deg_inv_sqrt[dst]
    h = x @ W
    msg = h[src] * norm[:, None]
    out = jax.ops.segment_sum(msg, dst, num_segments=N)
    return out + b


def reference(x, edge_index, W1, b1, W2, b2, fc_W, fc_b):
    # eval mode: dropout(p=0.5, training=False) is identity
    h = jax.nn.relu(_gcn_conv(x, edge_index, W1, b1))
    h = jax.nn.relu(_gcn_conv(h, edge_index, W2, b2))
    logits = h @ fc_W + fc_b
    return jax.nn.log_softmax(logits, axis=1)

if __name__ == "__main__":
    import jax
    _d = setup_inputs()
    print(jax.jit(kernel)(*tuple(_d.values())))

</pallas_src>

<mosaic_0001>
#map = affine_map<(d0, d1) -> (0, 0, 0)>
#map1 = affine_map<(d0, d1) -> (0)>
module attributes {stable_mosaic.version = 14 : i64} {
  func.func @deg_kernel(%arg0: i32, %arg1: i32, %arg2: memref<32x80x128xi32, #tpu.memory_space<hbm>>, %arg3: memref<20000xf32, #tpu.memory_space<hbm>>, %arg4: memref<80x128xi32, #tpu.memory_space<vmem>>, %arg5: memref<128xf32, #tpu.memory_space<vmem>>, %arg6: memref<208xf32, #tpu.memory_space<vmem>>, %arg7: memref<10008xf32, #tpu.memory_space<vmem_shared>>) attributes {dimension_semantics = [#tpu.dimension_semantics<core_parallel>, #tpu.dimension_semantics<subcore_parallel>], iteration_bounds = array<i64: 2, 16>, scalar_prefetch = 0 : i64, scratch_operands = 4 : i64, tpu.core_type = #tpu.core_type<sc_vector_subcore>, window_params = [{transform_indices = #map}, {transform_indices = #map1}]} {
    %mul3A = arith.constant 16 : i32
    %mul3A_0 = arith.muli %arg0, %mul3A : i32
    %add3A = arith.addi %mul3A_0, %arg1 : i32
    %mul3A_1 = arith.constant 624 : i32
    %mul3A_2 = arith.muli %arg1, %mul3A_1 : i32
    %broadcast_in_dim3A = arith.constant 0.000000e+00 : f32
    %broadcast_in_dim3A_3 = vector.broadcast %broadcast_in_dim3A : f32 to vector<16xf32>
    %swap3A = arith.constant 0 : index
    %swap3A_4 = tpu.vector_load %arg6[%swap3A] {strides = array<i32>} : memref<208xf32, #tpu.memory_space<vmem>>, vector<16xf32>,
    %swap3A_5 = vector.shape_cast %swap3A_4 : vector<16xf32> to vector<16xf32>
    %swap3A_6 = vector.shape_cast %broadcast_in_dim3A_3 : vector<16xf32> to vector<16xf32>
    tpu.vector_store %arg6[%swap3A], %swap3A_6 {strides = array<i32>} : memref<208xf32, #tpu.memory_space<vmem>>, vector<16xf32>,
    %broadcast_in_dim3A_7 = arith.constant 0.000000e+00 : f32
    %broadcast_in_dim3A_8 = vector.broadcast %broadcast_in_dim3A_7 : f32 to vector<16xf32>
    %swap3A_9 = arith.constant 16 : index
    %swap3A_10 = tpu.vector_load %arg6[%swap3A_9] {strides = array<i32>} : memref<208xf32, #tpu.memory_space<vmem>>, vector<16xf32>,
    %swap3A_11 = vector.shape_cast %swap3A_10 : vector<16xf32> to vector<16xf32>
    %swap3A_12 = vector.shape_cast %broadcast_in_dim3A_8 : vector<16xf32> to vector<16xf32>
    tpu.vector_store %arg6[%swap3A_9], %swap3A_12 {strides = array<i32>} : memref<208xf32, #tpu.memory_space<vmem>>, vector<16xf32>,
    %broadcast_in_dim3A_13 = arith.constant 0.000000e+00 : f32
    %broadcast_in_dim3A_14 = vector.broadcast %broadcast_in_dim3A_13 : f32 to vector<16xf32>
    %swap3A_15 = arith.constant 32 : index
    %swap3A_16 = tpu.vector_load %arg6[%swap3A_15] {strides = array<i32>} : memref<208xf32, #tpu.memory_space<vmem>>, vector<16xf32>,
    %swap3A_17 = vector.shape_cast %swap3A_16 : vector<16xf32> to vector<16xf32>
    %swap3A_18 = vector.shape_cast %broadcast_in_dim3A_14 : vector<16xf32> to vector<16xf32>
    tpu.vector_store %arg6[%swap3A_15], %swap3A_18 {strides = array<i32>} : memref<208xf32, #tpu.memory_space<vmem>>, vector<16xf32>,
    %broadcast_in_dim3A_19 = arith.constant 0.000000e+00 : f32
    %broadcast_in_dim3A_20 = vector.broadcast %broadcast_in_dim3A_19 : f32 to vector<16xf32>
    %swap3A_21 = arith.constant 48 : index
    %swap3A_22 = tpu.vector_load %arg6[%swap3A_21] {strides = array<i32>} : memref<208xf32, #tpu.memory_space<vmem>>, vector<16xf32>,
    %swap3A_23 = vector.shape_cast %swap3A_22 : vector<16xf32> to vector<16xf32>
    %swap3A_24 = vector.shape_cast %broadcast_in_dim3A_20 : vector<16xf32> to vector<16xf32>
    tpu.vector_store %arg6[%swap3A_21], %swap3A_24 {strides = array<i32>} : memref<208xf32, #tpu.memory_space<vmem>>, vector<16xf32>,
    %broadcast_in_dim3A_25 = arith.constant 0.000000e+00 : f32
    %broadcast_in_dim3A_26 = vector.broadcast %broadcast_in_dim3A_25 : f32 to vector<16xf32>
    %swap3A_27 = arith.constant 64 : index
    %swap3A_28 = tpu.vector_load %arg6[%swap3A_27] {strides = array<i32>} : memref<208xf32, #tpu.memory_space<vmem>>, vector<16xf32>,
    %swap3A_29 = vector.shape_cast %swap3A_28 : vector<16xf32> to vector<16xf32>
    %swap3A_30 = vector.shape_cast %broadcast_in_dim3A_26 : vector<16xf32> to vector<16xf32>
    tpu.vector_store %arg6[%swap3A_27], %swap3A_30 {strides = array<i32>} : memref<208xf32, #tpu.memory_space<vmem>>, vector<16xf32>,
    %broadcast_in_dim3A_31 = arith.constant 0.000000e+00 : f32
    %broadcast_in_dim3A_32 = vector.broadcast %broadcast_in_dim3A_31 : f32 to vector<16xf32>
    %swap3A_33 = arith.constant 80 : index
    %swap3A_34 = tpu.vector_load %arg6[%swap3A_33] {strides = array<i32>} : memref<208xf32, #tpu.memory_space<vmem>>, vector<16xf32>,
    %swap3A_35 = vector.shape_cast %swap3A_34 : vector<16xf32> to vector<16xf32>
    %swap3A_36 = vector.shape_cast %broadcast_in_dim3A_32 : vector<16xf32> to vector<16xf32>
    tpu.vector_store %arg6[%swap3A_33], %swap3A_36 {strides = array<i32>} : memref<208xf32, #tpu.memory_space<vmem>>, vector<16xf32>,
    %broadcast_in_dim3A_37 = arith.constant 0.000000e+00 : f32
    %broadcast_in_dim3A_38 = vector.broadcast %broadcast_in_dim3A_37 : f32 to vector<16xf32>
    %swap3A_39 = arith.constant 96 : index
    %swap3A_40 = tpu.vector_load %arg6[%swap3A_39] {strides = array<i32>} : memref<208xf32, #tpu.memory_space<vmem>>, vector<16xf32>,
    %swap3A_41 = vector.shape_cast %swap3A_40 : vector<16xf32> to vector<16xf32>
    %swap3A_42 = vector.shape_cast %broadcast_in_dim3A_38 : vector<16xf32> to vector<16xf32>
    tpu.vector_store %arg6[%swap3A_39], %swap3A_42 {strides = array<i32>} : memref<208xf32, #tpu.memory_space<vmem>>, vector<16xf32>,
    %broadcast_in_dim3A_43 = arith.constant 0.000000e+00 : f32
    %broadcast_in_dim3A_44 = vector.broadcast %broadcast_in_dim3A_43 : f32 to vector<16xf32>
    %swap3A_45 = arith.constant 112 : index
    %swap3A_46 = tpu.vector_load %arg6[%swap3A_45] {strides = array<i32>} : memref<208xf32, #tpu.memory_space<vmem>>, vector<16xf32>,
    %swap3A_47 = vector.shape_cast %swap3A_46 : vector<16xf32> to vector<16xf32>
    %swap3A_48 = vector.shape_cast %broadcast_in_dim3A_44 : vector<16xf32> to vector<16xf32>
    tpu.vector_store %arg6[%swap3A_45], %swap3A_48 {strides = array<i32>} : memref<208xf32, #tpu.memory_space<vmem>>, vector<16xf32>,
    %broadcast_in_dim3A_49 = arith.constant 0.000000e+00 : f32
    %broadcast_in_dim3A_50 = vector.broadcast %broadcast_in_dim3A_49 : f32 to vector<16xf32>
    %swap3A_51 = arith.constant 128 : index
    %swap3A_52 = tpu.vector_load %arg6[%swap3A_51] {strides = array<i32>} : memref<208xf32, #tpu.memory_space<vmem>>, vector<16xf32>,
    %swap3A_53 = vector.shape_cast %swap3A_52 : vector<16xf32> to vector<16xf32>
    %swap3A_54 = vector.shape_cast %broadcast_in_dim3A_50 : vector<16xf32> to vector<16xf32>
    tpu.vector_store %arg6[%swap3A_51], %swap3A_54 {strides = array<i32>} : memref<208xf32, #tpu.memory_space<vmem>>, vector<16xf32>,
    %broadcast_in_dim3A_55 = arith.constant 0.000000e+00 : f32
    %broadcast_in_dim3A_56 = vector.broadcast %broadcast_in_dim3A_55 : f32 to vector<16xf32>
    %swap3A_57 = arith.constant 144 : index
    %swap3A_58 = tpu.vector_load %arg6[%swap3A_57] {strides = array<i32>} : memref<208xf32, #tpu.memory_space<vmem>>, vector<16xf32>,
    %swap3A_59 = vector.shape_cast %swap3A_58 : vector<16xf32> to vector<16xf32>
    %swap3A_60 = vector.shape_cast %broadcast_in_dim3A_56 : vector<16xf32> to vector<16xf32>
    tpu.vector_store %arg6[%swap3A_57], %swap3A_60 {strides = array<i32>} : memref<208xf32, #tpu.memory_space<vmem>>, vector<16xf32>,
    %broadcast_in_dim3A_61 = arith.constant 0.000000e+00 : f32
    %broadcast_in_dim3A_62 = vector.broadcast %broadcast_in_dim3A_61 : f32 to vector<16xf32>
    %swap3A_63 = arith.constant 160 : index
    %swap3A_64 = tpu.vector_load %arg6[%swap3A_63] {strides = array<i32>} : memref<208xf32, #tpu.memory_space<vmem>>, vector<16xf32>,
    %swap3A_65 = vector.shape_cast %swap3A_64 : vector<16xf32> to vector<16xf32>
    %swap3A_66 = vector.shape_cast %broadcast_in_dim3A_62 : vector<16xf32> to vector<16xf32>
    tpu.vector_store %arg6[%swap3A_63], %swap3A_66 {strides = array<i32>} : memref<208xf32, #tpu.memory_space<vmem>>, vector<16xf32>,
    %broadcast_in_dim3A_67 = arith.constant 0.000000e+00 : f32
    %broadcast_in_dim3A_68 = vector.broadcast %broadcast_in_dim3A_67 : f32 to vector<16xf32>
    %swap3A_69 = arith.constant 176 : index
    %swap3A_70 = tpu.vector_load %arg6[%swap3A_69] {strides = array<i32>} : memref<208xf32, #tpu.memory_space<vmem>>, vector<16xf32>,
    %swap3A_71 = vector.shape_cast %swap3A_70 : vector<16xf32> to vector<16xf32>
    %swap3A_72 = vector.shape_cast %broadcast_in_dim3A_68 : vector<16xf32> to vector<16xf32>
    tpu.vector_store %arg6[%swap3A_69], %swap3A_72 {strides = array<i32>} : memref<208xf32, #tpu.memory_space<vmem>>, vector<16xf32>,
    %broadcast_in_dim3A_73 = arith.constant 0.000000e+00 : f32
    %broadcast_in_dim3A_74 = vector.broadcast %broadcast_in_dim3A_73 : f32 to vector<16xf32>
    %swap3A_75 = arith.constant 192 : index
    %swap3A_76 = tpu.vector_load %arg6[%swap3A_75] {strides = array<i32>} : memref<208xf32, #tpu.memory_space<vmem>>, vector<16xf32>,
    %swap3A_77 = vector.shape_cast %swap3A_76 : vector<16xf32> to vector<16xf32>
    %swap3A_78 = vector.shape_cast %broadcast_in_dim3A_74 : vector<16xf32> to vector<16xf32>
    tpu.vector_store %arg6[%swap3A_75], %swap3A_78 {strides = array<i32>} : memref<208xf32, #tpu.memory_space<vmem>>, vector<16xf32>,
    %add3A_79 = arith.constant 0 : i32
    %add3A_80 = arith.addi %mul3A_2, %add3A_79 : i32
    "tpu.region"() ({
      %run_scoped3A = tpu.sem_alloc : memref<!tpu.dma_semaphore, #tpu.memory_space<semaphore_mem>>
      %dma_start3A = tpu.memref_slice %arg7[%add3A_80] : memref<10008xf32, #tpu.memory_space<vmem_shared>> -> memref<208xf32, #tpu.memory_space<vmem_shared>>
      %dma_start3A_167 = tpu.memref_slice %arg7[%add3A_80] : memref<10008xf32, #tpu.memory_space<vmem_shared>> -> memref<208xf32, #tpu.memory_space<vmem_shared>>
      tpu.enqueue_dma source(%arg6 : memref<208xf32, #tpu.memory_space<vmem>>) target(%dma_start3A_167 : memref<208xf32, #tpu.memory_space<vmem_shared>>) target_semaphore(%run_scoped3A : memref<!tpu.dma_semaphore, #tpu.memory_space<semaphore_mem>>)
      %dma_wait3A = tpu.memref_slice %arg7[%add3A_80] : memref<10008xf32, #tpu.memory_space<vmem_shared>> -> memref<208xf32, #tpu.memory_space<vmem_shared>>
      %dma_wait3A_168 = tpu.memref_slice %arg7[%add3A_80] : memref<10008xf32, #tpu.memory_space<vmem_shared>> -> memref<208xf32, #tpu.memory_space<vmem_shared>>
      tpu.wait_dma2 semaphore(%run_scoped3A : memref<!tpu.dma_semaphore, #tpu.memory_space<semaphore_mem>>) src(%arg6 : memref<208xf32, #tpu.memory_space<vmem>>) dst(%dma_wait3A_168 : memref<208xf32, #tpu.memory_space<vmem_shared>>)
      tpu.yield
    }) : () -> ()
    %add3A_81 = arith.constant 208 : i32
    %add3A_82 = arith.addi %mul3A_2, %add3A_81 : i32
    "tpu.region"() ({
      %run_scoped3A = tpu.sem_alloc : memref<!tpu.dma_semaphore, #tpu.memory_space<semaphore_mem>>
      %dma_start3A = tpu.memref_slice %arg7[%add3A_82] : memref<10008xf32, #tpu.memory_space<vmem_shared>> -> memref<208xf32, #tpu.memory_space<vmem_shared>>
      %dma_start3A_167 = tpu.memref_slice %arg7[%add3A_82] : memref<10008xf32, #tpu.memory_space<vmem_shared>> -> memref<208xf32, #tpu.memory_space<vmem_shared>>
      tpu.enqueue_dma source(%arg6 : memref<208xf32, #tpu.memory_space<vmem>>) target(%dma_start3A_167 : memref<208xf32, #tpu.memory_space<vmem_shared>>) target_semaphore(%run_scoped3A : memref<!tpu.dma_semaphore, #tpu.memory_space<semaphore_mem>>)
      %dma_wait3A = tpu.memref_slice %arg7[%add3A_82] : memref<10008xf32, #tpu.memory_space<vmem_shared>> -> memref<208xf32, #tpu.memory_space<vmem_shared>>
      %dma_wait3A_168 = tpu.memref_slice %arg7[%add3A_82] : memref<10008xf32, #tpu.memory_space<vmem_shared>> -> memref<208xf32, #tpu.memory_space<vmem_shared>>
      tpu.wait_dma2 semaphore(%run_scoped3A : memref<!tpu.dma_semaphore, #tpu.memory_space<semaphore_mem>>) src(%arg6 : memref<208xf32, #tpu.memory_space<vmem>>) dst(%dma_wait3A_168 : memref<208xf32, #tpu.memory_space<vmem_shared>>)
      tpu.yield
    }) : () -> ()
    %add3A_83 = arith.constant 416 : i32
    %add3A_84 = arith.addi %mul3A_2, %add3A_83 : i32
    "tpu.region"() ({
      %run_scoped3A = tpu.sem_alloc : memref<!tpu.dma_semaphore, #tpu.memory_space<semaphore_mem>>
      %dma_start3A = tpu.memref_slice %arg7[%add3A_84] : memref<10008xf32, #tpu.memory_space<vmem_shared>> -> memref<208xf32, #tpu.memory_space<vmem_shared>>
      %dma_start3A_167 = tpu.memref_slice %arg7[%add3A_84] : memref<10008xf32, #tpu.memory_space<vmem_shared>> -> memref<208xf32, #tpu.memory_space<vmem_shared>>
      tpu.enqueue_dma source(%arg6 : memref<208xf32, #tpu.memory_space<vmem>>) target(%dma_start3A_167 : memref<208xf32, #tpu.memory_space<vmem_shared>>) target_semaphore(%run_scoped3A : memref<!tpu.dma_semaphore, #tpu.memory_space<semaphore_mem>>)
      %dma_wait3A = tpu.memref_slice %arg7[%add3A_84] : memref<10008xf32, #tpu.memory_space<vmem_shared>> -> memref<208xf32, #tpu.memory_space<vmem_shared>>
      %dma_wait3A_168 = tpu.memref_slice %arg7[%add3A_84] : memref<10008xf32, #tpu.memory_space<vmem_shared>> -> memref<208xf32, #tpu.memory_space<vmem_shared>>
      tpu.wait_dma2 semaphore(%run_scoped3A : memref<!tpu.dma_semaphore, #tpu.memory_space<semaphore_mem>>) src(%arg6 : memref<208xf32, #tpu.memory_space<vmem>>) dst(%dma_wait3A_168 : memref<208xf32, #tpu.memory_space<vmem_shared>>)
      tpu.yield
    }) : () -> ()
    %eq3A = arith.constant 15 : i32
    %eq3A_85 = arith.cmpi eq, %arg1, %eq3A : i32
    %convert_element_type3A = arith.extui %eq3A_85 : i1 to i32
    %cond3A = arith.constant 0 : i32
    %cond3A_86 = arith.cmpi ne, %convert_element_type3A, %cond3A : i32
    scf.if %cond3A_86 {
      "tpu.region"() ({
        %run_scoped3A = tpu.sem_alloc : memref<!tpu.dma_semaphore, #tpu.memory_space<semaphore_mem>>
        %dma_start3A = arith.constant 0 : i32
        %dma_start3A_167 = tpu.memref_slice %arg6[%dma_start3A] : memref<208xf32, #tpu.memory_space<vmem>> -> memref<24xf32, #tpu.memory_space<vmem>>
        %dma_start3A_168 = arith.constant 9984 : i32
        %dma_start3A_169 = tpu.memref_slice %arg7[%dma_start3A_168] : memref<10008xf32, #tpu.memory_space<vmem_shared>> -> memref<24xf32, #tpu.memory_space<vmem_shared>>
        %dma_start3A_170 = arith.constant 9984 : i32
        %dma_start3A_171 = tpu.memref_slice %arg7[%dma_start3A_170] : memref<10008xf32, #tpu.memory_space<vmem_shared>> -> memref<24xf32, #tpu.memory_space<vmem_shared>>
        %dma_start3A_172 = arith.constant 0 : i32
        %dma_start3A_173 = tpu.memref_slice %arg6[%dma_start3A_172] : memref<208xf32, #tpu.memory_space<vmem>> -> memref<24xf32, #tpu.memory_space<vmem>>
        tpu.enqueue_dma source(%dma_start3A_173 : memref<24xf32, #tpu.memory_space<vmem>>) target(%dma_start3A_171 : memref<24xf32, #tpu.memory_space<vmem_shared>>) target_semaphore(%run_scoped3A : memref<!tpu.dma_semaphore, #tpu.memory_space<semaphore_mem>>)
        %dma_wait3A = arith.constant 0 : i32
        %dma_wait3A_174 = tpu.memref_slice %arg6[%dma_wait3A] : memref<208xf32, #tpu.memory_space<vmem>> -> memref<24xf32, #tpu.memory_space<vmem>>
        %dma_wait3A_175 = arith.constant 9984 : i32
        %dma_wait3A_176 = tpu.memref_slice %arg7[%dma_wait3A_175] : memref<10008xf32, #tpu.memory_space<vmem_shared>> -> memref<24xf32, #tpu.memory_space<vmem_shared>>
        %dma_wait3A_177 = arith.constant 9984 : i32
        %dma_wait3A_178 = tpu.memref_slice %arg7[%dma_wait3A_177] : memref<10008xf32, #tpu.memory_space<vmem_shared>> -> memref<24xf32, #tpu.memory_space<vmem_shared>>
        %dma_wait3A_179 = arith.constant 0 : i32
        %dma_wait3A_180 = tpu.memref_slice %arg6[%dma_wait3A_179] : memref<208xf32, #tpu.memory_space<vmem>> -> memref<24xf32, #tpu.memory_space<vmem>>
        tpu.wait_dma2 semaphore(%run_scoped3A : memref<!tpu.dma_semaphore, #tpu.memory_space<semaphore_mem>>) src(%dma_wait3A_180 : memref<24xf32, #tpu.memory_space<vmem>>) dst(%dma_wait3A_178 : memref<24xf32, #tpu.memory_space<vmem_shared>>)
        tpu.yield
      }) : () -> ()
    } else {
    }
    %broadcast_in_dim3A_87 = arith.constant 1.000000e+00 : f32
    %broadcast_in_dim3A_88 = vector.broadcast %broadcast_in_dim3A_87 : f32 to vector<16xf32>
    %swap3A_89 = arith.constant 0 : index
    %swap3A_90 = tpu.vector_load %arg5[%swap3A_89] {strides = array<i32>} : memref<128xf32, #tpu.memory_space<vmem>>, vector<16xf32>,
    %swap3A_91 = vector.shape_cast %swap3A_90 : vector<16xf32> to vector<16xf32>
    %swap3A_92 = vector.shape_cast %broadcast_in_dim3A_88 : vector<16xf32> to vector<16xf32>
    tpu.vector_store %arg5[%swap3A_89], %swap3A_92 {strides = array<i32>} : memref<128xf32, #tpu.memory_space<vmem>>, vector<16xf32>,
    %broadcast_in_dim3A_93 = arith.constant 1.000000e+00 : f32
    %broadcast_in_dim3A_94 = vector.broadcast %broadcast_in_dim3A_93 : f32 to vector<16xf32>
    %swap3A_95 = arith.constant 16 : index
    %swap3A_96 = tpu.vector_load %arg5[%swap3A_95] {strides = array<i32>} : memref<128xf32, #tpu.memory_space<vmem>>, vector<16xf32>,
    %swap3A_97 = vector.shape_cast %swap3A_96 : vector<16xf32> to vector<16xf32>
    %swap3A_98 = vector.shape_cast %broadcast_in_dim3A_94 : vector<16xf32> to vector<16xf32>
    tpu.vector_store %arg5[%swap3A_95], %swap3A_98 {strides = array<i32>} : memref<128xf32, #tpu.memory_space<vmem>>, vector<16xf32>,
    %broadcast_in_dim3A_99 = arith.constant 1.000000e+00 : f32
    %broadcast_in_dim3A_100 = vector.broadcast %broadcast_in_dim3A_99 : f32 to vector<16xf32>
    %swap3A_101 = arith.constant 32 : index
    %swap3A_102 = tpu.vector_load %arg5[%swap3A_101] {strides = array<i32>} : memref<128xf32, #tpu.memory_space<vmem>>, vector<16xf32>,
    %swap3A_103 = vector.shape_cast %swap3A_102 : vector<16xf32> to vector<16xf32>
    %swap3A_104 = vector.shape_cast %broadcast_in_dim3A_100 : vector<16xf32> to vector<16xf32>
    tpu.vector_store %arg5[%swap3A_101], %swap3A_104 {strides = array<i32>} : memref<128xf32, #tpu.memory_space<vmem>>, vector<16xf32>,
    %broadcast_in_dim3A_105 = arith.constant 1.000000e+00 : f32
    %broadcast_in_dim3A_106 = vector.broadcast %broadcast_in_dim3A_105 : f32 to vector<16xf32>
    %swap3A_107 = arith.constant 48 : index
    %swap3A_108 = tpu.vector_load %arg5[%swap3A_107] {strides = array<i32>} : memref<128xf32, #tpu.memory_space<vmem>>, vector<16xf32>,
    %swap3A_109 = vector.shape_cast %swap3A_108 : vector<16xf32> to vector<16xf32>
    %swap3A_110 = vector.shape_cast %broadcast_in_dim3A_106 : vector<16xf32> to vector<16xf32>
    tpu.vector_store %arg5[%swap3A_107], %swap3A_110 {strides = array<i32>} : memref<128xf32, #tpu.memory_space<vmem>>, vector<16xf32>,
    %broadcast_in_dim3A_111 = arith.constant 1.000000e+00 : f32
    %broadcast_in_dim3A_112 = vector.broadcast %broadcast_in_dim3A_111 : f32 to vector<16xf32>
    %swap3A_113 = arith.constant 64 : index
    %swap3A_114 = tpu.vector_load %arg5[%swap3A_113] {strides = array<i32>} : memref<128xf32, #tpu.memory_space<vmem>>, vector<16xf32>,
    %swap3A_115 = vector.shape_cast %swap3A_114 : vector<16xf32> to vector<16xf32>
    %swap3A_116 = vector.shape_cast %broadcast_in_dim3A_112 : vector<16xf32> to vector<16xf32>
    tpu.vector_store %arg5[%swap3A_113], %swap3A_116 {strides = array<i32>} : memref<128xf32, #tpu.memory_space<vmem>>, vector<16xf32>,
    %broadcast_in_dim3A_117 = arith.constant 1.000000e+00 : f32
    %broadcast_in_dim3A_118 = vector.broadcast %broadcast_in_dim3A_117 : f32 to vector<16xf32>
    %swap3A_119 = arith.constant 80 : index
    %swap3A_120 = tpu.vector_load %arg5[%swap3A_119] {strides = array<i32>} : memref<128xf32, #tpu.memory_space<vmem>>, vector<16xf32>,
    %swap3A_121 = vector.shape_cast %swap3A_120 : vector<16xf32> to vector<16xf32>
    %swap3A_122 = vector.shape_cast %broadcast_in_dim3A_118 : vector<16xf32> to vector<16xf32>
    tpu.vector_store %arg5[%swap3A_119], %swap3A_122 {strides = array<i32>} : memref<128xf32, #tpu.memory_space<vmem>>, vector<16xf32>,
    %broadcast_in_dim3A_123 = arith.constant 1.000000e+00 : f32
    %broadcast_in_dim3A_124 = vector.broadcast %broadcast_in_dim3A_123 : f32 to vector<16xf32>
    %swap3A_125 = arith.constant 96 : index
    %swap3A_126 = tpu.vector_load %arg5[%swap3A_125] {strides = array<i32>} : memref<128xf32, #tpu.memory_space<vmem>>, vector<16xf32>,
    %swap3A_127 = vector.shape_cast %swap3A_126 : vector<16xf32> to vector<16xf32>
    %swap3A_128 = vector.shape_cast %broadcast_in_dim3A_124 : vector<16xf32> to vector<16xf32>
    tpu.vector_store %arg5[%swap3A_125], %swap3A_128 {strides = array<i32>} : memref<128xf32, #tpu.memory_space<vmem>>, vector<16xf32>,
    %broadcast_in_dim3A_129 = arith.constant 1.000000e+00 : f32
    %broadcast_in_dim3A_130 = vector.broadcast %broadcast_in_dim3A_129 : f32 to vector<16xf32>
    %swap3A_131 = arith.constant 112 : index
    %swap3A_132 = tpu.vector_load %arg5[%swap3A_131] {strides = array<i32>} : memref<128xf32, #tpu.memory_space<vmem>>, vector<16xf32>,
    %swap3A_133 = vector.shape_cast %swap3A_132 : vector<16xf32> to vector<16xf32>
    %swap3A_134 = vector.shape_cast %broadcast_in_dim3A_130 : vector<16xf32> to vector<16xf32>
    tpu.vector_store %arg5[%swap3A_131], %swap3A_134 {strides = array<i32>} : memref<128xf32, #tpu.memory_space<vmem>>, vector<16xf32>,
    "tpu.region"() ({
      %run_scoped3A = tpu.sem_alloc : memref<!tpu.dma_semaphore, #tpu.memory_space<semaphore_mem>>
      %dma_start3A = arith.constant 0 : i32
      %dma_start3A_167 = arith.constant 0 : i32
      %dma_start3A_168 = tpu.memref_slice %arg2[%add3A, %dma_start3A, %dma_start3A_167] : memref<32x80x128xi32, #tpu.memory_space<hbm>> -> memref<1x80x128xi32, #tpu.memory_space<hbm>>
      %dma_start3A_169 = tpu.memref_squeeze %dma_start3A_168 : memref<1x80x128xi32, #tpu.memory_space<hbm>> -> memref<80x128xi32, #tpu.memory_space<hbm>>
      %dma_start3A_170 = arith.constant 0 : i32
      %dma_start3A_171 = arith.constant 0 : i32
      %dma_start3A_172 = tpu.memref_slice %arg2[%add3A, %dma_start3A_170, %dma_start3A_171] : memref<32x80x128xi32, #tpu.memory_space<hbm>> -> memref<1x80x128xi32, #tpu.memory_space<hbm>>
      %dma_start3A_173 = tpu.memref_squeeze %dma_start3A_172 : memref<1x80x128xi32, #tpu.memory_space<hbm>> -> memref<80x128xi32, #tpu.memory_space<hbm>>
      tpu.enqueue_dma source(%dma_start3A_173 : memref<80x128xi32, #tpu.memory_space<hbm>>) target(%arg4 : memref<80x128xi32, #tpu.memory_space<vmem>>) target_semaphore(%run_scoped3A : memref<!tpu.dma_semaphore, #tpu.memory_space<semaphore_mem>>)
      %dma_wait3A = arith.constant 0 : i32
      %dma_wait3A_174 = arith.constant 0 : i32
      %dma_wait3A_175 = tpu.memref_slice %arg2[%add3A, %dma_wait3A, %dma_wait3A_174] : memref<32x80x128xi32, #tpu.memory_space<hbm>> -> memref<1x80x128xi32, #tpu.memory_space<hbm>>
      %dma_wait3A_176 = tpu.memref_squeeze %dma_wait3A_175 : memref<1x80x128xi32, #tpu.memory_space<hbm>> -> memref<80x128xi32, #tpu.memory_space<hbm>>
      %dma_wait3A_177 = arith.constant 0 : i32
      %dma_wait3A_178 = arith.constant 0 : i32
      %dma_wait3A_179 = tpu.memref_slice %arg2[%add3A, %dma_wait3A_177, %dma_wait3A_178] : memref<32x80x128xi32, #tpu.memory_space<hbm>> -> memref<1x80x128xi32, #tpu.memory_space<hbm>>
      %dma_wait3A_180 = tpu.memref_squeeze %dma_wait3A_179 : memref<1x80x128xi32, #tpu.memory_space<hbm>> -> memref<80x128xi32, #tpu.memory_space<hbm>>
      tpu.wait_dma2 semaphore(%run_scoped3A : memref<!tpu.dma_semaphore, #tpu.memory_space<semaphore_mem>>) src(%dma_wait3A_180 : memref<80x128xi32, #tpu.memory_space<hbm>>) dst(%arg4 : memref<80x128xi32, #tpu.memory_space<vmem>>)
      tpu.yield
    }) : () -> ()
    %barrier3A = arith.constant 0 : index
    tpu.barrier barrier_id(%barrier3A)
    %scan3A = arith.constant 0 : i32
    %scan3A_135 = arith.constant 0 : i32
    %scan3A_136 = arith.constant 80 : i32
    %scan3A_137 = arith.addi %scan3A_135, %scan3A_136 : i32
    %scan3A_138 = arith.constant 1 : i32
    scf.for %scan3A_167 = %scan3A_135 to %scan3A_137 step %scan3A_138  : i32 {
      "tpu.region"() ({
        %run_scoped3A = tpu.sem_alloc : memref<!tpu.dma_semaphore, #tpu.memory_space<semaphore_mem>>
        %dma_start3A = arith.constant 0 : i32
        %dma_start3A_168 = tpu.memref_slice %arg4[%scan3A_167, %dma_start3A] : memref<80x128xi32, #tpu.memory_space<vmem>> -> memref<1x128xi32, #tpu.memory_space<vmem>>
        %dma_start3A_169 = tpu.memref_squeeze %dma_start3A_168 : memref<1x128xi32, #tpu.memory_space<vmem>> -> memref<128xi32, #tpu.memory_space<vmem>>
        %dma_start3A_170 = arith.constant 0 : i32
        %dma_start3A_171 = tpu.memref_slice %arg7[%dma_start3A_170] : memref<10008xf32, #tpu.memory_space<vmem_shared>> -> memref<10008xf32, #tpu.memory_space<vmem_shared>>
        tpu.enqueue_indirect_dma source(%arg5 : memref<128xf32, #tpu.memory_space<vmem>>) target(%dma_start3A_171 : memref<10008xf32, #tpu.memory_space<vmem_shared>>) offsets(%dma_start3A_169 : memref<128xi32, #tpu.memory_space<vmem>>) semaphore(%run_scoped3A : memref<!tpu.dma_semaphore, #tpu.memory_space<semaphore_mem>>) {add = true}
        %dma_wait3A = arith.constant 0 : i32
        %dma_wait3A_172 = tpu.memref_slice %arg4[%scan3A_167, %dma_wait3A] : memref<80x128xi32, #tpu.memory_space<vmem>> -> memref<1x128xi32, #tpu.memory_space<vmem>>
        %dma_wait3A_173 = tpu.memref_squeeze %dma_wait3A_172 : memref<1x128xi32, #tpu.memory_space<vmem>> -> memref<128xi32, #tpu.memory_space<vmem>>
        %dma_wait3A_174 = arith.constant 0 : i32
        %dma_wait3A_175 = tpu.memref_slice %arg7[%dma_wait3A_174] : memref<10008xf32, #tpu.memory_space<vmem_shared>> -> memref<10008xf32, #tpu.memory_space<vmem_shared>>
        tpu.wait_indirect_dma semaphore(%run_scoped3A : memref<!tpu.dma_semaphore, #tpu.memory_space<semaphore_mem>>) src(%arg5 : memref<128xf32, #tpu.memory_space<vmem>>) dst(%dma_wait3A_175 : memref<10008xf32, #tpu.memory_space<vmem_shared>>)
        tpu.yield
      }) : () -> ()
    }
    %scan3A_139 = arith.constant 80 : i32
    %barrier3A_140 = arith.constant 0 : index
    tpu.barrier barrier_id(%barrier3A_140)
    %add3A_141 = arith.constant 0 : i32
    %add3A_142 = arith.addi %mul3A_2, %add3A_141 : i32
    "tpu.region"() ({
      %run_scoped3A = tpu.sem_alloc : memref<!tpu.dma_semaphore, #tpu.memory_space<semaphore_mem>>
      %dma_start3A = tpu.memref_slice %arg7[%add3A_142] : memref<10008xf32, #tpu.memory_space<vmem_shared>> -> memref<208xf32, #tpu.memory_space<vmem_shared>>
      %dma_start3A_167 = tpu.memref_slice %arg7[%add3A_142] : memref<10008xf32, #tpu.memory_space<vmem_shared>> -> memref<208xf32, #tpu.memory_space<vmem_shared>>
      tpu.enqueue_dma source(%dma_start3A_167 : memref<208xf32, #tpu.memory_space<vmem_shared>>) target(%arg6 : memref<208xf32, #tpu.memory_space<vmem>>) target_semaphore(%run_scoped3A : memref<!tpu.dma_semaphore, #tpu.memory_space<semaphore_mem>>)
      %dma_wait3A = tpu.memref_slice %arg7[%add3A_142] : memref<10008xf32, #tpu.memory_space<vmem_shared>> -> memref<208xf32, #tpu.memory_space<vmem_shared>>
      %dma_wait3A_168 = tpu.memref_slice %arg7[%add3A_142] : memref<10008xf32, #tpu.memory_space<vmem_shared>> -> memref<208xf32, #tpu.memory_space<vmem_shared>>
      tpu.wait_dma2 semaphore(%run_scoped3A : memref<!tpu.dma_semaphore, #tpu.memory_space<semaphore_mem>>) src(%dma_wait3A_168 : memref<208xf32, #tpu.memory_space<vmem_shared>>) dst(%arg6 : memref<208xf32, #tpu.memory_space<vmem>>)
      tpu.yield
    }) : () -> ()
    %mul3A_143 = arith.constant 10000 : i32
    %mul3A_144 = arith.muli %arg0, %mul3A_143 : i32
    %add3A_145 = arith.addi %mul3A_144, %mul3A_2 : i32
    %add3A_146 = arith.constant 0 : i32
    %add3A_147 = arith.addi %add3A_145, %add3A_146 : i32
    "tpu.region"() ({
      %run_scoped3A = tpu.sem_alloc : memref<!tpu.dma_semaphore, #tpu.memory_space<semaphore_mem>>
      %dma_start3A = tpu.memref_slice %arg3[%add3A_147] : memref<20000xf32, #tpu.memory_space<hbm>> -> memref<208xf32, #tpu.memory_space<hbm>>
      %dma_start3A_167 = tpu.memref_slice %arg3[%add3A_147] : memref<20000xf32, #tpu.memory_space<hbm>> -> memref<208xf32, #tpu.memory_space<hbm>>
      tpu.enqueue_dma source(%arg6 : memref<208xf32, #tpu.memory_space<vmem>>) target(%dma_start3A_167 : memref<208xf32, #tpu.memory_space<hbm>>) target_semaphore(%run_scoped3A : memref<!tpu.dma_semaphore, #tpu.memory_space<semaphore_mem>>)
      %dma_wait3A = tpu.memref_slice %arg3[%add3A_147] : memref<20000xf32, #tpu.memory_space<hbm>> -> memref<208xf32, #tpu.memory_space<hbm>>
      %dma_wait3A_168 = tpu.memref_slice %arg3[%add3A_147] : memref<20000xf32, #tpu.memory_space<hbm>> -> memref<208xf32, #tpu.memory_space<hbm>>
      tpu.wait_dma2 semaphore(%run_scoped3A : memref<!tpu.dma_semaphore, #tpu.memory_space<semaphore_mem>>) src(%arg6 : memref<208xf32, #tpu.memory_space<vmem>>) dst(%dma_wait3A_168 : memref<208xf32, #tpu.memory_space<hbm>>)
      tpu.yield
    }) : () -> ()
    %add3A_148 = arith.constant 208 : i32
    %add3A_149 = arith.addi %mul3A_2, %add3A_148 : i32
    "tpu.region"() ({
      %run_scoped3A = tpu.sem_alloc : memref<!tpu.dma_semaphore, #tpu.memory_space<semaphore_mem>>
      %dma_start3A = tpu.memref_slice %arg7[%add3A_149] : memref<10008xf32, #tpu.memory_space<vmem_shared>> -> memref<208xf32, #tpu.memory_space<vmem_shared>>
      %dma_start3A_167 = tpu.memref_slice %arg7[%add3A_149] : memref<10008xf32, #tpu.memory_space<vmem_shared>> -> memref<208xf32, #tpu.memory_space<vmem_shared>>
      tpu.enqueue_dma source(%dma_start3A_167 : memref<208xf32, #tpu.memory_space<vmem_shared>>) target(%arg6 : memref<208xf32, #tpu.memory_space<vmem>>) target_semaphore(%run_scoped3A : memref<!tpu.dma_semaphore, #tpu.memory_space<semaphore_mem>>)
      %dma_wait3A = tpu.memref_slice %arg7[%add3A_149] : memref<10008xf32, #tpu.memory_space<vmem_shared>> -> memref<208xf32, #tpu.memory_space<vmem_shared>>
      %dma_wait3A_168 = tpu.memref_slice %arg7[%add3A_149] : memref<10008xf32, #tpu.memory_space<vmem_shared>> -> memref<208xf32, #tpu.memory_space<vmem_shared>>
      tpu.wait_dma2 semaphore(%run_scoped3A : memref<!tpu.dma_semaphore, #tpu.memory_space<semaphore_mem>>) src(%dma_wait3A_168 : memref<208xf32, #tpu.memory_space<vmem_shared>>) dst(%arg6 : memref<208xf32, #tpu.memory_space<vmem>>)
      tpu.yield
    }) : () -> ()
    %mul3A_150 = arith.constant 10000 : i32
    %mul3A_151 = arith.muli %arg0, %mul3A_150 : i32
    %add3A_152 = arith.addi %mul3A_151, %mul3A_2 : i32
    %add3A_153 = arith.constant 208 : i32
    %add3A_154 = arith.addi %add3A_152, %add3A_153 : i32
    "tpu.region"() ({
      %run_scoped3A = tpu.sem_alloc : memref<!tpu.dma_semaphore, #tpu.memory_space<semaphore_mem>>
      %dma_start3A = tpu.memref_slice %arg3[%add3A_154] : memref<20000xf32, #tpu.memory_space<hbm>> -> memref<208xf32, #tpu.memory_space<hbm>>
      %dma_start3A_167 = tpu.memref_slice %arg3[%add3A_154] : memref<20000xf32, #tpu.memory_space<hbm>> -> memref<208xf32, #tpu.memory_space<hbm>>
      tpu.enqueue_dma source(%arg6 : memref<208xf32, #tpu.memory_space<vmem>>) target(%dma_start3A_167 : memref<208xf32, #tpu.memory_space<hbm>>) target_semaphore(%run_scoped3A : memref<!tpu.dma_semaphore, #tpu.memory_space<semaphore_mem>>)
      %dma_wait3A = tpu.memref_slice %arg3[%add3A_154] : memref<20000xf32, #tpu.memory_space<hbm>> -> memref<208xf32, #tpu.memory_space<hbm>>
      %dma_wait3A_168 = tpu.memref_slice %arg3[%add3A_154] : memref<20000xf32, #tpu.memory_space<hbm>> -> memref<208xf32, #tpu.memory_space<hbm>>
      tpu.wait_dma2 semaphore(%run_scoped3A : memref<!tpu.dma_semaphore, #tpu.memory_space<semaphore_mem>>) src(%arg6 : memref<208xf32, #tpu.memory_space<vmem>>) dst(%dma_wait3A_168 : memref<208xf32, #tpu.memory_space<hbm>>)
      tpu.yield
    }) : () -> ()
    %add3A_155 = arith.constant 416 : i32
    %add3A_156 = arith.addi %mul3A_2, %add3A_155 : i32
    "tpu.region"() ({
      %run_scoped3A = tpu.sem_alloc : memref<!tpu.dma_semaphore, #tpu.memory_space<semaphore_mem>>
      %dma_start3A = tpu.memref_slice %arg7[%add3A_156] : memref<10008xf32, #tpu.memory_space<vmem_shared>> -> memref<208xf32, #tpu.memory_space<vmem_shared>>
      %dma_start3A_167 = tpu.memref_slice %arg7[%add3A_156] : memref<10008xf32, #tpu.memory_space<vmem_shared>> -> memref<208xf32, #tpu.memory_space<vmem_shared>>
      tpu.enqueue_dma source(%dma_start3A_167 : memref<208xf32, #tpu.memory_space<vmem_shared>>) target(%arg6 : memref<208xf32, #tpu.memory_space<vmem>>) target_semaphore(%run_scoped3A : memref<!tpu.dma_semaphore, #tpu.memory_space<semaphore_mem>>)
      %dma_wait3A = tpu.memref_slice %arg7[%add3A_156] : memref<10008xf32, #tpu.memory_space<vmem_shared>> -> memref<208xf32, #tpu.memory_space<vmem_shared>>
      %dma_wait3A_168 = tpu.memref_slice %arg7[%add3A_156] : memref<10008xf32, #tpu.memory_space<vmem_shared>> -> memref<208xf32, #tpu.memory_space<vmem_shared>>
      tpu.wait_dma2 semaphore(%run_scoped3A : memref<!tpu.dma_semaphore, #tpu.memory_space<semaphore_mem>>) src(%dma_wait3A_168 : memref<208xf32, #tpu.memory_space<vmem_shared>>) dst(%arg6 : memref<208xf32, #tpu.memory_space<vmem>>)
      tpu.yield
    }) : () -> ()
    %mul3A_157 = arith.constant 10000 : i32
    %mul3A_158 = arith.muli %arg0, %mul3A_157 : i32
    %add3A_159 = arith.addi %mul3A_158, %mul3A_2 : i32
    %add3A_160 = arith.constant 416 : i32
    %add3A_161 = arith.addi %add3A_159, %add3A_160 : i32
    "tpu.region"() ({
      %run_scoped3A = tpu.sem_alloc : memref<!tpu.dma_semaphore, #tpu.memory_space<semaphore_mem>>
      %dma_start3A = tpu.memref_slice %arg3[%add3A_161] : memref<20000xf32, #tpu.memory_space<hbm>> -> memref<208xf32, #tpu.memory_space<hbm>>
      %dma_start3A_167 = tpu.memref_slice %arg3[%add3A_161] : memref<20000xf32, #tpu.memory_space<hbm>> -> memref<208xf32, #tpu.memory_space<hbm>>
      tpu.enqueue_dma source(%arg6 : memref<208xf32, #tpu.memory_space<vmem>>) target(%dma_start3A_167 : memref<208xf32, #tpu.memory_space<hbm>>) target_semaphore(%run_scoped3A : memref<!tpu.dma_semaphore, #tpu.memory_space<semaphore_mem>>)
      %dma_wait3A = tpu.memref_slice %arg3[%add3A_161] : memref<20000xf32, #tpu.memory_space<hbm>> -> memref<208xf32, #tpu.memory_space<hbm>>
      %dma_wait3A_168 = tpu.memref_slice %arg3[%add3A_161] : memref<20000xf32, #tpu.memory_space<hbm>> -> memref<208xf32, #tpu.memory_space<hbm>>
      tpu.wait_dma2 semaphore(%run_scoped3A : memref<!tpu.dma_semaphore, #tpu.memory_space<semaphore_mem>>) src(%arg6 : memref<208xf32, #tpu.memory_space<vmem>>) dst(%dma_wait3A_168 : memref<208xf32, #tpu.memory_space<hbm>>)
      tpu.yield
    }) : () -> ()
    %eq3A_162 = arith.constant 15 : i32
    %eq3A_163 = arith.cmpi eq, %arg1, %eq3A_162 : i32
    %convert_element_type3A_164 = arith.extui %eq3A_163 : i1 to i32
    %cond3A_165 = arith.constant 0 : i32
    %cond3A_166 = arith.cmpi ne, %convert_element_type3A_164, %cond3A_165 : i32
    scf.if %cond3A_166 {
      "tpu.region"() ({
        %run_scoped3A = tpu.sem_alloc : memref<!tpu.dma_semaphore, #tpu.memory_space<semaphore_mem>>
        %dma_start3A = arith.constant 0 : i32
        %dma_start3A_172 = tpu.memref_slice %arg6[%dma_start3A] : memref<208xf32, #tpu.memory_space<vmem>> -> memref<16xf32, #tpu.memory_space<vmem>>
        %dma_start3A_173 = arith.constant 9984 : i32
        %dma_start3A_174 = tpu.memref_slice %arg7[%dma_start3A_173] : memref<10008xf32, #tpu.memory_space<vmem_shared>> -> memref<16xf32, #tpu.memory_space<vmem_shared>>
        %dma_start3A_175 = arith.constant 0 : i32
        %dma_start3A_176 = tpu.memref_slice %arg6[%dma_start3A_175] : memref<208xf32, #tpu.memory_space<vmem>> -> memref<16xf32, #tpu.memory_space<vmem>>
        %dma_start3A_177 = arith.constant 9984 : i32
        %dma_start3A_178 = tpu.memref_slice %arg7[%dma_start3A_177] : memref<10008xf32, #tpu.memory_space<vmem_shared>> -> memref<16xf32, #tpu.memory_space<vmem_shared>>
        tpu.enqueue_dma source(%dma_start3A_178 : memref<16xf32, #tpu.memory_space<vmem_shared>>) target(%dma_start3A_176 : memref<16xf32, #tpu.memory_space<vmem>>) target_semaphore(%run_scoped3A : memref<!tpu.dma_semaphore, #tpu.memory_space<semaphore_mem>>)
        %dma_wait3A = arith.constant 0 : i32
        %dma_wait3A_179 = tpu.memref_slice %arg6[%dma_wait3A] : memref<208xf32, #tpu.memory_space<vmem>> -> memref<16xf32, #tpu.memory_space<vmem>>
        %dma_wait3A_180 = arith.constant 9984 : i32
        %dma_wait3A_181 = tpu.memref_slice %arg7[%dma_wait3A_180] : memref<10008xf32, #tpu.memory_space<vmem_shared>> -> memref<16xf32, #tpu.memory_space<vmem_shared>>
        %dma_wait3A_182 = arith.constant 0 : i32
        %dma_wait3A_183 = tpu.memref_slice %arg6[%dma_wait3A_182] : memref<208xf32, #tpu.memory_space<vmem>> -> memref<16xf32, #tpu.memory_space<vmem>>
        %dma_wait3A_184 = arith.constant 9984 : i32
        %dma_wait3A_185 = tpu.memref_slice %arg7[%dma_wait3A_184] : memref<10008xf32, #tpu.memory_space<vmem_shared>> -> memref<16xf32, #tpu.memory_space<vmem_shared>>
        tpu.wait_dma2 semaphore(%run_scoped3A : memref<!tpu.dma_semaphore, #tpu.memory_space<semaphore_mem>>) src(%dma_wait3A_185 : memref<16xf32, #tpu.memory_space<vmem_shared>>) dst(%dma_wait3A_183 : memref<16xf32, #tpu.memory_space<vmem>>)
        tpu.yield
      }) : () -> ()
      %mul3A_167 = arith.constant 10000 : i32
      %mul3A_168 = arith.muli %arg0, %mul3A_167 : i32
      %add3A_169 = arith.constant 10000 : i32
      %add3A_170 = arith.addi %mul3A_168, %add3A_169 : i32
      %sub3A = arith.constant 16 : i32
      %sub3A_171 = arith.subi %add3A_170, %sub3A : i32
      "tpu.region"() ({
        %run_scoped3A = tpu.sem_alloc : memref<!tpu.dma_semaphore, #tpu.memory_space<semaphore_mem>>
        %dma_start3A = arith.constant 0 : i32
        %dma_start3A_172 = tpu.memref_slice %arg6[%dma_start3A] : memref<208xf32, #tpu.memory_space<vmem>> -> memref<16xf32, #tpu.memory_space<vmem>>
        %dma_start3A_173 = tpu.memref_slice %arg3[%sub3A_171] : memref<20000xf32, #tpu.memory_space<hbm>> -> memref<16xf32, #tpu.memory_space<hbm>>
        %dma_start3A_174 = tpu.memref_slice %arg3[%sub3A_171] : memref<20000xf32, #tpu.memory_space<hbm>> -> memref<16xf32, #tpu.memory_space<hbm>>
        %dma_start3A_175 = arith.constant 0 : i32
        %dma_start3A_176 = tpu.memref_slice %arg6[%dma_start3A_175] : memref<208xf32, #tpu.memory_space<vmem>> -> memref<16xf32, #tpu.memory_space<vmem>>
        tpu.enqueue_dma source(%dma_start3A_176 : memref<16xf32, #tpu.memory_space<vmem>>) target(%dma_start3A_174 : memref<16xf32, #tpu.memory_space<hbm>>) target_semaphore(%run_scoped3A : memref<!tpu.dma_semaphore, #tpu.memory_space<semaphore_mem>>)
        %dma_wait3A = arith.constant 0 : i32
        %dma_wait3A_177 = tpu.memref_slice %arg6[%dma_wait3A] : memref<208xf32, #tpu.memory_space<vmem>> -> memref<16xf32, #tpu.memory_space<vmem>>
        %dma_wait3A_178 = tpu.memref_slice %arg3[%sub3A_171] : memref<20000xf32, #tpu.memory_space<hbm>> -> memref<16xf32, #tpu.memory_space<hbm>>
        %dma_wait3A_179 = tpu.memref_slice %arg3[%sub3A_171] : memref<20000xf32, #tpu.memory_space<hbm>> -> memref<16xf32, #tpu.memory_space<hbm>>
        %dma_wait3A_180 = arith.constant 0 : i32
        %dma_wait3A_181 = tpu.memref_slice %arg6[%dma_wait3A_180] : memref<208xf32, #tpu.memory_space<vmem>> -> memref<16xf32, #tpu.memory_space<vmem>>
        tpu.wait_dma2 semaphore(%run_scoped3A : memref<!tpu.dma_semaphore, #tpu.memory_space<semaphore_mem>>) src(%dma_wait3A_181 : memref<16xf32, #tpu.memory_space<vmem>>) dst(%dma_wait3A_179 : memref<16xf32, #tpu.memory_space<hbm>>)
        tpu.yield
      }) : () -> ()
    } else {
    }
    return
  }
}

#map = affine_map<(d0, d1) -> (0, 0)>
#map1 = affine_map<(d0, d1) -> (0, 0, 0)>
#map2 = affine_map<(d0, d1) -> (0, 0, 0, 0)>
module attributes {stable_mosaic.version = 14 : i64} {
  func.func @agg(%arg0: i32, %arg1: i32, %arg2: memref<10000x128xf32, #tpu.memory_space<hbm>>, %arg3: memref<16x160x128xi32, #tpu.memory_space<hbm>>, %arg4: memref<2x16x160x128xi32, #tpu.memory_space<hbm>>, %arg5: memref<2x5000x128xf32, #tpu.memory_space<hbm>>, %arg6: memref<160x128xi32, #tpu.memory_space<vmem>>, %arg7: memref<160x128xi32, #tpu.memory_space<vmem>>, %arg8: memref<128x128xf32, #tpu.memory_space<vmem>>, %arg9: memref<128x128xf32, #tpu.memory_space<vmem>>, %arg10: memref<104x128xf32, #tpu.memory_space<vmem>>, %arg11: memref<5128x128xf32, #tpu.memory_space<vmem_shared>>, %arg12: memref<!tpu.dma_semaphore, #tpu.memory_space<semaphore_mem>>, %arg13: memref<!tpu.dma_semaphore, #tpu.memory_space<semaphore_mem>>) attributes {dimension_semantics = [#tpu.dimension_semantics<core_parallel>, #tpu.dimension_semantics<subcore_parallel>], iteration_bounds = array<i64: 2, 16>, scalar_prefetch = 0 : i64, scratch_operands = 8 : i64, tpu.core_type = #tpu.core_type<sc_vector_subcore>, window_params = [{transform_indices = #map}, {transform_indices = #map1}, {transform_indices = #map2}, {transform_indices = #map1}]} {
    %mul3A = arith.constant 312 : i32
    %mul3A_0 = arith.muli %arg1, %mul3A : i32
    %scan3A = arith.constant 0 : i32
    %scan3A_1 = arith.constant 0 : i32
    %scan3A_2 = arith.constant 104 : i32
    %scan3A_3 = arith.addi %scan3A_1, %scan3A_2 : i32
    %scan3A_4 = arith.constant 1 : i32
    scf.for %scan3A_43 = %scan3A_1 to %scan3A_3 step %scan3A_4  : i32 {
      %broadcast_in_dim3A = arith.constant 0.000000e+00 : f32
      %broadcast_in_dim3A_44 = vector.broadcast %broadcast_in_dim3A : f32 to vector<16xf32>
      %swap3A = arith.index_cast %scan3A_43 : i32 to index
      %swap3A_45 = arith.constant 0 : index
      %swap3A_46 = tpu.vector_load %arg10[%swap3A, %swap3A_45] {strides = array<i32>} : memref<104x128xf32, #tpu.memory_space<vmem>>, vector<1x16xf32>,
      %swap3A_47 = vector.shape_cast %swap3A_46 : vector<1x16xf32> to vector<16xf32>
      %swap3A_48 = vector.shape_cast %broadcast_in_dim3A_44 : vector<16xf32> to vector<1x16xf32>
      tpu.vector_store %arg10[%swap3A, %swap3A_45], %swap3A_48 {strides = array<i32>} : memref<104x128xf32, #tpu.memory_space<vmem>>, vector<1x16xf32>,
      %broadcast_in_dim3A_49 = arith.constant 0.000000e+00 : f32
      %broadcast_in_dim3A_50 = vector.broadcast %broadcast_in_dim3A_49 : f32 to vector<16xf32>
      %swap3A_51 = arith.index_cast %scan3A_43 : i32 to index
      %swap3A_52 = arith.constant 16 : index
      %swap3A_53 = tpu.vector_load %arg10[%swap3A_51, %swap3A_52] {strides = array<i32>} : memref<104x128xf32, #tpu.memory_space<vmem>>, vector<1x16xf32>,
      %swap3A_54 = vector.shape_cast %swap3A_53 : vector<1x16xf32> to vector<16xf32>
      %swap3A_55 = vector.shape_cast %broadcast_in_dim3A_50 : vector<16xf32> to vector<1x16xf32>
      tpu.vector_store %arg10[%swap3A_51, %swap3A_52], %swap3A_55 {strides = array<i32>} : memref<104x128xf32, #tpu.memory_space<vmem>>, vector<1x16xf32>,
      %broadcast_in_dim3A_56 = arith.constant 0.000000e+00 : f32
      %broadcast_in_dim3A_57 = vector.broadcast %broadcast_in_dim3A_56 : f32 to vector<16xf32>
      %swap3A_58 = arith.index_cast %scan3A_43 : i32 to index
      %swap3A_59 = arith.constant 32 : index
      %swap3A_60 = tpu.vector_load %arg10[%swap3A_58, %swap3A_59] {strides = array<i32>} : memref<104x128xf32, #tpu.memory_space<vmem>>, vector<1x16xf32>,
      %swap3A_61 = vector.shape_cast %swap3A_60 : vector<1x16xf32> to vector<16xf32>
      %swap3A_62 = vector.shape_cast %broadcast_in_dim3A_57 : vector<16xf32> to vector<1x16xf32>
      tpu.vector_store %arg10[%swap3A_58, %swap3A_59], %swap3A_62 {strides = array<i32>} : memref<104x128xf32, #tpu.memory_space<vmem>>, vector<1x16xf32>,
      %broadcast_in_dim3A_63 = arith.constant 0.000000e+00 : f32
      %broadcast_in_dim3A_64 = vector.broadcast %broadcast_in_dim3A_63 : f32 to vector<16xf32>
      %swap3A_65 = arith.index_cast %scan3A_43 : i32 to index
      %swap3A_66 = arith.constant 48 : index
      %swap3A_67 = tpu.vector_load %arg10[%swap3A_65, %swap3A_66] {strides = array<i32>} : memref<104x128xf32, #tpu.memory_space<vmem>>, vector<1x16xf32>,
      %swap3A_68 = vector.shape_cast %swap3A_67 : vector<1x16xf32> to vector<16xf32>
      %swap3A_69 = vector.shape_cast %broadcast_in_dim3A_64 : vector<16xf32> to vector<1x16xf32>
      tpu.vector_store %arg10[%swap3A_65, %swap3A_66], %swap3A_69 {strides = array<i32>} : memref<104x128xf32, #tpu.memory_space<vmem>>, vector<1x16xf32>,
      %broadcast_in_dim3A_70 = arith.constant 0.000000e+00 : f32
      %broadcast_in_dim3A_71 = vector.broadcast %broadcast_in_dim3A_70 : f32 to vector<16xf32>
      %swap3A_72 = arith.index_cast %scan3A_43 : i32 to index
      %swap3A_73 = arith.constant 64 : index
      %swap3A_74 = tpu.vector_load %arg10[%swap3A_72, %swap3A_73] {strides = array<i32>} : memref<104x128xf32, #tpu.memory_space<vmem>>, vector<1x16xf32>,
      %swap3A_75 = vector.shape_cast %swap3A_74 : vector<1x16xf32> to vector<16xf32>
      %swap3A_76 = vector.shape_cast %broadcast_in_dim3A_71 : vector<16xf32> to vector<1x16xf32>
      tpu.vector_store %arg10[%swap3A_72, %swap3A_73], %swap3A_76 {strides = array<i32>} : memref<104x128xf32, #tpu.memory_space<vmem>>, vector<1x16xf32>,
      %broadcast_in_dim3A_77 = arith.constant 0.000000e+00 : f32
      %broadcast_in_dim3A_78 = vector.broadcast %broadcast_in_dim3A_77 : f32 to vector<16xf32>
      %swap3A_79 = arith.index_cast %scan3A_43 : i32 to index
      %swap3A_80 = arith.constant 80 : index
      %swap3A_81 = tpu.vector_load %arg10[%swap3A_79, %swap3A_80] {strides = array<i32>} : memref<104x128xf32, #tpu.memory_space<vmem>>, vector<1x16xf32>,
      %swap3A_82 = vector.shape_cast %swap3A_81 : vector<1x16xf32> to vector<16xf32>
      %swap3A_83 = vector.shape_cast %broadcast_in_dim3A_78 : vector<16xf32> to vector<1x16xf32>
      tpu.vector_store %arg10[%swap3A_79, %swap3A_80], %swap3A_83 {strides = array<i32>} : memref<104x128xf32, #tpu.memory_space<vmem>>, vector<1x16xf32>,
      %broadcast_in_dim3A_84 = arith.constant 0.000000e+00 : f32
      %broadcast_in_dim3A_85 = vector.broadcast %broadcast_in_dim3A_84 : f32 to vector<16xf32>
      %swap3A_86 = arith.index_cast %scan3A_43 : i32 to index
      %swap3A_87 = arith.constant 96 : index
      %swap3A_88 = tpu.vector_load %arg10[%swap3A_86, %swap3A_87] {strides = array<i32>} : memref<104x128xf32, #tpu.memory_space<vmem>>, vector<1x16xf32>,
      %swap3A_89 = vector.shape_cast %swap3A_88 : vector<1x16xf32> to vector<16xf32>
      %swap3A_90 = vector.shape_cast %broadcast_in_dim3A_85 : vector<16xf32> to vector<1x16xf32>
      tpu.vector_store %arg10[%swap3A_86, %swap3A_87], %swap3A_90 {strides = array<i32>} : memref<104x128xf32, #tpu.memory_space<vmem>>, vector<1x16xf32>,
      %broadcast_in_dim3A_91 = arith.constant 0.000000e+00 : f32
      %broadcast_in_dim3A_92 = vector.broadcast %broadcast_in_dim3A_91 : f32 to vector<16xf32>
      %swap3A_93 = arith.index_cast %scan3A_43 : i32 to index
      %swap3A_94 = arith.constant 112 : index
      %swap3A_95 = tpu.vector_load %arg10[%swap3A_93, %swap3A_94] {strides = array<i32>} : memref<104x128xf32, #tpu.memory_space<vmem>>, vector<1x16xf32>,
      %swap3A_96 = vector.shape_cast %swap3A_95 : vector<1x16xf32> to vector<16xf32>
      %swap3A_97 = vector.shape_cast %broadcast_in_dim3A_92 : vector<16xf32> to vector<1x16xf32>
      tpu.vector_store %arg10[%swap3A_93, %swap3A_94], %swap3A_97 {strides = array<i32>} : memref<104x128xf32, #tpu.memory_space<vmem>>, vector<1x16xf32>,
    }
    %scan3A_5 = arith.constant 104 : i32
    %add3A = arith.constant 0 : i32
    %add3A_6 = arith.addi %mul3A_0, %add3A : i32
    "tpu.region"() ({
      %run_scoped3A = tpu.sem_alloc : memref<!tpu.dma_semaphore, #tpu.memory_space<semaphore_mem>>
      %dma_start3A_43 = arith.constant 0 : i32
      %dma_start3A_44 = tpu.memref_slice %arg11[%add3A_6, %dma_start3A_43] : memref<5128x128xf32, #tpu.memory_space<vmem_shared>> -> memref<104x128xf32, #tpu.memory_space<vmem_shared>>
      %dma_start3A_45 = arith.constant 0 : i32
      %dma_start3A_46 = tpu.memref_slice %arg11[%add3A_6, %dma_start3A_45] : memref<5128x128xf32, #tpu.memory_space<vmem_shared>> -> memref<104x128xf32, #tpu.memory_space<vmem_shared>>
      tpu.enqueue_dma source(%arg10 : memref<104x128xf32, #tpu.memory_space<vmem>>) target(%dma_start3A_46 : memref<104x128xf32, #tpu.memory_space<vmem_shared>>) target_semaphore(%run_scoped3A : memref<!tpu.dma_semaphore, #tpu.memory_space<semaphore_mem>>)
      %dma_wait3A = arith.constant 0 : i32
      %dma_wait3A_47 = tpu.memref_slice %arg11[%add3A_6, %dma_wait3A] : memref<5128x128xf32, #tpu.memory_space<vmem_shared>> -> memref<104x128xf32, #tpu.memory_space<vmem_shared>>
      %dma_wait3A_48 = arith.constant 0 : i32
      %dma_wait3A_49 = tpu.memref_slice %arg11[%add3A_6, %dma_wait3A_48] : memref<5128x128xf32, #tpu.memory_space<vmem_shared>> -> memref<104x128xf32, #tpu.memory_space<vmem_shared>>
      tpu.wait_dma2 semaphore(%run_scoped3A : memref<!tpu.dma_semaphore, #tpu.memory_space<semaphore_mem>>) src(%arg10 : memref<104x128xf32, #tpu.memory_space<vmem>>) dst(%dma_wait3A_49 : memref<104x128xf32, #tpu.memory_space<vmem_shared>>)
      tpu.yield
    }) : () -> ()
    %add3A_7 = arith.constant 104 : i32
    %add3A_8 = arith.addi %mul3A_0, %add3A_7 : i32
    "tpu.region"() ({
      %run_scoped3A = tpu.sem_alloc : memref<!tpu.dma_semaphore, #tpu.memory_space<semaphore_mem>>
      %dma_start3A_43 = arith.constant 0 : i32
      %dma_start3A_44 = tpu.memref_slice %arg11[%add3A_8, %dma_start3A_43] : memref<5128x128xf32, #tpu.memory_space<vmem_shared>> -> memref<104x128xf32, #tpu.memory_space<vmem_shared>>
      %dma_start3A_45 = arith.constant 0 : i32
      %dma_start3A_46 = tpu.memref_slice %arg11[%add3A_8, %dma_start3A_45] : memref<5128x128xf32, #tpu.memory_space<vmem_shared>> -> memref<104x128xf32, #tpu.memory_space<vmem_shared>>
      tpu.enqueue_dma source(%arg10 : memref<104x128xf32, #tpu.memory_space<vmem>>) target(%dma_start3A_46 : memref<104x128xf32, #tpu.memory_space<vmem_shared>>) target_semaphore(%run_scoped3A : memref<!tpu.dma_semaphore, #tpu.memory_space<semaphore_mem>>)
      %dma_wait3A = arith.constant 0 : i32
      %dma_wait3A_47 = tpu.memref_slice %arg11[%add3A_8, %dma_wait3A] : memref<5128x128xf32, #tpu.memory_space<vmem_shared>> -> memref<104x128xf32, #tpu.memory_space<vmem_shared>>
      %dma_wait3A_48 = arith.constant 0 : i32
      %dma_wait3A_49 = tpu.memref_slice %arg11[%add3A_8, %dma_wait3A_48] : memref<5128x128xf32, #tpu.memory_space<vmem_shared>> -> memref<104x128xf32, #tpu.memory_space<vmem_shared>>
      tpu.wait_dma2 semaphore(%run_scoped3A : memref<!tpu.dma_semaphore, #tpu.memory_space<semaphore_mem>>) src(%arg10 : memref<104x128xf32, #tpu.memory_space<vmem>>) dst(%dma_wait3A_49 : memref<104x128xf32, #tpu.memory_space<vmem_shared>>)
      tpu.yield
    }) : () -> ()
    %add3A_9 = arith.constant 208 : i32
    %add3A_10 = arith.addi %mul3A_0, %add3A_9 : i32
    "tpu.region"() ({
      %run_scoped3A = tpu.sem_alloc : memref<!tpu.dma_semaphore, #tpu.memory_space<semaphore_mem>>
      %dma_start3A_43 = arith.constant 0 : i32
      %dma_start3A_44 = tpu.memref_slice %arg11[%add3A_10, %dma_start3A_43] : memref<5128x128xf32, #tpu.memory_space<vmem_shared>> -> memref<104x128xf32, #tpu.memory_space<vmem_shared>>
      %dma_start3A_45 = arith.constant 0 : i32
      %dma_start3A_46 = tpu.memref_slice %arg11[%add3A_10, %dma_start3A_45] : memref<5128x128xf32, #tpu.memory_space<vmem_shared>> -> memref<104x128xf32, #tpu.memory_space<vmem_shared>>
      tpu.enqueue_dma source(%arg10 : memref<104x128xf32, #tpu.memory_space<vmem>>) target(%dma_start3A_46 : memref<104x128xf32, #tpu.memory_space<vmem_shared>>) target_semaphore(%run_scoped3A : memref<!tpu.dma_semaphore, #tpu.memory_space<semaphore_mem>>)
      %dma_wait3A = arith.constant 0 : i32
      %dma_wait3A_47 = tpu.memref_slice %arg11[%add3A_10, %dma_wait3A] : memref<5128x128xf32, #tpu.memory_space<vmem_shared>> -> memref<104x128xf32, #tpu.memory_space<vmem_shared>>
      %dma_wait3A_48 = arith.constant 0 : i32
      %dma_wait3A_49 = tpu.memref_slice %arg11[%add3A_10, %dma_wait3A_48] : memref<5128x128xf32, #tpu.memory_space<vmem_shared>> -> memref<104x128xf32, #tpu.memory_space<vmem_shared>>
      tpu.wait_dma2 semaphore(%run_scoped3A : memref<!tpu.dma_semaphore, #tpu.memory_space<semaphore_mem>>) src(%arg10 : memref<104x128xf32, #tpu.memory_space<vmem>>) dst(%dma_wait3A_49 : memref<104x128xf32, #tpu.memory_space<vmem_shared>>)
      tpu.yield
    }) : () -> ()
    %eq3A = arith.constant 15 : i32
    %eq3A_11 = arith.cmpi eq, %arg1, %eq3A : i32
    %convert_element_type3A = arith.extui %eq3A_11 : i1 to i32
    %cond3A = arith.constant 0 : i32
    %cond3A_12 = arith.cmpi ne, %convert_element_type3A, %cond3A : i32
    scf.if %cond3A_12 {
      "tpu.region"() ({
        %run_scoped3A = tpu.sem_alloc : memref<!tpu.dma_semaphore, #tpu.memory_space<semaphore_mem>>
        %dma_start3A_43 = arith.constant 0 : i32
        %dma_start3A_44 = arith.constant 0 : i32
        %dma_start3A_45 = tpu.memref_slice %arg10[%dma_start3A_43, %dma_start3A_44] : memref<104x128xf32, #tpu.memory_space<vmem>> -> memref<16x128xf32, #tpu.memory_space<vmem>>
        %dma_start3A_46 = arith.constant 4992 : i32
        %dma_start3A_47 = arith.constant 0 : i32
        %dma_start3A_48 = tpu.memref_slice %arg11[%dma_start3A_46, %dma_start3A_47] : memref<5128x128xf32, #tpu.memory_space<vmem_shared>> -> memref<16x128xf32, #tpu.memory_space<vmem_shared>>
        %dma_start3A_49 = arith.constant 4992 : i32
        %dma_start3A_50 = arith.constant 0 : i32
        %dma_start3A_51 = tpu.memref_slice %arg11[%dma_start3A_49, %dma_start3A_50] : memref<5128x128xf32, #tpu.memory_space<vmem_shared>> -> memref<16x128xf32, #tpu.memory_space<vmem_shared>>
        %dma_start3A_52 = arith.constant 0 : i32
        %dma_start3A_53 = arith.constant 0 : i32
        %dma_start3A_54 = tpu.memref_slice %arg10[%dma_start3A_52, %dma_start3A_53] : memref<104x128xf32, #tpu.memory_space<vmem>> -> memref<16x128xf32, #tpu.memory_space<vmem>>
        tpu.enqueue_dma source(%dma_start3A_54 : memref<16x128xf32, #tpu.memory_space<vmem>>) target(%dma_start3A_51 : memref<16x128xf32, #tpu.memory_space<vmem_shared>>) target_semaphore(%run_scoped3A : memref<!tpu.dma_semaphore, #tpu.memory_space<semaphore_mem>>)
        %dma_wait3A = arith.constant 0 : i32
        %dma_wait3A_55 = arith.constant 0 : i32
        %dma_wait3A_56 = tpu.memref_slice %arg10[%dma_wait3A, %dma_wait3A_55] : memref<104x128xf32, #tpu.memory_space<vmem>> -> memref<16x128xf32, #tpu.memory_space<vmem>>
        %dma_wait3A_57 = arith.constant 4992 : i32
        %dma_wait3A_58 = arith.constant 0 : i32
        %dma_wait3A_59 = tpu.memref_slice %arg11[%dma_wait3A_57, %dma_wait3A_58] : memref<5128x128xf32, #tpu.memory_space<vmem_shared>> -> memref<16x128xf32, #tpu.memory_space<vmem_shared>>
        %dma_wait3A_60 = arith.constant 4992 : i32
        %dma_wait3A_61 = arith.constant 0 : i32
        %dma_wait3A_62 = tpu.memref_slice %arg11[%dma_wait3A_60, %dma_wait3A_61] : memref<5128x128xf32, #tpu.memory_space<vmem_shared>> -> memref<16x128xf32, #tpu.memory_space<vmem_shared>>
        %dma_wait3A_63 = arith.constant 0 : i32
        %dma_wait3A_64 = arith.constant 0 : i32
        %dma_wait3A_65 = tpu.memref_slice %arg10[%dma_wait3A_63, %dma_wait3A_64] : memref<104x128xf32, #tpu.memory_space<vmem>> -> memref<16x128xf32, #tpu.memory_space<vmem>>
        tpu.wait_dma2 semaphore(%run_scoped3A : memref<!tpu.dma_semaphore, #tpu.memory_space<semaphore_mem>>) src(%dma_wait3A_65 : memref<16x128xf32, #tpu.memory_space<vmem>>) dst(%dma_wait3A_62 : memref<16x128xf32, #tpu.memory_space<vmem_shared>>)
        tpu.yield
      }) : () -> ()
    } else {
    }
    "tpu.region"() ({
      %run_scoped3A = tpu.sem_alloc : memref<!tpu.dma_semaphore, #tpu.memory_space<semaphore_mem>>
      %dma_start3A_43 = arith.constant 0 : i32
      %dma_start3A_44 = arith.constant 0 : i32
      %dma_start3A_45 = tpu.memref_slice %arg3[%arg1, %dma_start3A_43, %dma_start3A_44] : memref<16x160x128xi32, #tpu.memory_space<hbm>> -> memref<1x160x128xi32, #tpu.memory_space<hbm>>
      %dma_start3A_46 = tpu.memref_squeeze %dma_start3A_45 : memref<1x160x128xi32, #tpu.memory_space<hbm>> -> memref<160x128xi32, #tpu.memory_space<hbm>>
      %dma_start3A_47 = arith.constant 0 : i32
      %dma_start3A_48 = arith.constant 0 : i32
      %dma_start3A_49 = tpu.memref_slice %arg3[%arg1, %dma_start3A_47, %dma_start3A_48] : memref<16x160x128xi32, #tpu.memory_space<hbm>> -> memref<1x160x128xi32, #tpu.memory_space<hbm>>
      %dma_start3A_50 = tpu.memref_squeeze %dma_start3A_49 : memref<1x160x128xi32, #tpu.memory_space<hbm>> -> memref<160x128xi32, #tpu.memory_space<hbm>>
      tpu.enqueue_dma source(%dma_start3A_50 : memref<160x128xi32, #tpu.memory_space<hbm>>) target(%arg6 : memref<160x128xi32, #tpu.memory_space<vmem>>) target_semaphore(%run_scoped3A : memref<!tpu.dma_semaphore, #tpu.memory_space<semaphore_mem>>)
      %dma_wait3A = arith.constant 0 : i32
      %dma_wait3A_51 = arith.constant 0 : i32
      %dma_wait3A_52 = tpu.memref_slice %arg3[%arg1, %dma_wait3A, %dma_wait3A_51] : memref<16x160x128xi32, #tpu.memory_space<hbm>> -> memref<1x160x128xi32, #tpu.memory_space<hbm>>
      %dma_wait3A_53 = tpu.memref_squeeze %dma_wait3A_52 : memref<1x160x128xi32, #tpu.memory_space<hbm>> -> memref<160x128xi32, #tpu.memory_space<hbm>>
      %dma_wait3A_54 = arith.constant 0 : i32
      %dma_wait3A_55 = arith.constant 0 : i32
      %dma_wait3A_56 = tpu.memref_slice %arg3[%arg1, %dma_wait3A_54, %dma_wait3A_55] : memref<16x160x128xi32, #tpu.memory_space<hbm>> -> memref<1x160x128xi32, #tpu.memory_space<hbm>>
      %dma_wait3A_57 = tpu.memref_squeeze %dma_wait3A_56 : memref<1x160x128xi32, #tpu.memory_space<hbm>> -> memref<160x128xi32, #tpu.memory_space<hbm>>
      tpu.wait_dma2 semaphore(%run_scoped3A : memref<!tpu.dma_semaphore, #tpu.memory_space<semaphore_mem>>) src(%dma_wait3A_57 : memref<160x128xi32, #tpu.memory_space<hbm>>) dst(%arg6 : memref<160x128xi32, #tpu.memory_space<vmem>>)
      tpu.yield
    }) : () -> ()
    "tpu.region"() ({
      %run_scoped3A = tpu.sem_alloc : memref<!tpu.dma_semaphore, #tpu.memory_space<semaphore_mem>>
      %dma_start3A_43 = arith.constant 0 : i32
      %dma_start3A_44 = arith.constant 0 : i32
      %dma_start3A_45 = tpu.memref_slice %arg4[%arg0, %arg1, %dma_start3A_43, %dma_start3A_44] : memref<2x16x160x128xi32, #tpu.memory_space<hbm>> -> memref<1x1x160x128xi32, #tpu.memory_space<hbm>>
      %dma_start3A_46 = tpu.memref_squeeze %dma_start3A_45 : memref<1x1x160x128xi32, #tpu.memory_space<hbm>> -> memref<160x128xi32, #tpu.memory_space<hbm>>
      %dma_start3A_47 = arith.constant 0 : i32
      %dma_start3A_48 = arith.constant 0 : i32
      %dma_start3A_49 = tpu.memref_slice %arg4[%arg0, %arg1, %dma_start3A_47, %dma_start3A_48] : memref<2x16x160x128xi32, #tpu.memory_space<hbm>> -> memref<1x1x160x128xi32, #tpu.memory_space<hbm>>
      %dma_start3A_50 = tpu.memref_squeeze %dma_start3A_49 : memref<1x1x160x128xi32, #tpu.memory_space<hbm>> -> memref<160x128xi32, #tpu.memory_space<hbm>>
      tpu.enqueue_dma source(%dma_start3A_50 : memref<160x128xi32, #tpu.memory_space<hbm>>) target(%arg7 : memref<160x128xi32, #tpu.memory_space<vmem>>) target_semaphore(%run_scoped3A : memref<!tpu.dma_semaphore, #tpu.memory_space<semaphore_mem>>)
      %dma_wait3A = arith.constant 0 : i32
      %dma_wait3A_51 = arith.constant 0 : i32
      %dma_wait3A_52 = tpu.memref_slice %arg4[%arg0, %arg1, %dma_wait3A, %dma_wait3A_51] : memref<2x16x160x128xi32, #tpu.memory_space<hbm>> -> memref<1x1x160x128xi32, #tpu.memory_space<hbm>>
      %dma_wait3A_53 = tpu.memref_squeeze %dma_wait3A_52 : memref<1x1x160x128xi32, #tpu.memory_space<hbm>> -> memref<160x128xi32, #tpu.memory_space<hbm>>
      %dma_wait3A_54 = arith.constant 0 : i32
      %dma_wait3A_55 = arith.constant 0 : i32
      %dma_wait3A_56 = tpu.memref_slice %arg4[%arg0, %arg1, %dma_wait3A_54, %dma_wait3A_55] : memref<2x16x160x128xi32, #tpu.memory_space<hbm>> -> memref<1x1x160x128xi32, #tpu.memory_space<hbm>>
      %dma_wait3A_57 = tpu.memref_squeeze %dma_wait3A_56 : memref<1x1x160x128xi32, #tpu.memory_space<hbm>> -> memref<160x128xi32, #tpu.memory_space<hbm>>
      tpu.wait_dma2 semaphore(%run_scoped3A : memref<!tpu.dma_semaphore, #tpu.memory_space<semaphore_mem>>) src(%dma_wait3A_57 : memref<160x128xi32, #tpu.memory_space<hbm>>) dst(%arg7 : memref<160x128xi32, #tpu.memory_space<vmem>>)
      tpu.yield
    }) : () -> ()
    %barrier3A = arith.constant 0 : index
    tpu.barrier barrier_id(%barrier3A)
    %dma_start3A = arith.constant 0 : i32
    %dma_start3A_13 = arith.constant 0 : i32
    %dma_start3A_14 = tpu.memref_slice %arg6[%dma_start3A, %dma_start3A_13] : memref<160x128xi32, #tpu.memory_space<vmem>> -> memref<1x128xi32, #tpu.memory_space<vmem>>
    %dma_start3A_15 = tpu.memref_squeeze %dma_start3A_14 : memref<1x128xi32, #tpu.memory_space<vmem>> -> memref<128xi32, #tpu.memory_space<vmem>>
    %dma_start3A_16 = arith.constant 0 : i32
    %dma_start3A_17 = arith.constant 0 : i32
    %dma_start3A_18 = tpu.memref_slice %arg2[%dma_start3A_16, %dma_start3A_17] : memref<10000x128xf32, #tpu.memory_space<hbm>> -> memref<10000x128xf32, #tpu.memory_space<hbm>>
    tpu.enqueue_indirect_dma source(%dma_start3A_18 : memref<10000x128xf32, #tpu.memory_space<hbm>>) target(%arg8 : memref<128x128xf32, #tpu.memory_space<vmem>>) offsets(%dma_start3A_15 : memref<128xi32, #tpu.memory_space<vmem>>) semaphore(%arg12 : memref<!tpu.dma_semaphore, #tpu.memory_space<semaphore_mem>>)
    %scan3A_19 = arith.constant 0 : i32
    %scan3A_20 = arith.constant 0 : i32
    %scan3A_21 = arith.constant 80 : i32
    %scan3A_22 = arith.addi %scan3A_20, %scan3A_21 : i32
    %scan3A_23 = arith.constant 1 : i32
    scf.for %scan3A_43 = %scan3A_20 to %scan3A_22 step %scan3A_23  : i32 {
      %mul3A_44 = arith.constant 2 : i32
      %mul3A_45 = arith.muli %scan3A_43, %mul3A_44 : i32
      %add3A_46 = arith.constant 1 : i32
      %add3A_47 = arith.addi %mul3A_45, %add3A_46 : i32
      %dma_start3A_48 = arith.constant 0 : i32
      %dma_start3A_49 = tpu.memref_slice %arg6[%add3A_47, %dma_start3A_48] : memref<160x128xi32, #tpu.memory_space<vmem>> -> memref<1x128xi32, #tpu.memory_space<vmem>>
      %dma_start3A_50 = tpu.memref_squeeze %dma_start3A_49 : memref<1x128xi32, #tpu.memory_space<vmem>> -> memref<128xi32, #tpu.memory_space<vmem>>
      %dma_start3A_51 = arith.constant 0 : i32
      %dma_start3A_52 = arith.constant 0 : i32
      %dma_start3A_53 = tpu.memref_slice %arg2[%dma_start3A_51, %dma_start3A_52] : memref<10000x128xf32, #tpu.memory_space<hbm>> -> memref<10000x128xf32, #tpu.memory_space<hbm>>
      tpu.enqueue_indirect_dma source(%dma_start3A_53 : memref<10000x128xf32, #tpu.memory_space<hbm>>) target(%arg9 : memref<128x128xf32, #tpu.memory_space<vmem>>) offsets(%dma_start3A_50 : memref<128xi32, #tpu.memory_space<vmem>>) semaphore(%arg13 : memref<!tpu.dma_semaphore, #tpu.memory_space<semaphore_mem>>)
      %dma_wait3A = arith.constant 0 : i32
      %dma_wait3A_54 = arith.constant 0 : i32
      %dma_wait3A_55 = tpu.memref_slice %arg2[%dma_wait3A, %dma_wait3A_54] : memref<10000x128xf32, #tpu.memory_space<hbm>> -> memref<128x128xf32, #tpu.memory_space<hbm>>
      %dma_wait3A_56 = arith.constant 0 : i32
      %dma_wait3A_57 = arith.constant 0 : i32
      %dma_wait3A_58 = tpu.memref_slice %arg2[%dma_wait3A_56, %dma_wait3A_57] : memref<10000x128xf32, #tpu.memory_space<hbm>> -> memref<128x128xf32, #tpu.memory_space<hbm>>
      tpu.wait_dma2 semaphore(%arg12 : memref<!tpu.dma_semaphore, #tpu.memory_space<semaphore_mem>>) src(%dma_wait3A_58 : memref<128x128xf32, #tpu.memory_space<hbm>>) dst(%arg8 : memref<128x128xf32, #tpu.memory_space<vmem>>)
      "tpu.region"() ({
        %run_scoped3A = tpu.sem_alloc : memref<!tpu.dma_semaphore, #tpu.memory_space<semaphore_mem>>
        %dma_start3A_69 = arith.constant 0 : i32
        %dma_start3A_70 = tpu.memref_slice %arg7[%mul3A_45, %dma_start3A_69] : memref<160x128xi32, #tpu.memory_space<vmem>> -> memref<1x128xi32, #tpu.memory_space<vmem>>
        %dma_start3A_71 = tpu.memref_squeeze %dma_start3A_70 : memref<1x128xi32, #tpu.memory_space<vmem>> -> memref<128xi32, #tpu.memory_space<vmem>>
        %dma_start3A_72 = arith.constant 0 : i32
        %dma_start3A_73 = arith.constant 0 : i32
        %dma_start3A_74 = tpu.memref_slice %arg11[%dma_start3A_72, %dma_start3A_73] : memref<5128x128xf32, #tpu.memory_space<vmem_shared>> -> memref<5128x128xf32, #tpu.memory_space<vmem_shared>>
        tpu.enqueue_indirect_dma source(%arg8 : memref<128x128xf32, #tpu.memory_space<vmem>>) target(%dma_start3A_74 : memref<5128x128xf32, #tpu.memory_space<vmem_shared>>) offsets(%dma_start3A_71 : memref<128xi32, #tpu.memory_space<vmem>>) semaphore(%run_scoped3A : memref<!tpu.dma_semaphore, #tpu.memory_space<semaphore_mem>>) {add = true}
        %dma_wait3A_75 = arith.constant 0 : i32
        %dma_wait3A_76 = tpu.memref_slice %arg7[%mul3A_45, %dma_wait3A_75] : memref<160x128xi32, #tpu.memory_space<vmem>> -> memref<1x128xi32, #tpu.memory_space<vmem>>
        %dma_wait3A_77 = tpu.memref_squeeze %dma_wait3A_76 : memref<1x128xi32, #tpu.memory_space<vmem>> -> memref<128xi32, #tpu.memory_space<vmem>>
        %dma_wait3A_78 = arith.constant 0 : i32
        %dma_wait3A_79 = arith.constant 0 : i32
        %dma_wait3A_80 = tpu.memref_slice %arg11[%dma_wait3A_78, %dma_wait3A_79] : memref<5128x128xf32, #tpu.memory_space<vmem_shared>> -> memref<5128x128xf32, #tpu.memory_space<vmem_shared>>
        tpu.wait_indirect_dma semaphore(%run_scoped3A : memref<!tpu.dma_semaphore, #tpu.memory_space<semaphore_mem>>) src(%arg8 : memref<128x128xf32, #tpu.memory_space<vmem>>) dst(%dma_wait3A_80 : memref<5128x128xf32, #tpu.memory_space<vmem_shared>>)
        tpu.yield
      }) : () -> ()
      %lt3A = arith.constant 79 : i32
      %lt3A_59 = arith.cmpi slt, %scan3A_43, %lt3A : i32
      %convert_element_type3A_60 = arith.extui %lt3A_59 : i1 to i32
      %cond3A_61 = arith.constant 0 : i32
      %cond3A_62 = arith.cmpi ne, %convert_element_type3A_60, %cond3A_61 : i32
      scf.if %cond3A_62 {
        %add3A_69 = arith.constant 2 : i32
        %add3A_70 = arith.addi %mul3A_45, %add3A_69 : i32
        %dma_start3A_71 = arith.constant 0 : i32
        %dma_start3A_72 = tpu.memref_slice %arg6[%add3A_70, %dma_start3A_71] : memref<160x128xi32, #tpu.memory_space<vmem>> -> memref<1x128xi32, #tpu.memory_space<vmem>>
        %dma_start3A_73 = tpu.memref_squeeze %dma_start3A_72 : memref<1x128xi32, #tpu.memory_space<vmem>> -> memref<128xi32, #tpu.memory_space<vmem>>
        %dma_start3A_74 = arith.constant 0 : i32
        %dma_start3A_75 = arith.constant 0 : i32
        %dma_start3A_76 = tpu.memref_slice %arg2[%dma_start3A_74, %dma_start3A_75] : memref<10000x128xf32, #tpu.memory_space<hbm>> -> memref<10000x128xf32, #tpu.memory_space<hbm>>
        tpu.enqueue_indirect_dma source(%dma_start3A_76 : memref<10000x128xf32, #tpu.memory_space<hbm>>) target(%arg8 : memref<128x128xf32, #tpu.memory_space<vmem>>) offsets(%dma_start3A_73 : memref<128xi32, #tpu.memory_space<vmem>>) semaphore(%arg12 : memref<!tpu.dma_semaphore, #tpu.memory_space<semaphore_mem>>)
      } else {
      }
      %dma_wait3A_63 = arith.constant 0 : i32
      %dma_wait3A_64 = arith.constant 0 : i32
      %dma_wait3A_65 = tpu.memref_slice %arg2[%dma_wait3A_63, %dma_wait3A_64] : memref<10000x128xf32, #tpu.memory_space<hbm>> -> memref<128x128xf32, #tpu.memory_space<hbm>>
      %dma_wait3A_66 = arith.constant 0 : i32
      %dma_wait3A_67 = arith.constant 0 : i32
      %dma_wait3A_68 = tpu.memref_slice %arg2[%dma_wait3A_66, %dma_wait3A_67] : memref<10000x128xf32, #tpu.memory_space<hbm>> -> memref<128x128xf32, #tpu.memory_space<hbm>>
      tpu.wait_dma2 semaphore(%arg13 : memref<!tpu.dma_semaphore, #tpu.memory_space<semaphore_mem>>) src(%dma_wait3A_68 : memref<128x128xf32, #tpu.memory_space<hbm>>) dst(%arg9 : memref<128x128xf32, #tpu.memory_space<vmem>>)
      "tpu.region"() ({
        %run_scoped3A = tpu.sem_alloc : memref<!tpu.dma_semaphore, #tpu.memory_space<semaphore_mem>>
        %dma_start3A_69 = arith.constant 0 : i32
        %dma_start3A_70 = tpu.memref_slice %arg7[%add3A_47, %dma_start3A_69] : memref<160x128xi32, #tpu.memory_space<vmem>> -> memref<1x128xi32, #tpu.memory_space<vmem>>
        %dma_start3A_71 = tpu.memref_squeeze %dma_start3A_70 : memref<1x128xi32, #tpu.memory_space<vmem>> -> memref<128xi32, #tpu.memory_space<vmem>>
        %dma_start3A_72 = arith.constant 0 : i32
        %dma_start3A_73 = arith.constant 0 : i32
        %dma_start3A_74 = tpu.memref_slice %arg11[%dma_start3A_72, %dma_start3A_73] : memref<5128x128xf32, #tpu.memory_space<vmem_shared>> -> memref<5128x128xf32, #tpu.memory_space<vmem_shared>>
        tpu.enqueue_indirect_dma source(%arg9 : memref<128x128xf32, #tpu.memory_space<vmem>>) target(%dma_start3A_74 : memref<5128x128xf32, #tpu.memory_space<vmem_shared>>) offsets(%dma_start3A_71 : memref<128xi32, #tpu.memory_space<vmem>>) semaphore(%run_scoped3A : memref<!tpu.dma_semaphore, #tpu.memory_space<semaphore_mem>>) {add = true}
        %dma_wait3A_75 = arith.constant 0 : i32
        %dma_wait3A_76 = tpu.memref_slice %arg7[%add3A_47, %dma_wait3A_75] : memref<160x128xi32, #tpu.memory_space<vmem>> -> memref<1x128xi32, #tpu.memory_space<vmem>>
        %dma_wait3A_77 = tpu.memref_squeeze %dma_wait3A_76 : memref<1x128xi32, #tpu.memory_space<vmem>> -> memref<128xi32, #tpu.memory_space<vmem>>
        %dma_wait3A_78 = arith.constant 0 : i32
        %dma_wait3A_79 = arith.constant 0 : i32
        %dma_wait3A_80 = tpu.memref_slice %arg11[%dma_wait3A_78, %dma_wait3A_79] : memref<5128x128xf32, #tpu.memory_space<vmem_shared>> -> memref<5128x128xf32, #tpu.memory_space<vmem_shared>>
        tpu.wait_indirect_dma semaphore(%run_scoped3A : memref<!tpu.dma_semaphore, #tpu.memory_space<semaphore_mem>>) src(%arg9 : memref<128x128xf32, #tpu.memory_space<vmem>>) dst(%dma_wait3A_80 : memref<5128x128xf32, #tpu.memory_space<vmem_shared>>)
        tpu.yield
      }) : () -> ()
    }
    %scan3A_24 = arith.constant 80 : i32
    %barrier3A_25 = arith.constant 0 : index
    tpu.barrier barrier_id(%barrier3A_25)
    %add3A_26 = arith.constant 0 : i32
    %add3A_27 = arith.addi %mul3A_0, %add3A_26 : i32
    "tpu.region"() ({
      %run_scoped3A = tpu.sem_alloc : memref<!tpu.dma_semaphore, #tpu.memory_space<semaphore_mem>>
      %dma_start3A_43 = arith.constant 0 : i32
      %dma_start3A_44 = tpu.memref_slice %arg11[%add3A_27, %dma_start3A_43] : memref<5128x128xf32, #tpu.memory_space<vmem_shared>> -> memref<104x128xf32, #tpu.memory_space<vmem_shared>>
      %dma_start3A_45 = arith.constant 0 : i32
      %dma_start3A_46 = tpu.memref_slice %arg11[%add3A_27, %dma_start3A_45] : memref<5128x128xf32, #tpu.memory_space<vmem_shared>> -> memref<104x128xf32, #tpu.memory_space<vmem_shared>>
      tpu.enqueue_dma source(%dma_start3A_46 : memref<104x128xf32, #tpu.memory_space<vmem_shared>>) target(%arg10 : memref<104x128xf32, #tpu.memory_space<vmem>>) target_semaphore(%run_scoped3A : memref<!tpu.dma_semaphore, #tpu.memory_space<semaphore_mem>>)
      %dma_wait3A = arith.constant 0 : i32
      %dma_wait3A_47 = tpu.memref_slice %arg11[%add3A_27, %dma_wait3A] : memref<5128x128xf32, #tpu.memory_space<vmem_shared>> -> memref<104x128xf32, #tpu.memory_space<vmem_shared>>
      %dma_wait3A_48 = arith.constant 0 : i32
      %dma_wait3A_49 = tpu.memref_slice %arg11[%add3A_27, %dma_wait3A_48] : memref<5128x128xf32, #tpu.memory_space<vmem_shared>> -> memref<104x128xf32, #tpu.memory_space<vmem_shared>>
      tpu.wait_dma2 semaphore(%run_scoped3A : memref<!tpu.dma_semaphore, #tpu.memory_space<semaphore_mem>>) src(%dma_wait3A_49 : memref<104x128xf32, #tpu.memory_space<vmem_shared>>) dst(%arg10 : memref<104x128xf32, #tpu.memory_space<vmem>>)
      tpu.yield
    }) : () -> ()
    %add3A_28 = arith.constant 0 : i32
    %add3A_29 = arith.addi %mul3A_0, %add3A_28 : i32
    "tpu.region"() ({
      %run_scoped3A = tpu.sem_alloc : memref<!tpu.dma_semaphore, #tpu.memory_space<semaphore_mem>>
      %dma_start3A_43 = arith.constant 0 : i32
      %dma_start3A_44 = tpu.memref_slice %arg5[%arg0, %add3A_29, %dma_start3A_43] : memref<2x5000x128xf32, #tpu.memory_space<hbm>> -> memref<1x104x128xf32, #tpu.memory_space<hbm>>
      %dma_start3A_45 = tpu.memref_squeeze %dma_start3A_44 : memref<1x104x128xf32, #tpu.memory_space<hbm>> -> memref<104x128xf32, #tpu.memory_space<hbm>>
      %dma_start3A_46 = arith.constant 0 : i32
      %dma_start3A_47 = tpu.memref_slice %arg5[%arg0, %add3A_29, %dma_start3A_46] : memref<2x5000x128xf32, #tpu.memory_space<hbm>> -> memref<1x104x128xf32, #tpu.memory_space<hbm>>
      %dma_start3A_48 = tpu.memref_squeeze %dma_start3A_47 : memref<1x104x128xf32, #tpu.memory_space<hbm>> -> memref<104x128xf32, #tpu.memory_space<hbm>>
      tpu.enqueue_dma source(%arg10 : memref<104x128xf32, #tpu.memory_space<vmem>>) target(%dma_start3A_48 : memref<104x128xf32, #tpu.memory_space<hbm>>) target_semaphore(%run_scoped3A : memref<!tpu.dma_semaphore, #tpu.memory_space<semaphore_mem>>)
      %dma_wait3A = arith.constant 0 : i32
      %dma_wait3A_49 = tpu.memref_slice %arg5[%arg0, %add3A_29, %dma_wait3A] : memref<2x5000x128xf32, #tpu.memory_space<hbm>> -> memref<1x104x128xf32, #tpu.memory_space<hbm>>
      %dma_wait3A_50 = tpu.memref_squeeze %dma_wait3A_49 : memref<1x104x128xf32, #tpu.memory_space<hbm>> -> memref<104x128xf32, #tpu.memory_space<hbm>>
      %dma_wait3A_51 = arith.constant 0 : i32
      %dma_wait3A_52 = tpu.memref_slice %arg5[%arg0, %add3A_29, %dma_wait3A_51] : memref<2x5000x128xf32, #tpu.memory_space<hbm>> -> memref<1x104x128xf32, #tpu.memory_space<hbm>>
      %dma_wait3A_53 = tpu.memref_squeeze %dma_wait3A_52 : memref<1x104x128xf32, #tpu.memory_space<hbm>> -> memref<104x128xf32, #tpu.memory_space<hbm>>
      tpu.wait_dma2 semaphore(%run_scoped3A : memref<!tpu.dma_semaphore, #tpu.memory_space<semaphore_mem>>) src(%arg10 : memref<104x128xf32, #tpu.memory_space<vmem>>) dst(%dma_wait3A_53 : memref<104x128xf32, #tpu.memory_space<hbm>>)
      tpu.yield
    }) : () -> ()
    %add3A_30 = arith.constant 104 : i32
    %add3A_31 = arith.addi %mul3A_0, %add3A_30 : i32
    "tpu.region"() ({
      %run_scoped3A = tpu.sem_alloc : memref<!tpu.dma_semaphore, #tpu.memory_space<semaphore_mem>>
      %dma_start3A_43 = arith.constant 0 : i32
      %dma_start3A_44 = tpu.memref_slice %arg11[%add3A_31, %dma_start3A_43] : memref<5128x128xf32, #tpu.memory_space<vmem_shared>> -> memref<104x128xf32, #tpu.memory_space<vmem_shared>>
      %dma_start3A_45 = arith.constant 0 : i32
      %dma_start3A_46 = tpu.memref_slice %arg11[%add3A_31, %dma_start3A_45] : memref<5128x128xf32, #tpu.memory_space<vmem_shared>> -> memref<104x128xf32, #tpu.memory_space<vmem_shared>>
      tpu.enqueue_dma source(%dma_start3A_46 : memref<104x128xf32, #tpu.memory_space<vmem_shared>>) target(%arg10 : memref<104x128xf32, #tpu.memory_space<vmem>>) target_semaphore(%run_scoped3A : memref<!tpu.dma_semaphore, #tpu.memory_space<semaphore_mem>>)
      %dma_wait3A = arith.constant 0 : i32
      %dma_wait3A_47 = tpu.memref_slice %arg11[%add3A_31, %dma_wait3A] : memref<5128x128xf32, #tpu.memory_space<vmem_shared>> -> memref<104x128xf32, #tpu.memory_space<vmem_shared>>
      %dma_wait3A_48 = arith.constant 0 : i32
      %dma_wait3A_49 = tpu.memref_slice %arg11[%add3A_31, %dma_wait3A_48] : memref<5128x128xf32, #tpu.memory_space<vmem_shared>> -> memref<104x128xf32, #tpu.memory_space<vmem_shared>>
      tpu.wait_dma2 semaphore(%run_scoped3A : memref<!tpu.dma_semaphore, #tpu.memory_space<semaphore_mem>>) src(%dma_wait3A_49 : memref<104x128xf32, #tpu.memory_space<vmem_shared>>) dst(%arg10 : memref<104x128xf32, #tpu.memory_space<vmem>>)
      tpu.yield
    }) : () -> ()
    %add3A_32 = arith.constant 104 : i32
    %add3A_33 = arith.addi %mul3A_0, %add3A_32 : i32
    "tpu.region"() ({
      %run_scoped3A = tpu.sem_alloc : memref<!tpu.dma_semaphore, #tpu.memory_space<semaphore_mem>>
      %dma_start3A_43 = arith.constant 0 : i32
      %dma_start3A_44 = tpu.memref_slice %arg5[%arg0, %add3A_33, %dma_start3A_43] : memref<2x5000x128xf32, #tpu.memory_space<hbm>> -> memref<1x104x128xf32, #tpu.memory_space<hbm>>
      %dma_start3A_45 = tpu.memref_squeeze %dma_start3A_44 : memref<1x104x128xf32, #tpu.memory_space<hbm>> -> memref<104x128xf32, #tpu.memory_space<hbm>>
      %dma_start3A_46 = arith.constant 0 : i32
      %dma_start3A_47 = tpu.memref_slice %arg5[%arg0, %add3A_33, %dma_start3A_46] : memref<2x5000x128xf32, #tpu.memory_space<hbm>> -> memref<1x104x128xf32, #tpu.memory_space<hbm>>
      %dma_start3A_48 = tpu.memref_squeeze %dma_start3A_47 : memref<1x104x128xf32, #tpu.memory_space<hbm>> -> memref<104x128xf32, #tpu.memory_space<hbm>>
      tpu.enqueue_dma source(%arg10 : memref<104x128xf32, #tpu.memory_space<vmem>>) target(%dma_start3A_48 : memref<104x128xf32, #tpu.memory_space<hbm>>) target_semaphore(%run_scoped3A : memref<!tpu.dma_semaphore, #tpu.memory_space<semaphore_mem>>)
      %dma_wait3A = arith.constant 0 : i32
      %dma_wait3A_49 = tpu.memref_slice %arg5[%arg0, %add3A_33, %dma_wait3A] : memref<2x5000x128xf32, #tpu.memory_space<hbm>> -> memref<1x104x128xf32, #tpu.memory_space<hbm>>
      %dma_wait3A_50 = tpu.memref_squeeze %dma_wait3A_49 : memref<1x104x128xf32, #tpu.memory_space<hbm>> -> memref<104x128xf32, #tpu.memory_space<hbm>>
      %dma_wait3A_51 = arith.constant 0 : i32
      %dma_wait3A_52 = tpu.memref_slice %arg5[%arg0, %add3A_33, %dma_wait3A_51] : memref<2x5000x128xf32, #tpu.memory_space<hbm>> -> memref<1x104x128xf32, #tpu.memory_space<hbm>>
      %dma_wait3A_53 = tpu.memref_squeeze %dma_wait3A_52 : memref<1x104x128xf32, #tpu.memory_space<hbm>> -> memref<104x128xf32, #tpu.memory_space<hbm>>
      tpu.wait_dma2 semaphore(%run_scoped3A : memref<!tpu.dma_semaphore, #tpu.memory_space<semaphore_mem>>) src(%arg10 : memref<104x128xf32, #tpu.memory_space<vmem>>) dst(%dma_wait3A_53 : memref<104x128xf32, #tpu.memory_space<hbm>>)
      tpu.yield
    }) : () -> ()
    %add3A_34 = arith.constant 208 : i32
    %add3A_35 = arith.addi %mul3A_0, %add3A_34 : i32
    "tpu.region"() ({
      %run_scoped3A = tpu.sem_alloc : memref<!tpu.dma_semaphore, #tpu.memory_space<semaphore_mem>>
      %dma_start3A_43 = arith.constant 0 : i32
      %dma_start3A_44 = tpu.memref_slice %arg11[%add3A_35, %dma_start3A_43] : memref<5128x128xf32, #tpu.memory_space<vmem_shared>> -> memref<104x128xf32, #tpu.memory_space<vmem_shared>>
      %dma_start3A_45 = arith.constant 0 : i32
      %dma_start3A_46 = tpu.memref_slice %arg11[%add3A_35, %dma_start3A_45] : memref<5128x128xf32, #tpu.memory_space<vmem_shared>> -> memref<104x128xf32, #tpu.memory_space<vmem_shared>>
      tpu.enqueue_dma source(%dma_start3A_46 : memref<104x128xf32, #tpu.memory_space<vmem_shared>>) target(%arg10 : memref<104x128xf32, #tpu.memory_space<vmem>>) target_semaphore(%run_scoped3A : memref<!tpu.dma_semaphore, #tpu.memory_space<semaphore_mem>>)
      %dma_wait3A = arith.constant 0 : i32
      %dma_wait3A_47 = tpu.memref_slice %arg11[%add3A_35, %dma_wait3A] : memref<5128x128xf32, #tpu.memory_space<vmem_shared>> -> memref<104x128xf32, #tpu.memory_space<vmem_shared>>
      %dma_wait3A_48 = arith.constant 0 : i32
      %dma_wait3A_49 = tpu.memref_slice %arg11[%add3A_35, %dma_wait3A_48] : memref<5128x128xf32, #tpu.memory_space<vmem_shared>> -> memref<104x128xf32, #tpu.memory_space<vmem_shared>>
      tpu.wait_dma2 semaphore(%run_scoped3A : memref<!tpu.dma_semaphore, #tpu.memory_space<semaphore_mem>>) src(%dma_wait3A_49 : memref<104x128xf32, #tpu.memory_space<vmem_shared>>) dst(%arg10 : memref<104x128xf32, #tpu.memory_space<vmem>>)
      tpu.yield
    }) : () -> ()
    %add3A_36 = arith.constant 208 : i32
    %add3A_37 = arith.addi %mul3A_0, %add3A_36 : i32
    "tpu.region"() ({
      %run_scoped3A = tpu.sem_alloc : memref<!tpu.dma_semaphore, #tpu.memory_space<semaphore_mem>>
      %dma_start3A_43 = arith.constant 0 : i32
      %dma_start3A_44 = tpu.memref_slice %arg5[%arg0, %add3A_37, %dma_start3A_43] : memref<2x5000x128xf32, #tpu.memory_space<hbm>> -> memref<1x104x128xf32, #tpu.memory_space<hbm>>
      %dma_start3A_45 = tpu.memref_squeeze %dma_start3A_44 : memref<1x104x128xf32, #tpu.memory_space<hbm>> -> memref<104x128xf32, #tpu.memory_space<hbm>>
      %dma_start3A_46 = arith.constant 0 : i32
      %dma_start3A_47 = tpu.memref_slice %arg5[%arg0, %add3A_37, %dma_start3A_46] : memref<2x5000x128xf32, #tpu.memory_space<hbm>> -> memref<1x104x128xf32, #tpu.memory_space<hbm>>
      %dma_start3A_48 = tpu.memref_squeeze %dma_start3A_47 : memref<1x104x128xf32, #tpu.memory_space<hbm>> -> memref<104x128xf32, #tpu.memory_space<hbm>>
      tpu.enqueue_dma source(%arg10 : memref<104x128xf32, #tpu.memory_space<vmem>>) target(%dma_start3A_48 : memref<104x128xf32, #tpu.memory_space<hbm>>) target_semaphore(%run_scoped3A : memref<!tpu.dma_semaphore, #tpu.memory_space<semaphore_mem>>)
      %dma_wait3A = arith.constant 0 : i32
      %dma_wait3A_49 = tpu.memref_slice %arg5[%arg0, %add3A_37, %dma_wait3A] : memref<2x5000x128xf32, #tpu.memory_space<hbm>> -> memref<1x104x128xf32, #tpu.memory_space<hbm>>
      %dma_wait3A_50 = tpu.memref_squeeze %dma_wait3A_49 : memref<1x104x128xf32, #tpu.memory_space<hbm>> -> memref<104x128xf32, #tpu.memory_space<hbm>>
      %dma_wait3A_51 = arith.constant 0 : i32
      %dma_wait3A_52 = tpu.memref_slice %arg5[%arg0, %add3A_37, %dma_wait3A_51] : memref<2x5000x128xf32, #tpu.memory_space<hbm>> -> memref<1x104x128xf32, #tpu.memory_space<hbm>>
      %dma_wait3A_53 = tpu.memref_squeeze %dma_wait3A_52 : memref<1x104x128xf32, #tpu.memory_space<hbm>> -> memref<104x128xf32, #tpu.memory_space<hbm>>
      tpu.wait_dma2 semaphore(%run_scoped3A : memref<!tpu.dma_semaphore, #tpu.memory_space<semaphore_mem>>) src(%arg10 : memref<104x128xf32, #tpu.memory_space<vmem>>) dst(%dma_wait3A_53 : memref<104x128xf32, #tpu.memory_space<hbm>>)
      tpu.yield
    }) : () -> ()
    %eq3A_38 = arith.constant 15 : i32
    %eq3A_39 = arith.cmpi eq, %arg1, %eq3A_38 : i32
    %convert_element_type3A_40 = arith.extui %eq3A_39 : i1 to i32
    %cond3A_41 = arith.constant 0 : i32
    %cond3A_42 = arith.cmpi ne, %convert_element_type3A_40, %cond3A_41 : i32
    scf.if %cond3A_42 {
      "tpu.region"() ({
        %run_scoped3A = tpu.sem_alloc : memref<!tpu.dma_semaphore, #tpu.memory_space<semaphore_mem>>
        %dma_start3A_43 = arith.constant 0 : i32
        %dma_start3A_44 = arith.constant 0 : i32
        %dma_start3A_45 = tpu.memref_slice %arg10[%dma_start3A_43, %dma_start3A_44] : memref<104x128xf32, #tpu.memory_space<vmem>> -> memref<8x128xf32, #tpu.memory_space<vmem>>
        %dma_start3A_46 = arith.constant 4992 : i32
        %dma_start3A_47 = arith.constant 0 : i32
        %dma_start3A_48 = tpu.memref_slice %arg11[%dma_start3A_46, %dma_start3A_47] : memref<5128x128xf32, #tpu.memory_space<vmem_shared>> -> memref<8x128xf32, #tpu.memory_space<vmem_shared>>
        %dma_start3A_49 = arith.constant 0 : i32
        %dma_start3A_50 = arith.constant 0 : i32
        %dma_start3A_51 = tpu.memref_slice %arg10[%dma_start3A_49, %dma_start3A_50] : memref<104x128xf32, #tpu.memory_space<vmem>> -> memref<8x128xf32, #tpu.memory_space<vmem>>
        %dma_start3A_52 = arith.constant 4992 : i32
        %dma_start3A_53 = arith.constant 0 : i32
        %dma_start3A_54 = tpu.memref_slice %arg11[%dma_start3A_52, %dma_start3A_53] : memref<5128x128xf32, #tpu.memory_space<vmem_shared>> -> memref<8x128xf32, #tpu.memory_space<vmem_shared>>
        tpu.enqueue_dma source(%dma_start3A_54 : memref<8x128xf32, #tpu.memory_space<vmem_shared>>) target(%dma_start3A_51 : memref<8x128xf32, #tpu.memory_space<vmem>>) target_semaphore(%run_scoped3A : memref<!tpu.dma_semaphore, #tpu.memory_space<semaphore_mem>>)
        %dma_wait3A = arith.constant 0 : i32
        %dma_wait3A_55 = arith.constant 0 : i32
        %dma_wait3A_56 = tpu.memref_slice %arg10[%dma_wait3A, %dma_wait3A_55] : memref<104x128xf32, #tpu.memory_space<vmem>> -> memref<8x128xf32, #tpu.memory_space<vmem>>
        %dma_wait3A_57 = arith.constant 4992 : i32
        %dma_wait3A_58 = arith.constant 0 : i32
        %dma_wait3A_59 = tpu.memref_slice %arg11[%dma_wait3A_57, %dma_wait3A_58] : memref<5128x128xf32, #tpu.memory_space<vmem_shared>> -> memref<8x128xf32, #tpu.memory_space<vmem_shared>>
        %dma_wait3A_60 = arith.constant 0 : i32
        %dma_wait3A_61 = arith.constant 0 : i32
        %dma_wait3A_62 = tpu.memref_slice %arg10[%dma_wait3A_60, %dma_wait3A_61] : memref<104x128xf32, #tpu.memory_space<vmem>> -> memref<8x128xf32, #tpu.memory_space<vmem>>
        %dma_wait3A_63 = arith.constant 4992 : i32
        %dma_wait3A_64 = arith.constant 0 : i32
        %dma_wait3A_65 = tpu.memref_slice %arg11[%dma_wait3A_63, %dma_wait3A_64] : memref<5128x128xf32, #tpu.memory_space<vmem_shared>> -> memref<8x128xf32, #tpu.memory_space<vmem_shared>>
        tpu.wait_dma2 semaphore(%run_scoped3A : memref<!tpu.dma_semaphore, #tpu.memory_space<semaphore_mem>>) src(%dma_wait3A_65 : memref<8x128xf32, #tpu.memory_space<vmem_shared>>) dst(%dma_wait3A_62 : memref<8x128xf32, #tpu.memory_space<vmem>>)
        tpu.yield
      }) : () -> ()
      "tpu.region"() ({
        %run_scoped3A = tpu.sem_alloc : memref<!tpu.dma_semaphore, #tpu.memory_space<semaphore_mem>>
        %dma_start3A_43 = arith.constant 0 : i32
        %dma_start3A_44 = arith.constant 0 : i32
        %dma_start3A_45 = tpu.memref_slice %arg10[%dma_start3A_43, %dma_start3A_44] : memref<104x128xf32, #tpu.memory_space<vmem>> -> memref<8x128xf32, #tpu.memory_space<vmem>>
        %dma_start3A_46 = arith.constant 4992 : i32
        %dma_start3A_47 = arith.constant 0 : i32
        %dma_start3A_48 = tpu.memref_slice %arg5[%arg0, %dma_start3A_46, %dma_start3A_47] : memref<2x5000x128xf32, #tpu.memory_space<hbm>> -> memref<1x8x128xf32, #tpu.memory_space<hbm>>
        %dma_start3A_49 = tpu.memref_squeeze %dma_start3A_48 : memref<1x8x128xf32, #tpu.memory_space<hbm>> -> memref<8x128xf32, #tpu.memory_space<hbm>>
        %dma_start3A_50 = arith.constant 4992 : i32
        %dma_start3A_51 = arith.constant 0 : i32
        %dma_start3A_52 = tpu.memref_slice %arg5[%arg0, %dma_start3A_50, %dma_start3A_51] : memref<2x5000x128xf32, #tpu.memory_space<hbm>> -> memref<1x8x128xf32, #tpu.memory_space<hbm>>
        %dma_start3A_53 = tpu.memref_squeeze %dma_start3A_52 : memref<1x8x128xf32, #tpu.memory_space<hbm>> -> memref<8x128xf32, #tpu.memory_space<hbm>>
        %dma_start3A_54 = arith.constant 0 : i32
        %dma_start3A_55 = arith.constant 0 : i32
        %dma_start3A_56 = tpu.memref_slice %arg10[%dma_start3A_54, %dma_start3A_55] : memref<104x128xf32, #tpu.memory_space<vmem>> -> memref<8x128xf32, #tpu.memory_space<vmem>>
        tpu.enqueue_dma source(%dma_start3A_56 : memref<8x128xf32, #tpu.memory_space<vmem>>) target(%dma_start3A_53 : memref<8x128xf32, #tpu.memory_space<hbm>>) target_semaphore(%run_scoped3A : memref<!tpu.dma_semaphore, #tpu.memory_space<semaphore_mem>>)
        %dma_wait3A = arith.constant 0 : i32
        %dma_wait3A_57 = arith.constant 0 : i32
        %dma_wait3A_58 = tpu.memref_slice %arg10[%dma_wait3A, %dma_wait3A_57] : memref<104x128xf32, #tpu.memory_space<vmem>> -> memref<8x128xf32, #tpu.memory_space<vmem>>
        %dma_wait3A_59 = arith.constant 4992 : i32
        %dma_wait3A_60 = arith.constant 0 : i32
        %dma_wait3A_61 = tpu.memref_slice %arg5[%arg0, %dma_wait3A_59, %dma_wait3A_60] : memref<2x5000x128xf32, #tpu.memory_space<hbm>> -> memref<1x8x128xf32, #tpu.memory_space<hbm>>
        %dma_wait3A_62 = tpu.memref_squeeze %dma_wait3A_61 : memref<1x8x128xf32, #tpu.memory_space<hbm>> -> memref<8x128xf32, #tpu.memory_space<hbm>>
        %dma_wait3A_63 = arith.constant 4992 : i32
        %dma_wait3A_64 = arith.constant 0 : i32
        %dma_wait3A_65 = tpu.memref_slice %arg5[%arg0, %dma_wait3A_63, %dma_wait3A_64] : memref<2x5000x128xf32, #tpu.memory_space<hbm>> -> memref<1x8x128xf32, #tpu.memory_space<hbm>>
        %dma_wait3A_66 = tpu.memref_squeeze %dma_wait3A_65 : memref<1x8x128xf32, #tpu.memory_space<hbm>> -> memref<8x128xf32, #tpu.memory_space<hbm>>
        %dma_wait3A_67 = arith.constant 0 : i32
        %dma_wait3A_68 = arith.constant 0 : i32
        %dma_wait3A_69 = tpu.memref_slice %arg10[%dma_wait3A_67, %dma_wait3A_68] : memref<104x128xf32, #tpu.memory_space<vmem>> -> memref<8x128xf32, #tpu.memory_space<vmem>>
        tpu.wait_dma2 semaphore(%run_scoped3A : memref<!tpu.dma_semaphore, #tpu.memory_space<semaphore_mem>>) src(%dma_wait3A_69 : memref<8x128xf32, #tpu.memory_space<vmem>>) dst(%dma_wait3A_66 : memref<8x128xf32, #tpu.memory_space<hbm>>)
        tpu.yield
      }) : () -> ()
    } else {
    }
    return
  }
}

#map = affine_map<(d0, d1) -> (0, 0)>
#map1 = affine_map<(d0, d1) -> (0, 0, 0)>
#map2 = affine_map<(d0, d1) -> (0, 0, 0, 0)>
module attributes {stable_mosaic.version = 14 : i64} {
  func.func @agg(%arg0: i32, %arg1: i32, %arg2: memref<10000x128xf32, #tpu.memory_space<hbm>>, %arg3: memref<16x160x128xi32, #tpu.memory_space<hbm>>, %arg4: memref<2x16x160x128xi32, #tpu.memory_space<hbm>>, %arg5: memref<2x5000x128xf32, #tpu.memory_space<hbm>>, %arg6: memref<160x128xi32, #tpu.memory_space<vmem>>, %arg7: memref<160x128xi32, #tpu.memory_space<vmem>>, %arg8: memref<128x128xf32, #tpu.memory_space<vmem>>, %arg9: memref<128x128xf32, #tpu.memory_space<vmem>>, %arg10: memref<104x128xf32, #tpu.memory_space<vmem>>, %arg11: memref<5128x128xf32, #tpu.memory_space<vmem_shared>>, %arg12: memref<!tpu.dma_semaphore, #tpu.memory_space<semaphore_mem>>, %arg13: memref<!tpu.dma_semaphore, #tpu.memory_space<semaphore_mem>>) attributes {dimension_semantics = [#tpu.dimension_semantics<core_parallel>, #tpu.dimension_semantics<subcore_parallel>], iteration_bounds = array<i64: 2, 16>, scalar_prefetch = 0 : i64, scratch_operands = 8 : i64, tpu.core_type = #tpu.core_type<sc_vector_subcore>, window_params = [{transform_indices = #map}, {transform_indices = #map1}, {transform_indices = #map2}, {transform_indices = #map1}]} {
    %mul3A = arith.constant 312 : i32
    %mul3A_0 = arith.muli %arg1, %mul3A : i32
    %scan3A = arith.constant 0 : i32
    %scan3A_1 = arith.constant 0 : i32
    %scan3A_2 = arith.constant 104 : i32
    %scan3A_3 = arith.addi %scan3A_1, %scan3A_2 : i32
    %scan3A_4 = arith.constant 1 : i32
    scf.for %scan3A_43 = %scan3A_1 to %scan3A_3 step %scan3A_4  : i32 {
      %broadcast_in_dim3A = arith.constant 0.000000e+00 : f32
      %broadcast_in_dim3A_44 = vector.broadcast %broadcast_in_dim3A : f32 to vector<16xf32>
      %swap3A = arith.index_cast %scan3A_43 : i32 to index
      %swap3A_45 = arith.constant 0 : index
      %swap3A_46 = tpu.vector_load %arg10[%swap3A, %swap3A_45] {strides = array<i32>} : memref<104x128xf32, #tpu.memory_space<vmem>>, vector<1x16xf32>,
      %swap3A_47 = vector.shape_cast %swap3A_46 : vector<1x16xf32> to vector<16xf32>
      %swap3A_48 = vector.shape_cast %broadcast_in_dim3A_44 : vector<16xf32> to vector<1x16xf32>
      tpu.vector_store %arg10[%swap3A, %swap3A_45], %swap3A_48 {strides = array<i32>} : memref<104x128xf32, #tpu.memory_space<vmem>>, vector<1x16xf32>,
      %broadcast_in_dim3A_49 = arith.constant 0.000000e+00 : f32
      %broadcast_in_dim3A_50 = vector.broadcast %broadcast_in_dim3A_49 : f32 to vector<16xf32>
      %swap3A_51 = arith.index_cast %scan3A_43 : i32 to index
      %swap3A_52 = arith.constant 16 : index
      %swap3A_53 = tpu.vector_load %arg10[%swap3A_51, %swap3A_52] {strides = array<i32>} : memref<104x128xf32, #tpu.memory_space<vmem>>, vector<1x16xf32>,
      %swap3A_54 = vector.shape_cast %swap3A_53 : vector<1x16xf32> to vector<16xf32>
      %swap3A_55 = vector.shape_cast %broadcast_in_dim3A_50 : vector<16xf32> to vector<1x16xf32>
      tpu.vector_store %arg10[%swap3A_51, %swap3A_52], %swap3A_55 {strides = array<i32>} : memref<104x128xf32, #tpu.memory_space<vmem>>, vector<1x16xf32>,
      %broadcast_in_dim3A_56 = arith.constant 0.000000e+00 : f32
      %broadcast_in_dim3A_57 = vector.broadcast %broadcast_in_dim3A_56 : f32 to vector<16xf32>
      %swap3A_58 = arith.index_cast %scan3A_43 : i32 to index
      %swap3A_59 = arith.constant 32 : index
      %swap3A_60 = tpu.vector_load %arg10[%swap3A_58, %swap3A_59] {strides = array<i32>} : memref<104x128xf32, #tpu.memory_space<vmem>>, vector<1x16xf32>,
      %swap3A_61 = vector.shape_cast %swap3A_60 : vector<1x16xf32> to vector<16xf32>
      %swap3A_62 = vector.shape_cast %broadcast_in_dim3A_57 : vector<16xf32> to vector<1x16xf32>
      tpu.vector_store %arg10[%swap3A_58, %swap3A_59], %swap3A_62 {strides = array<i32>} : memref<104x128xf32, #tpu.memory_space<vmem>>, vector<1x16xf32>,
      %broadcast_in_dim3A_63 = arith.constant 0.000000e+00 : f32
      %broadcast_in_dim3A_64 = vector.broadcast %broadcast_in_dim3A_63 : f32 to vector<16xf32>
      %swap3A_65 = arith.index_cast %scan3A_43 : i32 to index
      %swap3A_66 = arith.constant 48 : index
      %swap3A_67 = tpu.vector_load %arg10[%swap3A_65, %swap3A_66] {strides = array<i32>} : memref<104x128xf32, #tpu.memory_space<vmem>>, vector<1x16xf32>,
      %swap3A_68 = vector.shape_cast %swap3A_67 : vector<1x16xf32> to vector<16xf32>
      %swap3A_69 = vector.shape_cast %broadcast_in_dim3A_64 : vector<16xf32> to vector<1x16xf32>
      tpu.vector_store %arg10[%swap3A_65, %swap3A_66], %swap3A_69 {strides = array<i32>} : memref<104x128xf32, #tpu.memory_space<vmem>>, vector<1x16xf32>,
      %broadcast_in_dim3A_70 = arith.constant 0.000000e+00 : f32
      %broadcast_in_dim3A_71 = vector.broadcast %broadcast_in_dim3A_70 : f32 to vector<16xf32>
      %swap3A_72 = arith.index_cast %scan3A_43 : i32 to index
      %swap3A_73 = arith.constant 64 : index
      %swap3A_74 = tpu.vector_load %arg10[%swap3A_72, %swap3A_73] {strides = array<i32>} : memref<104x128xf32, #tpu.memory_space<vmem>>, vector<1x16xf32>,
      %swap3A_75 = vector.shape_cast %swap3A_74 : vector<1x16xf32> to vector<16xf32>
      %swap3A_76 = vector.shape_cast %broadcast_in_dim3A_71 : vector<16xf32> to vector<1x16xf32>
      tpu.vector_store %arg10[%swap3A_72, %swap3A_73], %swap3A_76 {strides = array<i32>} : memref<104x128xf32, #tpu.memory_space<vmem>>, vector<1x16xf32>,
      %broadcast_in_dim3A_77 = arith.constant 0.000000e+00 : f32
      %broadcast_in_dim3A_78 = vector.broadcast %broadcast_in_dim3A_77 : f32 to vector<16xf32>
      %swap3A_79 = arith.index_cast %scan3A_43 : i32 to index
      %swap3A_80 = arith.constant 80 : index
      %swap3A_81 = tpu.vector_load %arg10[%swap3A_79, %swap3A_80] {strides = array<i32>} : memref<104x128xf32, #tpu.memory_space<vmem>>, vector<1x16xf32>,
      %swap3A_82 = vector.shape_cast %swap3A_81 : vector<1x16xf32> to vector<16xf32>
      %swap3A_83 = vector.shape_cast %broadcast_in_dim3A_78 : vector<16xf32> to vector<1x16xf32>
      tpu.vector_store %arg10[%swap3A_79, %swap3A_80], %swap3A_83 {strides = array<i32>} : memref<104x128xf32, #tpu.memory_space<vmem>>, vector<1x16xf32>,
      %broadcast_in_dim3A_84 = arith.constant 0.000000e+00 : f32
      %broadcast_in_dim3A_85 = vector.broadcast %broadcast_in_dim3A_84 : f32 to vector<16xf32>
      %swap3A_86 = arith.index_cast %scan3A_43 : i32 to index
      %swap3A_87 = arith.constant 96 : index
      %swap3A_88 = tpu.vector_load %arg10[%swap3A_86, %swap3A_87] {strides = array<i32>} : memref<104x128xf32, #tpu.memory_space<vmem>>, vector<1x16xf32>,
      %swap3A_89 = vector.shape_cast %swap3A_88 : vector<1x16xf32> to vector<16xf32>
      %swap3A_90 = vector.shape_cast %broadcast_in_dim3A_85 : vector<16xf32> to vector<1x16xf32>
      tpu.vector_store %arg10[%swap3A_86, %swap3A_87], %swap3A_90 {strides = array<i32>} : memref<104x128xf32, #tpu.memory_space<vmem>>, vector<1x16xf32>,
      %broadcast_in_dim3A_91 = arith.constant 0.000000e+00 : f32
      %broadcast_in_dim3A_92 = vector.broadcast %broadcast_in_dim3A_91 : f32 to vector<16xf32>
      %swap3A_93 = arith.index_cast %scan3A_43 : i32 to index
      %swap3A_94 = arith.constant 112 : index
      %swap3A_95 = tpu.vector_load %arg10[%swap3A_93, %swap3A_94] {strides = array<i32>} : memref<104x128xf32, #tpu.memory_space<vmem>>, vector<1x16xf32>,
      %swap3A_96 = vector.shape_cast %swap3A_95 : vector<1x16xf32> to vector<16xf32>
      %swap3A_97 = vector.shape_cast %broadcast_in_dim3A_92 : vector<16xf32> to vector<1x16xf32>
      tpu.vector_store %arg10[%swap3A_93, %swap3A_94], %swap3A_97 {strides = array<i32>} : memref<104x128xf32, #tpu.memory_space<vmem>>, vector<1x16xf32>,
    }
    %scan3A_5 = arith.constant 104 : i32
    %add3A = arith.constant 0 : i32
    %add3A_6 = arith.addi %mul3A_0, %add3A : i32
    "tpu.region"() ({
      %run_scoped3A = tpu.sem_alloc : memref<!tpu.dma_semaphore, #tpu.memory_space<semaphore_mem>>
      %dma_start3A_43 = arith.constant 0 : i32
      %dma_start3A_44 = tpu.memref_slice %arg11[%add3A_6, %dma_start3A_43] : memref<5128x128xf32, #tpu.memory_space<vmem_shared>> -> memref<104x128xf32, #tpu.memory_space<vmem_shared>>
      %dma_start3A_45 = arith.constant 0 : i32
      %dma_start3A_46 = tpu.memref_slice %arg11[%add3A_6, %dma_start3A_45] : memref<5128x128xf32, #tpu.memory_space<vmem_shared>> -> memref<104x128xf32, #tpu.memory_space<vmem_shared>>
      tpu.enqueue_dma source(%arg10 : memref<104x128xf32, #tpu.memory_space<vmem>>) target(%dma_start3A_46 : memref<104x128xf32, #tpu.memory_space<vmem_shared>>) target_semaphore(%run_scoped3A : memref<!tpu.dma_semaphore, #tpu.memory_space<semaphore_mem>>)
      %dma_wait3A = arith.constant 0 : i32
      %dma_wait3A_47 = tpu.memref_slice %arg11[%add3A_6, %dma_wait3A] : memref<5128x128xf32, #tpu.memory_space<vmem_shared>> -> memref<104x128xf32, #tpu.memory_space<vmem_shared>>
      %dma_wait3A_48 = arith.constant 0 : i32
      %dma_wait3A_49 = tpu.memref_slice %arg11[%add3A_6, %dma_wait3A_48] : memref<5128x128xf32, #tpu.memory_space<vmem_shared>> -> memref<104x128xf32, #tpu.memory_space<vmem_shared>>
      tpu.wait_dma2 semaphore(%run_scoped3A : memref<!tpu.dma_semaphore, #tpu.memory_space<semaphore_mem>>) src(%arg10 : memref<104x128xf32, #tpu.memory_space<vmem>>) dst(%dma_wait3A_49 : memref<104x128xf32, #tpu.memory_space<vmem_shared>>)
      tpu.yield
    }) : () -> ()
    %add3A_7 = arith.constant 104 : i32
    %add3A_8 = arith.addi %mul3A_0, %add3A_7 : i32
    "tpu.region"() ({
      %run_scoped3A = tpu.sem_alloc : memref<!tpu.dma_semaphore, #tpu.memory_space<semaphore_mem>>
      %dma_start3A_43 = arith.constant 0 : i32
      %dma_start3A_44 = tpu.memref_slice %arg11[%add3A_8, %dma_start3A_43] : memref<5128x128xf32, #tpu.memory_space<vmem_shared>> -> memref<104x128xf32, #tpu.memory_space<vmem_shared>>
      %dma_start3A_45 = arith.constant 0 : i32
      %dma_start3A_46 = tpu.memref_slice %arg11[%add3A_8, %dma_start3A_45] : memref<5128x128xf32, #tpu.memory_space<vmem_shared>> -> memref<104x128xf32, #tpu.memory_space<vmem_shared>>
      tpu.enqueue_dma source(%arg10 : memref<104x128xf32, #tpu.memory_space<vmem>>) target(%dma_start3A_46 : memref<104x128xf32, #tpu.memory_space<vmem_shared>>) target_semaphore(%run_scoped3A : memref<!tpu.dma_semaphore, #tpu.memory_space<semaphore_mem>>)
      %dma_wait3A = arith.constant 0 : i32
      %dma_wait3A_47 = tpu.memref_slice %arg11[%add3A_8, %dma_wait3A] : memref<5128x128xf32, #tpu.memory_space<vmem_shared>> -> memref<104x128xf32, #tpu.memory_space<vmem_shared>>
      %dma_wait3A_48 = arith.constant 0 : i32
      %dma_wait3A_49 = tpu.memref_slice %arg11[%add3A_8, %dma_wait3A_48] : memref<5128x128xf32, #tpu.memory_space<vmem_shared>> -> memref<104x128xf32, #tpu.memory_space<vmem_shared>>
      tpu.wait_dma2 semaphore(%run_scoped3A : memref<!tpu.dma_semaphore, #tpu.memory_space<semaphore_mem>>) src(%arg10 : memref<104x128xf32, #tpu.memory_space<vmem>>) dst(%dma_wait3A_49 : memref<104x128xf32, #tpu.memory_space<vmem_shared>>)
      tpu.yield
    }) : () -> ()
    %add3A_9 = arith.constant 208 : i32
    %add3A_10 = arith.addi %mul3A_0, %add3A_9 : i32
    "tpu.region"() ({
      %run_scoped3A = tpu.sem_alloc : memref<!tpu.dma_semaphore, #tpu.memory_space<semaphore_mem>>
      %dma_start3A_43 = arith.constant 0 : i32
      %dma_start3A_44 = tpu.memref_slice %arg11[%add3A_10, %dma_start3A_43] : memref<5128x128xf32, #tpu.memory_space<vmem_shared>> -> memref<104x128xf32, #tpu.memory_space<vmem_shared>>
      %dma_start3A_45 = arith.constant 0 : i32
      %dma_start3A_46 = tpu.memref_slice %arg11[%add3A_10, %dma_start3A_45] : memref<5128x128xf32, #tpu.memory_space<vmem_shared>> -> memref<104x128xf32, #tpu.memory_space<vmem_shared>>
      tpu.enqueue_dma source(%arg10 : memref<104x128xf32, #tpu.memory_space<vmem>>) target(%dma_start3A_46 : memref<104x128xf32, #tpu.memory_space<vmem_shared>>) target_semaphore(%run_scoped3A : memref<!tpu.dma_semaphore, #tpu.memory_space<semaphore_mem>>)
      %dma_wait3A = arith.constant 0 : i32
      %dma_wait3A_47 = tpu.memref_slice %arg11[%add3A_10, %dma_wait3A] : memref<5128x128xf32, #tpu.memory_space<vmem_shared>> -> memref<104x128xf32, #tpu.memory_space<vmem_shared>>
      %dma_wait3A_48 = arith.constant 0 : i32
      %dma_wait3A_49 = tpu.memref_slice %arg11[%add3A_10, %dma_wait3A_48] : memref<5128x128xf32, #tpu.memory_space<vmem_shared>> -> memref<104x128xf32, #tpu.memory_space<vmem_shared>>
      tpu.wait_dma2 semaphore(%run_scoped3A : memref<!tpu.dma_semaphore, #tpu.memory_space<semaphore_mem>>) src(%arg10 : memref<104x128xf32, #tpu.memory_space<vmem>>) dst(%dma_wait3A_49 : memref<104x128xf32, #tpu.memory_space<vmem_shared>>)
      tpu.yield
    }) : () -> ()
    %eq3A = arith.constant 15 : i32
    %eq3A_11 = arith.cmpi eq, %arg1, %eq3A : i32
    %convert_element_type3A = arith.extui %eq3A_11 : i1 to i32
    %cond3A = arith.constant 0 : i32
    %cond3A_12 = arith.cmpi ne, %convert_element_type3A, %cond3A : i32
    scf.if %cond3A_12 {
      "tpu.region"() ({
        %run_scoped3A = tpu.sem_alloc : memref<!tpu.dma_semaphore, #tpu.memory_space<semaphore_mem>>
        %dma_start3A_43 = arith.constant 0 : i32
        %dma_start3A_44 = arith.constant 0 : i32
        %dma_start3A_45 = tpu.memref_slice %arg10[%dma_start3A_43, %dma_start3A_44] : memref<104x128xf32, #tpu.memory_space<vmem>> -> memref<16x128xf32, #tpu.memory_space<vmem>>
        %dma_start3A_46 = arith.constant 4992 : i32
        %dma_start3A_47 = arith.constant 0 : i32
        %dma_start3A_48 = tpu.memref_slice %arg11[%dma_start3A_46, %dma_start3A_47] : memref<5128x128xf32, #tpu.memory_space<vmem_shared>> -> memref<16x128xf32, #tpu.memory_space<vmem_shared>>
        %dma_start3A_49 = arith.constant 4992 : i32
        %dma_start3A_50 = arith.constant 0 : i32
        %dma_start3A_51 = tpu.memref_slice %arg11[%dma_start3A_49, %dma_start3A_50] : memref<5128x128xf32, #tpu.memory_space<vmem_shared>> -> memref<16x128xf32, #tpu.memory_space<vmem_shared>>
        %dma_start3A_52 = arith.constant 0 : i32
        %dma_start3A_53 = arith.constant 0 : i32
        %dma_start3A_54 = tpu.memref_slice %arg10[%dma_start3A_52, %dma_start3A_53] : memref<104x128xf32, #tpu.memory_space<vmem>> -> memref<16x128xf32, #tpu.memory_space<vmem>>
        tpu.enqueue_dma source(%dma_start3A_54 : memref<16x128xf32, #tpu.memory_space<vmem>>) target(%dma_start3A_51 : memref<16x128xf32, #tpu.memory_space<vmem_shared>>) target_semaphore(%run_scoped3A : memref<!tpu.dma_semaphore, #tpu.memory_space<semaphore_mem>>)
        %dma_wait3A = arith.constant 0 : i32
        %dma_wait3A_55 = arith.constant 0 : i32
        %dma_wait3A_56 = tpu.memref_slice %arg10[%dma_wait3A, %dma_wait3A_55] : memref<104x128xf32, #tpu.memory_space<vmem>> -> memref<16x128xf32, #tpu.memory_space<vmem>>
        %dma_wait3A_57 = arith.constant 4992 : i32
        %dma_wait3A_58 = arith.constant 0 : i32
        %dma_wait3A_59 = tpu.memref_slice %arg11[%dma_wait3A_57, %dma_wait3A_58] : memref<5128x128xf32, #tpu.memory_space<vmem_shared>> -> memref<16x128xf32, #tpu.memory_space<vmem_shared>>
        %dma_wait3A_60 = arith.constant 4992 : i32
        %dma_wait3A_61 = arith.constant 0 : i32
        %dma_wait3A_62 = tpu.memref_slice %arg11[%dma_wait3A_60, %dma_wait3A_61] : memref<5128x128xf32, #tpu.memory_space<vmem_shared>> -> memref<16x128xf32, #tpu.memory_space<vmem_shared>>
        %dma_wait3A_63 = arith.constant 0 : i32
        %dma_wait3A_64 = arith.constant 0 : i32
        %dma_wait3A_65 = tpu.memref_slice %arg10[%dma_wait3A_63, %dma_wait3A_64] : memref<104x128xf32, #tpu.memory_space<vmem>> -> memref<16x128xf32, #tpu.memory_space<vmem>>
        tpu.wait_dma2 semaphore(%run_scoped3A : memref<!tpu.dma_semaphore, #tpu.memory_space<semaphore_mem>>) src(%dma_wait3A_65 : memref<16x128xf32, #tpu.memory_space<vmem>>) dst(%dma_wait3A_62 : memref<16x128xf32, #tpu.memory_space<vmem_shared>>)
        tpu.yield
      }) : () -> ()
    } else {
    }
    "tpu.region"() ({
      %run_scoped3A = tpu.sem_alloc : memref<!tpu.dma_semaphore, #tpu.memory_space<semaphore_mem>>
      %dma_start3A_43 = arith.constant 0 : i32
      %dma_start3A_44 = arith.constant 0 : i32
      %dma_start3A_45 = tpu.memref_slice %arg3[%arg1, %dma_start3A_43, %dma_start3A_44] : memref<16x160x128xi32, #tpu.memory_space<hbm>> -> memref<1x160x128xi32, #tpu.memory_space<hbm>>
      %dma_start3A_46 = tpu.memref_squeeze %dma_start3A_45 : memref<1x160x128xi32, #tpu.memory_space<hbm>> -> memref<160x128xi32, #tpu.memory_space<hbm>>
      %dma_start3A_47 = arith.constant 0 : i32
      %dma_start3A_48 = arith.constant 0 : i32
      %dma_start3A_49 = tpu.memref_slice %arg3[%arg1, %dma_start3A_47, %dma_start3A_48] : memref<16x160x128xi32, #tpu.memory_space<hbm>> -> memref<1x160x128xi32, #tpu.memory_space<hbm>>
      %dma_start3A_50 = tpu.memref_squeeze %dma_start3A_49 : memref<1x160x128xi32, #tpu.memory_space<hbm>> -> memref<160x128xi32, #tpu.memory_space<hbm>>
      tpu.enqueue_dma source(%dma_start3A_50 : memref<160x128xi32, #tpu.memory_space<hbm>>) target(%arg6 : memref<160x128xi32, #tpu.memory_space<vmem>>) target_semaphore(%run_scoped3A : memref<!tpu.dma_semaphore, #tpu.memory_space<semaphore_mem>>)
      %dma_wait3A = arith.constant 0 : i32
      %dma_wait3A_51 = arith.constant 0 : i32
      %dma_wait3A_52 = tpu.memref_slice %arg3[%arg1, %dma_wait3A, %dma_wait3A_51] : memref<16x160x128xi32, #tpu.memory_space<hbm>> -> memref<1x160x128xi32, #tpu.memory_space<hbm>>
      %dma_wait3A_53 = tpu.memref_squeeze %dma_wait3A_52 : memref<1x160x128xi32, #tpu.memory_space<hbm>> -> memref<160x128xi32, #tpu.memory_space<hbm>>
      %dma_wait3A_54 = arith.constant 0 : i32
      %dma_wait3A_55 = arith.constant 0 : i32
      %dma_wait3A_56 = tpu.memref_slice %arg3[%arg1, %dma_wait3A_54, %dma_wait3A_55] : memref<16x160x128xi32, #tpu.memory_space<hbm>> -> memref<1x160x128xi32, #tpu.memory_space<hbm>>
      %dma_wait3A_57 = tpu.memref_squeeze %dma_wait3A_56 : memref<1x160x128xi32, #tpu.memory_space<hbm>> -> memref<160x128xi32, #tpu.memory_space<hbm>>
      tpu.wait_dma2 semaphore(%run_scoped3A : memref<!tpu.dma_semaphore, #tpu.memory_space<semaphore_mem>>) src(%dma_wait3A_57 : memref<160x128xi32, #tpu.memory_space<hbm>>) dst(%arg6 : memref<160x128xi32, #tpu.memory_space<vmem>>)
      tpu.yield
    }) : () -> ()
    "tpu.region"() ({
      %run_scoped3A = tpu.sem_alloc : memref<!tpu.dma_semaphore, #tpu.memory_space<semaphore_mem>>
      %dma_start3A_43 = arith.constant 0 : i32
      %dma_start3A_44 = arith.constant 0 : i32
      %dma_start3A_45 = tpu.memref_slice %arg4[%arg0, %arg1, %dma_start3A_43, %dma_start3A_44] : memref<2x16x160x128xi32, #tpu.memory_space<hbm>> -> memref<1x1x160x128xi32, #tpu.memory_space<hbm>>
      %dma_start3A_46 = tpu.memref_squeeze %dma_start3A_45 : memref<1x1x160x128xi32, #tpu.memory_space<hbm>> -> memref<160x128xi32, #tpu.memory_space<hbm>>
      %dma_start3A_47 = arith.constant 0 : i32
      %dma_start3A_48 = arith.constant 0 : i32
      %dma_start3A_49 = tpu.memref_slice %arg4[%arg0, %arg1, %dma_start3A_47, %dma_start3A_48] : memref<2x16x160x128xi32, #tpu.memory_space<hbm>> -> memref<1x1x160x128xi32, #tpu.memory_space<hbm>>
      %dma_start3A_50 = tpu.memref_squeeze %dma_start3A_49 : memref<1x1x160x128xi32, #tpu.memory_space<hbm>> -> memref<160x128xi32, #tpu.memory_space<hbm>>
      tpu.enqueue_dma source(%dma_start3A_50 : memref<160x128xi32, #tpu.memory_space<hbm>>) target(%arg7 : memref<160x128xi32, #tpu.memory_space<vmem>>) target_semaphore(%run_scoped3A : memref<!tpu.dma_semaphore, #tpu.memory_space<semaphore_mem>>)
      %dma_wait3A = arith.constant 0 : i32
      %dma_wait3A_51 = arith.constant 0 : i32
      %dma_wait3A_52 = tpu.memref_slice %arg4[%arg0, %arg1, %dma_wait3A, %dma_wait3A_51] : memref<2x16x160x128xi32, #tpu.memory_space<hbm>> -> memref<1x1x160x128xi32, #tpu.memory_space<hbm>>
      %dma_wait3A_53 = tpu.memref_squeeze %dma_wait3A_52 : memref<1x1x160x128xi32, #tpu.memory_space<hbm>> -> memref<160x128xi32, #tpu.memory_space<hbm>>
      %dma_wait3A_54 = arith.constant 0 : i32
      %dma_wait3A_55 = arith.constant 0 : i32
      %dma_wait3A_56 = tpu.memref_slice %arg4[%arg0, %arg1, %dma_wait3A_54, %dma_wait3A_55] : memref<2x16x160x128xi32, #tpu.memory_space<hbm>> -> memref<1x1x160x128xi32, #tpu.memory_space<hbm>>
      %dma_wait3A_57 = tpu.memref_squeeze %dma_wait3A_56 : memref<1x1x160x128xi32, #tpu.memory_space<hbm>> -> memref<160x128xi32, #tpu.memory_space<hbm>>
      tpu.wait_dma2 semaphore(%run_scoped3A : memref<!tpu.dma_semaphore, #tpu.memory_space<semaphore_mem>>) src(%dma_wait3A_57 : memref<160x128xi32, #tpu.memory_space<hbm>>) dst(%arg7 : memref<160x128xi32, #tpu.memory_space<vmem>>)
      tpu.yield
    }) : () -> ()
    %barrier3A = arith.constant 0 : index
    tpu.barrier barrier_id(%barrier3A)
    %dma_start3A = arith.constant 0 : i32
    %dma_start3A_13 = arith.constant 0 : i32
    %dma_start3A_14 = tpu.memref_slice %arg6[%dma_start3A, %dma_start3A_13] : memref<160x128xi32, #tpu.memory_space<vmem>> -> memref<1x128xi32, #tpu.memory_space<vmem>>
    %dma_start3A_15 = tpu.memref_squeeze %dma_start3A_14 : memref<1x128xi32, #tpu.memory_space<vmem>> -> memref<128xi32, #tpu.memory_space<vmem>>
    %dma_start3A_16 = arith.constant 0 : i32
    %dma_start3A_17 = arith.constant 0 : i32
    %dma_start3A_18 = tpu.memref_slice %arg2[%dma_start3A_16, %dma_start3A_17] : memref<10000x128xf32, #tpu.memory_space<hbm>> -> memref<10000x128xf32, #tpu.memory_space<hbm>>
    tpu.enqueue_indirect_dma source(%dma_start3A_18 : memref<10000x128xf32, #tpu.memory_space<hbm>>) target(%arg8 : memref<128x128xf32, #tpu.memory_space<vmem>>) offsets(%dma_start3A_15 : memref<128xi32, #tpu.memory_space<vmem>>) semaphore(%arg12 : memref<!tpu.dma_semaphore, #tpu.memory_space<semaphore_mem>>)
    %scan3A_19 = arith.constant 0 : i32
    %scan3A_20 = arith.constant 0 : i32
    %scan3A_21 = arith.constant 80 : i32
    %scan3A_22 = arith.addi %scan3A_20, %scan3A_21 : i32
    %scan3A_23 = arith.constant 1 : i32
    scf.for %scan3A_43 = %scan3A_20 to %scan3A_22 step %scan3A_23  : i32 {
      %mul3A_44 = arith.constant 2 : i32
      %mul3A_45 = arith.muli %scan3A_43, %mul3A_44 : i32
      %add3A_46 = arith.constant 1 : i32
      %add3A_47 = arith.addi %mul3A_45, %add3A_46 : i32
      %dma_start3A_48 = arith.constant 0 : i32
      %dma_start3A_49 = tpu.memref_slice %arg6[%add3A_47, %dma_start3A_48] : memref<160x128xi32, #tpu.memory_space<vmem>> -> memref<1x128xi32, #tpu.memory_space<vmem>>
      %dma_start3A_50 = tpu.memref_squeeze %dma_start3A_49 : memref<1x128xi32, #tpu.memory_space<vmem>> -> memref<128xi32, #tpu.memory_space<vmem>>
      %dma_start3A_51 = arith.constant 0 : i32
      %dma_start3A_52 = arith.constant 0 : i32
      %dma_start3A_53 = tpu.memref_slice %arg2[%dma_start3A_51, %dma_start3A_52] : memref<10000x128xf32, #tpu.memory_space<hbm>> -> memref<10000x128xf32, #tpu.memory_space<hbm>>
      tpu.enqueue_indirect_dma source(%dma_start3A_53 : memref<10000x128xf32, #tpu.memory_space<hbm>>) target(%arg9 : memref<128x128xf32, #tpu.memory_space<vmem>>) offsets(%dma_start3A_50 : memref<128xi32, #tpu.memory_space<vmem>>) semaphore(%arg13 : memref<!tpu.dma_semaphore, #tpu.memory_space<semaphore_mem>>)
      %dma_wait3A = arith.constant 0 : i32
      %dma_wait3A_54 = arith.constant 0 : i32
      %dma_wait3A_55 = tpu.memref_slice %arg2[%dma_wait3A, %dma_wait3A_54] : memref<10000x128xf32, #tpu.memory_space<hbm>> -> memref<128x128xf32, #tpu.memory_space<hbm>>
      %dma_wait3A_56 = arith.constant 0 : i32
      %dma_wait3A_57 = arith.constant 0 : i32
      %dma_wait3A_58 = tpu.memref_slice %arg2[%dma_wait3A_56, %dma_wait3A_57] : memref<10000x128xf32, #tpu.memory_space<hbm>> -> memref<128x128xf32, #tpu.memory_space<hbm>>
      tpu.wait_dma2 semaphore(%arg12 : memref<!tpu.dma_semaphore, #tpu.memory_space<semaphore_mem>>) src(%dma_wait3A_58 : memref<128x128xf32, #tpu.memory_space<hbm>>) dst(%arg8 : memref<128x128xf32, #tpu.memory_space<vmem>>)
      "tpu.region"() ({
        %run_scoped3A = tpu.sem_alloc : memref<!tpu.dma_semaphore, #tpu.memory_space<semaphore_mem>>
        %dma_start3A_69 = arith.constant 0 : i32
        %dma_start3A_70 = tpu.memref_slice %arg7[%mul3A_45, %dma_start3A_69] : memref<160x128xi32, #tpu.memory_space<vmem>> -> memref<1x128xi32, #tpu.memory_space<vmem>>
        %dma_start3A_71 = tpu.memref_squeeze %dma_start3A_70 : memref<1x128xi32, #tpu.memory_space<vmem>> -> memref<128xi32, #tpu.memory_space<vmem>>
        %dma_start3A_72 = arith.constant 0 : i32
        %dma_start3A_73 = arith.constant 0 : i32
        %dma_start3A_74 = tpu.memref_slice %arg11[%dma_start3A_72, %dma_start3A_73] : memref<5128x128xf32, #tpu.memory_space<vmem_shared>> -> memref<5128x128xf32, #tpu.memory_space<vmem_shared>>
        tpu.enqueue_indirect_dma source(%arg8 : memref<128x128xf32, #tpu.memory_space<vmem>>) target(%dma_start3A_74 : memref<5128x128xf32, #tpu.memory_space<vmem_shared>>) offsets(%dma_start3A_71 : memref<128xi32, #tpu.memory_space<vmem>>) semaphore(%run_scoped3A : memref<!tpu.dma_semaphore, #tpu.memory_space<semaphore_mem>>) {add = true}
        %dma_wait3A_75 = arith.constant 0 : i32
        %dma_wait3A_76 = tpu.memref_slice %arg7[%mul3A_45, %dma_wait3A_75] : memref<160x128xi32, #tpu.memory_space<vmem>> -> memref<1x128xi32, #tpu.memory_space<vmem>>
        %dma_wait3A_77 = tpu.memref_squeeze %dma_wait3A_76 : memref<1x128xi32, #tpu.memory_space<vmem>> -> memref<128xi32, #tpu.memory_space<vmem>>
        %dma_wait3A_78 = arith.constant 0 : i32
        %dma_wait3A_79 = arith.constant 0 : i32
        %dma_wait3A_80 = tpu.memref_slice %arg11[%dma_wait3A_78, %dma_wait3A_79] : memref<5128x128xf32, #tpu.memory_space<vmem_shared>> -> memref<5128x128xf32, #tpu.memory_space<vmem_shared>>
        tpu.wait_indirect_dma semaphore(%run_scoped3A : memref<!tpu.dma_semaphore, #tpu.memory_space<semaphore_mem>>) src(%arg8 : memref<128x128xf32, #tpu.memory_space<vmem>>) dst(%dma_wait3A_80 : memref<5128x128xf32, #tpu.memory_space<vmem_shared>>)
        tpu.yield
      }) : () -> ()
      %lt3A = arith.constant 79 : i32
      %lt3A_59 = arith.cmpi slt, %scan3A_43, %lt3A : i32
      %convert_element_type3A_60 = arith.extui %lt3A_59 : i1 to i32
      %cond3A_61 = arith.constant 0 : i32
      %cond3A_62 = arith.cmpi ne, %convert_element_type3A_60, %cond3A_61 : i32
      scf.if %cond3A_62 {
        %add3A_69 = arith.constant 2 : i32
        %add3A_70 = arith.addi %mul3A_45, %add3A_69 : i32
        %dma_start3A_71 = arith.constant 0 : i32
        %dma_start3A_72 = tpu.memref_slice %arg6[%add3A_70, %dma_start3A_71] : memref<160x128xi32, #tpu.memory_space<vmem>> -> memref<1x128xi32, #tpu.memory_space<vmem>>
        %dma_start3A_73 = tpu.memref_squeeze %dma_start3A_72 : memref<1x128xi32, #tpu.memory_space<vmem>> -> memref<128xi32, #tpu.memory_space<vmem>>
        %dma_start3A_74 = arith.constant 0 : i32
        %dma_start3A_75 = arith.constant 0 : i32
        %dma_start3A_76 = tpu.memref_slice %arg2[%dma_start3A_74, %dma_start3A_75] : memref<10000x128xf32, #tpu.memory_space<hbm>> -> memref<10000x128xf32, #tpu.memory_space<hbm>>
        tpu.enqueue_indirect_dma source(%dma_start3A_76 : memref<10000x128xf32, #tpu.memory_space<hbm>>) target(%arg8 : memref<128x128xf32, #tpu.memory_space<vmem>>) offsets(%dma_start3A_73 : memref<128xi32, #tpu.memory_space<vmem>>) semaphore(%arg12 : memref<!tpu.dma_semaphore, #tpu.memory_space<semaphore_mem>>)
      } else {
      }
      %dma_wait3A_63 = arith.constant 0 : i32
      %dma_wait3A_64 = arith.constant 0 : i32
      %dma_wait3A_65 = tpu.memref_slice %arg2[%dma_wait3A_63, %dma_wait3A_64] : memref<10000x128xf32, #tpu.memory_space<hbm>> -> memref<128x128xf32, #tpu.memory_space<hbm>>
      %dma_wait3A_66 = arith.constant 0 : i32
      %dma_wait3A_67 = arith.constant 0 : i32
      %dma_wait3A_68 = tpu.memref_slice %arg2[%dma_wait3A_66, %dma_wait3A_67] : memref<10000x128xf32, #tpu.memory_space<hbm>> -> memref<128x128xf32, #tpu.memory_space<hbm>>
      tpu.wait_dma2 semaphore(%arg13 : memref<!tpu.dma_semaphore, #tpu.memory_space<semaphore_mem>>) src(%dma_wait3A_68 : memref<128x128xf32, #tpu.memory_space<hbm>>) dst(%arg9 : memref<128x128xf32, #tpu.memory_space<vmem>>)
      "tpu.region"() ({
        %run_scoped3A = tpu.sem_alloc : memref<!tpu.dma_semaphore, #tpu.memory_space<semaphore_mem>>
        %dma_start3A_69 = arith.constant 0 : i32
        %dma_start3A_70 = tpu.memref_slice %arg7[%add3A_47, %dma_start3A_69] : memref<160x128xi32, #tpu.memory_space<vmem>> -> memref<1x128xi32, #tpu.memory_space<vmem>>
        %dma_start3A_71 = tpu.memref_squeeze %dma_start3A_70 : memref<1x128xi32, #tpu.memory_space<vmem>> -> memref<128xi32, #tpu.memory_space<vmem>>
        %dma_start3A_72 = arith.constant 0 : i32
        %dma_start3A_73 = arith.constant 0 : i32
        %dma_start3A_74 = tpu.memref_slice %arg11[%dma_start3A_72, %dma_start3A_73] : memref<5128x128xf32, #tpu.memory_space<vmem_shared>> -> memref<5128x128xf32, #tpu.memory_space<vmem_shared>>
        tpu.enqueue_indirect_dma source(%arg9 : memref<128x128xf32, #tpu.memory_space<vmem>>) target(%dma_start3A_74 : memref<5128x128xf32, #tpu.memory_space<vmem_shared>>) offsets(%dma_start3A_71 : memref<128xi32, #tpu.memory_space<vmem>>) semaphore(%run_scoped3A : memref<!tpu.dma_semaphore, #tpu.memory_space<semaphore_mem>>) {add = true}
        %dma_wait3A_75 = arith.constant 0 : i32
        %dma_wait3A_76 = tpu.memref_slice %arg7[%add3A_47, %dma_wait3A_75] : memref<160x128xi32, #tpu.memory_space<vmem>> -> memref<1x128xi32, #tpu.memory_space<vmem>>
        %dma_wait3A_77 = tpu.memref_squeeze %dma_wait3A_76 : memref<1x128xi32, #tpu.memory_space<vmem>> -> memref<128xi32, #tpu.memory_space<vmem>>
        %dma_wait3A_78 = arith.constant 0 : i32
        %dma_wait3A_79 = arith.constant 0 : i32
        %dma_wait3A_80 = tpu.memref_slice %arg11[%dma_wait3A_78, %dma_wait3A_79] : memref<5128x128xf32, #tpu.memory_space<vmem_shared>> -> memref<5128x128xf32, #tpu.memory_space<vmem_shared>>
        tpu.wait_indirect_dma semaphore(%run_scoped3A : memref<!tpu.dma_semaphore, #tpu.memory_space<semaphore_mem>>) src(%arg9 : memref<128x128xf32, #tpu.memory_space<vmem>>) dst(%dma_wait3A_80 : memref<5128x128xf32, #tpu.memory_space<vmem_shared>>)
        tpu.yield
      }) : () -> ()
    }
    %scan3A_24 = arith.constant 80 : i32
    %barrier3A_25 = arith.constant 0 : index
    tpu.barrier barrier_id(%barrier3A_25)
    %add3A_26 = arith.constant 0 : i32
    %add3A_27 = arith.addi %mul3A_0, %add3A_26 : i32
    "tpu.region"() ({
      %run_scoped3A = tpu.sem_alloc : memref<!tpu.dma_semaphore, #tpu.memory_space<semaphore_mem>>
      %dma_start3A_43 = arith.constant 0 : i32
      %dma_start3A_44 = tpu.memref_slice %arg11[%add3A_27, %dma_start3A_43] : memref<5128x128xf32, #tpu.memory_space<vmem_shared>> -> memref<104x128xf32, #tpu.memory_space<vmem_shared>>
      %dma_start3A_45 = arith.constant 0 : i32
      %dma_start3A_46 = tpu.memref_slice %arg11[%add3A_27, %dma_start3A_45] : memref<5128x128xf32, #tpu.memory_space<vmem_shared>> -> memref<104x128xf32, #tpu.memory_space<vmem_shared>>
      tpu.enqueue_dma source(%dma_start3A_46 : memref<104x128xf32, #tpu.memory_space<vmem_shared>>) target(%arg10 : memref<104x128xf32, #tpu.memory_space<vmem>>) target_semaphore(%run_scoped3A : memref<!tpu.dma_semaphore, #tpu.memory_space<semaphore_mem>>)
      %dma_wait3A = arith.constant 0 : i32
      %dma_wait3A_47 = tpu.memref_slice %arg11[%add3A_27, %dma_wait3A] : memref<5128x128xf32, #tpu.memory_space<vmem_shared>> -> memref<104x128xf32, #tpu.memory_space<vmem_shared>>
      %dma_wait3A_48 = arith.constant 0 : i32
      %dma_wait3A_49 = tpu.memref_slice %arg11[%add3A_27, %dma_wait3A_48] : memref<5128x128xf32, #tpu.memory_space<vmem_shared>> -> memref<104x128xf32, #tpu.memory_space<vmem_shared>>
      tpu.wait_dma2 semaphore(%run_scoped3A : memref<!tpu.dma_semaphore, #tpu.memory_space<semaphore_mem>>) src(%dma_wait3A_49 : memref<104x128xf32, #tpu.memory_space<vmem_shared>>) dst(%arg10 : memref<104x128xf32, #tpu.memory_space<vmem>>)
      tpu.yield
    }) : () -> ()
    %add3A_28 = arith.constant 0 : i32
    %add3A_29 = arith.addi %mul3A_0, %add3A_28 : i32
    "tpu.region"() ({
      %run_scoped3A = tpu.sem_alloc : memref<!tpu.dma_semaphore, #tpu.memory_space<semaphore_mem>>
      %dma_start3A_43 = arith.constant 0 : i32
      %dma_start3A_44 = tpu.memref_slice %arg5[%arg0, %add3A_29, %dma_start3A_43] : memref<2x5000x128xf32, #tpu.memory_space<hbm>> -> memref<1x104x128xf32, #tpu.memory_space<hbm>>
      %dma_start3A_45 = tpu.memref_squeeze %dma_start3A_44 : memref<1x104x128xf32, #tpu.memory_space<hbm>> -> memref<104x128xf32, #tpu.memory_space<hbm>>
      %dma_start3A_46 = arith.constant 0 : i32
      %dma_start3A_47 = tpu.memref_slice %arg5[%arg0, %add3A_29, %dma_start3A_46] : memref<2x5000x128xf32, #tpu.memory_space<hbm>> -> memref<1x104x128xf32, #tpu.memory_space<hbm>>
      %dma_start3A_48 = tpu.memref_squeeze %dma_start3A_47 : memref<1x104x128xf32, #tpu.memory_space<hbm>> -> memref<104x128xf32, #tpu.memory_space<hbm>>
      tpu.enqueue_dma source(%arg10 : memref<104x128xf32, #tpu.memory_space<vmem>>) target(%dma_start3A_48 : memref<104x128xf32, #tpu.memory_space<hbm>>) target_semaphore(%run_scoped3A : memref<!tpu.dma_semaphore, #tpu.memory_space<semaphore_mem>>)
      %dma_wait3A = arith.constant 0 : i32
      %dma_wait3A_49 = tpu.memref_slice %arg5[%arg0, %add3A_29, %dma_wait3A] : memref<2x5000x128xf32, #tpu.memory_space<hbm>> -> memref<1x104x128xf32, #tpu.memory_space<hbm>>
      %dma_wait3A_50 = tpu.memref_squeeze %dma_wait3A_49 : memref<1x104x128xf32, #tpu.memory_space<hbm>> -> memref<104x128xf32, #tpu.memory_space<hbm>>
      %dma_wait3A_51 = arith.constant 0 : i32
      %dma_wait3A_52 = tpu.memref_slice %arg5[%arg0, %add3A_29, %dma_wait3A_51] : memref<2x5000x128xf32, #tpu.memory_space<hbm>> -> memref<1x104x128xf32, #tpu.memory_space<hbm>>
      %dma_wait3A_53 = tpu.memref_squeeze %dma_wait3A_52 : memref<1x104x128xf32, #tpu.memory_space<hbm>> -> memref<104x128xf32, #tpu.memory_space<hbm>>
      tpu.wait_dma2 semaphore(%run_scoped3A : memref<!tpu.dma_semaphore, #tpu.memory_space<semaphore_mem>>) src(%arg10 : memref<104x128xf32, #tpu.memory_space<vmem>>) dst(%dma_wait3A_53 : memref<104x128xf32, #tpu.memory_space<hbm>>)
      tpu.yield
    }) : () -> ()
    %add3A_30 = arith.constant 104 : i32
    %add3A_31 = arith.addi %mul3A_0, %add3A_30 : i32
    "tpu.region"() ({
      %run_scoped3A = tpu.sem_alloc : memref<!tpu.dma_semaphore, #tpu.memory_space<semaphore_mem>>
      %dma_start3A_43 = arith.constant 0 : i32
      %dma_start3A_44 = tpu.memref_slice %arg11[%add3A_31, %dma_start3A_43] : memref<5128x128xf32, #tpu.memory_space<vmem_shared>> -> memref<104x128xf32, #tpu.memory_space<vmem_shared>>
      %dma_start3A_45 = arith.constant 0 : i32
      %dma_start3A_46 = tpu.memref_slice %arg11[%add3A_31, %dma_start3A_45] : memref<5128x128xf32, #tpu.memory_space<vmem_shared>> -> memref<104x128xf32, #tpu.memory_space<vmem_shared>>
      tpu.enqueue_dma source(%dma_start3A_46 : memref<104x128xf32, #tpu.memory_space<vmem_shared>>) target(%arg10 : memref<104x128xf32, #tpu.memory_space<vmem>>) target_semaphore(%run_scoped3A : memref<!tpu.dma_semaphore, #tpu.memory_space<semaphore_mem>>)
      %dma_wait3A = arith.constant 0 : i32
      %dma_wait3A_47 = tpu.memref_slice %arg11[%add3A_31, %dma_wait3A] : memref<5128x128xf32, #tpu.memory_space<vmem_shared>> -> memref<104x128xf32, #tpu.memory_space<vmem_shared>>
      %dma_wait3A_48 = arith.constant 0 : i32
      %dma_wait3A_49 = tpu.memref_slice %arg11[%add3A_31, %dma_wait3A_48] : memref<5128x128xf32, #tpu.memory_space<vmem_shared>> -> memref<104x128xf32, #tpu.memory_space<vmem_shared>>
      tpu.wait_dma2 semaphore(%run_scoped3A : memref<!tpu.dma_semaphore, #tpu.memory_space<semaphore_mem>>) src(%dma_wait3A_49 : memref<104x128xf32, #tpu.memory_space<vmem_shared>>) dst(%arg10 : memref<104x128xf32, #tpu.memory_space<vmem>>)
      tpu.yield
    }) : () -> ()
    %add3A_32 = arith.constant 104 : i32
    %add3A_33 = arith.addi %mul3A_0, %add3A_32 : i32
    "tpu.region"() ({
      %run_scoped3A = tpu.sem_alloc : memref<!tpu.dma_semaphore, #tpu.memory_space<semaphore_mem>>
      %dma_start3A_43 = arith.constant 0 : i32
      %dma_start3A_44 = tpu.memref_slice %arg5[%arg0, %add3A_33, %dma_start3A_43] : memref<2x5000x128xf32, #tpu.memory_space<hbm>> -> memref<1x104x128xf32, #tpu.memory_space<hbm>>
      %dma_start3A_45 = tpu.memref_squeeze %dma_start3A_44 : memref<1x104x128xf32, #tpu.memory_space<hbm>> -> memref<104x128xf32, #tpu.memory_space<hbm>>
      %dma_start3A_46 = arith.constant 0 : i32
      %dma_start3A_47 = tpu.memref_slice %arg5[%arg0, %add3A_33, %dma_start3A_46] : memref<2x5000x128xf32, #tpu.memory_space<hbm>> -> memref<1x104x128xf32, #tpu.memory_space<hbm>>
      %dma_start3A_48 = tpu.memref_squeeze %dma_start3A_47 : memref<1x104x128xf32, #tpu.memory_space<hbm>> -> memref<104x128xf32, #tpu.memory_space<hbm>>
      tpu.enqueue_dma source(%arg10 : memref<104x128xf32, #tpu.memory_space<vmem>>) target(%dma_start3A_48 : memref<104x128xf32, #tpu.memory_space<hbm>>) target_semaphore(%run_scoped3A : memref<!tpu.dma_semaphore, #tpu.memory_space<semaphore_mem>>)
      %dma_wait3A = arith.constant 0 : i32
      %dma_wait3A_49 = tpu.memref_slice %arg5[%arg0, %add3A_33, %dma_wait3A] : memref<2x5000x128xf32, #tpu.memory_space<hbm>> -> memref<1x104x128xf32, #tpu.memory_space<hbm>>
      %dma_wait3A_50 = tpu.memref_squeeze %dma_wait3A_49 : memref<1x104x128xf32, #tpu.memory_space<hbm>> -> memref<104x128xf32, #tpu.memory_space<hbm>>
      %dma_wait3A_51 = arith.constant 0 : i32
      %dma_wait3A_52 = tpu.memref_slice %arg5[%arg0, %add3A_33, %dma_wait3A_51] : memref<2x5000x128xf32, #tpu.memory_space<hbm>> -> memref<1x104x128xf32, #tpu.memory_space<hbm>>
      %dma_wait3A_53 = tpu.memref_squeeze %dma_wait3A_52 : memref<1x104x128xf32, #tpu.memory_space<hbm>> -> memref<104x128xf32, #tpu.memory_space<hbm>>
      tpu.wait_dma2 semaphore(%run_scoped3A : memref<!tpu.dma_semaphore, #tpu.memory_space<semaphore_mem>>) src(%arg10 : memref<104x128xf32, #tpu.memory_space<vmem>>) dst(%dma_wait3A_53 : memref<104x128xf32, #tpu.memory_space<hbm>>)
      tpu.yield
    }) : () -> ()
    %add3A_34 = arith.constant 208 : i32
    %add3A_35 = arith.addi %mul3A_0, %add3A_34 : i32
    "tpu.region"() ({
      %run_scoped3A = tpu.sem_alloc : memref<!tpu.dma_semaphore, #tpu.memory_space<semaphore_mem>>
      %dma_start3A_43 = arith.constant 0 : i32
      %dma_start3A_44 = tpu.memref_slice %arg11[%add3A_35, %dma_start3A_43] : memref<5128x128xf32, #tpu.memory_space<vmem_shared>> -> memref<104x128xf32, #tpu.memory_space<vmem_shared>>
      %dma_start3A_45 = arith.constant 0 : i32
      %dma_start3A_46 = tpu.memref_slice %arg11[%add3A_35, %dma_start3A_45] : memref<5128x128xf32, #tpu.memory_space<vmem_shared>> -> memref<104x128xf32, #tpu.memory_space<vmem_shared>>
      tpu.enqueue_dma source(%dma_start3A_46 : memref<104x128xf32, #tpu.memory_space<vmem_shared>>) target(%arg10 : memref<104x128xf32, #tpu.memory_space<vmem>>) target_semaphore(%run_scoped3A : memref<!tpu.dma_semaphore, #tpu.memory_space<semaphore_mem>>)
      %dma_wait3A = arith.constant 0 : i32
      %dma_wait3A_47 = tpu.memref_slice %arg11[%add3A_35, %dma_wait3A] : memref<5128x128xf32, #tpu.memory_space<vmem_shared>> -> memref<104x128xf32, #tpu.memory_space<vmem_shared>>
      %dma_wait3A_48 = arith.constant 0 : i32
      %dma_wait3A_49 = tpu.memref_slice %arg11[%add3A_35, %dma_wait3A_48] : memref<5128x128xf32, #tpu.memory_space<vmem_shared>> -> memref<104x128xf32, #tpu.memory_space<vmem_shared>>
      tpu.wait_dma2 semaphore(%run_scoped3A : memref<!tpu.dma_semaphore, #tpu.memory_space<semaphore_mem>>) src(%dma_wait3A_49 : memref<104x128xf32, #tpu.memory_space<vmem_shared>>) dst(%arg10 : memref<104x128xf32, #tpu.memory_space<vmem>>)
      tpu.yield
    }) : () -> ()
    %add3A_36 = arith.constant 208 : i32
    %add3A_37 = arith.addi %mul3A_0, %add3A_36 : i32
    "tpu.region"() ({
      %run_scoped3A = tpu.sem_alloc : memref<!tpu.dma_semaphore, #tpu.memory_space<semaphore_mem>>
      %dma_start3A_43 = arith.constant 0 : i32
      %dma_start3A_44 = tpu.memref_slice %arg5[%arg0, %add3A_37, %dma_start3A_43] : memref<2x5000x128xf32, #tpu.memory_space<hbm>> -> memref<1x104x128xf32, #tpu.memory_space<hbm>>
      %dma_start3A_45 = tpu.memref_squeeze %dma_start3A_44 : memref<1x104x128xf32, #tpu.memory_space<hbm>> -> memref<104x128xf32, #tpu.memory_space<hbm>>
      %dma_start3A_46 = arith.constant 0 : i32
      %dma_start3A_47 = tpu.memref_slice %arg5[%arg0, %add3A_37, %dma_start3A_46] : memref<2x5000x128xf32, #tpu.memory_space<hbm>> -> memref<1x104x128xf32, #tpu.memory_space<hbm>>
      %dma_start3A_48 = tpu.memref_squeeze %dma_start3A_47 : memref<1x104x128xf32, #tpu.memory_space<hbm>> -> memref<104x128xf32, #tpu.memory_space<hbm>>
      tpu.enqueue_dma source(%arg10 : memref<104x128xf32, #tpu.memory_space<vmem>>) target(%dma_start3A_48 : memref<104x128xf32, #tpu.memory_space<hbm>>) target_semaphore(%run_scoped3A : memref<!tpu.dma_semaphore, #tpu.memory_space<semaphore_mem>>)
      %dma_wait3A = arith.constant 0 : i32
      %dma_wait3A_49 = tpu.memref_slice %arg5[%arg0, %add3A_37, %dma_wait3A] : memref<2x5000x128xf32, #tpu.memory_space<hbm>> -> memref<1x104x128xf32, #tpu.memory_space<hbm>>
      %dma_wait3A_50 = tpu.memref_squeeze %dma_wait3A_49 : memref<1x104x128xf32, #tpu.memory_space<hbm>> -> memref<104x128xf32, #tpu.memory_space<hbm>>
      %dma_wait3A_51 = arith.constant 0 : i32
      %dma_wait3A_52 = tpu.memref_slice %arg5[%arg0, %add3A_37, %dma_wait3A_51] : memref<2x5000x128xf32, #tpu.memory_space<hbm>> -> memref<1x104x128xf32, #tpu.memory_space<hbm>>
      %dma_wait3A_53 = tpu.memref_squeeze %dma_wait3A_52 : memref<1x104x128xf32, #tpu.memory_space<hbm>> -> memref<104x128xf32, #tpu.memory_space<hbm>>
      tpu.wait_dma2 semaphore(%run_scoped3A : memref<!tpu.dma_semaphore, #tpu.memory_space<semaphore_mem>>) src(%arg10 : memref<104x128xf32, #tpu.memory_space<vmem>>) dst(%dma_wait3A_53 : memref<104x128xf32, #tpu.memory_space<hbm>>)
      tpu.yield
    }) : () -> ()
    %eq3A_38 = arith.constant 15 : i32
    %eq3A_39 = arith.cmpi eq, %arg1, %eq3A_38 : i32
    %convert_element_type3A_40 = arith.extui %eq3A_39 : i1 to i32
    %cond3A_41 = arith.constant 0 : i32
    %cond3A_42 = arith.cmpi ne, %convert_element_type3A_40, %cond3A_41 : i32
    scf.if %cond3A_42 {
      "tpu.region"() ({
        %run_scoped3A = tpu.sem_alloc : memref<!tpu.dma_semaphore, #tpu.memory_space<semaphore_mem>>
        %dma_start3A_43 = arith.constant 0 : i32
        %dma_start3A_44 = arith.constant 0 : i32
        %dma_start3A_45 = tpu.memref_slice %arg10[%dma_start3A_43, %dma_start3A_44] : memref<104x128xf32, #tpu.memory_space<vmem>> -> memref<8x128xf32, #tpu.memory_space<vmem>>
        %dma_start3A_46 = arith.constant 4992 : i32
        %dma_start3A_47 = arith.constant 0 : i32
        %dma_start3A_48 = tpu.memref_slice %arg11[%dma_start3A_46, %dma_start3A_47] : memref<5128x128xf32, #tpu.memory_space<vmem_shared>> -> memref<8x128xf32, #tpu.memory_space<vmem_shared>>
        %dma_start3A_49 = arith.constant 0 : i32
        %dma_start3A_50 = arith.constant 0 : i32
        %dma_start3A_51 = tpu.memref_slice %arg10[%dma_start3A_49, %dma_start3A_50] : memref<104x128xf32, #tpu.memory_space<vmem>> -> memref<8x128xf32, #tpu.memory_space<vmem>>
        %dma_start3A_52 = arith.constant 4992 : i32
        %dma_start3A_53 = arith.constant 0 : i32
        %dma_start3A_54 = tpu.memref_slice %arg11[%dma_start3A_52, %dma_start3A_53] : memref<5128x128xf32, #tpu.memory_space<vmem_shared>> -> memref<8x128xf32, #tpu.memory_space<vmem_shared>>
        tpu.enqueue_dma source(%dma_start3A_54 : memref<8x128xf32, #tpu.memory_space<vmem_shared>>) target(%dma_start3A_51 : memref<8x128xf32, #tpu.memory_space<vmem>>) target_semaphore(%run_scoped3A : memref<!tpu.dma_semaphore, #tpu.memory_space<semaphore_mem>>)
        %dma_wait3A = arith.constant 0 : i32
        %dma_wait3A_55 = arith.constant 0 : i32
        %dma_wait3A_56 = tpu.memref_slice %arg10[%dma_wait3A, %dma_wait3A_55] : memref<104x128xf32, #tpu.memory_space<vmem>> -> memref<8x128xf32, #tpu.memory_space<vmem>>
        %dma_wait3A_57 = arith.constant 4992 : i32
        %dma_wait3A_58 = arith.constant 0 : i32
        %dma_wait3A_59 = tpu.memref_slice %arg11[%dma_wait3A_57, %dma_wait3A_58] : memref<5128x128xf32, #tpu.memory_space<vmem_shared>> -> memref<8x128xf32, #tpu.memory_space<vmem_shared>>
        %dma_wait3A_60 = arith.constant 0 : i32
        %dma_wait3A_61 = arith.constant 0 : i32
        %dma_wait3A_62 = tpu.memref_slice %arg10[%dma_wait3A_60, %dma_wait3A_61] : memref<104x128xf32, #tpu.memory_space<vmem>> -> memref<8x128xf32, #tpu.memory_space<vmem>>
        %dma_wait3A_63 = arith.constant 4992 : i32
        %dma_wait3A_64 = arith.constant 0 : i32
        %dma_wait3A_65 = tpu.memref_slice %arg11[%dma_wait3A_63, %dma_wait3A_64] : memref<5128x128xf32, #tpu.memory_space<vmem_shared>> -> memref<8x128xf32, #tpu.memory_space<vmem_shared>>
        tpu.wait_dma2 semaphore(%run_scoped3A : memref<!tpu.dma_semaphore, #tpu.memory_space<semaphore_mem>>) src(%dma_wait3A_65 : memref<8x128xf32, #tpu.memory_space<vmem_shared>>) dst(%dma_wait3A_62 : memref<8x128xf32, #tpu.memory_space<vmem>>)
        tpu.yield
      }) : () -> ()
      "tpu.region"() ({
        %run_scoped3A = tpu.sem_alloc : memref<!tpu.dma_semaphore, #tpu.memory_space<semaphore_mem>>
        %dma_start3A_43 = arith.constant 0 : i32
        %dma_start3A_44 = arith.constant 0 : i32
        %dma_start3A_45 = tpu.memref_slice %arg10[%dma_start3A_43, %dma_start3A_44] : memref<104x128xf32, #tpu.memory_space<vmem>> -> memref<8x128xf32, #tpu.memory_space<vmem>>
        %dma_start3A_46 = arith.constant 4992 : i32
        %dma_start3A_47 = arith.constant 0 : i32
        %dma_start3A_48 = tpu.memref_slice %arg5[%arg0, %dma_start3A_46, %dma_start3A_47] : memref<2x5000x128xf32, #tpu.memory_space<hbm>> -> memref<1x8x128xf32, #tpu.memory_space<hbm>>
        %dma_start3A_49 = tpu.memref_squeeze %dma_start3A_48 : memref<1x8x128xf32, #tpu.memory_space<hbm>> -> memref<8x128xf32, #tpu.memory_space<hbm>>
        %dma_start3A_50 = arith.constant 4992 : i32
        %dma_start3A_51 = arith.constant 0 : i32
        %dma_start3A_52 = tpu.memref_slice %arg5[%arg0, %dma_start3A_50, %dma_start3A_51] : memref<2x5000x128xf32, #tpu.memory_space<hbm>> -> memref<1x8x128xf32, #tpu.memory_space<hbm>>
        %dma_start3A_53 = tpu.memref_squeeze %dma_start3A_52 : memref<1x8x128xf32, #tpu.memory_space<hbm>> -> memref<8x128xf32, #tpu.memory_space<hbm>>
        %dma_start3A_54 = arith.constant 0 : i32
        %dma_start3A_55 = arith.constant 0 : i32
        %dma_start3A_56 = tpu.memref_slice %arg10[%dma_start3A_54, %dma_start3A_55] : memref<104x128xf32, #tpu.memory_space<vmem>> -> memref<8x128xf32, #tpu.memory_space<vmem>>
        tpu.enqueue_dma source(%dma_start3A_56 : memref<8x128xf32, #tpu.memory_space<vmem>>) target(%dma_start3A_53 : memref<8x128xf32, #tpu.memory_space<hbm>>) target_semaphore(%run_scoped3A : memref<!tpu.dma_semaphore, #tpu.memory_space<semaphore_mem>>)
        %dma_wait3A = arith.constant 0 : i32
        %dma_wait3A_57 = arith.constant 0 : i32
        %dma_wait3A_58 = tpu.memref_slice %arg10[%dma_wait3A, %dma_wait3A_57] : memref<104x128xf32, #tpu.memory_space<vmem>> -> memref<8x128xf32, #tpu.memory_space<vmem>>
        %dma_wait3A_59 = arith.constant 4992 : i32
        %dma_wait3A_60 = arith.constant 0 : i32
        %dma_wait3A_61 = tpu.memref_slice %arg5[%arg0, %dma_wait3A_59, %dma_wait3A_60] : memref<2x5000x128xf32, #tpu.memory_space<hbm>> -> memref<1x8x128xf32, #tpu.memory_space<hbm>>
        %dma_wait3A_62 = tpu.memref_squeeze %dma_wait3A_61 : memref<1x8x128xf32, #tpu.memory_space<hbm>> -> memref<8x128xf32, #tpu.memory_space<hbm>>
        %dma_wait3A_63 = arith.constant 4992 : i32
        %dma_wait3A_64 = arith.constant 0 : i32
        %dma_wait3A_65 = tpu.memref_slice %arg5[%arg0, %dma_wait3A_63, %dma_wait3A_64] : memref<2x5000x128xf32, #tpu.memory_space<hbm>> -> memref<1x8x128xf32, #tpu.memory_space<hbm>>
        %dma_wait3A_66 = tpu.memref_squeeze %dma_wait3A_65 : memref<1x8x128xf32, #tpu.memory_space<hbm>> -> memref<8x128xf32, #tpu.memory_space<hbm>>
        %dma_wait3A_67 = arith.constant 0 : i32
        %dma_wait3A_68 = arith.constant 0 : i32
        %dma_wait3A_69 = tpu.memref_slice %arg10[%dma_wait3A_67, %dma_wait3A_68] : memref<104x128xf32, #tpu.memory_space<vmem>> -> memref<8x128xf32, #tpu.memory_space<vmem>>
        tpu.wait_dma2 semaphore(%run_scoped3A : memref<!tpu.dma_semaphore, #tpu.memory_space<semaphore_mem>>) src(%dma_wait3A_69 : memref<8x128xf32, #tpu.memory_space<vmem>>) dst(%dma_wait3A_66 : memref<8x128xf32, #tpu.memory_space<hbm>>)
        tpu.yield
      }) : () -> ()
    } else {
    }
    return
  }
}

#map = affine_map<(d0, d1) -> (0, 0)>
#map1 = affine_map<(d0, d1) -> (0, 0, 0)>
#map2 = affine_map<(d0, d1) -> (0, 0, 0, 0)>
module attributes {stable_mosaic.version = 14 : i64} {
  func.func @agg(%arg0: i32, %arg1: i32, %arg2: memref<10000x128xf32, #tpu.memory_space<hbm>>, %arg3: memref<16x160x128xi32, #tpu.memory_space<hbm>>, %arg4: memref<2x16x160x128xi32, #tpu.memory_space<hbm>>, %arg5: memref<2x5000x128xf32, #tpu.memory_space<hbm>>, %arg6: memref<160x128xi32, #tpu.memory_space<vmem>>, %arg7: memref<160x128xi32, #tpu.memory_space<vmem>>, %arg8: memref<128x128xf32, #tpu.memory_space<vmem>>, %arg9: memref<128x128xf32, #tpu.memory_space<vmem>>, %arg10: memref<104x128xf32, #tpu.memory_space<vmem>>, %arg11: memref<5128x128xf32, #tpu.memory_space<vmem_shared>>, %arg12: memref<!tpu.dma_semaphore, #tpu.memory_space<semaphore_mem>>, %arg13: memref<!tpu.dma_semaphore, #tpu.memory_space<semaphore_mem>>) attributes {dimension_semantics = [#tpu.dimension_semantics<core_parallel>, #tpu.dimension_semantics<subcore_parallel>], iteration_bounds = array<i64: 2, 16>, scalar_prefetch = 0 : i64, scratch_operands = 8 : i64, tpu.core_type = #tpu.core_type<sc_vector_subcore>, window_params = [{transform_indices = #map}, {transform_indices = #map1}, {transform_indices = #map2}, {transform_indices = #map1}]} {
    %mul3A = arith.constant 312 : i32
    %mul3A_0 = arith.muli %arg1, %mul3A : i32
    %scan3A = arith.constant 0 : i32
    %scan3A_1 = arith.constant 0 : i32
    %scan3A_2 = arith.constant 104 : i32
    %scan3A_3 = arith.addi %scan3A_1, %scan3A_2 : i32
    %scan3A_4 = arith.constant 1 : i32
    scf.for %scan3A_43 = %scan3A_1 to %scan3A_3 step %scan3A_4  : i32 {
      %broadcast_in_dim3A = arith.constant 0.000000e+00 : f32
      %broadcast_in_dim3A_44 = vector.broadcast %broadcast_in_dim3A : f32 to vector<16xf32>
      %swap3A = arith.index_cast %scan3A_43 : i32 to index
      %swap3A_45 = arith.constant 0 : index
      %swap3A_46 = tpu.vector_load %arg10[%swap3A, %swap3A_45] {strides = array<i32>} : memref<104x128xf32, #tpu.memory_space<vmem>>, vector<1x16xf32>,
      %swap3A_47 = vector.shape_cast %swap3A_46 : vector<1x16xf32> to vector<16xf32>
      %swap3A_48 = vector.shape_cast %broadcast_in_dim3A_44 : vector<16xf32> to vector<1x16xf32>
      tpu.vector_store %arg10[%swap3A, %swap3A_45], %swap3A_48 {strides = array<i32>} : memref<104x128xf32, #tpu.memory_space<vmem>>, vector<1x16xf32>,
      %broadcast_in_dim3A_49 = arith.constant 0.000000e+00 : f32
      %broadcast_in_dim3A_50 = vector.broadcast %broadcast_in_dim3A_49 : f32 to vector<16xf32>
      %swap3A_51 = arith.index_cast %scan3A_43 : i32 to index
      %swap3A_52 = arith.constant 16 : index
      %swap3A_53 = tpu.vector_load %arg10[%swap3A_51, %swap3A_52] {strides = array<i32>} : memref<104x128xf32, #tpu.memory_space<vmem>>, vector<1x16xf32>,
      %swap3A_54 = vector.shape_cast %swap3A_53 : vector<1x16xf32> to vector<16xf32>
      %swap3A_55 = vector.shape_cast %broadcast_in_dim3A_50 : vector<16xf32> to vector<1x16xf32>
      tpu.vector_store %arg10[%swap3A_51, %swap3A_52], %swap3A_55 {strides = array<i32>} : memref<104x128xf32, #tpu.memory_space<vmem>>, vector<1x16xf32>,
      %broadcast_in_dim3A_56 = arith.constant 0.000000e+00 : f32
      %broadcast_in_dim3A_57 = vector.broadcast %broadcast_in_dim3A_56 : f32 to vector<16xf32>
      %swap3A_58 = arith.index_cast %scan3A_43 : i32 to index
      %swap3A_59 = arith.constant 32 : index
      %swap3A_60 = tpu.vector_load %arg10[%swap3A_58, %swap3A_59] {strides = array<i32>} : memref<104x128xf32, #tpu.memory_space<vmem>>, vector<1x16xf32>,
      %swap3A_61 = vector.shape_cast %swap3A_60 : vector<1x16xf32> to vector<16xf32>
      %swap3A_62 = vector.shape_cast %broadcast_in_dim3A_57 : vector<16xf32> to vector<1x16xf32>
      tpu.vector_store %arg10[%swap3A_58, %swap3A_59], %swap3A_62 {strides = array<i32>} : memref<104x128xf32, #tpu.memory_space<vmem>>, vector<1x16xf32>,
      %broadcast_in_dim3A_63 = arith.constant 0.000000e+00 : f32
      %broadcast_in_dim3A_64 = vector.broadcast %broadcast_in_dim3A_63 : f32 to vector<16xf32>
      %swap3A_65 = arith.index_cast %scan3A_43 : i32 to index
      %swap3A_66 = arith.constant 48 : index
      %swap3A_67 = tpu.vector_load %arg10[%swap3A_65, %swap3A_66] {strides = array<i32>} : memref<104x128xf32, #tpu.memory_space<vmem>>, vector<1x16xf32>,
      %swap3A_68 = vector.shape_cast %swap3A_67 : vector<1x16xf32> to vector<16xf32>
      %swap3A_69 = vector.shape_cast %broadcast_in_dim3A_64 : vector<16xf32> to vector<1x16xf32>
      tpu.vector_store %arg10[%swap3A_65, %swap3A_66], %swap3A_69 {strides = array<i32>} : memref<104x128xf32, #tpu.memory_space<vmem>>, vector<1x16xf32>,
      %broadcast_in_dim3A_70 = arith.constant 0.000000e+00 : f32
      %broadcast_in_dim3A_71 = vector.broadcast %broadcast_in_dim3A_70 : f32 to vector<16xf32>
      %swap3A_72 = arith.index_cast %scan3A_43 : i32 to index
      %swap3A_73 = arith.constant 64 : index
      %swap3A_74 = tpu.vector_load %arg10[%swap3A_72, %swap3A_73] {strides = array<i32>} : memref<104x128xf32, #tpu.memory_space<vmem>>, vector<1x16xf32>,
      %swap3A_75 = vector.shape_cast %swap3A_74 : vector<1x16xf32> to vector<16xf32>
      %swap3A_76 = vector.shape_cast %broadcast_in_dim3A_71 : vector<16xf32> to vector<1x16xf32>
      tpu.vector_store %arg10[%swap3A_72, %swap3A_73], %swap3A_76 {strides = array<i32>} : memref<104x128xf32, #tpu.memory_space<vmem>>, vector<1x16xf32>,
      %broadcast_in_dim3A_77 = arith.constant 0.000000e+00 : f32
      %broadcast_in_dim3A_78 = vector.broadcast %broadcast_in_dim3A_77 : f32 to vector<16xf32>
      %swap3A_79 = arith.index_cast %scan3A_43 : i32 to index
      %swap3A_80 = arith.constant 80 : index
      %swap3A_81 = tpu.vector_load %arg10[%swap3A_79, %swap3A_80] {strides = array<i32>} : memref<104x128xf32, #tpu.memory_space<vmem>>, vector<1x16xf32>,
      %swap3A_82 = vector.shape_cast %swap3A_81 : vector<1x16xf32> to vector<16xf32>
      %swap3A_83 = vector.shape_cast %broadcast_in_dim3A_78 : vector<16xf32> to vector<1x16xf32>
      tpu.vector_store %arg10[%swap3A_79, %swap3A_80], %swap3A_83 {strides = array<i32>} : memref<104x128xf32, #tpu.memory_space<vmem>>, vector<1x16xf32>,
      %broadcast_in_dim3A_84 = arith.constant 0.000000e+00 : f32
      %broadcast_in_dim3A_85 = vector.broadcast %broadcast_in_dim3A_84 : f32 to vector<16xf32>
      %swap3A_86 = arith.index_cast %scan3A_43 : i32 to index
      %swap3A_87 = arith.constant 96 : index
      %swap3A_88 = tpu.vector_load %arg10[%swap3A_86, %swap3A_87] {strides = array<i32>} : memref<104x128xf32, #tpu.memory_space<vmem>>, vector<1x16xf32>,
      %swap3A_89 = vector.shape_cast %swap3A_88 : vector<1x16xf32> to vector<16xf32>
      %swap3A_90 = vector.shape_cast %broadcast_in_dim3A_85 : vector<16xf32> to vector<1x16xf32>
      tpu.vector_store %arg10[%swap3A_86, %swap3A_87], %swap3A_90 {strides = array<i32>} : memref<104x128xf32, #tpu.memory_space<vmem>>, vector<1x16xf32>,
      %broadcast_in_dim3A_91 = arith.constant 0.000000e+00 : f32
      %broadcast_in_dim3A_92 = vector.broadcast %broadcast_in_dim3A_91 : f32 to vector<16xf32>
      %swap3A_93 = arith.index_cast %scan3A_43 : i32 to index
      %swap3A_94 = arith.constant 112 : index
      %swap3A_95 = tpu.vector_load %arg10[%swap3A_93, %swap3A_94] {strides = array<i32>} : memref<104x128xf32, #tpu.memory_space<vmem>>, vector<1x16xf32>,
      %swap3A_96 = vector.shape_cast %swap3A_95 : vector<1x16xf32> to vector<16xf32>
      %swap3A_97 = vector.shape_cast %broadcast_in_dim3A_92 : vector<16xf32> to vector<1x16xf32>
      tpu.vector_store %arg10[%swap3A_93, %swap3A_94], %swap3A_97 {strides = array<i32>} : memref<104x128xf32, #tpu.memory_space<vmem>>, vector<1x16xf32>,
    }
    %scan3A_5 = arith.constant 104 : i32
    %add3A = arith.constant 0 : i32
    %add3A_6 = arith.addi %mul3A_0, %add3A : i32
    "tpu.region"() ({
      %run_scoped3A = tpu.sem_alloc : memref<!tpu.dma_semaphore, #tpu.memory_space<semaphore_mem>>
      %dma_start3A_43 = arith.constant 0 : i32
      %dma_start3A_44 = tpu.memref_slice %arg11[%add3A_6, %dma_start3A_43] : memref<5128x128xf32, #tpu.memory_space<vmem_shared>> -> memref<104x128xf32, #tpu.memory_space<vmem_shared>>
      %dma_start3A_45 = arith.constant 0 : i32
      %dma_start3A_46 = tpu.memref_slice %arg11[%add3A_6, %dma_start3A_45] : memref<5128x128xf32, #tpu.memory_space<vmem_shared>> -> memref<104x128xf32, #tpu.memory_space<vmem_shared>>
      tpu.enqueue_dma source(%arg10 : memref<104x128xf32, #tpu.memory_space<vmem>>) target(%dma_start3A_46 : memref<104x128xf32, #tpu.memory_space<vmem_shared>>) target_semaphore(%run_scoped3A : memref<!tpu.dma_semaphore, #tpu.memory_space<semaphore_mem>>)
      %dma_wait3A = arith.constant 0 : i32
      %dma_wait3A_47 = tpu.memref_slice %arg11[%add3A_6, %dma_wait3A] : memref<5128x128xf32, #tpu.memory_space<vmem_shared>> -> memref<104x128xf32, #tpu.memory_space<vmem_shared>>
      %dma_wait3A_48 = arith.constant 0 : i32
      %dma_wait3A_49 = tpu.memref_slice %arg11[%add3A_6, %dma_wait3A_48] : memref<5128x128xf32, #tpu.memory_space<vmem_shared>> -> memref<104x128xf32, #tpu.memory_space<vmem_shared>>
      tpu.wait_dma2 semaphore(%run_scoped3A : memref<!tpu.dma_semaphore, #tpu.memory_space<semaphore_mem>>) src(%arg10 : memref<104x128xf32, #tpu.memory_space<vmem>>) dst(%dma_wait3A_49 : memref<104x128xf32, #tpu.memory_space<vmem_shared>>)
      tpu.yield
    }) : () -> ()
    %add3A_7 = arith.constant 104 : i32
    %add3A_8 = arith.addi %mul3A_0, %add3A_7 : i32
    "tpu.region"() ({
      %run_scoped3A = tpu.sem_alloc : memref<!tpu.dma_semaphore, #tpu.memory_space<semaphore_mem>>
      %dma_start3A_43 = arith.constant 0 : i32
      %dma_start3A_44 = tpu.memref_slice %arg11[%add3A_8, %dma_start3A_43] : memref<5128x128xf32, #tpu.memory_space<vmem_shared>> -> memref<104x128xf32, #tpu.memory_space<vmem_shared>>
      %dma_start3A_45 = arith.constant 0 : i32
      %dma_start3A_46 = tpu.memref_slice %arg11[%add3A_8, %dma_start3A_45] : memref<5128x128xf32, #tpu.memory_space<vmem_shared>> -> memref<104x128xf32, #tpu.memory_space<vmem_shared>>
      tpu.enqueue_dma source(%arg10 : memref<104x128xf32, #tpu.memory_space<vmem>>) target(%dma_start3A_46 : memref<104x128xf32, #tpu.memory_space<vmem_shared>>) target_semaphore(%run_scoped3A : memref<!tpu.dma_semaphore, #tpu.memory_space<semaphore_mem>>)
      %dma_wait3A = arith.constant 0 : i32
      %dma_wait3A_47 = tpu.memref_slice %arg11[%add3A_8, %dma_wait3A] : memref<5128x128xf32, #tpu.memory_space<vmem_shared>> -> memref<104x128xf32, #tpu.memory_space<vmem_shared>>
      %dma_wait3A_48 = arith.constant 0 : i32
      %dma_wait3A_49 = tpu.memref_slice %arg11[%add3A_8, %dma_wait3A_48] : memref<5128x128xf32, #tpu.memory_space<vmem_shared>> -> memref<104x128xf32, #tpu.memory_space<vmem_shared>>
      tpu.wait_dma2 semaphore(%run_scoped3A : memref<!tpu.dma_semaphore, #tpu.memory_space<semaphore_mem>>) src(%arg10 : memref<104x128xf32, #tpu.memory_space<vmem>>) dst(%dma_wait3A_49 : memref<104x128xf32, #tpu.memory_space<vmem_shared>>)
      tpu.yield
    }) : () -> ()
    %add3A_9 = arith.constant 208 : i32
    %add3A_10 = arith.addi %mul3A_0, %add3A_9 : i32
    "tpu.region"() ({
      %run_scoped3A = tpu.sem_alloc : memref<!tpu.dma_semaphore, #tpu.memory_space<semaphore_mem>>
      %dma_start3A_43 = arith.constant 0 : i32
      %dma_start3A_44 = tpu.memref_slice %arg11[%add3A_10, %dma_start3A_43] : memref<5128x128xf32, #tpu.memory_space<vmem_shared>> -> memref<104x128xf32, #tpu.memory_space<vmem_shared>>
      %dma_start3A_45 = arith.constant 0 : i32
      %dma_start3A_46 = tpu.memref_slice %arg11[%add3A_10, %dma_start3A_45] : memref<5128x128xf32, #tpu.memory_space<vmem_shared>> -> memref<104x128xf32, #tpu.memory_space<vmem_shared>>
      tpu.enqueue_dma source(%arg10 : memref<104x128xf32, #tpu.memory_space<vmem>>) target(%dma_start3A_46 : memref<104x128xf32, #tpu.memory_space<vmem_shared>>) target_semaphore(%run_scoped3A : memref<!tpu.dma_semaphore, #tpu.memory_space<semaphore_mem>>)
      %dma_wait3A = arith.constant 0 : i32
      %dma_wait3A_47 = tpu.memref_slice %arg11[%add3A_10, %dma_wait3A] : memref<5128x128xf32, #tpu.memory_space<vmem_shared>> -> memref<104x128xf32, #tpu.memory_space<vmem_shared>>
      %dma_wait3A_48 = arith.constant 0 : i32
      %dma_wait3A_49 = tpu.memref_slice %arg11[%add3A_10, %dma_wait3A_48] : memref<5128x128xf32, #tpu.memory_space<vmem_shared>> -> memref<104x128xf32, #tpu.memory_space<vmem_shared>>
      tpu.wait_dma2 semaphore(%run_scoped3A : memref<!tpu.dma_semaphore, #tpu.memory_space<semaphore_mem>>) src(%arg10 : memref<104x128xf32, #tpu.memory_space<vmem>>) dst(%dma_wait3A_49 : memref<104x128xf32, #tpu.memory_space<vmem_shared>>)
      tpu.yield
    }) : () -> ()
    %eq3A = arith.constant 15 : i32
    %eq3A_11 = arith.cmpi eq, %arg1, %eq3A : i32
    %convert_element_type3A = arith.extui %eq3A_11 : i1 to i32
    %cond3A = arith.constant 0 : i32
    %cond3A_12 = arith.cmpi ne, %convert_element_type3A, %cond3A : i32
    scf.if %cond3A_12 {
      "tpu.region"() ({
        %run_scoped3A = tpu.sem_alloc : memref<!tpu.dma_semaphore, #tpu.memory_space<semaphore_mem>>
        %dma_start3A_43 = arith.constant 0 : i32
        %dma_start3A_44 = arith.constant 0 : i32
        %dma_start3A_45 = tpu.memref_slice %arg10[%dma_start3A_43, %dma_start3A_44] : memref<104x128xf32, #tpu.memory_space<vmem>> -> memref<16x128xf32, #tpu.memory_space<vmem>>
        %dma_start3A_46 = arith.constant 4992 : i32
        %dma_start3A_47 = arith.constant 0 : i32
        %dma_start3A_48 = tpu.memref_slice %arg11[%dma_start3A_46, %dma_start3A_47] : memref<5128x128xf32, #tpu.memory_space<vmem_shared>> -> memref<16x128xf32, #tpu.memory_space<vmem_shared>>
        %dma_start3A_49 = arith.constant 4992 : i32
        %dma_start3A_50 = arith.constant 0 : i32
        %dma_start3A_51 = tpu.memref_slice %arg11[%dma_start3A_49, %dma_start3A_50] : memref<5128x128xf32, #tpu.memory_space<vmem_shared>> -> memref<16x128xf32, #tpu.memory_space<vmem_shared>>
        %dma_start3A_52 = arith.constant 0 : i32
        %dma_start3A_53 = arith.constant 0 : i32
        %dma_start3A_54 = tpu.memref_slice %arg10[%dma_start3A_52, %dma_start3A_53] : memref<104x128xf32, #tpu.memory_space<vmem>> -> memref<16x128xf32, #tpu.memory_space<vmem>>
        tpu.enqueue_dma source(%dma_start3A_54 : memref<16x128xf32, #tpu.memory_space<vmem>>) target(%dma_start3A_51 : memref<16x128xf32, #tpu.memory_space<vmem_shared>>) target_semaphore(%run_scoped3A : memref<!tpu.dma_semaphore, #tpu.memory_space<semaphore_mem>>)
        %dma_wait3A = arith.constant 0 : i32
        %dma_wait3A_55 = arith.constant 0 : i32
        %dma_wait3A_56 = tpu.memref_slice %arg10[%dma_wait3A, %dma_wait3A_55] : memref<104x128xf32, #tpu.memory_space<vmem>> -> memref<16x128xf32, #tpu.memory_space<vmem>>
        %dma_wait3A_57 = arith.constant 4992 : i32
        %dma_wait3A_58 = arith.constant 0 : i32
        %dma_wait3A_59 = tpu.memref_slice %arg11[%dma_wait3A_57, %dma_wait3A_58] : memref<5128x128xf32, #tpu.memory_space<vmem_shared>> -> memref<16x128xf32, #tpu.memory_space<vmem_shared>>
        %dma_wait3A_60 = arith.constant 4992 : i32
        %dma_wait3A_61 = arith.constant 0 : i32
        %dma_wait3A_62 = tpu.memref_slice %arg11[%dma_wait3A_60, %dma_wait3A_61] : memref<5128x128xf32, #tpu.memory_space<vmem_shared>> -> memref<16x128xf32, #tpu.memory_space<vmem_shared>>
        %dma_wait3A_63 = arith.constant 0 : i32
        %dma_wait3A_64 = arith.constant 0 : i32
        %dma_wait3A_65 = tpu.memref_slice %arg10[%dma_wait3A_63, %dma_wait3A_64] : memref<104x128xf32, #tpu.memory_space<vmem>> -> memref<16x128xf32, #tpu.memory_space<vmem>>
        tpu.wait_dma2 semaphore(%run_scoped3A : memref<!tpu.dma_semaphore, #tpu.memory_space<semaphore_mem>>) src(%dma_wait3A_65 : memref<16x128xf32, #tpu.memory_space<vmem>>) dst(%dma_wait3A_62 : memref<16x128xf32, #tpu.memory_space<vmem_shared>>)
        tpu.yield
      }) : () -> ()
    } else {
    }
    "tpu.region"() ({
      %run_scoped3A = tpu.sem_alloc : memref<!tpu.dma_semaphore, #tpu.memory_space<semaphore_mem>>
      %dma_start3A_43 = arith.constant 0 : i32
      %dma_start3A_44 = arith.constant 0 : i32
      %dma_start3A_45 = tpu.memref_slice %arg3[%arg1, %dma_start3A_43, %dma_start3A_44] : memref<16x160x128xi32, #tpu.memory_space<hbm>> -> memref<1x160x128xi32, #tpu.memory_space<hbm>>
      %dma_start3A_46 = tpu.memref_squeeze %dma_start3A_45 : memref<1x160x128xi32, #tpu.memory_space<hbm>> -> memref<160x128xi32, #tpu.memory_space<hbm>>
      %dma_start3A_47 = arith.constant 0 : i32
      %dma_start3A_48 = arith.constant 0 : i32
      %dma_start3A_49 = tpu.memref_slice %arg3[%arg1, %dma_start3A_47, %dma_start3A_48] : memref<16x160x128xi32, #tpu.memory_space<hbm>> -> memref<1x160x128xi32, #tpu.memory_space<hbm>>
      %dma_start3A_50 = tpu.memref_squeeze %dma_start3A_49 : memref<1x160x128xi32, #tpu.memory_space<hbm>> -> memref<160x128xi32, #tpu.memory_space<hbm>>
      tpu.enqueue_dma source(%dma_start3A_50 : memref<160x128xi32, #tpu.memory_space<hbm>>) target(%arg6 : memref<160x128xi32, #tpu.memory_space<vmem>>) target_semaphore(%run_scoped3A : memref<!tpu.dma_semaphore, #tpu.memory_space<semaphore_mem>>)
      %dma_wait3A = arith.constant 0 : i32
      %dma_wait3A_51 = arith.constant 0 : i32
      %dma_wait3A_52 = tpu.memref_slice %arg3[%arg1, %dma_wait3A, %dma_wait3A_51] : memref<16x160x128xi32, #tpu.memory_space<hbm>> -> memref<1x160x128xi32, #tpu.memory_space<hbm>>
      %dma_wait3A_53 = tpu.memref_squeeze %dma_wait3A_52 : memref<1x160x128xi32, #tpu.memory_space<hbm>> -> memref<160x128xi32, #tpu.memory_space<hbm>>
      %dma_wait3A_54 = arith.constant 0 : i32
      %dma_wait3A_55 = arith.constant 0 : i32
      %dma_wait3A_56 = tpu.memref_slice %arg3[%arg1, %dma_wait3A_54, %dma_wait3A_55] : memref<16x160x128xi32, #tpu.memory_space<hbm>> -> memref<1x160x128xi32, #tpu.memory_space<hbm>>
      %dma_wait3A_57 = tpu.memref_squeeze %dma_wait3A_56 : memref<1x160x128xi32, #tpu.memory_space<hbm>> -> memref<160x128xi32, #tpu.memory_space<hbm>>
      tpu.wait_dma2 semaphore(%run_scoped3A : memref<!tpu.dma_semaphore, #tpu.memory_space<semaphore_mem>>) src(%dma_wait3A_57 : memref<160x128xi32, #tpu.memory_space<hbm>>) dst(%arg6 : memref<160x128xi32, #tpu.memory_space<vmem>>)
      tpu.yield
    }) : () -> ()
    "tpu.region"() ({
      %run_scoped3A = tpu.sem_alloc : memref<!tpu.dma_semaphore, #tpu.memory_space<semaphore_mem>>
      %dma_start3A_43 = arith.constant 0 : i32
      %dma_start3A_44 = arith.constant 0 : i32
      %dma_start3A_45 = tpu.memref_slice %arg4[%arg0, %arg1, %dma_start3A_43, %dma_start3A_44] : memref<2x16x160x128xi32, #tpu.memory_space<hbm>> -> memref<1x1x160x128xi32, #tpu.memory_space<hbm>>
      %dma_start3A_46 = tpu.memref_squeeze %dma_start3A_45 : memref<1x1x160x128xi32, #tpu.memory_space<hbm>> -> memref<160x128xi32, #tpu.memory_space<hbm>>
      %dma_start3A_47 = arith.constant 0 : i32
      %dma_start3A_48 = arith.constant 0 : i32
      %dma_start3A_49 = tpu.memref_slice %arg4[%arg0, %arg1, %dma_start3A_47, %dma_start3A_48] : memref<2x16x160x128xi32, #tpu.memory_space<hbm>> -> memref<1x1x160x128xi32, #tpu.memory_space<hbm>>
      %dma_start3A_50 = tpu.memref_squeeze %dma_start3A_49 : memref<1x1x160x128xi32, #tpu.memory_space<hbm>> -> memref<160x128xi32, #tpu.memory_space<hbm>>
      tpu.enqueue_dma source(%dma_start3A_50 : memref<160x128xi32, #tpu.memory_space<hbm>>) target(%arg7 : memref<160x128xi32, #tpu.memory_space<vmem>>) target_semaphore(%run_scoped3A : memref<!tpu.dma_semaphore, #tpu.memory_space<semaphore_mem>>)
      %dma_wait3A = arith.constant 0 : i32
      %dma_wait3A_51 = arith.constant 0 : i32
      %dma_wait3A_52 = tpu.memref_slice %arg4[%arg0, %arg1, %dma_wait3A, %dma_wait3A_51] : memref<2x16x160x128xi32, #tpu.memory_space<hbm>> -> memref<1x1x160x128xi32, #tpu.memory_space<hbm>>
      %dma_wait3A_53 = tpu.memref_squeeze %dma_wait3A_52 : memref<1x1x160x128xi32, #tpu.memory_space<hbm>> -> memref<160x128xi32, #tpu.memory_space<hbm>>
      %dma_wait3A_54 = arith.constant 0 : i32
      %dma_wait3A_55 = arith.constant 0 : i32
      %dma_wait3A_56 = tpu.memref_slice %arg4[%arg0, %arg1, %dma_wait3A_54, %dma_wait3A_55] : memref<2x16x160x128xi32, #tpu.memory_space<hbm>> -> memref<1x1x160x128xi32, #tpu.memory_space<hbm>>
      %dma_wait3A_57 = tpu.memref_squeeze %dma_wait3A_56 : memref<1x1x160x128xi32, #tpu.memory_space<hbm>> -> memref<160x128xi32, #tpu.memory_space<hbm>>
      tpu.wait_dma2 semaphore(%run_scoped3A : memref<!tpu.dma_semaphore, #tpu.memory_space<semaphore_mem>>) src(%dma_wait3A_57 : memref<160x128xi32, #tpu.memory_space<hbm>>) dst(%arg7 : memref<160x128xi32, #tpu.memory_space<vmem>>)
      tpu.yield
    }) : () -> ()
    %barrier3A = arith.constant 0 : index
    tpu.barrier barrier_id(%barrier3A)
    %dma_start3A = arith.constant 0 : i32
    %dma_start3A_13 = arith.constant 0 : i32
    %dma_start3A_14 = tpu.memref_slice %arg6[%dma_start3A, %dma_start3A_13] : memref<160x128xi32, #tpu.memory_space<vmem>> -> memref<1x128xi32, #tpu.memory_space<vmem>>
    %dma_start3A_15 = tpu.memref_squeeze %dma_start3A_14 : memref<1x128xi32, #tpu.memory_space<vmem>> -> memref<128xi32, #tpu.memory_space<vmem>>
    %dma_start3A_16 = arith.constant 0 : i32
    %dma_start3A_17 = arith.constant 0 : i32
    %dma_start3A_18 = tpu.memref_slice %arg2[%dma_start3A_16, %dma_start3A_17] : memref<10000x128xf32, #tpu.memory_space<hbm>> -> memref<10000x128xf32, #tpu.memory_space<hbm>>
    tpu.enqueue_indirect_dma source(%dma_start3A_18 : memref<10000x128xf32, #tpu.memory_space<hbm>>) target(%arg8 : memref<128x128xf32, #tpu.memory_space<vmem>>) offsets(%dma_start3A_15 : memref<128xi32, #tpu.memory_space<vmem>>) semaphore(%arg12 : memref<!tpu.dma_semaphore, #tpu.memory_space<semaphore_mem>>)
    %scan3A_19 = arith.constant 0 : i32
    %scan3A_20 = arith.constant 0 : i32
    %scan3A_21 = arith.constant 80 : i32
    %scan3A_22 = arith.addi %scan3A_20, %scan3A_21 : i32
    %scan3A_23 = arith.constant 1 : i32
    scf.for %scan3A_43 = %scan3A_20 to %scan3A_22 step %scan3A_23  : i32 {
      %mul3A_44 = arith.constant 2 : i32
      %mul3A_45 = arith.muli %scan3A_43, %mul3A_44 : i32
      %add3A_46 = arith.constant 1 : i32
      %add3A_47 = arith.addi %mul3A_45, %add3A_46 : i32
      %dma_start3A_48 = arith.constant 0 : i32
      %dma_start3A_49 = tpu.memref_slice %arg6[%add3A_47, %dma_start3A_48] : memref<160x128xi32, #tpu.memory_space<vmem>> -> memref<1x128xi32, #tpu.memory_space<vmem>>
      %dma_start3A_50 = tpu.memref_squeeze %dma_start3A_49 : memref<1x128xi32, #tpu.memory_space<vmem>> -> memref<128xi32, #tpu.memory_space<vmem>>
      %dma_start3A_51 = arith.constant 0 : i32
      %dma_start3A_52 = arith.constant 0 : i32
      %dma_start3A_53 = tpu.memref_slice %arg2[%dma_start3A_51, %dma_start3A_52] : memref<10000x128xf32, #tpu.memory_space<hbm>> -> memref<10000x128xf32, #tpu.memory_space<hbm>>
      tpu.enqueue_indirect_dma source(%dma_start3A_53 : memref<10000x128xf32, #tpu.memory_space<hbm>>) target(%arg9 : memref<128x128xf32, #tpu.memory_space<vmem>>) offsets(%dma_start3A_50 : memref<128xi32, #tpu.memory_space<vmem>>) semaphore(%arg13 : memref<!tpu.dma_semaphore, #tpu.memory_space<semaphore_mem>>)
      %dma_wait3A = arith.constant 0 : i32
      %dma_wait3A_54 = arith.constant 0 : i32
      %dma_wait3A_55 = tpu.memref_slice %arg2[%dma_wait3A, %dma_wait3A_54] : memref<10000x128xf32, #tpu.memory_space<hbm>> -> memref<128x128xf32, #tpu.memory_space<hbm>>
      %dma_wait3A_56 = arith.constant 0 : i32
      %dma_wait3A_57 = arith.constant 0 : i32
      %dma_wait3A_58 = tpu.memref_slice %arg2[%dma_wait3A_56, %dma_wait3A_57] : memref<10000x128xf32, #tpu.memory_space<hbm>> -> memref<128x128xf32, #tpu.memory_space<hbm>>
      tpu.wait_dma2 semaphore(%arg12 : memref<!tpu.dma_semaphore, #tpu.memory_space<semaphore_mem>>) src(%dma_wait3A_58 : memref<128x128xf32, #tpu.memory_space<hbm>>) dst(%arg8 : memref<128x128xf32, #tpu.memory_space<vmem>>)
      "tpu.region"() ({
        %run_scoped3A = tpu.sem_alloc : memref<!tpu.dma_semaphore, #tpu.memory_space<semaphore_mem>>
        %dma_start3A_69 = arith.constant 0 : i32
        %dma_start3A_70 = tpu.memref_slice %arg7[%mul3A_45, %dma_start3A_69] : memref<160x128xi32, #tpu.memory_space<vmem>> -> memref<1x128xi32, #tpu.memory_space<vmem>>
        %dma_start3A_71 = tpu.memref_squeeze %dma_start3A_70 : memref<1x128xi32, #tpu.memory_space<vmem>> -> memref<128xi32, #tpu.memory_space<vmem>>
        %dma_start3A_72 = arith.constant 0 : i32
        %dma_start3A_73 = arith.constant 0 : i32
        %dma_start3A_74 = tpu.memref_slice %arg11[%dma_start3A_72, %dma_start3A_73] : memref<5128x128xf32, #tpu.memory_space<vmem_shared>> -> memref<5128x128xf32, #tpu.memory_space<vmem_shared>>
        tpu.enqueue_indirect_dma source(%arg8 : memref<128x128xf32, #tpu.memory_space<vmem>>) target(%dma_start3A_74 : memref<5128x128xf32, #tpu.memory_space<vmem_shared>>) offsets(%dma_start3A_71 : memref<128xi32, #tpu.memory_space<vmem>>) semaphore(%run_scoped3A : memref<!tpu.dma_semaphore, #tpu.memory_space<semaphore_mem>>) {add = true}
        %dma_wait3A_75 = arith.constant 0 : i32
        %dma_wait3A_76 = tpu.memref_slice %arg7[%mul3A_45, %dma_wait3A_75] : memref<160x128xi32, #tpu.memory_space<vmem>> -> memref<1x128xi32, #tpu.memory_space<vmem>>
        %dma_wait3A_77 = tpu.memref_squeeze %dma_wait3A_76 : memref<1x128xi32, #tpu.memory_space<vmem>> -> memref<128xi32, #tpu.memory_space<vmem>>
        %dma_wait3A_78 = arith.constant 0 : i32
        %dma_wait3A_79 = arith.constant 0 : i32
        %dma_wait3A_80 = tpu.memref_slice %arg11[%dma_wait3A_78, %dma_wait3A_79] : memref<5128x128xf32, #tpu.memory_space<vmem_shared>> -> memref<5128x128xf32, #tpu.memory_space<vmem_shared>>
        tpu.wait_indirect_dma semaphore(%run_scoped3A : memref<!tpu.dma_semaphore, #tpu.memory_space<semaphore_mem>>) src(%arg8 : memref<128x128xf32, #tpu.memory_space<vmem>>) dst(%dma_wait3A_80 : memref<5128x128xf32, #tpu.memory_space<vmem_shared>>)
        tpu.yield
      }) : () -> ()
      %lt3A = arith.constant 79 : i32
      %lt3A_59 = arith.cmpi slt, %scan3A_43, %lt3A : i32
      %convert_element_type3A_60 = arith.extui %lt3A_59 : i1 to i32
      %cond3A_61 = arith.constant 0 : i32
      %cond3A_62 = arith.cmpi ne, %convert_element_type3A_60, %cond3A_61 : i32
      scf.if %cond3A_62 {
        %add3A_69 = arith.constant 2 : i32
        %add3A_70 = arith.addi %mul3A_45, %add3A_69 : i32
        %dma_start3A_71 = arith.constant 0 : i32
        %dma_start3A_72 = tpu.memref_slice %arg6[%add3A_70, %dma_start3A_71] : memref<160x128xi32, #tpu.memory_space<vmem>> -> memref<1x128xi32, #tpu.memory_space<vmem>>
        %dma_start3A_73 = tpu.memref_squeeze %dma_start3A_72 : memref<1x128xi32, #tpu.memory_space<vmem>> -> memref<128xi32, #tpu.memory_space<vmem>>
        %dma_start3A_74 = arith.constant 0 : i32
        %dma_start3A_75 = arith.constant 0 : i32
        %dma_start3A_76 = tpu.memref_slice %arg2[%dma_start3A_74, %dma_start3A_75] : memref<10000x128xf32, #tpu.memory_space<hbm>> -> memref<10000x128xf32, #tpu.memory_space<hbm>>
        tpu.enqueue_indirect_dma source(%dma_start3A_76 : memref<10000x128xf32, #tpu.memory_space<hbm>>) target(%arg8 : memref<128x128xf32, #tpu.memory_space<vmem>>) offsets(%dma_start3A_73 : memref<128xi32, #tpu.memory_space<vmem>>) semaphore(%arg12 : memref<!tpu.dma_semaphore, #tpu.memory_space<semaphore_mem>>)
      } else {
      }
      %dma_wait3A_63 = arith.constant 0 : i32
      %dma_wait3A_64 = arith.constant 0 : i32
      %dma_wait3A_65 = tpu.memref_slice %arg2[%dma_wait3A_63, %dma_wait3A_64] : memref<10000x128xf32, #tpu.memory_space<hbm>> -> memref<128x128xf32, #tpu.memory_space<hbm>>
      %dma_wait3A_66 = arith.constant 0 : i32
      %dma_wait3A_67 = arith.constant 0 : i32
      %dma_wait3A_68 = tpu.memref_slice %arg2[%dma_wait3A_66, %dma_wait3A_67] : memref<10000x128xf32, #tpu.memory_space<hbm>> -> memref<128x128xf32, #tpu.memory_space<hbm>>
      tpu.wait_dma2 semaphore(%arg13 : memref<!tpu.dma_semaphore, #tpu.memory_space<semaphore_mem>>) src(%dma_wait3A_68 : memref<128x128xf32, #tpu.memory_space<hbm>>) dst(%arg9 : memref<128x128xf32, #tpu.memory_space<vmem>>)
      "tpu.region"() ({
        %run_scoped3A = tpu.sem_alloc : memref<!tpu.dma_semaphore, #tpu.memory_space<semaphore_mem>>
        %dma_start3A_69 = arith.constant 0 : i32
        %dma_start3A_70 = tpu.memref_slice %arg7[%add3A_47, %dma_start3A_69] : memref<160x128xi32, #tpu.memory_space<vmem>> -> memref<1x128xi32, #tpu.memory_space<vmem>>
        %dma_start3A_71 = tpu.memref_squeeze %dma_start3A_70 : memref<1x128xi32, #tpu.memory_space<vmem>> -> memref<128xi32, #tpu.memory_space<vmem>>
        %dma_start3A_72 = arith.constant 0 : i32
        %dma_start3A_73 = arith.constant 0 : i32
        %dma_start3A_74 = tpu.memref_slice %arg11[%dma_start3A_72, %dma_start3A_73] : memref<5128x128xf32, #tpu.memory_space<vmem_shared>> -> memref<5128x128xf32, #tpu.memory_space<vmem_shared>>
        tpu.enqueue_indirect_dma source(%arg9 : memref<128x128xf32, #tpu.memory_space<vmem>>) target(%dma_start3A_74 : memref<5128x128xf32, #tpu.memory_space<vmem_shared>>) offsets(%dma_start3A_71 : memref<128xi32, #tpu.memory_space<vmem>>) semaphore(%run_scoped3A : memref<!tpu.dma_semaphore, #tpu.memory_space<semaphore_mem>>) {add = true}
        %dma_wait3A_75 = arith.constant 0 : i32
        %dma_wait3A_76 = tpu.memref_slice %arg7[%add3A_47, %dma_wait3A_75] : memref<160x128xi32, #tpu.memory_space<vmem>> -> memref<1x128xi32, #tpu.memory_space<vmem>>
        %dma_wait3A_77 = tpu.memref_squeeze %dma_wait3A_76 : memref<1x128xi32, #tpu.memory_space<vmem>> -> memref<128xi32, #tpu.memory_space<vmem>>
        %dma_wait3A_78 = arith.constant 0 : i32
        %dma_wait3A_79 = arith.constant 0 : i32
        %dma_wait3A_80 = tpu.memref_slice %arg11[%dma_wait3A_78, %dma_wait3A_79] : memref<5128x128xf32, #tpu.memory_space<vmem_shared>> -> memref<5128x128xf32, #tpu.memory_space<vmem_shared>>
        tpu.wait_indirect_dma semaphore(%run_scoped3A : memref<!tpu.dma_semaphore, #tpu.memory_space<semaphore_mem>>) src(%arg9 : memref<128x128xf32, #tpu.memory_space<vmem>>) dst(%dma_wait3A_80 : memref<5128x128xf32, #tpu.memory_space<vmem_shared>>)
        tpu.yield
      }) : () -> ()
    }
    %scan3A_24 = arith.constant 80 : i32
    %barrier3A_25 = arith.constant 0 : index
    tpu.barrier barrier_id(%barrier3A_25)
    %add3A_26 = arith.constant 0 : i32
    %add3A_27 = arith.addi %mul3A_0, %add3A_26 : i32
    "tpu.region"() ({
      %run_scoped3A = tpu.sem_alloc : memref<!tpu.dma_semaphore, #tpu.memory_space<semaphore_mem>>
      %dma_start3A_43 = arith.constant 0 : i32
      %dma_start3A_44 = tpu.memref_slice %arg11[%add3A_27, %dma_start3A_43] : memref<5128x128xf32, #tpu.memory_space<vmem_shared>> -> memref<104x128xf32, #tpu.memory_space<vmem_shared>>
      %dma_start3A_45 = arith.constant 0 : i32
      %dma_start3A_46 = tpu.memref_slice %arg11[%add3A_27, %dma_start3A_45] : memref<5128x128xf32, #tpu.memory_space<vmem_shared>> -> memref<104x128xf32, #tpu.memory_space<vmem_shared>>
      tpu.enqueue_dma source(%dma_start3A_46 : memref<104x128xf32, #tpu.memory_space<vmem_shared>>) target(%arg10 : memref<104x128xf32, #tpu.memory_space<vmem>>) target_semaphore(%run_scoped3A : memref<!tpu.dma_semaphore, #tpu.memory_space<semaphore_mem>>)
      %dma_wait3A = arith.constant 0 : i32
      %dma_wait3A_47 = tpu.memref_slice %arg11[%add3A_27, %dma_wait3A] : memref<5128x128xf32, #tpu.memory_space<vmem_shared>> -> memref<104x128xf32, #tpu.memory_space<vmem_shared>>
      %dma_wait3A_48 = arith.constant 0 : i32
      %dma_wait3A_49 = tpu.memref_slice %arg11[%add3A_27, %dma_wait3A_48] : memref<5128x128xf32, #tpu.memory_space<vmem_shared>> -> memref<104x128xf32, #tpu.memory_space<vmem_shared>>
      tpu.wait_dma2 semaphore(%run_scoped3A : memref<!tpu.dma_semaphore, #tpu.memory_space<semaphore_mem>>) src(%dma_wait3A_49 : memref<104x128xf32, #tpu.memory_space<vmem_shared>>) dst(%arg10 : memref<104x128xf32, #tpu.memory_space<vmem>>)
      tpu.yield
    }) : () -> ()
    %add3A_28 = arith.constant 0 : i32
    %add3A_29 = arith.addi %mul3A_0, %add3A_28 : i32
    "tpu.region"() ({
      %run_scoped3A = tpu.sem_alloc : memref<!tpu.dma_semaphore, #tpu.memory_space<semaphore_mem>>
      %dma_start3A_43 = arith.constant 0 : i32
      %dma_start3A_44 = tpu.memref_slice %arg5[%arg0, %add3A_29, %dma_start3A_43] : memref<2x5000x128xf32, #tpu.memory_space<hbm>> -> memref<1x104x128xf32, #tpu.memory_space<hbm>>
      %dma_start3A_45 = tpu.memref_squeeze %dma_start3A_44 : memref<1x104x128xf32, #tpu.memory_space<hbm>> -> memref<104x128xf32, #tpu.memory_space<hbm>>
      %dma_start3A_46 = arith.constant 0 : i32
      %dma_start3A_47 = tpu.memref_slice %arg5[%arg0, %add3A_29, %dma_start3A_46] : memref<2x5000x128xf32, #tpu.memory_space<hbm>> -> memref<1x104x128xf32, #tpu.memory_space<hbm>>
      %dma_start3A_48 = tpu.memref_squeeze %dma_start3A_47 : memref<1x104x128xf32, #tpu.memory_space<hbm>> -> memref<104x128xf32, #tpu.memory_space<hbm>>
      tpu.enqueue_dma source(%arg10 : memref<104x128xf32, #tpu.memory_space<vmem>>) target(%dma_start3A_48 : memref<104x128xf32, #tpu.memory_space<hbm>>) target_semaphore(%run_scoped3A : memref<!tpu.dma_semaphore, #tpu.memory_space<semaphore_mem>>)
      %dma_wait3A = arith.constant 0 : i32
      %dma_wait3A_49 = tpu.memref_slice %arg5[%arg0, %add3A_29, %dma_wait3A] : memref<2x5000x128xf32, #tpu.memory_space<hbm>> -> memref<1x104x128xf32, #tpu.memory_space<hbm>>
      %dma_wait3A_50 = tpu.memref_squeeze %dma_wait3A_49 : memref<1x104x128xf32, #tpu.memory_space<hbm>> -> memref<104x128xf32, #tpu.memory_space<hbm>>
      %dma_wait3A_51 = arith.constant 0 : i32
      %dma_wait3A_52 = tpu.memref_slice %arg5[%arg0, %add3A_29, %dma_wait3A_51] : memref<2x5000x128xf32, #tpu.memory_space<hbm>> -> memref<1x104x128xf32, #tpu.memory_space<hbm>>
      %dma_wait3A_53 = tpu.memref_squeeze %dma_wait3A_52 : memref<1x104x128xf32, #tpu.memory_space<hbm>> -> memref<104x128xf32, #tpu.memory_space<hbm>>
      tpu.wait_dma2 semaphore(%run_scoped3A : memref<!tpu.dma_semaphore, #tpu.memory_space<semaphore_mem>>) src(%arg10 : memref<104x128xf32, #tpu.memory_space<vmem>>) dst(%dma_wait3A_53 : memref<104x128xf32, #tpu.memory_space<hbm>>)
      tpu.yield
    }) : () -> ()
    %add3A_30 = arith.constant 104 : i32
    %add3A_31 = arith.addi %mul3A_0, %add3A_30 : i32
    "tpu.region"() ({
      %run_scoped3A = tpu.sem_alloc : memref<!tpu.dma_semaphore, #tpu.memory_space<semaphore_mem>>
      %dma_start3A_43 = arith.constant 0 : i32
      %dma_start3A_44 = tpu.memref_slice %arg11[%add3A_31, %dma_start3A_43] : memref<5128x128xf32, #tpu.memory_space<vmem_shared>> -> memref<104x128xf32, #tpu.memory_space<vmem_shared>>
      %dma_start3A_45 = arith.constant 0 : i32
      %dma_start3A_46 = tpu.memref_slice %arg11[%add3A_31, %dma_start3A_45] : memref<5128x128xf32, #tpu.memory_space<vmem_shared>> -> memref<104x128xf32, #tpu.memory_space<vmem_shared>>
      tpu.enqueue_dma source(%dma_start3A_46 : memref<104x128xf32, #tpu.memory_space<vmem_shared>>) target(%arg10 : memref<104x128xf32, #tpu.memory_space<vmem>>) target_semaphore(%run_scoped3A : memref<!tpu.dma_semaphore, #tpu.memory_space<semaphore_mem>>)
      %dma_wait3A = arith.constant 0 : i32
      %dma_wait3A_47 = tpu.memref_slice %arg11[%add3A_31, %dma_wait3A] : memref<5128x128xf32, #tpu.memory_space<vmem_shared>> -> memref<104x128xf32, #tpu.memory_space<vmem_shared>>
      %dma_wait3A_48 = arith.constant 0 : i32
      %dma_wait3A_49 = tpu.memref_slice %arg11[%add3A_31, %dma_wait3A_48] : memref<5128x128xf32, #tpu.memory_space<vmem_shared>> -> memref<104x128xf32, #tpu.memory_space<vmem_shared>>
      tpu.wait_dma2 semaphore(%run_scoped3A : memref<!tpu.dma_semaphore, #tpu.memory_space<semaphore_mem>>) src(%dma_wait3A_49 : memref<104x128xf32, #tpu.memory_space<vmem_shared>>) dst(%arg10 : memref<104x128xf32, #tpu.memory_space<vmem>>)
      tpu.yield
    }) : () -> ()
    %add3A_32 = arith.constant 104 : i32
    %add3A_33 = arith.addi %mul3A_0, %add3A_32 : i32
    "tpu.region"() ({
      %run_scoped3A = tpu.sem_alloc : memref<!tpu.dma_semaphore, #tpu.memory_space<semaphore_mem>>
      %dma_start3A_43 = arith.constant 0 : i32
      %dma_start3A_44 = tpu.memref_slice %arg5[%arg0, %add3A_33, %dma_start3A_43] : memref<2x5000x128xf32, #tpu.memory_space<hbm>> -> memref<1x104x128xf32, #tpu.memory_space<hbm>>
      %dma_start3A_45 = tpu.memref_squeeze %dma_start3A_44 : memref<1x104x128xf32, #tpu.memory_space<hbm>> -> memref<104x128xf32, #tpu.memory_space<hbm>>
      %dma_start3A_46 = arith.constant 0 : i32
      %dma_start3A_47 = tpu.memref_slice %arg5[%arg0, %add3A_33, %dma_start3A_46] : memref<2x5000x128xf32, #tpu.memory_space<hbm>> -> memref<1x104x128xf32, #tpu.memory_space<hbm>>
      %dma_start3A_48 = tpu.memref_squeeze %dma_start3A_47 : memref<1x104x128xf32, #tpu.memory_space<hbm>> -> memref<104x128xf32, #tpu.memory_space<hbm>>
      tpu.enqueue_dma source(%arg10 : memref<104x128xf32, #tpu.memory_space<vmem>>) target(%dma_start3A_48 : memref<104x128xf32, #tpu.memory_space<hbm>>) target_semaphore(%run_scoped3A : memref<!tpu.dma_semaphore, #tpu.memory_space<semaphore_mem>>)
      %dma_wait3A = arith.constant 0 : i32
      %dma_wait3A_49 = tpu.memref_slice %arg5[%arg0, %add3A_33, %dma_wait3A] : memref<2x5000x128xf32, #tpu.memory_space<hbm>> -> memref<1x104x128xf32, #tpu.memory_space<hbm>>
      %dma_wait3A_50 = tpu.memref_squeeze %dma_wait3A_49 : memref<1x104x128xf32, #tpu.memory_space<hbm>> -> memref<104x128xf32, #tpu.memory_space<hbm>>
      %dma_wait3A_51 = arith.constant 0 : i32
      %dma_wait3A_52 = tpu.memref_slice %arg5[%arg0, %add3A_33, %dma_wait3A_51] : memref<2x5000x128xf32, #tpu.memory_space<hbm>> -> memref<1x104x128xf32, #tpu.memory_space<hbm>>
      %dma_wait3A_53 = tpu.memref_squeeze %dma_wait3A_52 : memref<1x104x128xf32, #tpu.memory_space<hbm>> -> memref<104x128xf32, #tpu.memory_space<hbm>>
      tpu.wait_dma2 semaphore(%run_scoped3A : memref<!tpu.dma_semaphore, #tpu.memory_space<semaphore_mem>>) src(%arg10 : memref<104x128xf32, #tpu.memory_space<vmem>>) dst(%dma_wait3A_53 : memref<104x128xf32, #tpu.memory_space<hbm>>)
      tpu.yield
    }) : () -> ()
    %add3A_34 = arith.constant 208 : i32
    %add3A_35 = arith.addi %mul3A_0, %add3A_34 : i32
    "tpu.region"() ({
      %run_scoped3A = tpu.sem_alloc : memref<!tpu.dma_semaphore, #tpu.memory_space<semaphore_mem>>
      %dma_start3A_43 = arith.constant 0 : i32
      %dma_start3A_44 = tpu.memref_slice %arg11[%add3A_35, %dma_start3A_43] : memref<5128x128xf32, #tpu.memory_space<vmem_shared>> -> memref<104x128xf32, #tpu.memory_space<vmem_shared>>
      %dma_start3A_45 = arith.constant 0 : i32
      %dma_start3A_46 = tpu.memref_slice %arg11[%add3A_35, %dma_start3A_45] : memref<5128x128xf32, #tpu.memory_space<vmem_shared>> -> memref<104x128xf32, #tpu.memory_space<vmem_shared>>
      tpu.enqueue_dma source(%dma_start3A_46 : memref<104x128xf32, #tpu.memory_space<vmem_shared>>) target(%arg10 : memref<104x128xf32, #tpu.memory_space<vmem>>) target_semaphore(%run_scoped3A : memref<!tpu.dma_semaphore, #tpu.memory_space<semaphore_mem>>)
      %dma_wait3A = arith.constant 0 : i32
      %dma_wait3A_47 = tpu.memref_slice %arg11[%add3A_35, %dma_wait3A] : memref<5128x128xf32, #tpu.memory_space<vmem_shared>> -> memref<104x128xf32, #tpu.memory_space<vmem_shared>>
      %dma_wait3A_48 = arith.constant 0 : i32
      %dma_wait3A_49 = tpu.memref_slice %arg11[%add3A_35, %dma_wait3A_48] : memref<5128x128xf32, #tpu.memory_space<vmem_shared>> -> memref<104x128xf32, #tpu.memory_space<vmem_shared>>
      tpu.wait_dma2 semaphore(%run_scoped3A : memref<!tpu.dma_semaphore, #tpu.memory_space<semaphore_mem>>) src(%dma_wait3A_49 : memref<104x128xf32, #tpu.memory_space<vmem_shared>>) dst(%arg10 : memref<104x128xf32, #tpu.memory_space<vmem>>)
      tpu.yield
    }) : () -> ()
    %add3A_36 = arith.constant 208 : i32
    %add3A_37 = arith.addi %mul3A_0, %add3A_36 : i32
    "tpu.region"() ({
      %run_scoped3A = tpu.sem_alloc : memref<!tpu.dma_semaphore, #tpu.memory_space<semaphore_mem>>
      %dma_start3A_43 = arith.constant 0 : i32
      %dma_start3A_44 = tpu.memref_slice %arg5[%arg0, %add3A_37, %dma_start3A_43] : memref<2x5000x128xf32, #tpu.memory_space<hbm>> -> memref<1x104x128xf32, #tpu.memory_space<hbm>>
      %dma_start3A_45 = tpu.memref_squeeze %dma_start3A_44 : memref<1x104x128xf32, #tpu.memory_space<hbm>> -> memref<104x128xf32, #tpu.memory_space<hbm>>
      %dma_start3A_46 = arith.constant 0 : i32
      %dma_start3A_47 = tpu.memref_slice %arg5[%arg0, %add3A_37, %dma_start3A_46] : memref<2x5000x128xf32, #tpu.memory_space<hbm>> -> memref<1x104x128xf32, #tpu.memory_space<hbm>>
      %dma_start3A_48 = tpu.memref_squeeze %dma_start3A_47 : memref<1x104x128xf32, #tpu.memory_space<hbm>> -> memref<104x128xf32, #tpu.memory_space<hbm>>
      tpu.enqueue_dma source(%arg10 : memref<104x128xf32, #tpu.memory_space<vmem>>) target(%dma_start3A_48 : memref<104x128xf32, #tpu.memory_space<hbm>>) target_semaphore(%run_scoped3A : memref<!tpu.dma_semaphore, #tpu.memory_space<semaphore_mem>>)
      %dma_wait3A = arith.constant 0 : i32
      %dma_wait3A_49 = tpu.memref_slice %arg5[%arg0, %add3A_37, %dma_wait3A] : memref<2x5000x128xf32, #tpu.memory_space<hbm>> -> memref<1x104x128xf32, #tpu.memory_space<hbm>>
      %dma_wait3A_50 = tpu.memref_squeeze %dma_wait3A_49 : memref<1x104x128xf32, #tpu.memory_space<hbm>> -> memref<104x128xf32, #tpu.memory_space<hbm>>
      %dma_wait3A_51 = arith.constant 0 : i32
      %dma_wait3A_52 = tpu.memref_slice %arg5[%arg0, %add3A_37, %dma_wait3A_51] : memref<2x5000x128xf32, #tpu.memory_space<hbm>> -> memref<1x104x128xf32, #tpu.memory_space<hbm>>
      %dma_wait3A_53 = tpu.memref_squeeze %dma_wait3A_52 : memref<1x104x128xf32, #tpu.memory_space<hbm>> -> memref<104x128xf32, #tpu.memory_space<hbm>>
      tpu.wait_dma2 semaphore(%run_scoped3A : memref<!tpu.dma_semaphore, #tpu.memory_space<semaphore_mem>>) src(%arg10 : memref<104x128xf32, #tpu.memory_space<vmem>>) dst(%dma_wait3A_53 : memref<104x128xf32, #tpu.memory_space<hbm>>)
      tpu.yield
    }) : () -> ()
    %eq3A_38 = arith.constant 15 : i32
    %eq3A_39 = arith.cmpi eq, %arg1, %eq3A_38 : i32
    %convert_element_type3A_40 = arith.extui %eq3A_39 : i1 to i32
    %cond3A_41 = arith.constant 0 : i32
    %cond3A_42 = arith.cmpi ne, %convert_element_type3A_40, %cond3A_41 : i32
    scf.if %cond3A_42 {
      "tpu.region"() ({
        %run_scoped3A = tpu.sem_alloc : memref<!tpu.dma_semaphore, #tpu.memory_space<semaphore_mem>>
        %dma_start3A_43 = arith.constant 0 : i32
        %dma_start3A_44 = arith.constant 0 : i32
        %dma_start3A_45 = tpu.memref_slice %arg10[%dma_start3A_43, %dma_start3A_44] : memref<104x128xf32, #tpu.memory_space<vmem>> -> memref<8x128xf32, #tpu.memory_space<vmem>>
        %dma_start3A_46 = arith.constant 4992 : i32
        %dma_start3A_47 = arith.constant 0 : i32
        %dma_start3A_48 = tpu.memref_slice %arg11[%dma_start3A_46, %dma_start3A_47] : memref<5128x128xf32, #tpu.memory_space<vmem_shared>> -> memref<8x128xf32, #tpu.memory_space<vmem_shared>>
        %dma_start3A_49 = arith.constant 0 : i32
        %dma_start3A_50 = arith.constant 0 : i32
        %dma_start3A_51 = tpu.memref_slice %arg10[%dma_start3A_49, %dma_start3A_50] : memref<104x128xf32, #tpu.memory_space<vmem>> -> memref<8x128xf32, #tpu.memory_space<vmem>>
        %dma_start3A_52 = arith.constant 4992 : i32
        %dma_start3A_53 = arith.constant 0 : i32
        %dma_start3A_54 = tpu.memref_slice %arg11[%dma_start3A_52, %dma_start3A_53] : memref<5128x128xf32, #tpu.memory_space<vmem_shared>> -> memref<8x128xf32, #tpu.memory_space<vmem_shared>>
        tpu.enqueue_dma source(%dma_start3A_54 : memref<8x128xf32, #tpu.memory_space<vmem_shared>>) target(%dma_start3A_51 : memref<8x128xf32, #tpu.memory_space<vmem>>) target_semaphore(%run_scoped3A : memref<!tpu.dma_semaphore, #tpu.memory_space<semaphore_mem>>)
        %dma_wait3A = arith.constant 0 : i32
        %dma_wait3A_55 = arith.constant 0 : i32
        %dma_wait3A_56 = tpu.memref_slice %arg10[%dma_wait3A, %dma_wait3A_55] : memref<104x128xf32, #tpu.memory_space<vmem>> -> memref<8x128xf32, #tpu.memory_space<vmem>>
        %dma_wait3A_57 = arith.constant 4992 : i32
        %dma_wait3A_58 = arith.constant 0 : i32
        %dma_wait3A_59 = tpu.memref_slice %arg11[%dma_wait3A_57, %dma_wait3A_58] : memref<5128x128xf32, #tpu.memory_space<vmem_shared>> -> memref<8x128xf32, #tpu.memory_space<vmem_shared>>
        %dma_wait3A_60 = arith.constant 0 : i32
        %dma_wait3A_61 = arith.constant 0 : i32
        %dma_wait3A_62 = tpu.memref_slice %arg10[%dma_wait3A_60, %dma_wait3A_61] : memref<104x128xf32, #tpu.memory_space<vmem>> -> memref<8x128xf32, #tpu.memory_space<vmem>>
        %dma_wait3A_63 = arith.constant 4992 : i32
        %dma_wait3A_64 = arith.constant 0 : i32
        %dma_wait3A_65 = tpu.memref_slice %arg11[%dma_wait3A_63, %dma_wait3A_64] : memref<5128x128xf32, #tpu.memory_space<vmem_shared>> -> memref<8x128xf32, #tpu.memory_space<vmem_shared>>
        tpu.wait_dma2 semaphore(%run_scoped3A : memref<!tpu.dma_semaphore, #tpu.memory_space<semaphore_mem>>) src(%dma_wait3A_65 : memref<8x128xf32, #tpu.memory_space<vmem_shared>>) dst(%dma_wait3A_62 : memref<8x128xf32, #tpu.memory_space<vmem>>)
        tpu.yield
      }) : () -> ()
      "tpu.region"() ({
        %run_scoped3A = tpu.sem_alloc : memref<!tpu.dma_semaphore, #tpu.memory_space<semaphore_mem>>
        %dma_start3A_43 = arith.constant 0 : i32
        %dma_start3A_44 = arith.constant 0 : i32
        %dma_start3A_45 = tpu.memref_slice %arg10[%dma_start3A_43, %dma_start3A_44] : memref<104x128xf32, #tpu.memory_space<vmem>> -> memref<8x128xf32, #tpu.memory_space<vmem>>
        %dma_start3A_46 = arith.constant 4992 : i32
        %dma_start3A_47 = arith.constant 0 : i32
        %dma_start3A_48 = tpu.memref_slice %arg5[%arg0, %dma_start3A_46, %dma_start3A_47] : memref<2x5000x128xf32, #tpu.memory_space<hbm>> -> memref<1x8x128xf32, #tpu.memory_space<hbm>>
        %dma_start3A_49 = tpu.memref_squeeze %dma_start3A_48 : memref<1x8x128xf32, #tpu.memory_space<hbm>> -> memref<8x128xf32, #tpu.memory_space<hbm>>
        %dma_start3A_50 = arith.constant 4992 : i32
        %dma_start3A_51 = arith.constant 0 : i32
        %dma_start3A_52 = tpu.memref_slice %arg5[%arg0, %dma_start3A_50, %dma_start3A_51] : memref<2x5000x128xf32, #tpu.memory_space<hbm>> -> memref<1x8x128xf32, #tpu.memory_space<hbm>>
        %dma_start3A_53 = tpu.memref_squeeze %dma_start3A_52 : memref<1x8x128xf32, #tpu.memory_space<hbm>> -> memref<8x128xf32, #tpu.memory_space<hbm>>
        %dma_start3A_54 = arith.constant 0 : i32
        %dma_start3A_55 = arith.constant 0 : i32
        %dma_start3A_56 = tpu.memref_slice %arg10[%dma_start3A_54, %dma_start3A_55] : memref<104x128xf32, #tpu.memory_space<vmem>> -> memref<8x128xf32, #tpu.memory_space<vmem>>
        tpu.enqueue_dma source(%dma_start3A_56 : memref<8x128xf32, #tpu.memory_space<vmem>>) target(%dma_start3A_53 : memref<8x128xf32, #tpu.memory_space<hbm>>) target_semaphore(%run_scoped3A : memref<!tpu.dma_semaphore, #tpu.memory_space<semaphore_mem>>)
        %dma_wait3A = arith.constant 0 : i32
        %dma_wait3A_57 = arith.constant 0 : i32
        %dma_wait3A_58 = tpu.memref_slice %arg10[%dma_wait3A, %dma_wait3A_57] : memref<104x128xf32, #tpu.memory_space<vmem>> -> memref<8x128xf32, #tpu.memory_space<vmem>>
        %dma_wait3A_59 = arith.constant 4992 : i32
        %dma_wait3A_60 = arith.constant 0 : i32
        %dma_wait3A_61 = tpu.memref_slice %arg5[%arg0, %dma_wait3A_59, %dma_wait3A_60] : memref<2x5000x128xf32, #tpu.memory_space<hbm>> -> memref<1x8x128xf32, #tpu.memory_space<hbm>>
        %dma_wait3A_62 = tpu.memref_squeeze %dma_wait3A_61 : memref<1x8x128xf32, #tpu.memory_space<hbm>> -> memref<8x128xf32, #tpu.memory_space<hbm>>
        %dma_wait3A_63 = arith.constant 4992 : i32
        %dma_wait3A_64 = arith.constant 0 : i32
        %dma_wait3A_65 = tpu.memref_slice %arg5[%arg0, %dma_wait3A_63, %dma_wait3A_64] : memref<2x5000x128xf32, #tpu.memory_space<hbm>> -> memref<1x8x128xf32, #tpu.memory_space<hbm>>
        %dma_wait3A_66 = tpu.memref_squeeze %dma_wait3A_65 : memref<1x8x128xf32, #tpu.memory_space<hbm>> -> memref<8x128xf32, #tpu.memory_space<hbm>>
        %dma_wait3A_67 = arith.constant 0 : i32
        %dma_wait3A_68 = arith.constant 0 : i32
        %dma_wait3A_69 = tpu.memref_slice %arg10[%dma_wait3A_67, %dma_wait3A_68] : memref<104x128xf32, #tpu.memory_space<vmem>> -> memref<8x128xf32, #tpu.memory_space<vmem>>
        tpu.wait_dma2 semaphore(%run_scoped3A : memref<!tpu.dma_semaphore, #tpu.memory_space<semaphore_mem>>) src(%dma_wait3A_69 : memref<8x128xf32, #tpu.memory_space<vmem>>) dst(%dma_wait3A_66 : memref<8x128xf32, #tpu.memory_space<hbm>>)
        tpu.yield
      }) : () -> ()
    } else {
    }
    return
  }
}

module attributes {stable_mosaic.version = 14 : i64} {
  func.func @body(%arg0: i32, %arg1: memref<2x1000x1xf32, #tpu.memory_space<vmem>>, %arg2: memref<1000x128xf32, #tpu.memory_space<vmem>>, %arg3: memref<1000x1xf32, #tpu.memory_space<vmem>>, %arg4: memref<1000x128xf32, #tpu.memory_space<vmem>>) attributes {dimension_semantics = [#tpu.dimension_semantics<arbitrary>], iteration_bounds = array<i64: 10>, scalar_prefetch = 0 : i64, scratch_operands = 0 : i64, tpu.core_type = #tpu.core_type<tc>, window_params = [{transform_indices = @transform_0, window_bounds = array<i64: 2, 1000, 1>}, {transform_indices = @transform_1, window_bounds = array<i64: 1000, 128>}, {transform_indices = @transform_2, window_bounds = array<i64: 1000, 1>}, {transform_indices = @transform_3, window_bounds = array<i64: 1000, 128>}]} {
    %get3A = arith.constant 0 : index
    %get3A_0 = arith.constant 0 : index
    %get3A_1 = arith.constant 0 : index
    %get3A_2 = vector.load %arg1[%get3A, %get3A_0, %get3A_1] : memref<2x1000x1xf32, #tpu.memory_space<vmem>>, vector<1x1000x1xf32>
    %get3A_3 = vector.shape_cast %get3A_2 : vector<1x1000x1xf32> to vector<1000x1xf32>
    %get3A_4 = arith.constant 1 : index
    %get3A_5 = arith.constant 0 : index
    %get3A_6 = arith.constant 0 : index
    %get3A_7 = vector.load %arg1[%get3A_4, %get3A_5, %get3A_6] : memref<2x1000x1xf32, #tpu.memory_space<vmem>>, vector<1x1000x1xf32>
    %get3A_8 = vector.shape_cast %get3A_7 : vector<1x1000x1xf32> to vector<1000x1xf32>
    %add3A = arith.addf %get3A_3, %get3A_8 : vector<1000x1xf32>
    %add3A_9 = arith.constant 1.000000e+00 : f32
    %add3A_10 = vector.broadcast %add3A_9 : f32 to vector<1000x1xf32>
    %add3A_11 = arith.addf %add3A, %add3A_10 : vector<1000x1xf32>
    %rsqrt3A = math.rsqrt %add3A_11 : vector<1000x1xf32>
    %swap3A = arith.constant 0 : index
    %swap3A_12 = arith.constant 0 : index
    %swap3A_13 = vector.load %arg3[%swap3A, %swap3A_12] : memref<1000x1xf32, #tpu.memory_space<vmem>>, vector<1000x1xf32>
    tpu.vector_store %arg3[%swap3A, %swap3A_12], %rsqrt3A {strides = array<i32>} : memref<1000x1xf32, #tpu.memory_space<vmem>>, vector<1000x1xf32>,
    %get3A_14 = arith.constant 0 : index
    %get3A_15 = arith.constant 0 : index
    %get3A_16 = vector.load %arg2[%get3A_14, %get3A_15] : memref<1000x128xf32, #tpu.memory_space<vmem>>, vector<1000x128xf32>
    %mul3A = vector.broadcast %rsqrt3A : vector<1000x1xf32> to vector<1000x128xf32>
    %mul3A_17 = arith.mulf %get3A_16, %mul3A : vector<1000x128xf32>
    %swap3A_18 = arith.constant 0 : index
    %swap3A_19 = arith.constant 0 : index
    %swap3A_20 = vector.load %arg4[%swap3A_18, %swap3A_19] : memref<1000x128xf32, #tpu.memory_space<vmem>>, vector<1000x128xf32>
    tpu.vector_store %arg4[%swap3A_18, %swap3A_19], %mul3A_17 {strides = array<i32>} : memref<1000x128xf32, #tpu.memory_space<vmem>>, vector<1000x128xf32>,
    return
  }
  func.func @transform_0(%arg0: i32) -> (i32, i32, i32) {
    %c0_i32 = arith.constant 0 : i32
    %c0_i32_0 = arith.constant 0 : i32
    %c0_i32_1 = arith.constant 0 : i32
    return %c0_i32, %arg0, %c0_i32_0 : i32, i32, i32
  }
  func.func @transform_1(%arg0: i32) -> (i32, i32) {
    %c0_i32 = arith.constant 0 : i32
    %c0_i32_0 = arith.constant 0 : i32
    return %arg0, %c0_i32 : i32, i32
  }
  func.func @transform_2(%arg0: i32) -> (i32, i32) {
    %c0_i32 = arith.constant 0 : i32
    %c0_i32_0 = arith.constant 0 : i32
    return %arg0, %c0_i32 : i32, i32
  }
  func.func @transform_3(%arg0: i32) -> (i32, i32) {
    %c0_i32 = arith.constant 0 : i32
    %c0_i32_0 = arith.constant 0 : i32
    return %arg0, %c0_i32 : i32, i32
  }
}

module attributes {stable_mosaic.version = 14 : i64} {
  func.func @body(%arg0: i32, %arg1: memref<1x1000x128xf32, #tpu.memory_space<vmem>>, %arg2: memref<1000x128xf32, #tpu.memory_space<vmem>>, %arg3: memref<1000x1xf32, #tpu.memory_space<vmem>>, %arg4: memref<128x256xf32, #tpu.memory_space<vmem>>, %arg5: memref<1x256xf32, #tpu.memory_space<vmem>>, %arg6: memref<2x1000x128xf32, #tpu.memory_space<vmem>>) attributes {dimension_semantics = [#tpu.dimension_semantics<arbitrary>], iteration_bounds = array<i64: 10>, scalar_prefetch = 0 : i64, scratch_operands = 0 : i64, tpu.core_type = #tpu.core_type<tc>, window_params = [{transform_indices = @transform_0, window_bounds = array<i64: 1, 1000, 128>}, {transform_indices = @transform_1, window_bounds = array<i64: 1000, 128>}, {transform_indices = @transform_2, window_bounds = array<i64: 1000, 1>}, {pipeline_mode = #tpu.pipeline_mode<synchronous>, transform_indices = @transform_3, window_bounds = array<i64: 128, 256>}, {pipeline_mode = #tpu.pipeline_mode<synchronous>, transform_indices = @transform_4, window_bounds = array<i64: 1, 256>}, {transform_indices = @transform_5, window_bounds = array<i64: 2, 1000, 128>}]} {
    %get3A = arith.constant 0 : index
    %get3A_0 = arith.constant 0 : index
    %get3A_1 = arith.constant 0 : index
    %get3A_2 = vector.load %arg1[%get3A, %get3A_0, %get3A_1] : memref<1x1000x128xf32, #tpu.memory_space<vmem>>, vector<1x1000x128xf32>
    %get3A_3 = vector.shape_cast %get3A_2 : vector<1x1000x128xf32> to vector<1000x128xf32>
    %get3A_4 = arith.constant 0 : index
    %get3A_5 = arith.constant 0 : index
    %get3A_6 = vector.load %arg2[%get3A_4, %get3A_5] : memref<1000x128xf32, #tpu.memory_space<vmem>>, vector<1000x128xf32>
    %add3A = arith.addf %get3A_3, %get3A_6 : vector<1000x128xf32>
    %get3A_7 = arith.constant 0 : index
    %get3A_8 = arith.constant 0 : index
    %get3A_9 = vector.load %arg3[%get3A_7, %get3A_8] : memref<1000x1xf32, #tpu.memory_space<vmem>>, vector<1000x1xf32>
    %mul3A = vector.broadcast %get3A_9 : vector<1000x1xf32> to vector<1000x128xf32>
    %mul3A_10 = arith.mulf %add3A, %mul3A : vector<1000x128xf32>
    %get3A_11 = arith.constant 0 : index
    %get3A_12 = arith.constant 0 : index
    %get3A_13 = vector.load %arg4[%get3A_11, %get3A_12] : memref<128x256xf32, #tpu.memory_space<vmem>>, vector<128x256xf32>
    %dot_general3A = arith.constant dense<0.000000e+00> : vector<1000x256xf32>
    %dot_general3A_14 = tpu.matmul %mul3A_10, %get3A_13, %dot_general3A {dimension_numbers = #tpu.dot_dimension_numbers<[1], [0], [0], [1], [0, 0, 1, 1], [], []>, transpose_lhs_hint = false} : vector<1000x128xf32>, vector<128x256xf32>, vector<1000x256xf32> -> vector<1000x256xf32>
    %get3A_15 = arith.constant 0 : index
    %get3A_16 = arith.constant 0 : index
    %get3A_17 = vector.load %arg5[%get3A_15, %get3A_16] : memref<1x256xf32, #tpu.memory_space<vmem>>, vector<1x256xf32>
    %add3A_18 = vector.broadcast %get3A_17 : vector<1x256xf32> to vector<1000x256xf32>
    %add3A_19 = arith.addf %dot_general3A_14, %add3A_18 : vector<1000x256xf32>
    %max3A = arith.constant 0.000000e+00 : f32
    %max3A_20 = vector.broadcast %max3A : f32 to vector<1000x256xf32>
    %max3A_21 = arith.maximumf %add3A_19, %max3A_20 : vector<1000x256xf32>
    %get3A_22 = arith.constant 0 : index
    %get3A_23 = arith.constant 0 : index
    %get3A_24 = vector.load %arg3[%get3A_22, %get3A_23] : memref<1000x1xf32, #tpu.memory_space<vmem>>, vector<1000x1xf32>
    %mul3A_25 = vector.broadcast %get3A_24 : vector<1000x1xf32> to vector<1000x256xf32>
    %mul3A_26 = arith.mulf %max3A_21, %mul3A_25 : vector<1000x256xf32>
    %slice3A = vector.extract_strided_slice %mul3A_26 {offsets = [0, 0], sizes = [1000, 128], strides = [1, 1]} : vector<1000x256xf32> to vector<1000x128xf32>
    %swap3A = arith.constant 0 : index
    %swap3A_27 = arith.constant 0 : index
    %swap3A_28 = arith.constant 0 : index
    %swap3A_29 = vector.load %arg6[%swap3A, %swap3A_27, %swap3A_28] : memref<2x1000x128xf32, #tpu.memory_space<vmem>>, vector<1x1000x128xf32>
    %swap3A_30 = vector.shape_cast %swap3A_29 : vector<1x1000x128xf32> to vector<1000x128xf32>
    %swap3A_31 = vector.shape_cast %slice3A : vector<1000x128xf32> to vector<1x1000x128xf32>
    tpu.vector_store %arg6[%swap3A, %swap3A_27, %swap3A_28], %swap3A_31 {strides = array<i32>} : memref<2x1000x128xf32, #tpu.memory_space<vmem>>, vector<1x1000x128xf32>,
    %slice3A_32 = vector.extract_strided_slice %mul3A_26 {offsets = [0, 128], sizes = [1000, 128], strides = [1, 1]} : vector<1000x256xf32> to vector<1000x128xf32>
    %swap3A_33 = arith.constant 1 : index
    %swap3A_34 = arith.constant 0 : index
    %swap3A_35 = arith.constant 0 : index
    %swap3A_36 = vector.load %arg6[%swap3A_33, %swap3A_34, %swap3A_35] : memref<2x1000x128xf32, #tpu.memory_space<vmem>>, vector<1x1000x128xf32>
    %swap3A_37 = vector.shape_cast %swap3A_36 : vector<1x1000x128xf32> to vector<1000x128xf32>
    %swap3A_38 = vector.shape_cast %slice3A_32 : vector<1000x128xf32> to vector<1x1000x128xf32>
    tpu.vector_store %arg6[%swap3A_33, %swap3A_34, %swap3A_35], %swap3A_38 {strides = array<i32>} : memref<2x1000x128xf32, #tpu.memory_space<vmem>>, vector<1x1000x128xf32>,
    return
  }
  func.func @transform_0(%arg0: i32) -> (i32, i32, i32) {
    %jit3A = arith.constant 5 : i32
    %div3A = arith.divsi %arg0, %jit3A : i32
    %sign3A = arith.constant 0 : i32
    %sign3A_0 = arith.cmpi sgt, %arg0, %sign3A : i32
    %sign3A_1 = arith.extui %sign3A_0 : i1 to i32
    %sign3A_2 = arith.constant 0 : i32
    %sign3A_3 = arith.cmpi slt, %arg0, %sign3A_2 : i32
    %sign3A_4 = arith.extui %sign3A_3 : i1 to i32
    %sign3A_5 = arith.subi %sign3A_1, %sign3A_4 : i32
    %sign3A_6 = arith.constant 0 : i32
    %sign3A_7 = arith.cmpi sgt, %jit3A, %sign3A_6 : i32
    %sign3A_8 = arith.extui %sign3A_7 : i1 to i32
    %sign3A_9 = arith.constant 0 : i32
    %sign3A_10 = arith.cmpi slt, %jit3A, %sign3A_9 : i32
    %sign3A_11 = arith.extui %sign3A_10 : i1 to i32
    %sign3A_12 = arith.subi %sign3A_8, %sign3A_11 : i32
    %ne3A = arith.cmpi ne, %sign3A_5, %sign3A_12 : i32
    %rem3A = arith.remsi %arg0, %jit3A : i32
    %ne3A_13 = arith.constant 0 : i32
    %ne3A_14 = arith.cmpi ne, %rem3A, %ne3A_13 : i32
    %and3A = arith.andi %ne3A, %ne3A_14 : i1
    %sub3A = arith.constant 1 : i32
    %sub3A_15 = arith.subi %div3A, %sub3A : i32
    %select_n3A = arith.select %and3A, %sub3A_15, %div3A : i32
    %jit3A_16 = arith.constant 5 : i32
    %eq3A = arith.constant 0 : i32
    %eq3A_17 = arith.cmpi eq, %jit3A_16, %eq3A : i32
    %jit3A_18 = arith.constant 1 : i32
    %select_n3A_19 = arith.select %eq3A_17, %jit3A_18, %jit3A_16 : i32
    %rem3A_20 = arith.remsi %arg0, %select_n3A_19 : i32
    %ne3A_21 = arith.constant 0 : i32
    %ne3A_22 = arith.cmpi ne, %rem3A_20, %ne3A_21 : i32
    %lt3A = arith.constant 0 : i32
    %lt3A_23 = arith.cmpi slt, %rem3A_20, %lt3A : i32
    %lt3A_24 = arith.constant 0 : i32
    %lt3A_25 = arith.cmpi slt, %select_n3A_19, %lt3A_24 : i32
    %ne3A_26 = arith.xori %lt3A_23, %lt3A_25 : i1
    %and3A_27 = arith.andi %ne3A_26, %ne3A_22 : i1
    %add3A = arith.addi %rem3A_20, %select_n3A_19 : i32
    %select_n3A_28 = arith.select %and3A_27, %add3A, %rem3A_20 : i32
    %c0_i32 = arith.constant 0 : i32
    %c0_i32_29 = arith.constant 0 : i32
    return %select_n3A, %select_n3A_28, %c0_i32 : i32, i32, i32
  }
  func.func @transform_1(%arg0: i32) -> (i32, i32) {
    %c0_i32 = arith.constant 0 : i32
    %c0_i32_0 = arith.constant 0 : i32
    return %arg0, %c0_i32 : i32, i32
  }
  func.func @transform_2(%arg0: i32) -> (i32, i32) {
    %c0_i32 = arith.constant 0 : i32
    %c0_i32_0 = arith.constant 0 : i32
    return %arg0, %c0_i32 : i32, i32
  }
  func.func @transform_3(%arg0: i32) -> (i32, i32) {
    %c0_i32 = arith.constant 0 : i32
    %c0_i32_0 = arith.constant 0 : i32
    %c0_i32_1 = arith.constant 0 : i32
    return %c0_i32, %c0_i32_0 : i32, i32
  }
  func.func @transform_4(%arg0: i32) -> (i32, i32) {
    %c0_i32 = arith.constant 0 : i32
    %c0_i32_0 = arith.constant 0 : i32
    %c0_i32_1 = arith.constant 0 : i32
    return %c0_i32, %c0_i32_0 : i32, i32
  }
  func.func @transform_5(%arg0: i32) -> (i32, i32, i32) {
    %c0_i32 = arith.constant 0 : i32
    %c0_i32_0 = arith.constant 0 : i32
    %c0_i32_1 = arith.constant 0 : i32
    return %c0_i32, %arg0, %c0_i32_0 : i32, i32, i32
  }
}

module attributes {stable_mosaic.version = 14 : i64} {
  func.func @body(%arg0: i32, %arg1: memref<1x1000x128xf32, #tpu.memory_space<vmem>>, %arg2: memref<1x1000x128xf32, #tpu.memory_space<vmem>>, %arg3: memref<2x1000x128xf32, #tpu.memory_space<vmem>>, %arg4: memref<1000x1xf32, #tpu.memory_space<vmem>>, %arg5: memref<256x256xf32, #tpu.memory_space<vmem>>, %arg6: memref<1x256xf32, #tpu.memory_space<vmem>>, %arg7: memref<256x64xf32, #tpu.memory_space<vmem>>, %arg8: memref<1x64xf32, #tpu.memory_space<vmem>>, %arg9: memref<1000x64xf32, #tpu.memory_space<vmem>>) attributes {dimension_semantics = [#tpu.dimension_semantics<arbitrary>], iteration_bounds = array<i64: 10>, scalar_prefetch = 0 : i64, scratch_operands = 0 : i64, tpu.core_type = #tpu.core_type<tc>, window_params = [{transform_indices = @transform_0, window_bounds = array<i64: 1, 1000, 128>}, {transform_indices = @transform_1, window_bounds = array<i64: 1, 1000, 128>}, {transform_indices = @transform_2, window_bounds = array<i64: 2, 1000, 128>}, {transform_indices = @transform_3, window_bounds = array<i64: 1000, 1>}, {pipeline_mode = #tpu.pipeline_mode<synchronous>, transform_indices = @transform_4, window_bounds = array<i64: 256, 256>}, {pipeline_mode = #tpu.pipeline_mode<synchronous>, transform_indices = @transform_5, window_bounds = array<i64: 1, 256>}, {pipeline_mode = #tpu.pipeline_mode<synchronous>, transform_indices = @transform_6, window_bounds = array<i64: 256, 64>}, {pipeline_mode = #tpu.pipeline_mode<synchronous>, transform_indices = @transform_7, window_bounds = array<i64: 1, 64>}, {transform_indices = @transform_8, window_bounds = array<i64: 1000, 64>}]} {
    %get3A = arith.constant 0 : index
    %get3A_0 = arith.constant 0 : index
    %get3A_1 = arith.constant 0 : index
    %get3A_2 = vector.load %arg1[%get3A, %get3A_0, %get3A_1] : memref<1x1000x128xf32, #tpu.memory_space<vmem>>, vector<1x1000x128xf32>
    %get3A_3 = vector.shape_cast %get3A_2 : vector<1x1000x128xf32> to vector<1000x128xf32>
    %get3A_4 = arith.constant 0 : index
    %get3A_5 = arith.constant 0 : index
    %get3A_6 = arith.constant 0 : index
    %get3A_7 = vector.load %arg3[%get3A_4, %get3A_5, %get3A_6] : memref<2x1000x128xf32, #tpu.memory_space<vmem>>, vector<1x1000x128xf32>
    %get3A_8 = vector.shape_cast %get3A_7 : vector<1x1000x128xf32> to vector<1000x128xf32>
    %add3A = arith.addf %get3A_3, %get3A_8 : vector<1000x128xf32>
    %get3A_9 = arith.constant 0 : index
    %get3A_10 = arith.constant 0 : index
    %get3A_11 = arith.constant 0 : index
    %get3A_12 = vector.load %arg2[%get3A_9, %get3A_10, %get3A_11] : memref<1x1000x128xf32, #tpu.memory_space<vmem>>, vector<1x1000x128xf32>
    %get3A_13 = vector.shape_cast %get3A_12 : vector<1x1000x128xf32> to vector<1000x128xf32>
    %get3A_14 = arith.constant 1 : index
    %get3A_15 = arith.constant 0 : index
    %get3A_16 = arith.constant 0 : index
    %get3A_17 = vector.load %arg3[%get3A_14, %get3A_15, %get3A_16] : memref<2x1000x128xf32, #tpu.memory_space<vmem>>, vector<1x1000x128xf32>
    %get3A_18 = vector.shape_cast %get3A_17 : vector<1x1000x128xf32> to vector<1000x128xf32>
    %add3A_19 = arith.addf %get3A_13, %get3A_18 : vector<1000x128xf32>
    %concatenate3A = tpu.concatenate %add3A, %add3A_19 in 1 : vector<1000x128xf32>, vector<1000x128xf32> -> vector<1000x256xf32>
    %get3A_20 = arith.constant 0 : index
    %get3A_21 = arith.constant 0 : index
    %get3A_22 = vector.load %arg4[%get3A_20, %get3A_21] : memref<1000x1xf32, #tpu.memory_space<vmem>>, vector<1000x1xf32>
    %mul3A = vector.broadcast %get3A_22 : vector<1000x1xf32> to vector<1000x256xf32>
    %mul3A_23 = arith.mulf %concatenate3A, %mul3A : vector<1000x256xf32>
    %get3A_24 = arith.constant 0 : index
    %get3A_25 = arith.constant 0 : index
    %get3A_26 = vector.load %arg5[%get3A_24, %get3A_25] : memref<256x256xf32, #tpu.memory_space<vmem>>, vector<256x256xf32>
    %dot_general3A = arith.constant dense<0.000000e+00> : vector<1000x256xf32>
    %dot_general3A_27 = tpu.matmul %mul3A_23, %get3A_26, %dot_general3A {dimension_numbers = #tpu.dot_dimension_numbers<[1], [0], [0], [1], [0, 0, 1, 1], [], []>, transpose_lhs_hint = false} : vector<1000x256xf32>, vector<256x256xf32>, vector<1000x256xf32> -> vector<1000x256xf32>
    %get3A_28 = arith.constant 0 : index
    %get3A_29 = arith.constant 0 : index
    %get3A_30 = vector.load %arg6[%get3A_28, %get3A_29] : memref<1x256xf32, #tpu.memory_space<vmem>>, vector<1x256xf32>
    %add3A_31 = vector.broadcast %get3A_30 : vector<1x256xf32> to vector<1000x256xf32>
    %add3A_32 = arith.addf %dot_general3A_27, %add3A_31 : vector<1000x256xf32>
    %max3A = arith.constant 0.000000e+00 : f32
    %max3A_33 = vector.broadcast %max3A : f32 to vector<1000x256xf32>
    %max3A_34 = arith.maximumf %add3A_32, %max3A_33 : vector<1000x256xf32>
    %get3A_35 = arith.constant 0 : index
    %get3A_36 = arith.constant 0 : index
    %get3A_37 = vector.load %arg7[%get3A_35, %get3A_36] : memref<256x64xf32, #tpu.memory_space<vmem>>, vector<256x64xf32>
    %dot_general3A_38 = arith.constant dense<0.000000e+00> : vector<1000x64xf32>
    %dot_general3A_39 = tpu.matmul %max3A_34, %get3A_37, %dot_general3A_38 {dimension_numbers = #tpu.dot_dimension_numbers<[1], [0], [0], [1], [0, 0, 1, 1], [], []>, transpose_lhs_hint = false} : vector<1000x256xf32>, vector<256x64xf32>, vector<1000x64xf32> -> vector<1000x64xf32>
    %get3A_40 = arith.constant 0 : index
    %get3A_41 = arith.constant 0 : index
    %get3A_42 = vector.load %arg8[%get3A_40, %get3A_41] : memref<1x64xf32, #tpu.memory_space<vmem>>, vector<1x64xf32>
    %add3A_43 = vector.broadcast %get3A_42 : vector<1x64xf32> to vector<1000x64xf32>
    %add3A_44 = arith.addf %dot_general3A_39, %add3A_43 : vector<1000x64xf32>
    %reduce_max3A = arith.constant dense<0xFF800000> : vector<1000xf32>
    %reduce_max3A_45 = vector.multi_reduction <maximumf>, %add3A_44, %reduce_max3A [1] : vector<1000x64xf32> to vector<1000xf32>
    %broadcast_in_dim3A = vector.shape_cast %reduce_max3A_45 : vector<1000xf32> to vector<1000x1xf32>
    %sub3A = vector.broadcast %broadcast_in_dim3A : vector<1000x1xf32> to vector<1000x64xf32>
    %sub3A_46 = arith.subf %add3A_44, %sub3A : vector<1000x64xf32>
    %exp3A = math.exp %sub3A_46 : vector<1000x64xf32>
    %reduce_sum3A = arith.constant dense<0.000000e+00> : vector<1000xf32>
    %reduce_sum3A_47 = vector.multi_reduction <add>, %exp3A, %reduce_sum3A [1] : vector<1000x64xf32> to vector<1000xf32>
    %broadcast_in_dim3A_48 = vector.shape_cast %reduce_sum3A_47 : vector<1000xf32> to vector<1000x1xf32>
    %log3A = math.log %broadcast_in_dim3A_48 : vector<1000x1xf32>
    %add3A_49 = arith.addf %log3A, %broadcast_in_dim3A : vector<1000x1xf32>
    %sub3A_50 = vector.broadcast %add3A_49 : vector<1000x1xf32> to vector<1000x64xf32>
    %sub3A_51 = arith.subf %add3A_44, %sub3A_50 : vector<1000x64xf32>
    %swap3A = arith.constant 0 : index
    %swap3A_52 = arith.constant 0 : index
    %swap3A_53 = vector.load %arg9[%swap3A, %swap3A_52] : memref<1000x64xf32, #tpu.memory_space<vmem>>, vector<1000x64xf32>
    tpu.vector_store %arg9[%swap3A, %swap3A_52], %sub3A_51 {strides = array<i32>} : memref<1000x64xf32, #tpu.memory_space<vmem>>, vector<1000x64xf32>,
    return
  }
  func.func @transform_0(%arg0: i32) -> (i32, i32, i32) {
    %jit3A = arith.constant 5 : i32
    %div3A = arith.divsi %arg0, %jit3A : i32
    %sign3A = arith.constant 0 : i32
    %sign3A_0 = arith.cmpi sgt, %arg0, %sign3A : i32
    %sign3A_1 = arith.extui %sign3A_0 : i1 to i32
    %sign3A_2 = arith.constant 0 : i32
    %sign3A_3 = arith.cmpi slt, %arg0, %sign3A_2 : i32
    %sign3A_4 = arith.extui %sign3A_3 : i1 to i32
    %sign3A_5 = arith.subi %sign3A_1, %sign3A_4 : i32
    %sign3A_6 = arith.constant 0 : i32
    %sign3A_7 = arith.cmpi sgt, %jit3A, %sign3A_6 : i32
    %sign3A_8 = arith.extui %sign3A_7 : i1 to i32
    %sign3A_9 = arith.constant 0 : i32
    %sign3A_10 = arith.cmpi slt, %jit3A, %sign3A_9 : i32
    %sign3A_11 = arith.extui %sign3A_10 : i1 to i32
    %sign3A_12 = arith.subi %sign3A_8, %sign3A_11 : i32
    %ne3A = arith.cmpi ne, %sign3A_5, %sign3A_12 : i32
    %rem3A = arith.remsi %arg0, %jit3A : i32
    %ne3A_13 = arith.constant 0 : i32
    %ne3A_14 = arith.cmpi ne, %rem3A, %ne3A_13 : i32
    %and3A = arith.andi %ne3A, %ne3A_14 : i1
    %sub3A = arith.constant 1 : i32
    %sub3A_15 = arith.subi %div3A, %sub3A : i32
    %select_n3A = arith.select %and3A, %sub3A_15, %div3A : i32
    %jit3A_16 = arith.constant 5 : i32
    %eq3A = arith.constant 0 : i32
    %eq3A_17 = arith.cmpi eq, %jit3A_16, %eq3A : i32
    %jit3A_18 = arith.constant 1 : i32
    %select_n3A_19 = arith.select %eq3A_17, %jit3A_18, %jit3A_16 : i32
    %rem3A_20 = arith.remsi %arg0, %select_n3A_19 : i32
    %ne3A_21 = arith.constant 0 : i32
    %ne3A_22 = arith.cmpi ne, %rem3A_20, %ne3A_21 : i32
    %lt3A = arith.constant 0 : i32
    %lt3A_23 = arith.cmpi slt, %rem3A_20, %lt3A : i32
    %lt3A_24 = arith.constant 0 : i32
    %lt3A_25 = arith.cmpi slt, %select_n3A_19, %lt3A_24 : i32
    %ne3A_26 = arith.xori %lt3A_23, %lt3A_25 : i1
    %and3A_27 = arith.andi %ne3A_26, %ne3A_22 : i1
    %add3A = arith.addi %rem3A_20, %select_n3A_19 : i32
    %select_n3A_28 = arith.select %and3A_27, %add3A, %rem3A_20 : i32
    %c0_i32 = arith.constant 0 : i32
    %c0_i32_29 = arith.constant 0 : i32
    return %select_n3A, %select_n3A_28, %c0_i32 : i32, i32, i32
  }
  func.func @transform_1(%arg0: i32) -> (i32, i32, i32) {
    %jit3A = arith.constant 5 : i32
    %div3A = arith.divsi %arg0, %jit3A : i32
    %sign3A = arith.constant 0 : i32
    %sign3A_0 = arith.cmpi sgt, %arg0, %sign3A : i32
    %sign3A_1 = arith.extui %sign3A_0 : i1 to i32
    %sign3A_2 = arith.constant 0 : i32
    %sign3A_3 = arith.cmpi slt, %arg0, %sign3A_2 : i32
    %sign3A_4 = arith.extui %sign3A_3 : i1 to i32
    %sign3A_5 = arith.subi %sign3A_1, %sign3A_4 : i32
    %sign3A_6 = arith.constant 0 : i32
    %sign3A_7 = arith.cmpi sgt, %jit3A, %sign3A_6 : i32
    %sign3A_8 = arith.extui %sign3A_7 : i1 to i32
    %sign3A_9 = arith.constant 0 : i32
    %sign3A_10 = arith.cmpi slt, %jit3A, %sign3A_9 : i32
    %sign3A_11 = arith.extui %sign3A_10 : i1 to i32
    %sign3A_12 = arith.subi %sign3A_8, %sign3A_11 : i32
    %ne3A = arith.cmpi ne, %sign3A_5, %sign3A_12 : i32
    %rem3A = arith.remsi %arg0, %jit3A : i32
    %ne3A_13 = arith.constant 0 : i32
    %ne3A_14 = arith.cmpi ne, %rem3A, %ne3A_13 : i32
    %and3A = arith.andi %ne3A, %ne3A_14 : i1
    %sub3A = arith.constant 1 : i32
    %sub3A_15 = arith.subi %div3A, %sub3A : i32
    %select_n3A = arith.select %and3A, %sub3A_15, %div3A : i32
    %jit3A_16 = arith.constant 5 : i32
    %eq3A = arith.constant 0 : i32
    %eq3A_17 = arith.cmpi eq, %jit3A_16, %eq3A : i32
    %jit3A_18 = arith.constant 1 : i32
    %select_n3A_19 = arith.select %eq3A_17, %jit3A_18, %jit3A_16 : i32
    %rem3A_20 = arith.remsi %arg0, %select_n3A_19 : i32
    %ne3A_21 = arith.constant 0 : i32
    %ne3A_22 = arith.cmpi ne, %rem3A_20, %ne3A_21 : i32
    %lt3A = arith.constant 0 : i32
    %lt3A_23 = arith.cmpi slt, %rem3A_20, %lt3A : i32
    %lt3A_24 = arith.constant 0 : i32
    %lt3A_25 = arith.cmpi slt, %select_n3A_19, %lt3A_24 : i32
    %ne3A_26 = arith.xori %lt3A_23, %lt3A_25 : i1
    %and3A_27 = arith.andi %ne3A_26, %ne3A_22 : i1
    %add3A = arith.addi %rem3A_20, %select_n3A_19 : i32
    %select_n3A_28 = arith.select %and3A_27, %add3A, %rem3A_20 : i32
    %c0_i32 = arith.constant 0 : i32
    %c0_i32_29 = arith.constant 0 : i32
    return %select_n3A, %select_n3A_28, %c0_i32 : i32, i32, i32
  }
  func.func @transform_2(%arg0: i32) -> (i32, i32, i32) {
    %c0_i32 = arith.constant 0 : i32
    %c0_i32_0 = arith.constant 0 : i32
    %c0_i32_1 = arith.constant 0 : i32
    return %c0_i32, %arg0, %c0_i32_0 : i32, i32, i32
  }
  func.func @transform_3(%arg0: i32) -> (i32, i32) {
    %c0_i32 = arith.constant 0 : i32
    %c0_i32_0 = arith.constant 0 : i32
    return %arg0, %c0_i32 : i32, i32
  }
  func.func @transform_4(%arg0: i32) -> (i32, i32) {
    %c0_i32 = arith.constant 0 : i32
    %c0_i32_0 = arith.constant 0 : i32
    %c0_i32_1 = arith.constant 0 : i32
    return %c0_i32, %c0_i32_0 : i32, i32
  }
  func.func @transform_5(%arg0: i32) -> (i32, i32) {
    %c0_i32 = arith.constant 0 : i32
    %c0_i32_0 = arith.constant 0 : i32
    %c0_i32_1 = arith.constant 0 : i32
    return %c0_i32, %c0_i32_0 : i32, i32
  }
  func.func @transform_6(%arg0: i32) -> (i32, i32) {
    %c0_i32 = arith.constant 0 : i32
    %c0_i32_0 = arith.constant 0 : i32
    %c0_i32_1 = arith.constant 0 : i32
    return %c0_i32, %c0_i32_0 : i32, i32
  }
  func.func @transform_7(%arg0: i32) -> (i32, i32) {
    %c0_i32 = arith.constant 0 : i32
    %c0_i32_0 = arith.constant 0 : i32
    %c0_i32_1 = arith.constant 0 : i32
    return %c0_i32, %c0_i32_0 : i32, i32
  }
  func.func @transform_8(%arg0: i32) -> (i32, i32) {
    %c0_i32 = arith.constant 0 : i32
    %c0_i32_0 = arith.constant 0 : i32
    return %arg0, %c0_i32 : i32, i32
  }
}

</mosaic_0001>

<sc_bundles>
// kernel: kernel.12.cloned.1.call-start
scs
__scs_entry_jumppad:
0x0: {  	(pc) =	sbr.rel $0x88, $3  }
0x1: {  	(tag) =	ssettag $0x0;
	lr =	simm.s32 $0x1  }
0x2: {  	[smem:$0x3F99] =	sst lr;
	_ =	strace $0xD0000000  }
0x3: {  	_ = 	snop  }
0x4: {  	_ = 	snop  }
0x5: {  	_ = 	snop  }
0x6: {  	_ = 	snop  }
0x7: {  	_ = 	snop  }
__scs_overlays_trampoline_lowered:
0x8: {  	[smem:$0x3FA8] =	sst s0  }
0x9: {  	[smem:$0x3FA9] =	sst s1  }
0xa: {  	[smem:$0x3FAA] =	sst s2  }
0xb: {  	[smem:$0x3FAB] =	sst s3  }
0xc: {  	[smem:$0x3FAC] =	sst s4  }
0xd: {  	[smem:$0x3FAD] =	sst s5  }
0xe: {  	[smem:$0x3FAE] =	sst s6  }
0xf: {  	[smem:$0x3FAF] =	sst s7  }
0x10: {  	[smem:$0x3FB0] =	sst s8  }
0x11: {  	[smem:$0x3FB1] =	sst s9;
	s0 =	simm.s32 @!p0 $0x0  }
0x12: {  	s1 =	sld [smem:$0x3F97];
	s0 =	simm.s32 @p0 $0x1  }
0x13: {  	[smem:$0x3FB2] =	sst s0;
	s0 =	simm.s32 @!p1 $0x0  }
0x14: {  	s2 =	sld [smem:$0x3F96];
	s0 =	simm.s32 @p1 $0x1  }
0x15: {  	[smem:$0x3FB3] =	sst s0;
	s0 =	simm.s32 @!p2 $0x0  }
0x16: {  	s3 =	sld [smem:$0x3FDB];
	s0 =	simm.s32 @p2 $0x1  }
0x17: {  	s4 =	simm.s32 $0x1BF5;
	[smem:$0x3FB5] =	sst s0  }
0x18: {  	s0 =	sld [smem:$0x3F98];
	_ =	swait.ge [sflag:s4], $0x0  }
0x19: {  	s7 =	sld [smem:$0x3F99]  }
0x1a: {  	s8 =	sadd.s32 $0xFFFFE003, lr  }
0x1b: {  	s9 =	sadd.s32 $0xFFFFFEF7, lr;
	s5 =	simm.s32 $0xFFFFFFFF;
	p2 =	slt.u32 s8, $0xFFFFF086  }
0x1c: {  	p1 =	slt.u32 s9, $0xF7A;
	s5 =	simm.s32 @!p2 $0x0  }
0x1d: {  	s5 =	simm.s32 @p1 $0x1;
	p0 =	seq.s32 s7, s2  }
0x1e: {  	s7 =	smul.u32 @!p0 $0xF7A, s2;
	p2 =	seq.s32 @!p0 s5, $0x0  }
0x1f: {  	s9 =	smul.u32 $0xF7A, s1;
	s8 =	simm.s32 @!p0 $0x1BF5;
	p2 =	por !p2, p0  }
0x20: {  	[sflag:s8] =	ssyncset.s32 @!p0 $0xFFFFF086;
	s6 =	sadd.s32 @!p0 s3, s7;
	s7 =	simm.s32 @!p0 $0x108  }
0x21: {  	s3 =	sadd.s32 s3, s9;
	s6 =	sadd.s32 @!p0 $0x88, s6;
	s7 =	simm.s32 @p2 $0x1082  }
0x22: {  	[simem:s7], [sflag:s8] =	dma.local @!p0 [hbm:s6], $0xF7A  }
0x23: {  	s9 =	sor.u32 $0xD0000000, s2;
	s6 =	simm.s32 $0x108;
	_ =	swait.ge @!p0 [sflag:s8], $0x0  }
0x24: {  	s3 =	sadd.s32 $0x88, s3;
	s6 =	simm.s32 @!p1 $0x1082;
	[sflag:s4] =	ssyncset.s32 $0xFFFFF086  }
0x25: {  	[simem:s6], [sflag:s4] =	dma.local [hbm:s3], $0xF7A  }
0x26: {  	[smem:$0x3F99] =	sst s1;
	(tag) =	ssettag s2;
	_ =	strace s9  }
0x27: {  	s1 =	sld [smem:$0x3FA9]  }
0x28: {  	s2 =	sld [smem:$0x3FAA]  }
0x29: {  	s4 =	sld [smem:$0x3FAC]  }
0x2a: {  	p0 =	seq.s32 s5, $0x0;
	s5 =	sld [smem:$0x3FAD]  }
0x2b: {  	s6 =	sld [smem:$0x3FAE]  }
0x2c: {  	s7 =	sld [smem:$0x3FAF]  }
0x2d: {  	s3 =	simm.s32 $0x108;
	s8 =	sld [smem:$0x3FB0]  }
0x2e: {  	s3 =	simm.s32 @!p0 $0x1082;
	s9 =	sld [smem:$0x3FB1]  }
0x2f: {  	lr =	sadd.s32 s0, s3;
	s0 =	sld [smem:$0x3FA8]  }
0x30: {  	s3 =	sld [smem:$0x3FAB]  }
0x31: {  	[smem:$0x3FB4] =	sst s10  }
0x32: {  	s10 =	sld [smem:$0x3FB2];
	_ =	sdelay $0x3  }
0x33: {  	p0 =	seq.s32 s10, $0x1;
	s10 =	sld [smem:$0x3FB4];
	_ =	sdelay $0x3  }
0x34: {  	[smem:$0x3FB4] =	sst s10  }
0x35: {  	s10 =	sld [smem:$0x3FB3];
	_ =	sdelay $0x3  }
0x36: {  	p1 =	seq.s32 s10, $0x1;
	s10 =	sld [smem:$0x3FB4];
	_ =	sdelay $0x3  }
0x37: {  	[smem:$0x3FB4] =	sst s10  }
0x38: {  	s10 =	sld [smem:$0x3FB5]  }
0x39: {  	_ = 	snop;
	(pc) =	sbr.ind lr, $3  }
0x3a: {  	_ = 	snop  }
0x3b: {  	_ = 	snop  }
0x3c: {  	p2 =	seq.s32 s10, $0x1;
	s10 =	sld [smem:$0x3FB4]  }
0x3d: {  	_ =	shalt  }
0x3e: {  	_ =	shalt  }
0x3f: {  	_ =	shalt  }
0x40: {  	_ =	shalt  }
0x41: {  	_ =	shalt  }
0x42: {  	_ =	shalt  }
0x43: {  	_ =	shalt  }
0x44: {  	_ =	shalt  }
0x45: {  	_ =	shalt  }
0x46: {  	_ =	shalt  }
0x47: {  	_ =	shalt  }
0x48: {  	_ =	shalt  }
0x49: {  	_ =	shalt  }
0x4a: {  	_ =	shalt  }
0x4b: {  	_ =	shalt  }
0x4c: {  	_ =	shalt  }
0x4d: {  	_ =	shalt  }
0x4e: {  	_ =	shalt  }
0x4f: {  	_ =	shalt  }
0x50: {  	_ =	shalt  }
0x51: {  	_ =	shalt  }
0x52: {  	_ =	shalt  }
0x53: {  	_ =	shalt  }
0x54: {  	_ =	shalt  }
0x55: {  	_ =	shalt  }
0x56: {  	_ =	shalt  }
0x57: {  	_ =	shalt  }
0x58: {  	_ =	shalt  }
0x59: {  	_ =	shalt  }
0x5a: {  	_ =	shalt  }
0x5b: {  	_ =	shalt  }
0x5c: {  	_ =	shalt  }
0x5d: {  	_ =	shalt  }
0x5e: {  	_ =	shalt  }
0x5f: {  	_ =	shalt  }
0x60: {  	_ =	shalt  }
0x61: {  	_ =	shalt  }
0x62: {  	_ =	shalt  }
0x63: {  	_ =	shalt  }
0x64: {  	_ =	shalt  }
0x65: {  	_ =	shalt  }
0x66: {  	_ =	shalt  }
0x67: {  	_ =	shalt  }
0x68: {  	_ =	shalt  }
0x69: {  	_ =	shalt  }
0x6a: {  	_ =	shalt  }
0x6b: {  	_ =	shalt  }
0x6c: {  	_ =	shalt  }
0x6d: {  	_ =	shalt  }
0x6e: {  	_ =	shalt  }
0x6f: {  	_ =	shalt  }
0x70: {  	_ =	shalt  }
0x71: {  	_ =	shalt  }
0x72: {  	_ =	shalt  }
0x73: {  	_ =	shalt  }
0x74: {  	_ =	shalt  }
0x75: {  	_ =	shalt  }
0x76: {  	_ =	shalt  }
0x77: {  	_ =	shalt  }
0x78: {  	_ =	shalt  }
0x79: {  	_ =	shalt  }
0x7a: {  	_ =	shalt  }
0x7b: {  	_ =	shalt  }
0x7c: {  	_ =	shalt  }
0x7d: {  	_ =	shalt  }
0x7e: {  	_ =	shalt  }
0x7f: {  	_ =	shalt  }
0x80: {  	_ =	shalt  }
0x81: {  	_ =	shalt  }
0x82: {  	_ =	shalt  }
0x83: {  	_ =	shalt  }
0x84: {  	_ =	shalt  }
0x85: {  	_ =	shalt  }
0x86: {  	_ =	shalt  }
0x87: {  	_ =	shalt  }
.Lfunc_end0:
.L_simem_size_0:
called_computation.1_lowered:
.L_overlay_start_0:
0x88: {  	s2 =	sld [smem:$0x3FD9]  }
0x89: {  	s3 =	sld [smem:$0x3FFE];
	_ =	sdelay $0x1  }
0x8a: {  	s1 =	srdreg.scid  }
0x8b: {  	s0 =	sand.u32 $0x1, s1  }
0x8c: {  	s16 =	sshll.u32 s0, $0xA;
	s2 =	sadd.s32 s3, s2  }
0x8d: {  	s2 =	sadd.s32 s2, s16  }
0x8e: {  	[smem:$0x3FC0] =	sst s2  }
0x8f: {  	_ = 	snop  }
0x90: {  	(tm) =	ssettm $0x1  }
0x91: {  	s17 =	sld [smem:$0x3FFB];
	_ =	sdelay $0x3  }
0x92: {  	_ =	strace s17  }
0x93: {  	s2 =	sld [smem:$0x3FFC];
	_ =	sdelay $0x3  }
0x94: {  	_ =	strace s2  }
0x95: {  	s2 =	sld [smem:$0x3FFD];
	_ =	sdelay $0x3  }
0x96: {  	_ =	strace s2  }
0x97: {  	_ =	strace $0x8FFFFFFF  }
0x98: {  	s18 =	sld [smem:$0x3FDB];
	_ =	sdelay $0x1  }
0x99: {  	s19 =	simm.s32 $_scs_section_size  }
0x9a: {  	s4 =	simm.s32 $_size__tile_overlayer_lowered;
	s5 =	simm.s32 $_tile_overlayer_lowered  }
0x9b: {  	s22 =	simm.s32 $0x1BFF;
	s21 =	sshll.u32 s5, $0x1;
	s2 =	sadd.s32 s19, s18  }
0x9c: {  	s6 =	simm.s32 $0x0;
	s20 =	sshll.u32 s4, $0x1;
	s4 =	sadd.s32 s21, s2  }
0x9d: {  	[timem:s6], [sflag:s22] =	dma.local [hbm:s4], s20  }
0x9e: {  	_ =	swait.ge [sflag:s22], s20  }
0x9f: {  	s3 =	ssub.s32 $0x0, s20;
	[sflag:s22] =	ssyncset.done $0x0  }
0xa0: {  	[sflag:s22] =	ssyncadd.s32 s3;
	_ =	sdelay $0x1  }
0xa1: {  	s23 =	simm.s32 $0x1B8B  }
0xa2: {  	_ =	swait.ge [sflag:s23], $0x1  }
0xa3: {  	[sflag:s23] =	ssyncset.done $0x0  }
0xa4: {  	s25 =	simm.s32 $0x1B8E;
	s24 =	sld [smem:$0x3FFE];
	[sflag:s23] =	ssyncadd.s32 $0xFFFFFFFF  }
0xa5: {  	s26 =	simm.s32 $execute0_lowered;
	[smem:$0x3FD2] =	sst s25  }
0xa6: {  	s4 =	sshll.u32 s26, $0x1;
	_ =	strace $0x80000049;
	[dreg:$0x1] =	wrdreg $0xFFFFFFFF  }
0xa7: {  	s28 =	simm.s32 $_size_execute0_lowered;
	s2 =	sadd.s32 s2, s4;
	[dreg:$0x0] =	wrdreg $0x0  }
0xa8: {  	s4 =	sshll.u32 s28, $0x1;
	[dreg:$0x2] =	wrdreg s2  }
0xa9: {  	[dreg:$0x3] =	wrdreg s4  }
0xaa: {  	[dreg:$0x4] =	wrdreg $0xC0  }
0xab: {  	_ =	task [dreg:s6], $0x5FFFF  }
0xac: {  	[dreg:$0x1] =	wrdreg $0xFFFFFFFF  }
0xad: {  	[dreg:$0x0] =	wrdreg $0x60  }
0xae: {  	[dreg:$0x2] =	wrdreg s24  }
0xaf: {  	[dreg:$0x3] =	wrdreg $0x154000  }
0xb0: {  	[dreg:$0x4] =	wrdreg $0x9  }
0xb1: {  	_ =	task.clear_ibuf [dreg:s6], $0x5FFFF;
	_ =	strace $0x90000049  }
0xb2: {  	s29 =	simm.s32 $0x9;
	_ =	strace $0x8000004B  }
0xb3: {  	_ =	swait.ge [sflag:s29], $0x1  }
0xb4: {  	[sflag:s29] =	ssyncadd.s32 $0xFFFFFFFF  }
0xb5: {  	_ =	strace $0x9000004B  }
0xb6: {  	_ =	sfence  }
0xb7: {  	s30 =	sld [smem:$0x0];
	_ =	sdelay $0x2  }
0xb8: {  	s31 =	sshll.u32 s1, $0xD;
	s1 =	sshrl.u32 s1, $0x2  }
0xb9: {  	s3 =	sand.u32 $0x4000, s31;
	s1 =	sadd.s32 s1, s30  }
0xba: {  	s0 =	sor.u32 s3, s0;
	s1 =	sshll.u32 s1, $0x11  }
0xbb: {  	s0 =	sor.u32 s1, s0  }
0xbc: {  	s0 =	sadd.s32 $0x8F2B, s0  }
0xbd: {  	[sflag:s0] =	ssyncadd.remote.s32 $0x1  }
0xbe: {  	_ =	sfence.sel $0xFFFF  }
0xbf: {  	[dreg:$0x0] =	wrdreg $0xFFFFFFFF;
	(pc) =	sbr.abs _section_cstart, $3  }
0xc0: {  	[dreg:$0x1] =	wrdreg $0xFFFFFFFF  }
0xc1: {  	_ =	task.clear_ibuf [dreg:s6], $0x2FFFF;
	_ =	strace $0x9FFFFFFF  }
0xc2: {  	(tm) =	ssettm $0x7FFFFFFF  }
0xc3: {  	_ =	shalt  }
tec
execute0_lowered:
.L_overlay_start_1:
0x0: {  	(tag) =	ssettag $0x1  }
0x1: {  	s5 =	rddreg [dreg:$0x0]  }
0x2: {  	s2 =	rddreg [dreg:$0x1]  }
0x3: {  	s0 =	stileid.u32;
	s4 =	srdreg.scid  }
0x4: {  	s3 =	simm.s32 $0x0;
	s19 =	simm.s32 $0x80;
	s20 =	simm.s32 $0xA000  }
0x5: {  	s21 =	simm.s32 $0xE000;
	s22 =	simm.s32 $0x1;
	s6 =	smul.u32 $0x5000, s0  }
0x6: {  	s28 =	simm.s32 $0x0;
	s7 =	sand.u32 $0x1, s4;
	s24 =	smul.u32 $0x27000, s0  }
0x7: {  	[smem:$0x7FF] =	sst s3;
	s4 =	sadd.s32 $0x21C00, s5;
	s12 =	smul.u32 $0x9C00, s0  }
0x8: {  	s14 =	sadd.s32 $0x48E00, s5;
	p0 =	sne.s32 s0, $0xF;
	s9 =	smul.u32 $0x50000, s7  }
0x9: {  	_ =	strace $0x8000004A;
	s23 =	ssub.s32 $0x2, s7;
	s17 =	smul.u32 $0x9C400, s7  }
0xa: {  	s8 =	sshrl.u32 s6, $0x3;
	s11 =	sshrl.u32 s23, $0x1;
	s25 =	sshrl.u32 s24, $0x2  }
0xb: {  	s16 =	sadd.s32 $0x3400, s12;
	s18 =	sadd.s32 $0x6800, s12;
	s24 =	simm.s32 $0x4F80  }
0xc: {  	s10 =	sadd.s32 s8, s5;
	s6 =	sadd.s32 s6, s9;
	s15 =	ssub.s32 s23, s11  }
0xd: {  	s7 =	sadd.s32 s18, s2;
	s8 =	sadd.s32 $0x9C000, s2;
	s26 =	sadd.s32 s12, s17  }
0xe: {  	s29 =	sadd.s32 s17, s16;
	s30 =	sadd.s32 s17, s18;
	s31 =	sshrl.u32 s17, $0x3  }
0xf: {  	s17 =	simm.s32 $0x3;
	s18 =	simm.s32 $0x5000;
	s23 =	simm.s32 $0x2  }
0x10: {  	s6 =	sshrl.u32 s6, $0x3;
	s9 =	sadd.s32 $0x3C00, s10;
	s11 =	sshrl.u32 s26, $0x3  }
0x11: {  	s12 =	sshrl.u32 s29, $0x3;
	s15 =	smax.u32 s15, $0x1;
	s26 =	simm.s32 $0x9F80  }
0x12: {  	s13 =	sadd.s32 s6, s5;
	s5 =	sadd.s32 s25, s2;
	s6 =	sadd.s32 s16, s2  }
0x13: {  	s11 =	sadd.s32 s14, s11;
	s10 =	sadd.s32 $0xDC00, s13;
	s13 =	sshrl.u32 s30, $0x3  }
0x14: {  	s12 =	sadd.s32 s14, s12;
	s13 =	sadd.s32 s14, s13;
	s14 =	sadd.s32 s14, s31  }
0x15: {  	v0 =	vimm.f32 $0.0e+00;
	s16 =	simm.s32 $0x12000;
	s25 =	simm.s32 $0x9F00;
	s14 =	sadd.s32 $0x13800, s14  }
.LBB2_1:
0x16: {  	s29 =	simm.s32 $0x0;
	s30 =	simm.s32 $0x200  }
.LBB2_2:
0x17: {  	p1 =	sne.s32 s30, $0xCE00;
	[tilespmem:s29+$0x12070] =	vst v0  }
0x18: {  	[tilespmem:s29+$0x12000] =	vst v0  }
0x19: {  	[tilespmem:s29+$0x12010] =	vst v0  }
.Ltmp0:
0x1a: {  	[tilespmem:s29+$0x12020] =	vst v0;
	(pc) =	sbr.rel @p1 .LBB2_2-.Ltmp0, $4  }
0x1b: {  	[tilespmem:s29+$0x12030] =	vst v0  }
0x1c: {  	[tilespmem:s29+$0x12040] =	vst v0  }
0x1d: {  	[tilespmem:s29+$0x12050] =	vst v0  }
0x1e: {  	[tilespmem:s29+$0x12060] =	vst v0;
	s29 =	sshra.s32 s30, $0x2;
	s30 =	sadd.s32 $0x200, s30  }
0x1f: {  	[tilespmem:s29+$0x12070] =	vst v0  }
0x20: {  	[tilespmem:s29+$0x12000] =	vst v0  }
0x21: {  	[tilespmem:s29+$0x12010] =	vst v0  }
0x22: {  	[tilespmem:s29+$0x12020] =	vst v0  }
0x23: {  	[tilespmem:s29+$0x12030] =	vst v0  }
0x24: {  	[tilespmem:s29+$0x12040] =	vst v0  }
0x25: {  	[tilespmem:s29+$0x12050] =	vst v0  }
0x26: {  	[tilespmem:s29+$0x12060] =	vst v0  }
0x27: {  	[spmem:s5] =	stream.linear.scatter [tilespmem:s16], [sflag:$0x3], $0x3400, $0x38;
	[tilespmem:$0x1F440] =	vst v63  }
0x28: {  	_ =	swait.ge [sflag:s17], $0x3400  }
0x29: {  	[sflag:s17] =	ssyncset.done $0x0  }
0x2a: {  	[sflag:s17] =	ssyncadd.s32 $0xFFFFCC00  }
0x2b: {  	[spmem:s6] =	stream.linear.scatter [tilespmem:s16], [sflag:$0x3], $0x3400, $0x38;
	[tilespmem:$0x1F440] =	vst v63  }
0x2c: {  	_ =	swait.ge [sflag:s17], $0x3400  }
0x2d: {  	[sflag:s17] =	ssyncset.done $0x0  }
0x2e: {  	[sflag:s17] =	ssyncadd.s32 $0xFFFFCC00  }
0x2f: {  	[spmem:s7] =	stream.linear.scatter [tilespmem:s16], [sflag:$0x3], $0x3400, $0x38;
	[tilespmem:$0x1F440] =	vst v63  }
0x30: {  	_ =	swait.ge [sflag:s17], $0x3400  }
0x31: {  	[sflag:s17] =	ssyncset.done $0x0  }
0x32: {  	s29 =	simm.s32 @!p0 $0x12000;
	[sflag:s17] =	ssyncadd.s32 $0xFFFFCC00  }
0x33: {  	[spmem:s8] =	stream.linear.scatter @!p0 [tilespmem:s29], [sflag:$0x3], $0x800, $0x38;
	[tilespmem:$0x1F440] =	vst v63  }
0x34: {  	s29 =	simm.s32 @!p0 $0x3  }
0x35: {  	_ =	swait.ge @!p0 [sflag:s29], $0x800  }
0x36: {  	[sflag:s29] =	ssyncset.done @!p0 $0x0  }
0x37: {  	[sflag:s29] =	ssyncadd.s32 @!p0 $0xFFFFF800;
	s29 =	simm.s32 $0x0  }
0x38: {  	[tilespmem:s29], [sflag:$0x3] =	stream.linear.gather [hbm4b:s9+s29], $0x5000, $0x38;
	[tilespmem:$0x1F440] =	vst v63  }
0x39: {  	_ =	swait.ge [sflag:s17], $0x5000  }
0x3a: {  	[sflag:s17] =	ssyncset.done $0x0  }
0x3b: {  	[sflag:s17] =	ssyncadd.s32 $0xFFFFB000  }
0x3c: {  	[tilespmem:s18], [sflag:$0x3] =	stream.linear.gather [hbm4b:s10+s29], $0x5000, $0x38;
	[tilespmem:$0x1F440] =	vst v63  }
0x3d: {  	_ =	swait.ge [sflag:s17], $0x5000  }
0x3e: {  	[sflag:s17] =	ssyncset.done $0x0  }
0x3f: {  	[sflag:s17] =	ssyncadd.s32 $0xFFFFB000  }
0x40: {  	[bflag:$0x0] =	sbarrier.arrive $0xFFFF  }
0x41: {  	[tilespmem:s20], [sflag:$0x1] =	stream.indirect.gather [hbm4b:s4+s19], $0x80, s29, s19, $0xb8;
	[tilespmem:$0x1F440] =	vst v63  }
0x42: {  	s29 =	simm.s32 $0x80  }
0x43: {  	[tilespmem:s21], [sflag:$0x2] =	stream.indirect.gather [hbm4b:s4+s19], $0x80, s29, s19, $0xb8;
	[tilespmem:$0x1F440] =	vst v63  }
0x44: {  	_ =	swait.ge [sflag:s22], $0x4000  }
0x45: {  	[sflag:s22] =	ssyncset.done $0x0  }
0x46: {  	s29 =	simm.s32 $0x5000;
	[sflag:s22] =	ssyncadd.s32 $0xFFFFC000  }
0x47: {  	[spmem:s2] =	stream.indirect.scatter.add.f32 [tilespmem:s20], [sflag:$0x3], $0x80, s29, s19, $0xb8;
	[tilespmem:$0x1F440] =	vst v63  }
0x48: {  	_ =	swait.ge [sflag:s17], $0x4000  }
0x49: {  	[sflag:s17] =	ssyncset.done $0x0  }
0x4a: {  	s29 =	simm.s32 $0x100;
	[sflag:s17] =	ssyncadd.s32 $0xFFFFC000  }
0x4b: {  	[tilespmem:s20], [sflag:$0x1] =	stream.indirect.gather [hbm4b:s4+s19], $0x80, s29, s19, $0xb8;
	[tilespmem:$0x1F440] =	vst v63  }
0x4c: {  	_ =	swait.ge [sflag:s23], $0x4000  }
0x4d: {  	[sflag:s23] =	ssyncset.done $0x0  }
0x4e: {  	s29 =	simm.s32 $0x5080;
	[sflag:s23] =	ssyncadd.s32 $0xFFFFC000  }
0x4f: {  	[spmem:s2] =	stream.indirect.scatter.add.f32 [tilespmem:s21], [sflag:$0x3], $0x80, s29, s19, $0xb8;
	[tilespmem:$0x1F440] =	vst v63  }
0x50: {  	_ =	swait.ge [sflag:s17], $0x4000  }
0x51: {  	s30 =	simm.s32 $0x800;
	s29 =	simm.s32 $0x100;
	[sflag:s17] =	ssyncset.done $0x0  }
.LBB2_4:
0x52: {  	s31 =	sadd.s32 $0x80, s29  }
0x53: {  	[sflag:s17] =	ssyncadd.s32 $0xFFFFC000;
	s1 =	smov.u32 s30;
	s0 =	sadd.s32 $0x400, s30  }
0x54: {  	[tilespmem:s21], [sflag:$0x2] =	stream.indirect.gather [hbm4b:s4+s19], $0x80, s31, s19, $0xb8;
	[tilespmem:$0x1F440] =	vst v63  }
0x55: {  	p1 =	sne.s32 s30, $0x13800;
	_ =	swait.ge [sflag:s22], $0x4000  }
0x56: {  	[sflag:s22] =	ssyncset.done $0x0  }
0x57: {  	s30 =	sadd.s32 $0x5000, s29;
	[sflag:s22] =	ssyncadd.s32 $0xFFFFC000  }
0x58: {  	[spmem:s2] =	stream.indirect.scatter.add.f32 [tilespmem:s20], [sflag:$0x3], $0x80, s30, s19, $0xb8;
	[tilespmem:$0x1F440] =	vst v63  }
0x59: {  	_ =	swait.ge [sflag:s17], $0x4000  }
0x5a: {  	[sflag:s17] =	ssyncset.done $0x0  }
0x5b: {  	s30 =	sadd.s32 $0x100, s29;
	[sflag:s17] =	ssyncadd.s32 $0xFFFFC000  }
0x5c: {  	[tilespmem:s20], [sflag:$0x1] =	stream.indirect.gather [hbm4b:s4+s19], $0x80, s30, s19, $0xb8;
	[tilespmem:$0x1F440] =	vst v63  }
0x5d: {  	_ =	swait.ge [sflag:s23], $0x4000  }
.Ltmp1:
0x5e: {  	[sflag:s23] =	ssyncset.done $0x0;
	(pc) =	sbr.rel @p1 .LBB2_4-.Ltmp1, $4  }
0x5f: {  	s29 =	sadd.s32 $0x5080, s29;
	[sflag:s23] =	ssyncadd.s32 $0xFFFFC000  }
0x60: {  	[spmem:s2] =	stream.indirect.scatter.add.f32 [tilespmem:s21], [sflag:$0x3], $0x80, s29, s19, $0xb8;
	[tilespmem:$0x1F440] =	vst v63  }
0x61: {  	_ =	swait.ge [sflag:s17], $0x4000  }
0x62: {  	s30 =	smov.u32 s0;
	s29 =	sshra.s32 s1, $0x2;
	[sflag:s17] =	ssyncset.done $0x0  }
0x63: {  	s0 =	sadd.s32 $0x80, s29;
	[sflag:s17] =	ssyncadd.s32 $0xFFFFC000  }
0x64: {  	[tilespmem:s21], [sflag:$0x2] =	stream.indirect.gather [hbm4b:s4+s19], $0x80, s0, s19, $0xb8;
	[tilespmem:$0x1F440] =	vst v63  }
0x65: {  	_ =	swait.ge [sflag:s22], $0x4000  }
0x66: {  	[sflag:s22] =	ssyncset.done $0x0  }
0x67: {  	s1 =	sadd.s32 $0x5000, s29;
	[sflag:s22] =	ssyncadd.s32 $0xFFFFC000  }
0x68: {  	[spmem:s2] =	stream.indirect.scatter.add.f32 [tilespmem:s20], [sflag:$0x3], $0x80, s1, s19, $0xb8;
	[tilespmem:$0x1F440] =	vst v63  }
0x69: {  	_ =	swait.ge [sflag:s17], $0x4000  }
0x6a: {  	[sflag:s17] =	ssyncset.done $0x0  }
0x6b: {  	s30 =	sadd.s32 $0x100, s29;
	[sflag:s17] =	ssyncadd.s32 $0xFFFFC000  }
0x6c: {  	[tilespmem:s20], [sflag:$0x1] =	stream.indirect.gather [hbm4b:s4+s19], $0x80, s30, s19, $0xb8;
	[tilespmem:$0x1F440] =	vst v63  }
0x6d: {  	_ =	swait.ge [sflag:s23], $0x4000  }
0x6e: {  	[sflag:s23] =	ssyncset.done $0x0  }
0x6f: {  	s31 =	sadd.s32 $0x5080, s29;
	[sflag:s23] =	ssyncadd.s32 $0xFFFFC000  }
0x70: {  	[spmem:s2] =	stream.indirect.scatter.add.f32 [tilespmem:s21], [sflag:$0x3], $0x80, s31, s19, $0xb8;
	[tilespmem:$0x1F440] =	vst v63  }
0x71: {  	_ =	swait.ge [sflag:s17], $0x4000  }
0x72: {  	[sflag:s17] =	ssyncset.done $0x0  }
0x73: {  	[sflag:s17] =	ssyncadd.s32 $0xFFFFC000  }
0x74: {  	[tilespmem:s21], [sflag:$0x2] =	stream.indirect.gather [hbm4b:s4+s19], $0x80, s24, s19, $0xb8;
	[tilespmem:$0x1F440] =	vst v63  }
0x75: {  	_ =	swait.ge [sflag:s22], $0x4000  }
0x76: {  	[sflag:s22] =	ssyncset.done $0x0  }
0x77: {  	[sflag:s22] =	ssyncadd.s32 $0xFFFFC000  }
0x78: {  	[spmem:s2] =	stream.indirect.scatter.add.f32 [tilespmem:s20], [sflag:$0x3], $0x80, s25, s19, $0xb8;
	[tilespmem:$0x1F440] =	vst v63  }
0x79: {  	_ =	swait.ge [sflag:s17], $0x4000  }
0x7a: {  	[sflag:s17] =	ssyncset.done $0x0  }
0x7b: {  	[sflag:s17] =	ssyncadd.s32 $0xFFFFC000  }
0x7c: {  	_ =	swait.ge [sflag:s23], $0x4000  }
0x7d: {  	[sflag:s23] =	ssyncset.done $0x0  }
0x7e: {  	[sflag:s23] =	ssyncadd.s32 $0xFFFFC000  }
0x7f: {  	[spmem:s2] =	stream.indirect.scatter.add.f32 [tilespmem:s21], [sflag:$0x3], $0x80, s26, s19, $0xb8;
	[tilespmem:$0x1F440] =	vst v63  }
0x80: {  	_ =	swait.ge [sflag:s17], $0x4000  }
0x81: {  	[sflag:s17] =	ssyncset.done $0x0  }
0x82: {  	[sflag:s17] =	ssyncadd.s32 $0xFFFFC000  }
0x83: {  	[bflag:$0x0] =	sbarrier.arrive $0xFFFF  }
0x84: {  	[tilespmem:s16], [sflag:$0x3] =	stream.linear.gather [spmem:s5], $0x3400, $0x38;
	[tilespmem:$0x1F440] =	vst v63  }
0x85: {  	_ =	swait.ge [sflag:s17], $0x3400  }
0x86: {  	[sflag:s17] =	ssyncset.done $0x0  }
0x87: {  	[sflag:s17] =	ssyncadd.s32 $0xFFFFCC00  }
0x88: {  	[hbm4b:s11+s3] =	stream.linear.scatter [tilespmem:s16], [sflag:$0x3], $0x3400, $0x38;
	[tilespmem:$0x1F440] =	vst v63  }
0x89: {  	_ =	swait.ge [sflag:s17], $0x3400  }
0x8a: {  	[sflag:s17] =	ssyncset.done $0x0  }
0x8b: {  	[sflag:s17] =	ssyncadd.s32 $0xFFFFCC00  }
0x8c: {  	[tilespmem:s16], [sflag:$0x3] =	stream.linear.gather [spmem:s6], $0x3400, $0x38;
	[tilespmem:$0x1F440] =	vst v63  }
0x8d: {  	_ =	swait.ge [sflag:s17], $0x3400  }
0x8e: {  	[sflag:s17] =	ssyncset.done $0x0  }
0x8f: {  	[sflag:s17] =	ssyncadd.s32 $0xFFFFCC00  }
0x90: {  	[hbm4b:s12+s3] =	stream.linear.scatter [tilespmem:s16], [sflag:$0x3], $0x3400, $0x38;
	[tilespmem:$0x1F440] =	vst v63  }
0x91: {  	_ =	swait.ge [sflag:s17], $0x3400  }
0x92: {  	[sflag:s17] =	ssyncset.done $0x0  }
0x93: {  	[sflag:s17] =	ssyncadd.s32 $0xFFFFCC00  }
0x94: {  	[tilespmem:s16], [sflag:$0x3] =	stream.linear.gather [spmem:s7], $0x3400, $0x38;
	[tilespmem:$0x1F440] =	vst v63  }
0x95: {  	_ =	swait.ge [sflag:s17], $0x3400  }
0x96: {  	[sflag:s17] =	ssyncset.done $0x0  }
0x97: {  	[sflag:s17] =	ssyncadd.s32 $0xFFFFCC00  }
0x98: {  	[hbm4b:s13+s3] =	stream.linear.scatter [tilespmem:s16], [sflag:$0x3], $0x3400, $0x38;
	[tilespmem:$0x1F440] =	vst v63  }
0x99: {  	_ =	swait.ge [sflag:s17], $0x3400  }
0x9a: {  	[sflag:s17] =	ssyncset.done $0x0  }
0x9b: {  	s0 =	simm.s32 @!p0 $0x12000;
	s1 =	simm.s32 @!p0 $0x3;
	[sflag:s17] =	ssyncadd.s32 $0xFFFFCC00  }
0x9c: {  	[tilespmem:s0], [sflag:$0x3] =	stream.linear.gather @!p0 [spmem:s8], $0x400, $0x38;
	[tilespmem:$0x1F440] =	vst v63  }
0x9d: {  	s28 =	sadd.s32 $0x1, s28;
	_ =	swait.ge @!p0 [sflag:s1], $0x400  }
0x9e: {  	p1 =	sne.s32 s28, s15;
	[sflag:s1] =	ssyncset.done @!p0 $0x0  }
.Ltmp2:
0x9f: {  	s29 =	simm.s32 @!p0 $0x0;
	[sflag:s1] =	ssyncadd.s32 @!p0 $0xFFFFFC00;
	(pc) =	sbr.rel @p1 .LBB2_1-.Ltmp2, $4  }
0xa0: {  	[hbm4b:s14+s29] =	stream.linear.scatter @!p0 [tilespmem:s0], [sflag:$0x3], $0x400, $0x38;
	[tilespmem:$0x1F440] =	vst v63  }
0xa1: {  	_ =	swait.ge @!p0 [sflag:s1], $0x400  }
0xa2: {  	[sflag:s1] =	ssyncset.done @!p0 $0x0  }
0xa3: {  	[sflag:s1] =	ssyncadd.s32 @!p0 $0xFFFFFC00  }
0xa4: {  	_ =	sfence.sel $0x180000  }
0xa5: {  	[bflag:$0x0] =	sbarrier.arrive $0xFFFF  }
0xa6: {  	_ =	strace $0x9000004A  }
0xa7: {  	s0 =	stileid.u32;
	[bflag:$0x2] =	sbarrier.arrive $0xFFFF  }
0xa8: {  	p0 =	sne.s32 s0, $0x0;
	s0 =	rddreg [dreg:$0x2]  }
0xa9: {  	s0 =	sadd.s32 @!p0 $0x100000, s0  }
0xaa: {  	[sflag:s0] =	ssyncadd.tile.s32 @!p0 $0x1;
	_ =	shalt  }
.Lfunc_end2:
_tile_overlayer_lowered:
.L_overlay_start_2:
0xab: {  	(tag) =	ssettag $0x2  }
0xac: {  	s0 =	rddreg [dreg:$0x0];
	s2 =	stileid.u32  }
0xad: {  	s1 =	rddreg [dreg:$0x1];
	p0 =	sne.s32 s2, $0x0  }
0xae: {  	s3 =	rddreg [dreg:$0x2];
	[bflag:$0x3] =	sbarrier.arrive $0xFFFF;
	s2 =	simm.s32 @!p0 $0x1C03  }
0xaf: {  	[timem:s3], [sflag:s2] =	dma.local @!p0 [hbm:s0], s1  }
0xb0: {  	s0 =	simm.s32 @!p0 $0x3  }
0xb1: {  	_ =	swait.ge @!p0 [sflag:s0], s1  }
0xb2: {  	s1 =	ssub.s32 @!p0 $0x0, s1;
	[sflag:s0] =	ssyncset.done @!p0 $0x0  }
0xb3: {  	[sflag:s0] =	ssyncadd.s32 @!p0 s1  }
0xb4: {  	[bflag:$0x3] =	sbarrier.arrive $0xFFFF  }
0xb5: {  	_ =	shalt  }

// kernel: kernel.15.cloned.1.call-start
scs
__scs_entry_jumppad:
0x0: {  	(pc) =	sbr.rel $0x88, $3  }
0x1: {  	(tag) =	ssettag $0x0;
	lr =	simm.s32 $0x1  }
0x2: {  	[smem:$0x3F99] =	sst lr;
	_ =	strace $0xD0000000  }
0x3: {  	_ = 	snop  }
0x4: {  	_ = 	snop  }
0x5: {  	_ = 	snop  }
0x6: {  	_ = 	snop  }
0x7: {  	_ = 	snop  }
__scs_overlays_trampoline_lowered:
0x8: {  	[smem:$0x3FA8] =	sst s0  }
0x9: {  	[smem:$0x3FA9] =	sst s1  }
0xa: {  	[smem:$0x3FAA] =	sst s2  }
0xb: {  	[smem:$0x3FAB] =	sst s3  }
0xc: {  	[smem:$0x3FAC] =	sst s4  }
0xd: {  	[smem:$0x3FAD] =	sst s5  }
0xe: {  	[smem:$0x3FAE] =	sst s6  }
0xf: {  	[smem:$0x3FAF] =	sst s7  }
0x10: {  	[smem:$0x3FB0] =	sst s8  }
0x11: {  	[smem:$0x3FB1] =	sst s9;
	s0 =	simm.s32 @!p0 $0x0  }
0x12: {  	s1 =	sld [smem:$0x3F97];
	s0 =	simm.s32 @p0 $0x1  }
0x13: {  	[smem:$0x3FB2] =	sst s0;
	s0 =	simm.s32 @!p1 $0x0  }
0x14: {  	s2 =	sld [smem:$0x3F96];
	s0 =	simm.s32 @p1 $0x1  }
0x15: {  	[smem:$0x3FB3] =	sst s0;
	s0 =	simm.s32 @!p2 $0x0  }
0x16: {  	s3 =	sld [smem:$0x3FDB];
	s0 =	simm.s32 @p2 $0x1  }
0x17: {  	s4 =	simm.s32 $0x1BF5;
	[smem:$0x3FB5] =	sst s0  }
0x18: {  	s0 =	sld [smem:$0x3F98];
	_ =	swait.ge [sflag:s4], $0x0  }
0x19: {  	s7 =	sld [smem:$0x3F99]  }
0x1a: {  	s8 =	sadd.s32 $0xFFFFE003, lr  }
0x1b: {  	s9 =	sadd.s32 $0xFFFFFEF7, lr;
	s5 =	simm.s32 $0xFFFFFFFF;
	p2 =	slt.u32 s8, $0xFFFFF086  }
0x1c: {  	p1 =	slt.u32 s9, $0xF7A;
	s5 =	simm.s32 @!p2 $0x0  }
0x1d: {  	s5 =	simm.s32 @p1 $0x1;
	p0 =	seq.s32 s7, s2  }
0x1e: {  	s7 =	smul.u32 @!p0 $0xF7A, s2;
	p2 =	seq.s32 @!p0 s5, $0x0  }
0x1f: {  	s9 =	smul.u32 $0xF7A, s1;
	s8 =	simm.s32 @!p0 $0x1BF5;
	p2 =	por !p2, p0  }
0x20: {  	[sflag:s8] =	ssyncset.s32 @!p0 $0xFFFFF086;
	s6 =	sadd.s32 @!p0 s3, s7;
	s7 =	simm.s32 @!p0 $0x108  }
0x21: {  	s3 =	sadd.s32 s3, s9;
	s6 =	sadd.s32 @!p0 $0x88, s6;
	s7 =	simm.s32 @p2 $0x1082  }
0x22: {  	[simem:s7], [sflag:s8] =	dma.local @!p0 [hbm:s6], $0xF7A  }
0x23: {  	s9 =	sor.u32 $0xD0000000, s2;
	s6 =	simm.s32 $0x108;
	_ =	swait.ge @!p0 [sflag:s8], $0x0  }
0x24: {  	s3 =	sadd.s32 $0x88, s3;
	s6 =	simm.s32 @!p1 $0x1082;
	[sflag:s4] =	ssyncset.s32 $0xFFFFF086  }
0x25: {  	[simem:s6], [sflag:s4] =	dma.local [hbm:s3], $0xF7A  }
0x26: {  	[smem:$0x3F99] =	sst s1;
	(tag) =	ssettag s2;
	_ =	strace s9  }
0x27: {  	s1 =	sld [smem:$0x3FA9]  }
0x28: {  	s2 =	sld [smem:$0x3FAA]  }
0x29: {  	s4 =	sld [smem:$0x3FAC]  }
0x2a: {  	p0 =	seq.s32 s5, $0x0;
	s5 =	sld [smem:$0x3FAD]  }
0x2b: {  	s6 =	sld [smem:$0x3FAE]  }
0x2c: {  	s7 =	sld [smem:$0x3FAF]  }
0x2d: {  	s3 =	simm.s32 $0x108;
	s8 =	sld [smem:$0x3FB0]  }
0x2e: {  	s3 =	simm.s32 @!p0 $0x1082;
	s9 =	sld [smem:$0x3FB1]  }
0x2f: {  	lr =	sadd.s32 s0, s3;
	s0 =	sld [smem:$0x3FA8]  }
0x30: {  	s3 =	sld [smem:$0x3FAB]  }
0x31: {  	[smem:$0x3FB4] =	sst s10  }
0x32: {  	s10 =	sld [smem:$0x3FB2];
	_ =	sdelay $0x3  }
0x33: {  	p0 =	seq.s32 s10, $0x1;
	s10 =	sld [smem:$0x3FB4];
	_ =	sdelay $0x3  }
0x34: {  	[smem:$0x3FB4] =	sst s10  }
0x35: {  	s10 =	sld [smem:$0x3FB3];
	_ =	sdelay $0x3  }
0x36: {  	p1 =	seq.s32 s10, $0x1;
	s10 =	sld [smem:$0x3FB4];
	_ =	sdelay $0x3  }
0x37: {  	[smem:$0x3FB4] =	sst s10  }
0x38: {  	s10 =	sld [smem:$0x3FB5]  }
0x39: {  	_ = 	snop;
	(pc) =	sbr.ind lr, $3  }
0x3a: {  	_ = 	snop  }
0x3b: {  	_ = 	snop  }
0x3c: {  	p2 =	seq.s32 s10, $0x1;
	s10 =	sld [smem:$0x3FB4]  }
0x3d: {  	_ =	shalt  }
0x3e: {  	_ =	shalt  }
0x3f: {  	_ =	shalt  }
0x40: {  	_ =	shalt  }
0x41: {  	_ =	shalt  }
0x42: {  	_ =	shalt  }
0x43: {  	_ =	shalt  }
0x44: {  	_ =	shalt  }
0x45: {  	_ =	shalt  }
0x46: {  	_ =	shalt  }
0x47: {  	_ =	shalt  }
0x48: {  	_ =	shalt  }
0x49: {  	_ =	shalt  }
0x4a: {  	_ =	shalt  }
0x4b: {  	_ =	shalt  }
0x4c: {  	_ =	shalt  }
0x4d: {  	_ =	shalt  }
0x4e: {  	_ =	shalt  }
0x4f: {  	_ =	shalt  }
0x50: {  	_ =	shalt  }
0x51: {  	_ =	shalt  }
0x52: {  	_ =	shalt  }
0x53: {  	_ =	shalt  }
0x54: {  	_ =	shalt  }
0x55: {  	_ =	shalt  }
0x56: {  	_ =	shalt  }
0x57: {  	_ =	shalt  }
0x58: {  	_ =	shalt  }
0x59: {  	_ =	shalt  }
0x5a: {  	_ =	shalt  }
0x5b: {  	_ =	shalt  }
0x5c: {  	_ =	shalt  }
0x5d: {  	_ =	shalt  }
0x5e: {  	_ =	shalt  }
0x5f: {  	_ =	shalt  }
0x60: {  	_ =	shalt  }
0x61: {  	_ =	shalt  }
0x62: {  	_ =	shalt  }
0x63: {  	_ =	shalt  }
0x64: {  	_ =	shalt  }
0x65: {  	_ =	shalt  }
0x66: {  	_ =	shalt  }
0x67: {  	_ =	shalt  }
0x68: {  	_ =	shalt  }
0x69: {  	_ =	shalt  }
0x6a: {  	_ =	shalt  }
0x6b: {  	_ =	shalt  }
0x6c: {  	_ =	shalt  }
0x6d: {  	_ =	shalt  }
0x6e: {  	_ =	shalt  }
0x6f: {  	_ =	shalt  }
0x70: {  	_ =	shalt  }
0x71: {  	_ =	shalt  }
0x72: {  	_ =	shalt  }
0x73: {  	_ =	shalt  }
0x74: {  	_ =	shalt  }
0x75: {  	_ =	shalt  }
0x76: {  	_ =	shalt  }
0x77: {  	_ =	shalt  }
0x78: {  	_ =	shalt  }
0x79: {  	_ =	shalt  }
0x7a: {  	_ =	shalt  }
0x7b: {  	_ =	shalt  }
0x7c: {  	_ =	shalt  }
0x7d: {  	_ =	shalt  }
0x7e: {  	_ =	shalt  }
0x7f: {  	_ =	shalt  }
0x80: {  	_ =	shalt  }
0x81: {  	_ =	shalt  }
0x82: {  	_ =	shalt  }
0x83: {  	_ =	shalt  }
0x84: {  	_ =	shalt  }
0x85: {  	_ =	shalt  }
0x86: {  	_ =	shalt  }
0x87: {  	_ =	shalt  }
.Lfunc_end0:
.L_simem_size_0:
called_computation.2_lowered:
.L_overlay_start_0:
0x88: {  	s2 =	sld [smem:$0x3FD9]  }
0x89: {  	s3 =	sld [smem:$0x3FFE];
	_ =	sdelay $0x1  }
0x8a: {  	s1 =	srdreg.scid  }
0x8b: {  	s0 =	sand.u32 $0x1, s1  }
0x8c: {  	s17 =	sshll.u32 s0, $0xA;
	s2 =	sadd.s32 s3, s2  }
0x8d: {  	s2 =	sadd.s32 s2, s17  }
0x8e: {  	[smem:$0x3FC0] =	sst s2  }
0x8f: {  	_ = 	snop  }
0x90: {  	(tm) =	ssettm $0x1  }
0x91: {  	s18 =	sld [smem:$0x3FFB];
	_ =	sdelay $0x3  }
0x92: {  	_ =	strace s18  }
0x93: {  	s2 =	sld [smem:$0x3FFC];
	_ =	sdelay $0x3  }
0x94: {  	_ =	strace s2  }
0x95: {  	s2 =	sld [smem:$0x3FFD];
	_ =	sdelay $0x3  }
0x96: {  	_ =	strace s2  }
0x97: {  	_ =	strace $0x8FFFFFFF  }
0x98: {  	s19 =	sld [smem:$0x3FDB];
	_ =	sdelay $0x1  }
0x99: {  	s20 =	simm.s32 $_scs_section_size  }
0x9a: {  	s4 =	simm.s32 $_size__tile_overlayer_lowered;
	s5 =	simm.s32 $_tile_overlayer_lowered  }
0x9b: {  	s6 =	simm.s32 $0x1BFF;
	s21 =	sshll.u32 s5, $0x1;
	s3 =	sadd.s32 s20, s19  }
0x9c: {  	s22 =	simm.s32 $0x0;
	s4 =	sshll.u32 s4, $0x1;
	s5 =	sadd.s32 s21, s3  }
0x9d: {  	[timem:s22], [sflag:s6] =	dma.local [hbm:s5], s4  }
0x9e: {  	_ =	swait.ge [sflag:s6], s4  }
0x9f: {  	s4 =	ssub.s32 $0x0, s4;
	[sflag:s6] =	ssyncset.done $0x0  }
0xa0: {  	[sflag:s6] =	ssyncadd.s32 s4;
	_ =	sdelay $0x1  }
0xa1: {  	s23 =	simm.s32 $0x1B8B  }
0xa2: {  	_ =	swait.ge [sflag:s23], $0x1  }
0xa3: {  	[sflag:s23] =	ssyncset.done $0x0  }
0xa4: {  	[sflag:s23] =	ssyncadd.s32 $0xFFFFFFFF  }
0xa5: {  	s4 =	sld [smem:$0x0]  }
0xa6: {  	s5 =	sand.u32 $0xFFFFFFFE, s1  }
0xa7: {  	p0 =	sne.s32 s1, s5  }
0xa8: {  	s5 =	sshll.u32 @p0 s5, $0xE  }
0xa9: {  	s5 =	sadd.s32 @p0 $0x11B8D, s5;
	s6 =	sshll.u32 @p0 s4, $0x11  }
0xaa: {  	s5 =	sor.u32 @p0 s6, s5  }
0xab: {  	[sflag:s5] =	ssyncadd.remote.s32 @p0 $0x1;
	_ =	sdelay $0x1  }
0xac: {  	s5 =	simm.s32 @p0 $0x1B8D  }
0xad: {  	_ =	swait.eq @p0 [sflag:s5], $0x1  }
0xae: {  	[sflag:s5] =	ssyncadd.s32 @p0 $0xFFFFFFFF  }
0xaf: {  	s6 =	sshll.u32 @!p0 s1, $0xE  }
0xb0: {  	s6 =	sor.u32 @!p0 $0x4000, s6;
	s5 =	simm.s32 @!p0 $0x1B8D  }
0xb1: {  	s4 =	sshll.u32 @!p0 s4, $0x11;
	s6 =	sadd.s32 @!p0 $0x11B8D, s6;
	_ =	swait.eq @!p0 [sflag:s5], $0x1  }
0xb2: {  	s4 =	sor.u32 @!p0 s4, s6;
	[sflag:s5] =	ssyncadd.s32 @!p0 $0xFFFFFFFF  }
0xb3: {  	s25 =	simm.s32 $0x1B8E;
	s24 =	sld [smem:$0x3FFE];
	[sflag:s4] =	ssyncadd.remote.s32 @!p0 $0x1  }
0xb4: {  	s26 =	simm.s32 $execute0_lowered;
	[smem:$0x3FD2] =	sst s25  }
0xb5: {  	s5 =	sshll.u32 s26, $0x1;
	_ =	strace $0x8000004F;
	[dreg:$0x1] =	wrdreg $0xFFFFFFFF  }
0xb6: {  	s28 =	simm.s32 $_size_execute0_lowered;
	s3 =	sadd.s32 s3, s5;
	[dreg:$0x0] =	wrdreg $0x0  }
0xb7: {  	s5 =	sshll.u32 s28, $0x1;
	[dreg:$0x2] =	wrdreg s3  }
0xb8: {  	[dreg:$0x3] =	wrdreg s5  }
0xb9: {  	[dreg:$0x4] =	wrdreg $0xC0  }
0xba: {  	_ =	task [dreg:s22], $0x5FFFF  }
0xbb: {  	[dreg:$0x1] =	wrdreg $0xFFFFFFFF  }
0xbc: {  	[dreg:$0x0] =	wrdreg $0x60  }
0xbd: {  	[dreg:$0x2] =	wrdreg s24  }
0xbe: {  	[dreg:$0x3] =	wrdreg $0x154000  }
0xbf: {  	[dreg:$0x4] =	wrdreg $0x9  }
0xc0: {  	_ =	task.clear_ibuf [dreg:s22], $0x5FFFF;
	_ =	strace $0x9000004F  }
0xc1: {  	s29 =	simm.s32 $0x9;
	_ =	strace $0x80000051  }
0xc2: {  	_ =	swait.ge [sflag:s29], $0x1  }
0xc3: {  	[sflag:s29] =	ssyncadd.s32 $0xFFFFFFFF  }
0xc4: {  	_ =	strace $0x90000051  }
0xc5: {  	_ =	sfence  }
0xc6: {  	s30 =	sld [smem:$0x0];
	_ =	sdelay $0x2  }
0xc7: {  	s31 =	sshll.u32 s1, $0xD;
	s1 =	sshrl.u32 s1, $0x2  }
0xc8: {  	s4 =	sand.u32 $0x4000, s31;
	s1 =	sadd.s32 s1, s30  }
0xc9: {  	s0 =	sor.u32 s4, s0;
	s1 =	sshll.u32 s1, $0x11  }
0xca: {  	s0 =	sor.u32 s1, s0  }
0xcb: {  	s0 =	sadd.s32 $0x8F2B, s0  }
0xcc: {  	[sflag:s0] =	ssyncadd.remote.s32 $0x1  }
0xcd: {  	_ =	sfence.sel $0xFFFF  }
0xce: {  	[dreg:$0x0] =	wrdreg $0xFFFFFFFF;
	(pc) =	sbr.abs _section_cstart, $3  }
0xcf: {  	[dreg:$0x1] =	wrdreg $0xFFFFFFFF  }
0xd0: {  	_ =	task.clear_ibuf [dreg:s22], $0x2FFFF;
	_ =	strace $0x9FFFFFFF  }
0xd1: {  	(tm) =	ssettm $0x7FFFFFFF  }
tec
execute0_lowered:
.L_overlay_start_1:
0x0: {  	(tag) =	ssettag $0x1  }
0x1: {  	s5 =	rddreg [dreg:$0x0]  }
0x2: {  	s2 =	rddreg [dreg:$0x1]  }
0x3: {  	s0 =	stileid.u32;
	s4 =	srdreg.scid  }
0x4: {  	s3 =	simm.s32 $0x0;
	s19 =	simm.s32 $0x80;
	s20 =	simm.s32 $0xA000  }
0x5: {  	s21 =	simm.s32 $0xE000;
	s22 =	simm.s32 $0x1;
	s6 =	smul.u32 $0x5000, s0  }
0x6: {  	s28 =	simm.s32 $0x0;
	s7 =	sand.u32 $0x1, s4;
	s24 =	smul.u32 $0x27000, s0  }
0x7: {  	[smem:$0x7FF] =	sst s3;
	s4 =	sadd.s32 $0x97000, s5;
	s12 =	smul.u32 $0x9C00, s0  }
0x8: {  	s14 =	sadd.s32 $0xE5400, s5;
	p0 =	sne.s32 s0, $0xF;
	s9 =	smul.u32 $0x50000, s7  }
0x9: {  	_ =	strace $0x80000050;
	s23 =	ssub.s32 $0x2, s7;
	s17 =	smul.u32 $0x9C400, s7  }
0xa: {  	s8 =	sshrl.u32 s6, $0x3;
	s11 =	sshrl.u32 s23, $0x1;
	s25 =	sshrl.u32 s24, $0x2  }
0xb: {  	s16 =	sadd.s32 $0x3400, s12;
	s18 =	sadd.s32 $0x6800, s12;
	s24 =	simm.s32 $0x4F80  }
0xc: {  	s10 =	sadd.s32 s8, s5;
	s6 =	sadd.s32 s6, s9;
	s15 =	ssub.s32 s23, s11  }
0xd: {  	s7 =	sadd.s32 s18, s2;
	s8 =	sadd.s32 $0x9C000, s2;
	s26 =	sadd.s32 s12, s17  }
0xe: {  	s29 =	sadd.s32 s17, s16;
	s30 =	sadd.s32 s17, s18;
	s31 =	sshrl.u32 s17, $0x3  }
0xf: {  	s17 =	simm.s32 $0x3;
	s18 =	simm.s32 $0x5000;
	s23 =	simm.s32 $0x2  }
0x10: {  	s6 =	sshrl.u32 s6, $0x3;
	s9 =	sadd.s32 $0x3C00, s10;
	s11 =	sshrl.u32 s26, $0x3  }
0x11: {  	s12 =	sshrl.u32 s29, $0x3;
	s15 =	smax.u32 s15, $0x1;
	s26 =	simm.s32 $0x9F80  }
0x12: {  	s13 =	sadd.s32 s6, s5;
	s5 =	sadd.s32 s25, s2;
	s6 =	sadd.s32 s16, s2  }
0x13: {  	s11 =	sadd.s32 s14, s11;
	s10 =	sadd.s32 $0xDC00, s13;
	s13 =	sshrl.u32 s30, $0x3  }
0x14: {  	s12 =	sadd.s32 s14, s12;
	s13 =	sadd.s32 s14, s13;
	s14 =	sadd.s32 s14, s31  }
0x15: {  	v0 =	vimm.f32 $0.0e+00;
	s16 =	simm.s32 $0x12000;
	s25 =	simm.s32 $0x9F00;
	s14 =	sadd.s32 $0x13800, s14  }
.LBB2_1:
0x16: {  	s29 =	simm.s32 $0x0;
	s30 =	simm.s32 $0x200  }
.LBB2_2:
0x17: {  	p1 =	sne.s32 s30, $0xCE00;
	[tilespmem:s29+$0x12070] =	vst v0  }
0x18: {  	[tilespmem:s29+$0x12000] =	vst v0  }
0x19: {  	[tilespmem:s29+$0x12010] =	vst v0  }
.Ltmp0:
0x1a: {  	[tilespmem:s29+$0x12020] =	vst v0;
	(pc) =	sbr.rel @p1 .LBB2_2-.Ltmp0, $4  }
0x1b: {  	[tilespmem:s29+$0x12030] =	vst v0  }
0x1c: {  	[tilespmem:s29+$0x12040] =	vst v0  }
0x1d: {  	[tilespmem:s29+$0x12050] =	vst v0  }
0x1e: {  	[tilespmem:s29+$0x12060] =	vst v0;
	s29 =	sshra.s32 s30, $0x2;
	s30 =	sadd.s32 $0x200, s30  }
0x1f: {  	[tilespmem:s29+$0x12070] =	vst v0  }
0x20: {  	[tilespmem:s29+$0x12000] =	vst v0  }
0x21: {  	[tilespmem:s29+$0x12010] =	vst v0  }
0x22: {  	[tilespmem:s29+$0x12020] =	vst v0  }
0x23: {  	[tilespmem:s29+$0x12030] =	vst v0  }
0x24: {  	[tilespmem:s29+$0x12040] =	vst v0  }
0x25: {  	[tilespmem:s29+$0x12050] =	vst v0  }
0x26: {  	[tilespmem:s29+$0x12060] =	vst v0  }
0x27: {  	[spmem:s5] =	stream.linear.scatter [tilespmem:s16], [sflag:$0x3], $0x3400, $0x38;
	[tilespmem:$0x1F440] =	vst v63  }
0x28: {  	_ =	swait.ge [sflag:s17], $0x3400  }
0x29: {  	[sflag:s17] =	ssyncset.done $0x0  }
0x2a: {  	[sflag:s17] =	ssyncadd.s32 $0xFFFFCC00  }
0x2b: {  	[spmem:s6] =	stream.linear.scatter [tilespmem:s16], [sflag:$0x3], $0x3400, $0x38;
	[tilespmem:$0x1F440] =	vst v63  }
0x2c: {  	_ =	swait.ge [sflag:s17], $0x3400  }
0x2d: {  	[sflag:s17] =	ssyncset.done $0x0  }
0x2e: {  	[sflag:s17] =	ssyncadd.s32 $0xFFFFCC00  }
0x2f: {  	[spmem:s7] =	stream.linear.scatter [tilespmem:s16], [sflag:$0x3], $0x3400, $0x38;
	[tilespmem:$0x1F440] =	vst v63  }
0x30: {  	_ =	swait.ge [sflag:s17], $0x3400  }
0x31: {  	[sflag:s17] =	ssyncset.done $0x0  }
0x32: {  	s29 =	simm.s32 @!p0 $0x12000;
	[sflag:s17] =	ssyncadd.s32 $0xFFFFCC00  }
0x33: {  	[spmem:s8] =	stream.linear.scatter @!p0 [tilespmem:s29], [sflag:$0x3], $0x800, $0x38;
	[tilespmem:$0x1F440] =	vst v63  }
0x34: {  	s29 =	simm.s32 @!p0 $0x3  }
0x35: {  	_ =	swait.ge @!p0 [sflag:s29], $0x800  }
0x36: {  	[sflag:s29] =	ssyncset.done @!p0 $0x0  }
0x37: {  	[sflag:s29] =	ssyncadd.s32 @!p0 $0xFFFFF800;
	s29 =	simm.s32 $0x0  }
0x38: {  	[tilespmem:s29], [sflag:$0x3] =	stream.linear.gather [hbm4b:s9+s29], $0x5000, $0x38;
	[tilespmem:$0x1F440] =	vst v63  }
0x39: {  	_ =	swait.ge [sflag:s17], $0x5000  }
0x3a: {  	[sflag:s17] =	ssyncset.done $0x0  }
0x3b: {  	[sflag:s17] =	ssyncadd.s32 $0xFFFFB000  }
0x3c: {  	[tilespmem:s18], [sflag:$0x3] =	stream.linear.gather [hbm4b:s10+s29], $0x5000, $0x38;
	[tilespmem:$0x1F440] =	vst v63  }
0x3d: {  	_ =	swait.ge [sflag:s17], $0x5000  }
0x3e: {  	[sflag:s17] =	ssyncset.done $0x0  }
0x3f: {  	[sflag:s17] =	ssyncadd.s32 $0xFFFFB000  }
0x40: {  	[bflag:$0x0] =	sbarrier.arrive $0xFFFF  }
0x41: {  	[tilespmem:s20], [sflag:$0x1] =	stream.indirect.gather [hbm4b:s4+s19], $0x80, s29, s19, $0xb8;
	[tilespmem:$0x1F440] =	vst v63  }
0x42: {  	s29 =	simm.s32 $0x80  }
0x43: {  	[tilespmem:s21], [sflag:$0x2] =	stream.indirect.gather [hbm4b:s4+s19], $0x80, s29, s19, $0xb8;
	[tilespmem:$0x1F440] =	vst v63  }
0x44: {  	_ =	swait.ge [sflag:s22], $0x4000  }
0x45: {  	[sflag:s22] =	ssyncset.done $0x0  }
0x46: {  	s29 =	simm.s32 $0x5000;
	[sflag:s22] =	ssyncadd.s32 $0xFFFFC000  }
0x47: {  	[spmem:s2] =	stream.indirect.scatter.add.f32 [tilespmem:s20], [sflag:$0x3], $0x80, s29, s19, $0xb8;
	[tilespmem:$0x1F440] =	vst v63  }
0x48: {  	_ =	swait.ge [sflag:s17], $0x4000  }
0x49: {  	[sflag:s17] =	ssyncset.done $0x0  }
0x4a: {  	s29 =	simm.s32 $0x100;
	[sflag:s17] =	ssyncadd.s32 $0xFFFFC000  }
0x4b: {  	[tilespmem:s20], [sflag:$0x1] =	stream.indirect.gather [hbm4b:s4+s19], $0x80, s29, s19, $0xb8;
	[tilespmem:$0x1F440] =	vst v63  }
0x4c: {  	_ =	swait.ge [sflag:s23], $0x4000  }
0x4d: {  	[sflag:s23] =	ssyncset.done $0x0  }
0x4e: {  	s29 =	simm.s32 $0x5080;
	[sflag:s23] =	ssyncadd.s32 $0xFFFFC000  }
0x4f: {  	[spmem:s2] =	stream.indirect.scatter.add.f32 [tilespmem:s21], [sflag:$0x3], $0x80, s29, s19, $0xb8;
	[tilespmem:$0x1F440] =	vst v63  }
0x50: {  	_ =	swait.ge [sflag:s17], $0x4000  }
0x51: {  	s30 =	simm.s32 $0x800;
	s29 =	simm.s32 $0x100;
	[sflag:s17] =	ssyncset.done $0x0  }
.LBB2_4:
0x52: {  	s31 =	sadd.s32 $0x80, s29  }
0x53: {  	[sflag:s17] =	ssyncadd.s32 $0xFFFFC000;
	s1 =	smov.u32 s30;
	s0 =	sadd.s32 $0x400, s30  }
0x54: {  	[tilespmem:s21], [sflag:$0x2] =	stream.indirect.gather [hbm4b:s4+s19], $0x80, s31, s19, $0xb8;
	[tilespmem:$0x1F440] =	vst v63  }
0x55: {  	p1 =	sne.s32 s30, $0x13800;
	_ =	swait.ge [sflag:s22], $0x4000  }
0x56: {  	[sflag:s22] =	ssyncset.done $0x0  }
0x57: {  	s30 =	sadd.s32 $0x5000, s29;
	[sflag:s22] =	ssyncadd.s32 $0xFFFFC000  }
0x58: {  	[spmem:s2] =	stream.indirect.scatter.add.f32 [tilespmem:s20], [sflag:$0x3], $0x80, s30, s19, $0xb8;
	[tilespmem:$0x1F440] =	vst v63  }
0x59: {  	_ =	swait.ge [sflag:s17], $0x4000  }
0x5a: {  	[sflag:s17] =	ssyncset.done $0x0  }
0x5b: {  	s30 =	sadd.s32 $0x100, s29;
	[sflag:s17] =	ssyncadd.s32 $0xFFFFC000  }
0x5c: {  	[tilespmem:s20], [sflag:$0x1] =	stream.indirect.gather [hbm4b:s4+s19], $0x80, s30, s19, $0xb8;
	[tilespmem:$0x1F440] =	vst v63  }
0x5d: {  	_ =	swait.ge [sflag:s23], $0x4000  }
.Ltmp1:
0x5e: {  	[sflag:s23] =	ssyncset.done $0x0;
	(pc) =	sbr.rel @p1 .LBB2_4-.Ltmp1, $4  }
0x5f: {  	s29 =	sadd.s32 $0x5080, s29;
	[sflag:s23] =	ssyncadd.s32 $0xFFFFC000  }
0x60: {  	[spmem:s2] =	stream.indirect.scatter.add.f32 [tilespmem:s21], [sflag:$0x3], $0x80, s29, s19, $0xb8;
	[tilespmem:$0x1F440] =	vst v63  }
0x61: {  	_ =	swait.ge [sflag:s17], $0x4000  }
0x62: {  	s30 =	smov.u32 s0;
	s29 =	sshra.s32 s1, $0x2;
	[sflag:s17] =	ssyncset.done $0x0  }
0x63: {  	s0 =	sadd.s32 $0x80, s29;
	[sflag:s17] =	ssyncadd.s32 $0xFFFFC000  }
0x64: {  	[tilespmem:s21], [sflag:$0x2] =	stream.indirect.gather [hbm4b:s4+s19], $0x80, s0, s19, $0xb8;
	[tilespmem:$0x1F440] =	vst v63  }
0x65: {  	_ =	swait.ge [sflag:s22], $0x4000  }
0x66: {  	[sflag:s22] =	ssyncset.done $0x0  }
0x67: {  	s1 =	sadd.s32 $0x5000, s29;
	[sflag:s22] =	ssyncadd.s32 $0xFFFFC000  }
0x68: {  	[spmem:s2] =	stream.indirect.scatter.add.f32 [tilespmem:s20], [sflag:$0x3], $0x80, s1, s19, $0xb8;
	[tilespmem:$0x1F440] =	vst v63  }
0x69: {  	_ =	swait.ge [sflag:s17], $0x4000  }
0x6a: {  	[sflag:s17] =	ssyncset.done $0x0  }
0x6b: {  	s30 =	sadd.s32 $0x100, s29;
	[sflag:s17] =	ssyncadd.s32 $0xFFFFC000  }
0x6c: {  	[tilespmem:s20], [sflag:$0x1] =	stream.indirect.gather [hbm4b:s4+s19], $0x80, s30, s19, $0xb8;
	[tilespmem:$0x1F440] =	vst v63  }
0x6d: {  	_ =	swait.ge [sflag:s23], $0x4000  }
0x6e: {  	[sflag:s23] =	ssyncset.done $0x0  }
0x6f: {  	s31 =	sadd.s32 $0x5080, s29;
	[sflag:s23] =	ssyncadd.s32 $0xFFFFC000  }
0x70: {  	[spmem:s2] =	stream.indirect.scatter.add.f32 [tilespmem:s21], [sflag:$0x3], $0x80, s31, s19, $0xb8;
	[tilespmem:$0x1F440] =	vst v63  }
0x71: {  	_ =	swait.ge [sflag:s17], $0x4000  }
0x72: {  	[sflag:s17] =	ssyncset.done $0x0  }
0x73: {  	[sflag:s17] =	ssyncadd.s32 $0xFFFFC000  }
0x74: {  	[tilespmem:s21], [sflag:$0x2] =	stream.indirect.gather [hbm4b:s4+s19], $0x80, s24, s19, $0xb8;
	[tilespmem:$0x1F440] =	vst v63  }
0x75: {  	_ =	swait.ge [sflag:s22], $0x4000  }
0x76: {  	[sflag:s22] =	ssyncset.done $0x0  }
0x77: {  	[sflag:s22] =	ssyncadd.s32 $0xFFFFC000  }
0x78: {  	[spmem:s2] =	stream.indirect.scatter.add.f32 [tilespmem:s20], [sflag:$0x3], $0x80, s25, s19, $0xb8;
	[tilespmem:$0x1F440] =	vst v63  }
0x79: {  	_ =	swait.ge [sflag:s17], $0x4000  }
0x7a: {  	[sflag:s17] =	ssyncset.done $0x0  }
0x7b: {  	[sflag:s17] =	ssyncadd.s32 $0xFFFFC000  }
0x7c: {  	_ =	swait.ge [sflag:s23], $0x4000  }
0x7d: {  	[sflag:s23] =	ssyncset.done $0x0  }
0x7e: {  	[sflag:s23] =	ssyncadd.s32 $0xFFFFC000  }
0x7f: {  	[spmem:s2] =	stream.indirect.scatter.add.f32 [tilespmem:s21], [sflag:$0x3], $0x80, s26, s19, $0xb8;
	[tilespmem:$0x1F440] =	vst v63  }
0x80: {  	_ =	swait.ge [sflag:s17], $0x4000  }
0x81: {  	[sflag:s17] =	ssyncset.done $0x0  }
0x82: {  	[sflag:s17] =	ssyncadd.s32 $0xFFFFC000  }
0x83: {  	[bflag:$0x0] =	sbarrier.arrive $0xFFFF  }
0x84: {  	[tilespmem:s16], [sflag:$0x3] =	stream.linear.gather [spmem:s5], $0x3400, $0x38;
	[tilespmem:$0x1F440] =	vst v63  }
0x85: {  	_ =	swait.ge [sflag:s17], $0x3400  }
0x86: {  	[sflag:s17] =	ssyncset.done $0x0  }
0x87: {  	[sflag:s17] =	ssyncadd.s32 $0xFFFFCC00  }
0x88: {  	[hbm4b:s11+s3] =	stream.linear.scatter [tilespmem:s16], [sflag:$0x3], $0x3400, $0x38;
	[tilespmem:$0x1F440] =	vst v63  }
0x89: {  	_ =	swait.ge [sflag:s17], $0x3400  }
0x8a: {  	[sflag:s17] =	ssyncset.done $0x0  }
0x8b: {  	[sflag:s17] =	ssyncadd.s32 $0xFFFFCC00  }
0x8c: {  	[tilespmem:s16], [sflag:$0x3] =	stream.linear.gather [spmem:s6], $0x3400, $0x38;
	[tilespmem:$0x1F440] =	vst v63  }
0x8d: {  	_ =	swait.ge [sflag:s17], $0x3400  }
0x8e: {  	[sflag:s17] =	ssyncset.done $0x0  }
0x8f: {  	[sflag:s17] =	ssyncadd.s32 $0xFFFFCC00  }
0x90: {  	[hbm4b:s12+s3] =	stream.linear.scatter [tilespmem:s16], [sflag:$0x3], $0x3400, $0x38;
	[tilespmem:$0x1F440] =	vst v63  }
0x91: {  	_ =	swait.ge [sflag:s17], $0x3400  }
0x92: {  	[sflag:s17] =	ssyncset.done $0x0  }
0x93: {  	[sflag:s17] =	ssyncadd.s32 $0xFFFFCC00  }
0x94: {  	[tilespmem:s16], [sflag:$0x3] =	stream.linear.gather [spmem:s7], $0x3400, $0x38;
	[tilespmem:$0x1F440] =	vst v63  }
0x95: {  	_ =	swait.ge [sflag:s17], $0x3400  }
0x96: {  	[sflag:s17] =	ssyncset.done $0x0  }
0x97: {  	[sflag:s17] =	ssyncadd.s32 $0xFFFFCC00  }
0x98: {  	[hbm4b:s13+s3] =	stream.linear.scatter [tilespmem:s16], [sflag:$0x3], $0x3400, $0x38;
	[tilespmem:$0x1F440] =	vst v63  }
0x99: {  	_ =	swait.ge [sflag:s17], $0x3400  }
0x9a: {  	[sflag:s17] =	ssyncset.done $0x0  }
0x9b: {  	s0 =	simm.s32 @!p0 $0x12000;
	s1 =	simm.s32 @!p0 $0x3;
	[sflag:s17] =	ssyncadd.s32 $0xFFFFCC00  }
0x9c: {  	[tilespmem:s0], [sflag:$0x3] =	stream.linear.gather @!p0 [spmem:s8], $0x400, $0x38;
	[tilespmem:$0x1F440] =	vst v63  }
0x9d: {  	s28 =	sadd.s32 $0x1, s28;
	_ =	swait.ge @!p0 [sflag:s1], $0x400  }
0x9e: {  	p1 =	sne.s32 s28, s15;
	[sflag:s1] =	ssyncset.done @!p0 $0x0  }
.Ltmp2:
0x9f: {  	s29 =	simm.s32 @!p0 $0x0;
	[sflag:s1] =	ssyncadd.s32 @!p0 $0xFFFFFC00;
	(pc) =	sbr.rel @p1 .LBB2_1-.Ltmp2, $4  }
0xa0: {  	[hbm4b:s14+s29] =	stream.linear.scatter @!p0 [tilespmem:s0], [sflag:$0x3], $0x400, $0x38;
	[tilespmem:$0x1F440] =	vst v63  }
0xa1: {  	_ =	swait.ge @!p0 [sflag:s1], $0x400  }
0xa2: {  	[sflag:s1] =	ssyncset.done @!p0 $0x0  }
0xa3: {  	[sflag:s1] =	ssyncadd.s32 @!p0 $0xFFFFFC00  }
0xa4: {  	_ =	sfence.sel $0x180000  }
0xa5: {  	[bflag:$0x0] =	sbarrier.arrive $0xFFFF  }
0xa6: {  	_ =	strace $0x90000050  }
0xa7: {  	s0 =	stileid.u32;
	[bflag:$0x2] =	sbarrier.arrive $0xFFFF  }
0xa8: {  	p0 =	sne.s32 s0, $0x0;
	s0 =	rddreg [dreg:$0x2]  }
0xa9: {  	s0 =	sadd.s32 @!p0 $0x100000, s0  }
0xaa: {  	[sflag:s0] =	ssyncadd.tile.s32 @!p0 $0x1;
	_ =	shalt  }
.Lfunc_end2:
_tile_overlayer_lowered:
.L_overlay_start_2:
0xab: {  	(tag) =	ssettag $0x2  }
0xac: {  	s0 =	rddreg [dreg:$0x0];
	s2 =	stileid.u32  }
0xad: {  	s1 =	rddreg [dreg:$0x1];
	p0 =	sne.s32 s2, $0x0  }
0xae: {  	s3 =	rddreg [dreg:$0x2];
	[bflag:$0x3] =	sbarrier.arrive $0xFFFF;
	s2 =	simm.s32 @!p0 $0x1C03  }
0xaf: {  	[timem:s3], [sflag:s2] =	dma.local @!p0 [hbm:s0], s1  }
0xb0: {  	s0 =	simm.s32 @!p0 $0x3  }
0xb1: {  	_ =	swait.ge @!p0 [sflag:s0], s1  }
0xb2: {  	s1 =	ssub.s32 @!p0 $0x0, s1;
	[sflag:s0] =	ssyncset.done @!p0 $0x0  }
0xb3: {  	[sflag:s0] =	ssyncadd.s32 @!p0 s1  }
0xb4: {  	[bflag:$0x3] =	sbarrier.arrive $0xFFFF  }
0xb5: {  	_ =	shalt  }

// kernel: kernel.18.cloned.1.call-start
scs
__scs_entry_jumppad:
0x0: {  	(pc) =	sbr.rel $0x88, $3  }
0x1: {  	(tag) =	ssettag $0x0;
	lr =	simm.s32 $0x1  }
0x2: {  	[smem:$0x3F99] =	sst lr;
	_ =	strace $0xD0000000  }
0x3: {  	_ = 	snop  }
0x4: {  	_ = 	snop  }
0x5: {  	_ = 	snop  }
0x6: {  	_ = 	snop  }
0x7: {  	_ = 	snop  }
__scs_overlays_trampoline_lowered:
0x8: {  	[smem:$0x3FA8] =	sst s0  }
0x9: {  	[smem:$0x3FA9] =	sst s1  }
0xa: {  	[smem:$0x3FAA] =	sst s2  }
0xb: {  	[smem:$0x3FAB] =	sst s3  }
0xc: {  	[smem:$0x3FAC] =	sst s4  }
0xd: {  	[smem:$0x3FAD] =	sst s5  }
0xe: {  	[smem:$0x3FAE] =	sst s6  }
0xf: {  	[smem:$0x3FAF] =	sst s7  }
0x10: {  	[smem:$0x3FB0] =	sst s8  }
0x11: {  	[smem:$0x3FB1] =	sst s9;
	s0 =	simm.s32 @!p0 $0x0  }
0x12: {  	s1 =	sld [smem:$0x3F97];
	s0 =	simm.s32 @p0 $0x1  }
0x13: {  	[smem:$0x3FB2] =	sst s0;
	s0 =	simm.s32 @!p1 $0x0  }
0x14: {  	s2 =	sld [smem:$0x3F96];
	s0 =	simm.s32 @p1 $0x1  }
0x15: {  	[smem:$0x3FB3] =	sst s0;
	s0 =	simm.s32 @!p2 $0x0  }
0x16: {  	s3 =	sld [smem:$0x3FDB];
	s0 =	simm.s32 @p2 $0x1  }
0x17: {  	s4 =	simm.s32 $0x1BF5;
	[smem:$0x3FB5] =	sst s0  }
0x18: {  	s0 =	sld [smem:$0x3F98];
	_ =	swait.ge [sflag:s4], $0x0  }
0x19: {  	s7 =	sld [smem:$0x3F99]  }
0x1a: {  	s8 =	sadd.s32 $0xFFFFE003, lr  }
0x1b: {  	s9 =	sadd.s32 $0xFFFFFEF7, lr;
	s5 =	simm.s32 $0xFFFFFFFF;
	p2 =	slt.u32 s8, $0xFFFFF086  }
0x1c: {  	p1 =	slt.u32 s9, $0xF7A;
	s5 =	simm.s32 @!p2 $0x0  }
0x1d: {  	s5 =	simm.s32 @p1 $0x1;
	p0 =	seq.s32 s7, s2  }
0x1e: {  	s7 =	smul.u32 @!p0 $0xF7A, s2;
	p2 =	seq.s32 @!p0 s5, $0x0  }
0x1f: {  	s9 =	smul.u32 $0xF7A, s1;
	s8 =	simm.s32 @!p0 $0x1BF5;
	p2 =	por !p2, p0  }
0x20: {  	[sflag:s8] =	ssyncset.s32 @!p0 $0xFFFFF086;
	s6 =	sadd.s32 @!p0 s3, s7;
	s7 =	simm.s32 @!p0 $0x108  }
0x21: {  	s3 =	sadd.s32 s3, s9;
	s6 =	sadd.s32 @!p0 $0x88, s6;
	s7 =	simm.s32 @p2 $0x1082  }
0x22: {  	[simem:s7], [sflag:s8] =	dma.local @!p0 [hbm:s6], $0xF7A  }
0x23: {  	s9 =	sor.u32 $0xD0000000, s2;
	s6 =	simm.s32 $0x108;
	_ =	swait.ge @!p0 [sflag:s8], $0x0  }
0x24: {  	s3 =	sadd.s32 $0x88, s3;
	s6 =	simm.s32 @!p1 $0x1082;
	[sflag:s4] =	ssyncset.s32 $0xFFFFF086  }
0x25: {  	[simem:s6], [sflag:s4] =	dma.local [hbm:s3], $0xF7A  }
0x26: {  	[smem:$0x3F99] =	sst s1;
	(tag) =	ssettag s2;
	_ =	strace s9  }
0x27: {  	s1 =	sld [smem:$0x3FA9]  }
0x28: {  	s2 =	sld [smem:$0x3FAA]  }
0x29: {  	s4 =	sld [smem:$0x3FAC]  }
0x2a: {  	p0 =	seq.s32 s5, $0x0;
	s5 =	sld [smem:$0x3FAD]  }
0x2b: {  	s6 =	sld [smem:$0x3FAE]  }
0x2c: {  	s7 =	sld [smem:$0x3FAF]  }
0x2d: {  	s3 =	simm.s32 $0x108;
	s8 =	sld [smem:$0x3FB0]  }
0x2e: {  	s3 =	simm.s32 @!p0 $0x1082;
	s9 =	sld [smem:$0x3FB1]  }
0x2f: {  	lr =	sadd.s32 s0, s3;
	s0 =	sld [smem:$0x3FA8]  }
0x30: {  	s3 =	sld [smem:$0x3FAB]  }
0x31: {  	[smem:$0x3FB4] =	sst s10  }
0x32: {  	s10 =	sld [smem:$0x3FB2];
	_ =	sdelay $0x3  }
0x33: {  	p0 =	seq.s32 s10, $0x1;
	s10 =	sld [smem:$0x3FB4];
	_ =	sdelay $0x3  }
0x34: {  	[smem:$0x3FB4] =	sst s10  }
0x35: {  	s10 =	sld [smem:$0x3FB3];
	_ =	sdelay $0x3  }
0x36: {  	p1 =	seq.s32 s10, $0x1;
	s10 =	sld [smem:$0x3FB4];
	_ =	sdelay $0x3  }
0x37: {  	[smem:$0x3FB4] =	sst s10  }
0x38: {  	s10 =	sld [smem:$0x3FB5]  }
0x39: {  	_ = 	snop;
	(pc) =	sbr.ind lr, $3  }
0x3a: {  	_ = 	snop  }
0x3b: {  	_ = 	snop  }
0x3c: {  	p2 =	seq.s32 s10, $0x1;
	s10 =	sld [smem:$0x3FB4]  }
0x3d: {  	_ =	shalt  }
0x3e: {  	_ =	shalt  }
0x3f: {  	_ =	shalt  }
0x40: {  	_ =	shalt  }
0x41: {  	_ =	shalt  }
0x42: {  	_ =	shalt  }
0x43: {  	_ =	shalt  }
0x44: {  	_ =	shalt  }
0x45: {  	_ =	shalt  }
0x46: {  	_ =	shalt  }
0x47: {  	_ =	shalt  }
0x48: {  	_ =	shalt  }
0x49: {  	_ =	shalt  }
0x4a: {  	_ =	shalt  }
0x4b: {  	_ =	shalt  }
0x4c: {  	_ =	shalt  }
0x4d: {  	_ =	shalt  }
0x4e: {  	_ =	shalt  }
0x4f: {  	_ =	shalt  }
0x50: {  	_ =	shalt  }
0x51: {  	_ =	shalt  }
0x52: {  	_ =	shalt  }
0x53: {  	_ =	shalt  }
0x54: {  	_ =	shalt  }
0x55: {  	_ =	shalt  }
0x56: {  	_ =	shalt  }
0x57: {  	_ =	shalt  }
0x58: {  	_ =	shalt  }
0x59: {  	_ =	shalt  }
0x5a: {  	_ =	shalt  }
0x5b: {  	_ =	shalt  }
0x5c: {  	_ =	shalt  }
0x5d: {  	_ =	shalt  }
0x5e: {  	_ =	shalt  }
0x5f: {  	_ =	shalt  }
0x60: {  	_ =	shalt  }
0x61: {  	_ =	shalt  }
0x62: {  	_ =	shalt  }
0x63: {  	_ =	shalt  }
0x64: {  	_ =	shalt  }
0x65: {  	_ =	shalt  }
0x66: {  	_ =	shalt  }
0x67: {  	_ =	shalt  }
0x68: {  	_ =	shalt  }
0x69: {  	_ =	shalt  }
0x6a: {  	_ =	shalt  }
0x6b: {  	_ =	shalt  }
0x6c: {  	_ =	shalt  }
0x6d: {  	_ =	shalt  }
0x6e: {  	_ =	shalt  }
0x6f: {  	_ =	shalt  }
0x70: {  	_ =	shalt  }
0x71: {  	_ =	shalt  }
0x72: {  	_ =	shalt  }
0x73: {  	_ =	shalt  }
0x74: {  	_ =	shalt  }
0x75: {  	_ =	shalt  }
0x76: {  	_ =	shalt  }
0x77: {  	_ =	shalt  }
0x78: {  	_ =	shalt  }
0x79: {  	_ =	shalt  }
0x7a: {  	_ =	shalt  }
0x7b: {  	_ =	shalt  }
0x7c: {  	_ =	shalt  }
0x7d: {  	_ =	shalt  }
0x7e: {  	_ =	shalt  }
0x7f: {  	_ =	shalt  }
0x80: {  	_ =	shalt  }
0x81: {  	_ =	shalt  }
0x82: {  	_ =	shalt  }
0x83: {  	_ =	shalt  }
0x84: {  	_ =	shalt  }
0x85: {  	_ =	shalt  }
0x86: {  	_ =	shalt  }
0x87: {  	_ =	shalt  }
.Lfunc_end0:
.L_simem_size_0:
called_computation.3_lowered:
.L_overlay_start_0:
0x88: {  	s2 =	sld [smem:$0x3FD9]  }
0x89: {  	s3 =	sld [smem:$0x3FFE];
	_ =	sdelay $0x1  }
0x8a: {  	s1 =	srdreg.scid  }
0x8b: {  	s0 =	sand.u32 $0x1, s1  }
0x8c: {  	s16 =	sshll.u32 s0, $0xA;
	s2 =	sadd.s32 s3, s2  }
0x8d: {  	s2 =	sadd.s32 s2, s16  }
0x8e: {  	[smem:$0x3FC0] =	sst s2  }
0x8f: {  	_ = 	snop  }
0x90: {  	(tm) =	ssettm $0x1  }
0x91: {  	s17 =	sld [smem:$0x3FFB];
	_ =	sdelay $0x3  }
0x92: {  	_ =	strace s17  }
0x93: {  	s2 =	sld [smem:$0x3FFC];
	_ =	sdelay $0x3  }
0x94: {  	_ =	strace s2  }
0x95: {  	s2 =	sld [smem:$0x3FFD];
	_ =	sdelay $0x3  }
0x96: {  	_ =	strace s2  }
0x97: {  	_ =	strace $0x8FFFFFFF  }
0x98: {  	s18 =	sld [smem:$0x3FDB];
	_ =	sdelay $0x1  }
0x99: {  	s19 =	simm.s32 $_scs_section_size  }
0x9a: {  	s4 =	simm.s32 $_size__tile_overlayer_lowered;
	s5 =	simm.s32 $_tile_overlayer_lowered  }
0x9b: {  	s22 =	simm.s32 $0x1BFF;
	s21 =	sshll.u32 s5, $0x1;
	s2 =	sadd.s32 s19, s18  }
0x9c: {  	s6 =	simm.s32 $0x0;
	s20 =	sshll.u32 s4, $0x1;
	s4 =	sadd.s32 s21, s2  }
0x9d: {  	[timem:s6], [sflag:s22] =	dma.local [hbm:s4], s20  }
0x9e: {  	_ =	swait.ge [sflag:s22], s20  }
0x9f: {  	s3 =	ssub.s32 $0x0, s20;
	[sflag:s22] =	ssyncset.done $0x0  }
0xa0: {  	[sflag:s22] =	ssyncadd.s32 s3;
	_ =	sdelay $0x1  }
0xa1: {  	s23 =	simm.s32 $0x1B8B  }
0xa2: {  	_ =	swait.ge [sflag:s23], $0x1  }
0xa3: {  	[sflag:s23] =	ssyncset.done $0x0  }
0xa4: {  	s25 =	simm.s32 $0x1B8E;
	s24 =	sld [smem:$0x3FFE];
	[sflag:s23] =	ssyncadd.s32 $0xFFFFFFFF  }
0xa5: {  	s26 =	simm.s32 $execute0_lowered;
	[smem:$0x3FD2] =	sst s25  }
0xa6: {  	s4 =	sshll.u32 s26, $0x1;
	_ =	strace $0x8000004C;
	[dreg:$0x1] =	wrdreg $0xFFFFFFFF  }
0xa7: {  	s28 =	simm.s32 $_size_execute0_lowered;
	s2 =	sadd.s32 s2, s4;
	[dreg:$0x0] =	wrdreg $0x0  }
0xa8: {  	s4 =	sshll.u32 s28, $0x1;
	[dreg:$0x2] =	wrdreg s2  }
0xa9: {  	[dreg:$0x3] =	wrdreg s4  }
0xaa: {  	[dreg:$0x4] =	wrdreg $0xC0  }
0xab: {  	_ =	task [dreg:s6], $0x5FFFF  }
0xac: {  	[dreg:$0x1] =	wrdreg $0xFFFFFFFF  }
0xad: {  	[dreg:$0x0] =	wrdreg $0x60  }
0xae: {  	[dreg:$0x2] =	wrdreg s24  }
0xaf: {  	[dreg:$0x3] =	wrdreg $0x154000  }
0xb0: {  	[dreg:$0x4] =	wrdreg $0xA  }
0xb1: {  	_ =	task.clear_ibuf [dreg:s6], $0x5FFFF;
	_ =	strace $0x9000004C  }
0xb2: {  	s29 =	simm.s32 $0xA;
	_ =	strace $0x8000004E  }
0xb3: {  	_ =	swait.ge [sflag:s29], $0x1  }
0xb4: {  	[sflag:s29] =	ssyncadd.s32 $0xFFFFFFFF  }
0xb5: {  	_ =	strace $0x9000004E  }
0xb6: {  	_ =	sfence  }
0xb7: {  	s30 =	sld [smem:$0x0];
	_ =	sdelay $0x2  }
0xb8: {  	s31 =	sshll.u32 s1, $0xD;
	s1 =	sshrl.u32 s1, $0x2  }
0xb9: {  	s3 =	sand.u32 $0x4000, s31;
	s1 =	sadd.s32 s1, s30  }
0xba: {  	s0 =	sor.u32 s3, s0;
	s1 =	sshll.u32 s1, $0x11  }
0xbb: {  	s0 =	sor.u32 s1, s0  }
0xbc: {  	s0 =	sadd.s32 $0x8F2B, s0  }
0xbd: {  	[sflag:s0] =	ssyncadd.remote.s32 $0x1  }
0xbe: {  	_ =	sfence.sel $0xFFFF  }
0xbf: {  	[dreg:$0x0] =	wrdreg $0xFFFFFFFF;
	(pc) =	sbr.abs _section_cstart, $3  }
0xc0: {  	[dreg:$0x1] =	wrdreg $0xFFFFFFFF  }
0xc1: {  	_ =	task.clear_ibuf [dreg:s6], $0x2FFFF;
	_ =	strace $0x9FFFFFFF  }
0xc2: {  	(tm) =	ssettm $0x7FFFFFFF  }
0xc3: {  	_ =	shalt  }
tec
execute0_lowered:
.L_overlay_start_1:
0x0: {  	(tag) =	ssettag $0x1  }
0x1: {  	s5 =	rddreg [dreg:$0x0]  }
0x2: {  	s2 =	rddreg [dreg:$0x1]  }
0x3: {  	s0 =	stileid.u32;
	s4 =	srdreg.scid  }
0x4: {  	s3 =	simm.s32 $0x0;
	s19 =	simm.s32 $0x80;
	s20 =	simm.s32 $0xA000  }
0x5: {  	s21 =	simm.s32 $0xE000;
	s22 =	simm.s32 $0x1;
	s6 =	smul.u32 $0x5000, s0  }
0x6: {  	s28 =	simm.s32 $0x0;
	s7 =	sand.u32 $0x1, s4;
	s24 =	smul.u32 $0x27000, s0  }
0x7: {  	[smem:$0x7FF] =	sst s3;
	s4 =	sadd.s32 $0x6FE00, s5;
	s12 =	smul.u32 $0x9C00, s0  }
0x8: {  	s14 =	sadd.s32 $0xBE200, s5;
	p0 =	sne.s32 s0, $0xF;
	s9 =	smul.u32 $0x50000, s7  }
0x9: {  	_ =	strace $0x8000004D;
	s23 =	ssub.s32 $0x2, s7;
	s17 =	smul.u32 $0x9C400, s7  }
0xa: {  	s8 =	sshrl.u32 s6, $0x3;
	s11 =	sshrl.u32 s23, $0x1;
	s25 =	sshrl.u32 s24, $0x2  }
0xb: {  	s16 =	sadd.s32 $0x3400, s12;
	s18 =	sadd.s32 $0x6800, s12;
	s24 =	simm.s32 $0x4F80  }
0xc: {  	s10 =	sadd.s32 s8, s5;
	s6 =	sadd.s32 s6, s9;
	s15 =	ssub.s32 s23, s11  }
0xd: {  	s7 =	sadd.s32 s18, s2;
	s8 =	sadd.s32 $0x9C000, s2;
	s26 =	sadd.s32 s12, s17  }
0xe: {  	s29 =	sadd.s32 s17, s16;
	s30 =	sadd.s32 s17, s18;
	s31 =	sshrl.u32 s17, $0x3  }
0xf: {  	s17 =	simm.s32 $0x3;
	s18 =	simm.s32 $0x5000;
	s23 =	simm.s32 $0x2  }
0x10: {  	s6 =	sshrl.u32 s6, $0x3;
	s9 =	sadd.s32 $0x3C00, s10;
	s11 =	sshrl.u32 s26, $0x3  }
0x11: {  	s12 =	sshrl.u32 s29, $0x3;
	s15 =	smax.u32 s15, $0x1;
	s26 =	simm.s32 $0x9F80  }
0x12: {  	s13 =	sadd.s32 s6, s5;
	s5 =	sadd.s32 s25, s2;
	s6 =	sadd.s32 s16, s2  }
0x13: {  	s11 =	sadd.s32 s14, s11;
	s10 =	sadd.s32 $0xDC00, s13;
	s13 =	sshrl.u32 s30, $0x3  }
0x14: {  	s12 =	sadd.s32 s14, s12;
	s13 =	sadd.s32 s14, s13;
	s14 =	sadd.s32 s14, s31  }
0x15: {  	v0 =	vimm.f32 $0.0e+00;
	s16 =	simm.s32 $0x12000;
	s25 =	simm.s32 $0x9F00;
	s14 =	sadd.s32 $0x13800, s14  }
.LBB2_1:
0x16: {  	s29 =	simm.s32 $0x0;
	s30 =	simm.s32 $0x200  }
.LBB2_2:
0x17: {  	p1 =	sne.s32 s30, $0xCE00;
	[tilespmem:s29+$0x12070] =	vst v0  }
0x18: {  	[tilespmem:s29+$0x12000] =	vst v0  }
0x19: {  	[tilespmem:s29+$0x12010] =	vst v0  }
.Ltmp0:
0x1a: {  	[tilespmem:s29+$0x12020] =	vst v0;
	(pc) =	sbr.rel @p1 .LBB2_2-.Ltmp0, $4  }
0x1b: {  	[tilespmem:s29+$0x12030] =	vst v0  }
0x1c: {  	[tilespmem:s29+$0x12040] =	vst v0  }
0x1d: {  	[tilespmem:s29+$0x12050] =	vst v0  }
0x1e: {  	[tilespmem:s29+$0x12060] =	vst v0;
	s29 =	sshra.s32 s30, $0x2;
	s30 =	sadd.s32 $0x200, s30  }
0x1f: {  	[tilespmem:s29+$0x12070] =	vst v0  }
0x20: {  	[tilespmem:s29+$0x12000] =	vst v0  }
0x21: {  	[tilespmem:s29+$0x12010] =	vst v0  }
0x22: {  	[tilespmem:s29+$0x12020] =	vst v0  }
0x23: {  	[tilespmem:s29+$0x12030] =	vst v0  }
0x24: {  	[tilespmem:s29+$0x12040] =	vst v0  }
0x25: {  	[tilespmem:s29+$0x12050] =	vst v0  }
0x26: {  	[tilespmem:s29+$0x12060] =	vst v0  }
0x27: {  	[spmem:s5] =	stream.linear.scatter [tilespmem:s16], [sflag:$0x3], $0x3400, $0x38;
	[tilespmem:$0x1F440] =	vst v63  }
0x28: {  	_ =	swait.ge [sflag:s17], $0x3400  }
0x29: {  	[sflag:s17] =	ssyncset.done $0x0  }
0x2a: {  	[sflag:s17] =	ssyncadd.s32 $0xFFFFCC00  }
0x2b: {  	[spmem:s6] =	stream.linear.scatter [tilespmem:s16], [sflag:$0x3], $0x3400, $0x38;
	[tilespmem:$0x1F440] =	vst v63  }
0x2c: {  	_ =	swait.ge [sflag:s17], $0x3400  }
0x2d: {  	[sflag:s17] =	ssyncset.done $0x0  }
0x2e: {  	[sflag:s17] =	ssyncadd.s32 $0xFFFFCC00  }
0x2f: {  	[spmem:s7] =	stream.linear.scatter [tilespmem:s16], [sflag:$0x3], $0x3400, $0x38;
	[tilespmem:$0x1F440] =	vst v63  }
0x30: {  	_ =	swait.ge [sflag:s17], $0x3400  }
0x31: {  	[sflag:s17] =	ssyncset.done $0x0  }
0x32: {  	s29 =	simm.s32 @!p0 $0x12000;
	[sflag:s17] =	ssyncadd.s32 $0xFFFFCC00  }
0x33: {  	[spmem:s8] =	stream.linear.scatter @!p0 [tilespmem:s29], [sflag:$0x3], $0x800, $0x38;
	[tilespmem:$0x1F440] =	vst v63  }
0x34: {  	s29 =	simm.s32 @!p0 $0x3  }
0x35: {  	_ =	swait.ge @!p0 [sflag:s29], $0x800  }
0x36: {  	[sflag:s29] =	ssyncset.done @!p0 $0x0  }
0x37: {  	[sflag:s29] =	ssyncadd.s32 @!p0 $0xFFFFF800;
	s29 =	simm.s32 $0x0  }
0x38: {  	[tilespmem:s29], [sflag:$0x3] =	stream.linear.gather [hbm4b:s9+s29], $0x5000, $0x38;
	[tilespmem:$0x1F440] =	vst v63  }
0x39: {  	_ =	swait.ge [sflag:s17], $0x5000  }
0x3a: {  	[sflag:s17] =	ssyncset.done $0x0  }
0x3b: {  	[sflag:s17] =	ssyncadd.s32 $0xFFFFB000  }
0x3c: {  	[tilespmem:s18], [sflag:$0x3] =	stream.linear.gather [hbm4b:s10+s29], $0x5000, $0x38;
	[tilespmem:$0x1F440] =	vst v63  }
0x3d: {  	_ =	swait.ge [sflag:s17], $0x5000  }
0x3e: {  	[sflag:s17] =	ssyncset.done $0x0  }
0x3f: {  	[sflag:s17] =	ssyncadd.s32 $0xFFFFB000  }
0x40: {  	[bflag:$0x0] =	sbarrier.arrive $0xFFFF  }
0x41: {  	[tilespmem:s20], [sflag:$0x1] =	stream.indirect.gather [hbm4b:s4+s19], $0x80, s29, s19, $0xb8;
	[tilespmem:$0x1F440] =	vst v63  }
0x42: {  	s29 =	simm.s32 $0x80  }
0x43: {  	[tilespmem:s21], [sflag:$0x2] =	stream.indirect.gather [hbm4b:s4+s19], $0x80, s29, s19, $0xb8;
	[tilespmem:$0x1F440] =	vst v63  }
0x44: {  	_ =	swait.ge [sflag:s22], $0x4000  }
0x45: {  	[sflag:s22] =	ssyncset.done $0x0  }
0x46: {  	s29 =	simm.s32 $0x5000;
	[sflag:s22] =	ssyncadd.s32 $0xFFFFC000  }
0x47: {  	[spmem:s2] =	stream.indirect.scatter.add.f32 [tilespmem:s20], [sflag:$0x3], $0x80, s29, s19, $0xb8;
	[tilespmem:$0x1F440] =	vst v63  }
0x48: {  	_ =	swait.ge [sflag:s17], $0x4000  }
0x49: {  	[sflag:s17] =	ssyncset.done $0x0  }
0x4a: {  	s29 =	simm.s32 $0x100;
	[sflag:s17] =	ssyncadd.s32 $0xFFFFC000  }
0x4b: {  	[tilespmem:s20], [sflag:$0x1] =	stream.indirect.gather [hbm4b:s4+s19], $0x80, s29, s19, $0xb8;
	[tilespmem:$0x1F440] =	vst v63  }
0x4c: {  	_ =	swait.ge [sflag:s23], $0x4000  }
0x4d: {  	[sflag:s23] =	ssyncset.done $0x0  }
0x4e: {  	s29 =	simm.s32 $0x5080;
	[sflag:s23] =	ssyncadd.s32 $0xFFFFC000  }
0x4f: {  	[spmem:s2] =	stream.indirect.scatter.add.f32 [tilespmem:s21], [sflag:$0x3], $0x80, s29, s19, $0xb8;
	[tilespmem:$0x1F440] =	vst v63  }
0x50: {  	_ =	swait.ge [sflag:s17], $0x4000  }
0x51: {  	s30 =	simm.s32 $0x800;
	s29 =	simm.s32 $0x100;
	[sflag:s17] =	ssyncset.done $0x0  }
.LBB2_4:
0x52: {  	s31 =	sadd.s32 $0x80, s29  }
0x53: {  	[sflag:s17] =	ssyncadd.s32 $0xFFFFC000;
	s1 =	smov.u32 s30;
	s0 =	sadd.s32 $0x400, s30  }
0x54: {  	[tilespmem:s21], [sflag:$0x2] =	stream.indirect.gather [hbm4b:s4+s19], $0x80, s31, s19, $0xb8;
	[tilespmem:$0x1F440] =	vst v63  }
0x55: {  	p1 =	sne.s32 s30, $0x13800;
	_ =	swait.ge [sflag:s22], $0x4000  }
0x56: {  	[sflag:s22] =	ssyncset.done $0x0  }
0x57: {  	s30 =	sadd.s32 $0x5000, s29;
	[sflag:s22] =	ssyncadd.s32 $0xFFFFC000  }
0x58: {  	[spmem:s2] =	stream.indirect.scatter.add.f32 [tilespmem:s20], [sflag:$0x3], $0x80, s30, s19, $0xb8;
	[tilespmem:$0x1F440] =	vst v63  }
0x59: {  	_ =	swait.ge [sflag:s17], $0x4000  }
0x5a: {  	[sflag:s17] =	ssyncset.done $0x0  }
0x5b: {  	s30 =	sadd.s32 $0x100, s29;
	[sflag:s17] =	ssyncadd.s32 $0xFFFFC000  }
0x5c: {  	[tilespmem:s20], [sflag:$0x1] =	stream.indirect.gather [hbm4b:s4+s19], $0x80, s30, s19, $0xb8;
	[tilespmem:$0x1F440] =	vst v63  }
0x5d: {  	_ =	swait.ge [sflag:s23], $0x4000  }
.Ltmp1:
0x5e: {  	[sflag:s23] =	ssyncset.done $0x0;
	(pc) =	sbr.rel @p1 .LBB2_4-.Ltmp1, $4  }
0x5f: {  	s29 =	sadd.s32 $0x5080, s29;
	[sflag:s23] =	ssyncadd.s32 $0xFFFFC000  }
0x60: {  	[spmem:s2] =	stream.indirect.scatter.add.f32 [tilespmem:s21], [sflag:$0x3], $0x80, s29, s19, $0xb8;
	[tilespmem:$0x1F440] =	vst v63  }
0x61: {  	_ =	swait.ge [sflag:s17], $0x4000  }
0x62: {  	s30 =	smov.u32 s0;
	s29 =	sshra.s32 s1, $0x2;
	[sflag:s17] =	ssyncset.done $0x0  }
0x63: {  	s0 =	sadd.s32 $0x80, s29;
	[sflag:s17] =	ssyncadd.s32 $0xFFFFC000  }
0x64: {  	[tilespmem:s21], [sflag:$0x2] =	stream.indirect.gather [hbm4b:s4+s19], $0x80, s0, s19, $0xb8;
	[tilespmem:$0x1F440] =	vst v63  }
0x65: {  	_ =	swait.ge [sflag:s22], $0x4000  }
0x66: {  	[sflag:s22] =	ssyncset.done $0x0  }
0x67: {  	s1 =	sadd.s32 $0x5000, s29;
	[sflag:s22] =	ssyncadd.s32 $0xFFFFC000  }
0x68: {  	[spmem:s2] =	stream.indirect.scatter.add.f32 [tilespmem:s20], [sflag:$0x3], $0x80, s1, s19, $0xb8;
	[tilespmem:$0x1F440] =	vst v63  }
0x69: {  	_ =	swait.ge [sflag:s17], $0x4000  }
0x6a: {  	[sflag:s17] =	ssyncset.done $0x0  }
0x6b: {  	s30 =	sadd.s32 $0x100, s29;
	[sflag:s17] =	ssyncadd.s32 $0xFFFFC000  }
0x6c: {  	[tilespmem:s20], [sflag:$0x1] =	stream.indirect.gather [hbm4b:s4+s19], $0x80, s30, s19, $0xb8;
	[tilespmem:$0x1F440] =	vst v63  }
0x6d: {  	_ =	swait.ge [sflag:s23], $0x4000  }
0x6e: {  	[sflag:s23] =	ssyncset.done $0x0  }
0x6f: {  	s31 =	sadd.s32 $0x5080, s29;
	[sflag:s23] =	ssyncadd.s32 $0xFFFFC000  }
0x70: {  	[spmem:s2] =	stream.indirect.scatter.add.f32 [tilespmem:s21], [sflag:$0x3], $0x80, s31, s19, $0xb8;
	[tilespmem:$0x1F440] =	vst v63  }
0x71: {  	_ =	swait.ge [sflag:s17], $0x4000  }
0x72: {  	[sflag:s17] =	ssyncset.done $0x0  }
0x73: {  	[sflag:s17] =	ssyncadd.s32 $0xFFFFC000  }
0x74: {  	[tilespmem:s21], [sflag:$0x2] =	stream.indirect.gather [hbm4b:s4+s19], $0x80, s24, s19, $0xb8;
	[tilespmem:$0x1F440] =	vst v63  }
0x75: {  	_ =	swait.ge [sflag:s22], $0x4000  }
0x76: {  	[sflag:s22] =	ssyncset.done $0x0  }
0x77: {  	[sflag:s22] =	ssyncadd.s32 $0xFFFFC000  }
0x78: {  	[spmem:s2] =	stream.indirect.scatter.add.f32 [tilespmem:s20], [sflag:$0x3], $0x80, s25, s19, $0xb8;
	[tilespmem:$0x1F440] =	vst v63  }
0x79: {  	_ =	swait.ge [sflag:s17], $0x4000  }
0x7a: {  	[sflag:s17] =	ssyncset.done $0x0  }
0x7b: {  	[sflag:s17] =	ssyncadd.s32 $0xFFFFC000  }
0x7c: {  	_ =	swait.ge [sflag:s23], $0x4000  }
0x7d: {  	[sflag:s23] =	ssyncset.done $0x0  }
0x7e: {  	[sflag:s23] =	ssyncadd.s32 $0xFFFFC000  }
0x7f: {  	[spmem:s2] =	stream.indirect.scatter.add.f32 [tilespmem:s21], [sflag:$0x3], $0x80, s26, s19, $0xb8;
	[tilespmem:$0x1F440] =	vst v63  }
0x80: {  	_ =	swait.ge [sflag:s17], $0x4000  }
0x81: {  	[sflag:s17] =	ssyncset.done $0x0  }
0x82: {  	[sflag:s17] =	ssyncadd.s32 $0xFFFFC000  }
0x83: {  	[bflag:$0x0] =	sbarrier.arrive $0xFFFF  }
0x84: {  	[tilespmem:s16], [sflag:$0x3] =	stream.linear.gather [spmem:s5], $0x3400, $0x38;
	[tilespmem:$0x1F440] =	vst v63  }
0x85: {  	_ =	swait.ge [sflag:s17], $0x3400  }
0x86: {  	[sflag:s17] =	ssyncset.done $0x0  }
0x87: {  	[sflag:s17] =	ssyncadd.s32 $0xFFFFCC00  }
0x88: {  	[hbm4b:s11+s3] =	stream.linear.scatter [tilespmem:s16], [sflag:$0x3], $0x3400, $0x38;
	[tilespmem:$0x1F440] =	vst v63  }
0x89: {  	_ =	swait.ge [sflag:s17], $0x3400  }
0x8a: {  	[sflag:s17] =	ssyncset.done $0x0  }
0x8b: {  	[sflag:s17] =	ssyncadd.s32 $0xFFFFCC00  }
0x8c: {  	[tilespmem:s16], [sflag:$0x3] =	stream.linear.gather [spmem:s6], $0x3400, $0x38;
	[tilespmem:$0x1F440] =	vst v63  }
0x8d: {  	_ =	swait.ge [sflag:s17], $0x3400  }
0x8e: {  	[sflag:s17] =	ssyncset.done $0x0  }
0x8f: {  	[sflag:s17] =	ssyncadd.s32 $0xFFFFCC00  }
0x90: {  	[hbm4b:s12+s3] =	stream.linear.scatter [tilespmem:s16], [sflag:$0x3], $0x3400, $0x38;
	[tilespmem:$0x1F440] =	vst v63  }
0x91: {  	_ =	swait.ge [sflag:s17], $0x3400  }
0x92: {  	[sflag:s17] =	ssyncset.done $0x0  }
0x93: {  	[sflag:s17] =	ssyncadd.s32 $0xFFFFCC00  }
0x94: {  	[tilespmem:s16], [sflag:$0x3] =	stream.linear.gather [spmem:s7], $0x3400, $0x38;
	[tilespmem:$0x1F440] =	vst v63  }
0x95: {  	_ =	swait.ge [sflag:s17], $0x3400  }
0x96: {  	[sflag:s17] =	ssyncset.done $0x0  }
0x97: {  	[sflag:s17] =	ssyncadd.s32 $0xFFFFCC00  }
0x98: {  	[hbm4b:s13+s3] =	stream.linear.scatter [tilespmem:s16], [sflag:$0x3], $0x3400, $0x38;
	[tilespmem:$0x1F440] =	vst v63  }
0x99: {  	_ =	swait.ge [sflag:s17], $0x3400  }
0x9a: {  	[sflag:s17] =	ssyncset.done $0x0  }
0x9b: {  	s0 =	simm.s32 @!p0 $0x12000;
	s1 =	simm.s32 @!p0 $0x3;
	[sflag:s17] =	ssyncadd.s32 $0xFFFFCC00  }
0x9c: {  	[tilespmem:s0], [sflag:$0x3] =	stream.linear.gather @!p0 [spmem:s8], $0x400, $0x38;
	[tilespmem:$0x1F440] =	vst v63  }
0x9d: {  	s28 =	sadd.s32 $0x1, s28;
	_ =	swait.ge @!p0 [sflag:s1], $0x400  }
0x9e: {  	p1 =	sne.s32 s28, s15;
	[sflag:s1] =	ssyncset.done @!p0 $0x0  }
.Ltmp2:
0x9f: {  	s29 =	simm.s32 @!p0 $0x0;
	[sflag:s1] =	ssyncadd.s32 @!p0 $0xFFFFFC00;
	(pc) =	sbr.rel @p1 .LBB2_1-.Ltmp2, $4  }
0xa0: {  	[hbm4b:s14+s29] =	stream.linear.scatter @!p0 [tilespmem:s0], [sflag:$0x3], $0x400, $0x38;
	[tilespmem:$0x1F440] =	vst v63  }
0xa1: {  	_ =	swait.ge @!p0 [sflag:s1], $0x400  }
0xa2: {  	[sflag:s1] =	ssyncset.done @!p0 $0x0  }
0xa3: {  	[sflag:s1] =	ssyncadd.s32 @!p0 $0xFFFFFC00  }
0xa4: {  	_ =	sfence.sel $0x180000  }
0xa5: {  	[bflag:$0x0] =	sbarrier.arrive $0xFFFF  }
0xa6: {  	_ =	strace $0x9000004D  }
0xa7: {  	s0 =	stileid.u32;
	[bflag:$0x2] =	sbarrier.arrive $0xFFFF  }
0xa8: {  	p0 =	sne.s32 s0, $0x0;
	s0 =	rddreg [dreg:$0x2]  }
0xa9: {  	s0 =	sadd.s32 @!p0 $0x100000, s0  }
0xaa: {  	[sflag:s0] =	ssyncadd.tile.s32 @!p0 $0x1;
	_ =	shalt  }
.Lfunc_end2:
_tile_overlayer_lowered:
.L_overlay_start_2:
0xab: {  	(tag) =	ssettag $0x2  }
0xac: {  	s0 =	rddreg [dreg:$0x0];
	s2 =	stileid.u32  }
0xad: {  	s1 =	rddreg [dreg:$0x1];
	p0 =	sne.s32 s2, $0x0  }
0xae: {  	s3 =	rddreg [dreg:$0x2];
	[bflag:$0x3] =	sbarrier.arrive $0xFFFF;
	s2 =	simm.s32 @!p0 $0x1C03  }
0xaf: {  	[timem:s3], [sflag:s2] =	dma.local @!p0 [hbm:s0], s1  }
0xb0: {  	s0 =	simm.s32 @!p0 $0x3  }
0xb1: {  	_ =	swait.ge @!p0 [sflag:s0], s1  }
0xb2: {  	s1 =	ssub.s32 @!p0 $0x0, s1;
	[sflag:s0] =	ssyncset.done @!p0 $0x0  }
0xb3: {  	[sflag:s0] =	ssyncadd.s32 @!p0 s1  }
0xb4: {  	[bflag:$0x3] =	sbarrier.arrive $0xFFFF  }
0xb5: {  	_ =	shalt  }

// kernel: kernel.9.cloned.1.call-start
scs
__scs_entry_jumppad:
0x0: {  	(pc) =	sbr.rel $0x88, $3  }
0x1: {  	(tag) =	ssettag $0x0;
	lr =	simm.s32 $0x1  }
0x2: {  	[smem:$0x3F99] =	sst lr;
	_ =	strace $0xD0000000  }
0x3: {  	_ = 	snop  }
0x4: {  	_ = 	snop  }
0x5: {  	_ = 	snop  }
0x6: {  	_ = 	snop  }
0x7: {  	_ = 	snop  }
__scs_overlays_trampoline_lowered:
0x8: {  	[smem:$0x3FA8] =	sst s0  }
0x9: {  	[smem:$0x3FA9] =	sst s1  }
0xa: {  	[smem:$0x3FAA] =	sst s2  }
0xb: {  	[smem:$0x3FAB] =	sst s3  }
0xc: {  	[smem:$0x3FAC] =	sst s4  }
0xd: {  	[smem:$0x3FAD] =	sst s5  }
0xe: {  	[smem:$0x3FAE] =	sst s6  }
0xf: {  	[smem:$0x3FAF] =	sst s7  }
0x10: {  	[smem:$0x3FB0] =	sst s8  }
0x11: {  	[smem:$0x3FB1] =	sst s9;
	s0 =	simm.s32 @!p0 $0x0  }
0x12: {  	s1 =	sld [smem:$0x3F97];
	s0 =	simm.s32 @p0 $0x1  }
0x13: {  	[smem:$0x3FB2] =	sst s0;
	s0 =	simm.s32 @!p1 $0x0  }
0x14: {  	s2 =	sld [smem:$0x3F96];
	s0 =	simm.s32 @p1 $0x1  }
0x15: {  	[smem:$0x3FB3] =	sst s0;
	s0 =	simm.s32 @!p2 $0x0  }
0x16: {  	s3 =	sld [smem:$0x3FDB];
	s0 =	simm.s32 @p2 $0x1  }
0x17: {  	s4 =	simm.s32 $0x1BF5;
	[smem:$0x3FB5] =	sst s0  }
0x18: {  	s0 =	sld [smem:$0x3F98];
	_ =	swait.ge [sflag:s4], $0x0  }
0x19: {  	s7 =	sld [smem:$0x3F99]  }
0x1a: {  	s8 =	sadd.s32 $0xFFFFE003, lr  }
0x1b: {  	s9 =	sadd.s32 $0xFFFFFEF7, lr;
	s5 =	simm.s32 $0xFFFFFFFF;
	p2 =	slt.u32 s8, $0xFFFFF086  }
0x1c: {  	p1 =	slt.u32 s9, $0xF7A;
	s5 =	simm.s32 @!p2 $0x0  }
0x1d: {  	s5 =	simm.s32 @p1 $0x1;
	p0 =	seq.s32 s7, s2  }
0x1e: {  	s7 =	smul.u32 @!p0 $0xF7A, s2;
	p2 =	seq.s32 @!p0 s5, $0x0  }
0x1f: {  	s9 =	smul.u32 $0xF7A, s1;
	s8 =	simm.s32 @!p0 $0x1BF5;
	p2 =	por !p2, p0  }
0x20: {  	[sflag:s8] =	ssyncset.s32 @!p0 $0xFFFFF086;
	s6 =	sadd.s32 @!p0 s3, s7;
	s7 =	simm.s32 @!p0 $0x108  }
0x21: {  	s3 =	sadd.s32 s3, s9;
	s6 =	sadd.s32 @!p0 $0x88, s6;
	s7 =	simm.s32 @p2 $0x1082  }
0x22: {  	[simem:s7], [sflag:s8] =	dma.local @!p0 [hbm:s6], $0xF7A  }
0x23: {  	s9 =	sor.u32 $0xD0000000, s2;
	s6 =	simm.s32 $0x108;
	_ =	swait.ge @!p0 [sflag:s8], $0x0  }
0x24: {  	s3 =	sadd.s32 $0x88, s3;
	s6 =	simm.s32 @!p1 $0x1082;
	[sflag:s4] =	ssyncset.s32 $0xFFFFF086  }
0x25: {  	[simem:s6], [sflag:s4] =	dma.local [hbm:s3], $0xF7A  }
0x26: {  	[smem:$0x3F99] =	sst s1;
	(tag) =	ssettag s2;
	_ =	strace s9  }
0x27: {  	s1 =	sld [smem:$0x3FA9]  }
0x28: {  	s2 =	sld [smem:$0x3FAA]  }
0x29: {  	s4 =	sld [smem:$0x3FAC]  }
0x2a: {  	p0 =	seq.s32 s5, $0x0;
	s5 =	sld [smem:$0x3FAD]  }
0x2b: {  	s6 =	sld [smem:$0x3FAE]  }
0x2c: {  	s7 =	sld [smem:$0x3FAF]  }
0x2d: {  	s3 =	simm.s32 $0x108;
	s8 =	sld [smem:$0x3FB0]  }
0x2e: {  	s3 =	simm.s32 @!p0 $0x1082;
	s9 =	sld [smem:$0x3FB1]  }
0x2f: {  	lr =	sadd.s32 s0, s3;
	s0 =	sld [smem:$0x3FA8]  }
0x30: {  	s3 =	sld [smem:$0x3FAB]  }
0x31: {  	[smem:$0x3FB4] =	sst s10  }
0x32: {  	s10 =	sld [smem:$0x3FB2];
	_ =	sdelay $0x3  }
0x33: {  	p0 =	seq.s32 s10, $0x1;
	s10 =	sld [smem:$0x3FB4];
	_ =	sdelay $0x3  }
0x34: {  	[smem:$0x3FB4] =	sst s10  }
0x35: {  	s10 =	sld [smem:$0x3FB3];
	_ =	sdelay $0x3  }
0x36: {  	p1 =	seq.s32 s10, $0x1;
	s10 =	sld [smem:$0x3FB4];
	_ =	sdelay $0x3  }
0x37: {  	[smem:$0x3FB4] =	sst s10  }
0x38: {  	s10 =	sld [smem:$0x3FB5]  }
0x39: {  	_ = 	snop;
	(pc) =	sbr.ind lr, $3  }
0x3a: {  	_ = 	snop  }
0x3b: {  	_ = 	snop  }
0x3c: {  	p2 =	seq.s32 s10, $0x1;
	s10 =	sld [smem:$0x3FB4]  }
0x3d: {  	_ =	shalt  }
0x3e: {  	_ =	shalt  }
0x3f: {  	_ =	shalt  }
0x40: {  	_ =	shalt  }
0x41: {  	_ =	shalt  }
0x42: {  	_ =	shalt  }
0x43: {  	_ =	shalt  }
0x44: {  	_ =	shalt  }
0x45: {  	_ =	shalt  }
0x46: {  	_ =	shalt  }
0x47: {  	_ =	shalt  }
0x48: {  	_ =	shalt  }
0x49: {  	_ =	shalt  }
0x4a: {  	_ =	shalt  }
0x4b: {  	_ =	shalt  }
0x4c: {  	_ =	shalt  }
0x4d: {  	_ =	shalt  }
0x4e: {  	_ =	shalt  }
0x4f: {  	_ =	shalt  }
0x50: {  	_ =	shalt  }
0x51: {  	_ =	shalt  }
0x52: {  	_ =	shalt  }
0x53: {  	_ =	shalt  }
0x54: {  	_ =	shalt  }
0x55: {  	_ =	shalt  }
0x56: {  	_ =	shalt  }
0x57: {  	_ =	shalt  }
0x58: {  	_ =	shalt  }
0x59: {  	_ =	shalt  }
0x5a: {  	_ =	shalt  }
0x5b: {  	_ =	shalt  }
0x5c: {  	_ =	shalt  }
0x5d: {  	_ =	shalt  }
0x5e: {  	_ =	shalt  }
0x5f: {  	_ =	shalt  }
0x60: {  	_ =	shalt  }
0x61: {  	_ =	shalt  }
0x62: {  	_ =	shalt  }
0x63: {  	_ =	shalt  }
0x64: {  	_ =	shalt  }
0x65: {  	_ =	shalt  }
0x66: {  	_ =	shalt  }
0x67: {  	_ =	shalt  }
0x68: {  	_ =	shalt  }
0x69: {  	_ =	shalt  }
0x6a: {  	_ =	shalt  }
0x6b: {  	_ =	shalt  }
0x6c: {  	_ =	shalt  }
0x6d: {  	_ =	shalt  }
0x6e: {  	_ =	shalt  }
0x6f: {  	_ =	shalt  }
0x70: {  	_ =	shalt  }
0x71: {  	_ =	shalt  }
0x72: {  	_ =	shalt  }
0x73: {  	_ =	shalt  }
0x74: {  	_ =	shalt  }
0x75: {  	_ =	shalt  }
0x76: {  	_ =	shalt  }
0x77: {  	_ =	shalt  }
0x78: {  	_ =	shalt  }
0x79: {  	_ =	shalt  }
0x7a: {  	_ =	shalt  }
0x7b: {  	_ =	shalt  }
0x7c: {  	_ =	shalt  }
0x7d: {  	_ =	shalt  }
0x7e: {  	_ =	shalt  }
0x7f: {  	_ =	shalt  }
0x80: {  	_ =	shalt  }
0x81: {  	_ =	shalt  }
0x82: {  	_ =	shalt  }
0x83: {  	_ =	shalt  }
0x84: {  	_ =	shalt  }
0x85: {  	_ =	shalt  }
0x86: {  	_ =	shalt  }
0x87: {  	_ =	shalt  }
.Lfunc_end0:
.L_simem_size_0:
called_computation_lowered:
.L_overlay_start_0:
0x88: {  	s2 =	sld [smem:$0x3FD9]  }
0x89: {  	s3 =	sld [smem:$0x3FFE];
	_ =	sdelay $0x1  }
0x8a: {  	s1 =	srdreg.scid  }
0x8b: {  	s0 =	sand.u32 $0x1, s1  }
0x8c: {  	s17 =	sshll.u32 s0, $0xA;
	s2 =	sadd.s32 s3, s2  }
0x8d: {  	s2 =	sadd.s32 s2, s17  }
0x8e: {  	[smem:$0x3FC0] =	sst s2  }
0x8f: {  	_ = 	snop  }
0x90: {  	s2 =	sld [smem:$0x3FD0];
	(tm) =	ssettm $0x1  }
0x91: {  	s18 =	sld [smem:$0x3FFB];
	_ =	sdelay $0x3  }
0x92: {  	_ =	strace s18  }
0x93: {  	s3 =	sld [smem:$0x3FFC];
	_ =	sdelay $0x3  }
0x94: {  	_ =	strace s3  }
0x95: {  	s3 =	sld [smem:$0x3FFD];
	_ =	sdelay $0x3  }
0x96: {  	_ =	strace s3  }
0x97: {  	_ =	strace $0x8FFFFFFF  }
0x98: {  	s19 =	sld [smem:$0x3FDB];
	_ =	sdelay $0x1  }
0x99: {  	s4 =	simm.s32 $_scs_section_size  }
0x9a: {  	s5 =	simm.s32 $_size__tile_overlayer_lowered;
	s6 =	simm.s32 $_tile_overlayer_lowered  }
0x9b: {  	s22 =	simm.s32 $0x1BFF;
	s21 =	sshll.u32 s6, $0x1;
	s3 =	sadd.s32 s4, s19  }
0x9c: {  	s7 =	simm.s32 $0x0;
	s20 =	sshll.u32 s5, $0x1;
	s5 =	sadd.s32 s21, s3  }
0x9d: {  	[timem:s7], [sflag:s22] =	dma.local [hbm:s5], s20  }
0x9e: {  	_ =	swait.ge [sflag:s22], s20  }
0x9f: {  	s4 =	ssub.s32 $0x0, s20;
	[sflag:s22] =	ssyncset.done $0x0  }
0xa0: {  	[sflag:s22] =	ssyncadd.s32 s4;
	_ =	sdelay $0x1  }
0xa1: {  	s23 =	simm.s32 $0x1B8B  }
0xa2: {  	_ =	swait.ge [sflag:s23], $0x1  }
0xa3: {  	[sflag:s23] =	ssyncset.done $0x0  }
0xa4: {  	s25 =	simm.s32 $0x1B8E;
	s24 =	sld [smem:$0x3FFE];
	[sflag:s23] =	ssyncadd.s32 $0xFFFFFFFF  }
0xa5: {  	s26 =	simm.s32 $execute0_lowered;
	[smem:$0x3FD2] =	sst s25  }
0xa6: {  	s5 =	sshll.u32 s26, $0x1;
	_ =	strace $0x80000046;
	[dreg:$0x1] =	wrdreg $0xFFFFFFFF  }
0xa7: {  	s28 =	simm.s32 $_size_execute0_lowered;
	s3 =	sadd.s32 s3, s5;
	[dreg:$0x0] =	wrdreg $0x0  }
0xa8: {  	s5 =	sshll.u32 s28, $0x1;
	[dreg:$0x2] =	wrdreg s3  }
0xa9: {  	[dreg:$0x3] =	wrdreg s5  }
0xaa: {  	[dreg:$0x4] =	wrdreg $0xC0  }
0xab: {  	_ =	task [dreg:s7], $0x5FFFF  }
0xac: {  	[dreg:$0x1] =	wrdreg $0xFFFFFFFF  }
0xad: {  	[dreg:$0x0] =	wrdreg $0x60  }
0xae: {  	[dreg:$0x2] =	wrdreg s2  }
0xaf: {  	[dreg:$0x3] =	wrdreg s24  }
0xb0: {  	[dreg:$0x4] =	wrdreg $0x29800  }
0xb1: {  	[dreg:$0x5] =	wrdreg $0x9  }
0xb2: {  	_ =	task.clear_ibuf [dreg:s7], $0x6FFFF;
	_ =	strace $0x90000046  }
0xb3: {  	s29 =	simm.s32 $0x9;
	_ =	strace $0x80000048  }
0xb4: {  	_ =	swait.ge [sflag:s29], $0x1  }
0xb5: {  	[sflag:s29] =	ssyncadd.s32 $0xFFFFFFFF  }
0xb6: {  	_ =	strace $0x90000048  }
0xb7: {  	_ =	sfence  }
0xb8: {  	s30 =	sld [smem:$0x0];
	_ =	sdelay $0x2  }
0xb9: {  	s31 =	sshll.u32 s1, $0xD;
	s1 =	sshrl.u32 s1, $0x2  }
0xba: {  	s3 =	sand.u32 $0x4000, s31;
	s1 =	sadd.s32 s1, s30  }
0xbb: {  	s0 =	sor.u32 s3, s0;
	s1 =	sshll.u32 s1, $0x11  }
0xbc: {  	s0 =	sor.u32 s1, s0  }
0xbd: {  	s0 =	sadd.s32 $0x8F2B, s0  }
0xbe: {  	[sflag:s0] =	ssyncadd.remote.s32 $0x1  }
0xbf: {  	_ =	sfence.sel $0xFFFF  }
0xc0: {  	[dreg:$0x0] =	wrdreg $0xFFFFFFFF;
	(pc) =	sbr.abs _section_cstart, $3  }
0xc1: {  	[dreg:$0x1] =	wrdreg $0xFFFFFFFF  }
0xc2: {  	_ =	task.clear_ibuf [dreg:s7], $0x2FFFF;
	_ =	strace $0x9FFFFFFF  }
0xc3: {  	(tm) =	ssettm $0x7FFFFFFF  }
tec
execute0_lowered:
.L_overlay_start_1:
0x0: {  	(tag) =	ssettag $0x1  }
0x1: {  	s9 =	rddreg [dreg:$0x0]  }
0x2: {  	s4 =	rddreg [dreg:$0x1]  }
0x3: {  	s1 =	rddreg [dreg:$0x2]  }
0x4: {  	s0 =	rddreg [dreg:$0x3];
	s3 =	simm.s32 $0x0;
	s5 =	srdreg.scid  }
0x5: {  	s2 =	stileid.u32;
	s15 =	simm.s32 $0x1;
	s16 =	simm.s32 $0x80  }
0x6: {  	s17 =	simm.s32 $0x2800;
	s18 =	simm.s32 $0x0;
	[smem:$0x7FF] =	sst s3  }
0x7: {  	s5 =	sand.u32 $0x1, s5;
	s7 =	smul.u32 $0x270, s2;
	s11 =	sadd.s32 $0x3200, s4  }
0x8: {  	p0 =	sne.s32 s2, $0xF;
	_ =	strace $0x80000047;
	s6 =	ssub.s32 $0x2, s5  }
0x9: {  	s10 =	smul.u32 $0x2710, s5;
	s5 =	sshll.u32 s5, $0x4;
	s29 =	sshrl.u32 s6, $0x1  }
0xa: {  	s4 =	sadd.s32 s7, s1;
	s8 =	sor.u32 s2, s5;
	s13 =	ssub.s32 s6, s29  }
0xb: {  	s5 =	sadd.s32 $0xD0, s4;
	s7 =	sadd.s32 s7, s10;
	s6 =	sadd.s32 $0x1A0, s4  }
0xc: {  	s12 =	smul.u32 $0x500, s8;
	s14 =	sshrl.u32 s10, $0x3;
	s30 =	sshrl.u32 s7, $0x3  }
0xd: {  	s7 =	sadd.s32 $0x2700, s1;
	s31 =	sadd.s32 s11, s14;
	s13 =	smax.u32 s13, $0x1  }
0xe: {  	s14 =	simm.s32 $0x2880;
	s8 =	sadd.s32 s11, s30;
	s9 =	sadd.s32 s9, s12  }
0xf: {  	v0 =	vimm.f32 $0.0e+00;
	v1 =	vimm.f32 $1.000000000e+00;
	s12 =	sadd.s32 $0x4E0, s31;
	s10 =	sadd.s32 $0x1A, s8;
	s11 =	sadd.s32 $0x34, s8  }
.LBB2_1:
0x10: {  	[tilespmem:$0x2880] =	vst v0  }
0x11: {  	[tilespmem:$0x2890] =	vst v0  }
0x12: {  	[tilespmem:$0x28A0] =	vst v0  }
0x13: {  	[tilespmem:$0x28B0] =	vst v0  }
0x14: {  	[tilespmem:$0x28C0] =	vst v0  }
0x15: {  	[tilespmem:$0x28D0] =	vst v0  }
0x16: {  	[tilespmem:$0x28E0] =	vst v0  }
0x17: {  	[tilespmem:$0x28F0] =	vst v0  }
0x18: {  	[tilespmem:$0x2900] =	vst v0  }
0x19: {  	[tilespmem:$0x2910] =	vst v0  }
0x1a: {  	[tilespmem:$0x2920] =	vst v0  }
0x1b: {  	[tilespmem:$0x2930] =	vst v0  }
0x1c: {  	[tilespmem:$0x2940] =	vst v0  }
0x1d: {  	[spmem:s4] =	stream.linear.scatter [tilespmem:s14], [sflag:$0x1], $0xD0, $0x38;
	[tilespmem:$0x2BF8] =	vst v63  }
0x1e: {  	_ =	swait.ge [sflag:s15], $0xD0  }
0x1f: {  	[sflag:s15] =	ssyncset.done $0x0  }
0x20: {  	[sflag:s15] =	ssyncadd.s32 $0xFFFFFF30  }
0x21: {  	[spmem:s5] =	stream.linear.scatter [tilespmem:s14], [sflag:$0x1], $0xD0, $0x38;
	[tilespmem:$0x2BF8] =	vst v63  }
0x22: {  	_ =	swait.ge [sflag:s15], $0xD0  }
0x23: {  	[sflag:s15] =	ssyncset.done $0x0  }
0x24: {  	[sflag:s15] =	ssyncadd.s32 $0xFFFFFF30  }
0x25: {  	[spmem:s6] =	stream.linear.scatter [tilespmem:s14], [sflag:$0x1], $0xD0, $0x38;
	[tilespmem:$0x2BF8] =	vst v63  }
0x26: {  	_ =	swait.ge [sflag:s15], $0xD0  }
0x27: {  	[sflag:s15] =	ssyncset.done $0x0  }
0x28: {  	s19 =	simm.s32 @!p0 $0x2880;
	[sflag:s15] =	ssyncadd.s32 $0xFFFFFF30  }
0x29: {  	[spmem:s7] =	stream.linear.scatter @!p0 [tilespmem:s19], [sflag:$0x1], $0x18, $0x38;
	[tilespmem:$0x2BF8] =	vst v63  }
0x2a: {  	s19 =	simm.s32 @!p0 $0x1  }
0x2b: {  	_ =	swait.ge @!p0 [sflag:s19], $0x18  }
0x2c: {  	[sflag:s19] =	ssyncset.done @!p0 $0x0  }
0x2d: {  	[sflag:s19] =	ssyncadd.s32 @!p0 $0xFFFFFFE8  }
0x2e: {  	[tilespmem:$0x2800] =	vst v1  }
0x2f: {  	[tilespmem:$0x2810] =	vst v1  }
0x30: {  	[tilespmem:$0x2820] =	vst v1  }
0x31: {  	[tilespmem:$0x2830] =	vst v1  }
0x32: {  	[tilespmem:$0x2840] =	vst v1  }
0x33: {  	[tilespmem:$0x2850] =	vst v1  }
0x34: {  	[tilespmem:$0x2860] =	vst v1  }
0x35: {  	[tilespmem:$0x2870] =	vst v1  }
0x36: {  	[tilespmem:s3], [sflag:$0x1] =	stream.linear.gather [hbm4b:s9+s3], $0x2800, $0x38;
	[tilespmem:$0x2BF8] =	vst v63  }
0x37: {  	_ =	swait.ge [sflag:s15], $0x2800  }
0x38: {  	[sflag:s15] =	ssyncset.done $0x0  }
0x39: {  	[sflag:s15] =	ssyncadd.s32 $0xFFFFD800  }
0x3a: {  	s31 =	simm.s32 $0x0;
	[bflag:$0x0] =	sbarrier.arrive $0xFFFF  }
0x3b: {  	[spmem:s1] =	stream.indirect.scatter.add.f32 [tilespmem:s17], [sflag:$0x1], $0x1, s31, s16, $0xb8;
	[tilespmem:$0x2BF8] =	vst v63  }
0x3c: {  	_ =	swait.ge [sflag:s15], $0x80  }
0x3d: {  	s19 =	simm.s32 $0x200;
	[sflag:s15] =	ssyncset.done $0x0  }
.LBB2_2:
0x3e: {  	s20 =	sshra.s32 s19, $0x2;
	[sflag:s15] =	ssyncadd.s32 $0xFFFFFF80;
	p1 =	sne.s32 s19, $0x9E00  }
0x3f: {  	[spmem:s1] =	stream.indirect.scatter.add.f32 [tilespmem:s17], [sflag:$0x1], $0x1, s20, s16, $0xb8;
	[tilespmem:$0x2BF8] =	vst v63  }
.Ltmp0:
0x40: {  	_ = 	snop;
	(pc) =	sbr.rel @p1 .LBB2_2-.Ltmp0, $4  }
0x41: {  	_ = 	snop  }
0x42: {  	s19 =	sadd.s32 $0x200, s19  }
0x43: {  	_ =	swait.ge [sflag:s15], $0x80  }
0x44: {  	[sflag:s15] =	ssyncset.done $0x0  }
0x45: {  	[sflag:s15] =	ssyncadd.s32 $0xFFFFFF80  }
0x46: {  	[bflag:$0x0] =	sbarrier.arrive $0xFFFF  }
0x47: {  	[tilespmem:s14], [sflag:$0x1] =	stream.linear.gather [spmem:s4], $0xD0, $0x38;
	[tilespmem:$0x2BF8] =	vst v63  }
0x48: {  	_ =	swait.ge [sflag:s15], $0xD0  }
0x49: {  	[sflag:s15] =	ssyncset.done $0x0  }
0x4a: {  	[sflag:s15] =	ssyncadd.s32 $0xFFFFFF30  }
0x4b: {  	[hbm4b:s8+s3] =	stream.linear.scatter [tilespmem:s14], [sflag:$0x1], $0xD0, $0x38;
	[tilespmem:$0x2BF8] =	vst v63  }
0x4c: {  	_ =	swait.ge [sflag:s15], $0xD0  }
0x4d: {  	[sflag:s15] =	ssyncset.done $0x0  }
0x4e: {  	[sflag:s15] =	ssyncadd.s32 $0xFFFFFF30  }
0x4f: {  	[tilespmem:s14], [sflag:$0x1] =	stream.linear.gather [spmem:s5], $0xD0, $0x38;
	[tilespmem:$0x2BF8] =	vst v63  }
0x50: {  	_ =	swait.ge [sflag:s15], $0xD0  }
0x51: {  	[sflag:s15] =	ssyncset.done $0x0  }
0x52: {  	[sflag:s15] =	ssyncadd.s32 $0xFFFFFF30  }
0x53: {  	[hbm4b:s10+s3] =	stream.linear.scatter [tilespmem:s14], [sflag:$0x1], $0xD0, $0x38;
	[tilespmem:$0x2BF8] =	vst v63  }
0x54: {  	_ =	swait.ge [sflag:s15], $0xD0  }
0x55: {  	[sflag:s15] =	ssyncset.done $0x0  }
0x56: {  	[sflag:s15] =	ssyncadd.s32 $0xFFFFFF30  }
0x57: {  	[tilespmem:s14], [sflag:$0x1] =	stream.linear.gather [spmem:s6], $0xD0, $0x38;
	[tilespmem:$0x2BF8] =	vst v63  }
0x58: {  	_ =	swait.ge [sflag:s15], $0xD0  }
0x59: {  	[sflag:s15] =	ssyncset.done $0x0  }
0x5a: {  	[sflag:s15] =	ssyncadd.s32 $0xFFFFFF30  }
0x5b: {  	[hbm4b:s11+s3] =	stream.linear.scatter [tilespmem:s14], [sflag:$0x1], $0xD0, $0x38;
	[tilespmem:$0x2BF8] =	vst v63  }
0x5c: {  	_ =	swait.ge [sflag:s15], $0xD0  }
0x5d: {  	[sflag:s15] =	ssyncset.done $0x0  }
0x5e: {  	s19 =	simm.s32 @!p0 $0x2880;
	s20 =	simm.s32 @!p0 $0x1;
	[sflag:s15] =	ssyncadd.s32 $0xFFFFFF30  }
0x5f: {  	[tilespmem:s19], [sflag:$0x1] =	stream.linear.gather @!p0 [spmem:s7], $0x10, $0x38;
	[tilespmem:$0x2BF8] =	vst v63  }
0x60: {  	s18 =	sadd.s32 $0x1, s18;
	_ =	swait.ge @!p0 [sflag:s20], $0x10  }
0x61: {  	p1 =	sne.s32 s18, s13;
	[sflag:s20] =	ssyncset.done @!p0 $0x0  }
.Ltmp1:
0x62: {  	s21 =	simm.s32 @!p0 $0x0;
	[sflag:s20] =	ssyncadd.s32 @!p0 $0xFFFFFFF0;
	(pc) =	sbr.rel @p1 .LBB2_1-.Ltmp1, $4  }
0x63: {  	[hbm4b:s12+s21] =	stream.linear.scatter @!p0 [tilespmem:s19], [sflag:$0x1], $0x10, $0x38;
	[tilespmem:$0x2BF8] =	vst v63  }
0x64: {  	_ =	swait.ge @!p0 [sflag:s20], $0x10  }
0x65: {  	[sflag:s20] =	ssyncset.done @!p0 $0x0  }
0x66: {  	[sflag:s20] =	ssyncadd.s32 @!p0 $0xFFFFFFF0  }
0x67: {  	_ =	sfence.sel $0x180000  }
0x68: {  	[bflag:$0x0] =	sbarrier.arrive $0xFFFF  }
0x69: {  	p0 =	sne.s32 s2, $0x0;
	_ =	strace $0x90000047  }
0x6a: {  	s0 =	sadd.s32 @!p0 $0x100000, s0;
	[bflag:$0x2] =	sbarrier.arrive $0xFFFF  }
0x6b: {  	[sflag:s0] =	ssyncadd.tile.s32 @!p0 $0x1;
	_ =	shalt  }
.Lfunc_end2:
_tile_overlayer_lowered:
.L_overlay_start_2:
0x6c: {  	(tag) =	ssettag $0x2  }
0x6d: {  	s0 =	rddreg [dreg:$0x0];
	s2 =	stileid.u32  }
0x6e: {  	s1 =	rddreg [dreg:$0x1];
	p0 =	sne.s32 s2, $0x0  }
0x6f: {  	s3 =	rddreg [dreg:$0x2];
	[bflag:$0x3] =	sbarrier.arrive $0xFFFF;
	s2 =	simm.s32 @!p0 $0x1C01  }
0x70: {  	[timem:s3], [sflag:s2] =	dma.local @!p0 [hbm:s0], s1  }
0x71: {  	s0 =	simm.s32 @!p0 $0x1  }
0x72: {  	_ =	swait.ge @!p0 [sflag:s0], s1  }
0x73: {  	s1 =	ssub.s32 @!p0 $0x0, s1;
	[sflag:s0] =	ssyncset.done @!p0 $0x0  }
0x74: {  	[sflag:s0] =	ssyncadd.s32 @!p0 s1  }
0x75: {  	[bflag:$0x3] =	sbarrier.arrive $0xFFFF  }
0x76: {  	_ =	shalt  }

</sc_bundles>
